<compile_context>
chip_gen: v7x
topology: tpu7x:2x2x1
jax: 0.10.2.dev20260603
libtpu: 0.0.44.dev20260713+nightly
codegen_flags: <defaults>
</compile_context>

<pallas_src>
import functools

import jax
import jax.numpy as jnp
from jax import lax
from jax.experimental import pallas as pl
from jax.experimental.pallas import tpu as pltpu
from jax.experimental.pallas import tpu_sc as plsc

VOCAB_ = 100000
EMBED_ = 128
BATCH_ = 4096
WORDS_ = 200

_NC = 2
_NS = 16
_NW = _NC * _NS
_DPW = BATCH_ // _NW
_LANES = 16
_CHUNKS = EMBED_ // _LANES
_NBUF = 3
_MAIN = (_DPW // _NBUF) * _NBUF
_G0 = 128
_G1 = WORDS_ - _G0
_RUNROLL = 4


def _fire_chunk(table_hbm, idx_v, rows, sem, d, lo, n):
    pltpu.async_copy(
        table_hbm.at[idx_v.at[d, pl.ds(lo, n)]],
        rows.at[pl.ds(lo, n), :], sem)


def _wait_chunk(table_hbm, idx_v, rows, sem, d, lo, n):
    pltpu.make_async_copy(
        table_hbm.at[idx_v.at[d, pl.ds(lo, n)]],
        rows.at[pl.ds(lo, n), :], sem).wait()


def _gather_doc(table_hbm, idx_v, rows, sema, semb, d):
    _fire_chunk(table_hbm, idx_v, rows, sema, d, 0, _G0)
    _fire_chunk(table_hbm, idx_v, rows, semb, d, _G0, _G1)


def _accum_rows(rows, lo, n, accs):
    def body(j, accs):
        r0 = lo + j * _RUNROLL
        for k in range(_RUNROLL):
            accs = tuple(accs[c] + rows[r0 + k, pl.ds(c * _LANES, _LANES)]
                         for c in range(_CHUNKS))
        return accs
    return lax.fori_loop(0, n // _RUNROLL, body, accs)


def _process_doc(table_hbm, idx_v, rows, sema, semb, outbuf, d, d_next):
    zeros = tuple(jnp.zeros((_LANES,), jnp.float32) for _ in range(_CHUNKS))
    _wait_chunk(table_hbm, idx_v, rows, sema, d, 0, _G0)
    accs = _accum_rows(rows, 0, _G0, zeros)
    _wait_chunk(table_hbm, idx_v, rows, semb, d, _G0, _G1)
    accs = _accum_rows(rows, _G0, _G1, accs)

    @pl.when(d_next < _DPW)
    def _():
        _gather_doc(table_hbm, idx_v, rows, sema, semb, d_next)

    scale = jnp.float32(1.0 / WORDS_)
    for c in range(_CHUNKS):
        outbuf[d, pl.ds(c * _LANES, _LANES)] = accs[c] * scale


@functools.partial(
    pl.kernel,
    mesh=plsc.VectorSubcoreMesh(core_axis_name="c", subcore_axis_name="s"),
    out_type=jax.ShapeDtypeStruct((BATCH_, EMBED_), jnp.float32),
    scratch_types=[
        pltpu.VMEM((_DPW, WORDS_), jnp.int32),
        pltpu.VMEM((WORDS_, EMBED_), jnp.float32),
        pltpu.VMEM((WORDS_, EMBED_), jnp.float32),
        pltpu.VMEM((WORDS_, EMBED_), jnp.float32),
        pltpu.VMEM((_DPW, EMBED_), jnp.float32),
        pltpu.SemaphoreType.DMA,
        pltpu.SemaphoreType.DMA,
        pltpu.SemaphoreType.DMA,
        pltpu.SemaphoreType.DMA,
        pltpu.SemaphoreType.DMA,
        pltpu.SemaphoreType.DMA,
    ],
)
def _embed_mean(inputs_hbm, table_hbm, out_hbm,
                idx_v, rows0, rows1, rows2, outbuf,
                sem0a, sem0b, sem1a, sem1b, sem2a, sem2b):
    wid = lax.axis_index("s") * _NC + lax.axis_index("c")
    base = wid * _DPW
    pltpu.sync_copy(inputs_hbm.at[pl.ds(base, _DPW), :], idx_v)

    bufs = (rows0, rows1, rows2)
    sems = ((sem0a, sem0b), (sem1a, sem1b), (sem2a, sem2b))

    for b in range(_NBUF):
        _gather_doc(table_hbm, idx_v, bufs[b], sems[b][0], sems[b][1], b)

    def body(i, carry):
        d = i * _NBUF
        for b in range(_NBUF):
            _process_doc(table_hbm, idx_v, bufs[b], sems[b][0], sems[b][1],
                         outbuf, d + b, d + _NBUF + b)
        return carry

    lax.fori_loop(0, _MAIN // _NBUF, body, 0)

    for b in range(_DPW - _MAIN):
        _process_doc(table_hbm, idx_v, bufs[b], sems[b][0], sems[b][1],
                     outbuf, _MAIN + b, _DPW)

    pltpu.sync_copy(outbuf, out_hbm.at[pl.ds(base, _DPW), :])


def kernel(inputs, table):
    return _embed_mean(inputs.astype(jnp.int32), table)

# --- scband reference (transcript-rebuilt; emitter-appended) ---
"""Pipeline reference for scband-document-embedder-73538430042207 (READ-ONLY COPY).

The authoritative reference and input builder live on the scoring server;
editing this copy changes nothing except your own understanding.
"""

import jax, jax.numpy as jnp
import numpy as np

VOCAB = 100000
EMBED = 128
BATCH = 4096
WORDS = 200

def setup_inputs(seed: int = 0) -> dict:
    key = jax.random.key(seed)
    k1, k2 = jax.random.split(key)
    inputs = jax.random.randint(k1, (BATCH, WORDS), 0, VOCAB, dtype=jnp.int64 if jax.config.jax_enable_x64 else jnp.int32)
    # keras Embedding default 'uniform' initializer: U(-0.05, 0.05)
    table = jax.random.uniform(k2, (VOCAB, EMBED), dtype=jnp.float32, minval=-0.05, maxval=0.05)
    return {"inputs": inputs, "table": table}

def reference(inputs, table):
    # embedding lookup: gather rows of the table
    emb = jnp.take(table, inputs, axis=0)  # (BATCH, WORDS, EMBED)
    # mean over the words axis (axis=-2), keepdims=False
    out = jnp.mean(emb, axis=-2)  # (BATCH, EMBED)
    return out

if __name__ == "__main__":
    import jax
    _d = setup_inputs()
    print(jax.jit(kernel)(*tuple(_d.values())))

</pallas_src>

<mosaic_0001>
#map = affine_map<(d0, d1) -> (0, 0)>
module attributes {stable_mosaic.version = 14 : i64} {
  func.func @_embed_mean(%arg0: i32, %arg1: i32, %arg2: memref<4096x200xi32, #tpu.memory_space<hbm>>, %arg3: memref<100000x128xf32, #tpu.memory_space<hbm>>, %arg4: memref<4096x128xf32, #tpu.memory_space<hbm>>, %arg5: memref<128x200xi32, #tpu.memory_space<vmem>>, %arg6: memref<200x128xf32, #tpu.memory_space<vmem>>, %arg7: memref<200x128xf32, #tpu.memory_space<vmem>>, %arg8: memref<200x128xf32, #tpu.memory_space<vmem>>, %arg9: memref<128x128xf32, #tpu.memory_space<vmem>>, %arg10: memref<!tpu.dma_semaphore, #tpu.memory_space<semaphore_mem>>, %arg11: memref<!tpu.dma_semaphore, #tpu.memory_space<semaphore_mem>>, %arg12: memref<!tpu.dma_semaphore, #tpu.memory_space<semaphore_mem>>, %arg13: memref<!tpu.dma_semaphore, #tpu.memory_space<semaphore_mem>>, %arg14: memref<!tpu.dma_semaphore, #tpu.memory_space<semaphore_mem>>, %arg15: memref<!tpu.dma_semaphore, #tpu.memory_space<semaphore_mem>>) attributes {dimension_semantics = [#tpu.dimension_semantics<core_parallel>, #tpu.dimension_semantics<subcore_parallel>], iteration_bounds = array<i64: 2, 16>, scalar_prefetch = 0 : i64, scratch_operands = 11 : i64, tpu.core_type = #tpu.core_type<sc_vector_subcore>, window_params = [{transform_indices = #map}, {transform_indices = #map}, {transform_indices = #map}]} {
    %mul3A = arith.constant 2 : i32
    %mul3A_0 = arith.muli %arg1, %mul3A : i32
    %add3A = arith.addi %mul3A_0, %arg0 : i32
    %mul3A_1 = arith.constant 128 : i32
    %mul3A_2 = arith.muli %add3A, %mul3A_1 : i32
    "tpu.region"() ({
      %run_scoped3A = tpu.sem_alloc : memref<!tpu.dma_semaphore, #tpu.memory_space<semaphore_mem>>
      %dma_start3A_304 = arith.constant 0 : i32
      %dma_start3A_305 = tpu.memref_slice %arg2[%mul3A_2, %dma_start3A_304] : memref<4096x200xi32, #tpu.memory_space<hbm>> -> memref<128x200xi32, #tpu.memory_space<hbm>>
      %dma_start3A_306 = arith.constant 0 : i32
      %dma_start3A_307 = tpu.memref_slice %arg2[%mul3A_2, %dma_start3A_306] : memref<4096x200xi32, #tpu.memory_space<hbm>> -> memref<128x200xi32, #tpu.memory_space<hbm>>
      tpu.enqueue_dma source(%dma_start3A_307 : memref<128x200xi32, #tpu.memory_space<hbm>>) target(%arg5 : memref<128x200xi32, #tpu.memory_space<vmem>>) target_semaphore(%run_scoped3A : memref<!tpu.dma_semaphore, #tpu.memory_space<semaphore_mem>>)
      %dma_wait3A_308 = arith.constant 0 : i32
      %dma_wait3A_309 = tpu.memref_slice %arg2[%mul3A_2, %dma_wait3A_308] : memref<4096x200xi32, #tpu.memory_space<hbm>> -> memref<128x200xi32, #tpu.memory_space<hbm>>
      %dma_wait3A_310 = arith.constant 0 : i32
      %dma_wait3A_311 = tpu.memref_slice %arg2[%mul3A_2, %dma_wait3A_310] : memref<4096x200xi32, #tpu.memory_space<hbm>> -> memref<128x200xi32, #tpu.memory_space<hbm>>
      tpu.wait_dma2 semaphore(%run_scoped3A : memref<!tpu.dma_semaphore, #tpu.memory_space<semaphore_mem>>) src(%dma_wait3A_311 : memref<128x200xi32, #tpu.memory_space<hbm>>) dst(%arg5 : memref<128x200xi32, #tpu.memory_space<vmem>>)
      tpu.yield
    }) : () -> ()
    %dma_start3A = arith.constant 0 : i32
    %dma_start3A_3 = arith.constant 0 : i32
    %dma_start3A_4 = arith.constant 0 : i32
    %dma_start3A_5 = tpu.memref_slice %arg6[%dma_start3A_3, %dma_start3A_4] : memref<200x128xf32, #tpu.memory_space<vmem>> -> memref<128x128xf32, #tpu.memory_space<vmem>>
    %dma_start3A_6 = arith.constant 0 : i32
    %dma_start3A_7 = tpu.memref_slice %arg5[%dma_start3A, %dma_start3A_6] : memref<128x200xi32, #tpu.memory_space<vmem>> -> memref<1x128xi32, #tpu.memory_space<vmem>>
    %dma_start3A_8 = tpu.memref_squeeze %dma_start3A_7 : memref<1x128xi32, #tpu.memory_space<vmem>> -> memref<128xi32, #tpu.memory_space<vmem>>
    %dma_start3A_9 = arith.constant 0 : i32
    %dma_start3A_10 = arith.constant 0 : i32
    %dma_start3A_11 = tpu.memref_slice %arg3[%dma_start3A_9, %dma_start3A_10] : memref<100000x128xf32, #tpu.memory_space<hbm>> -> memref<100000x128xf32, #tpu.memory_space<hbm>>
    tpu.enqueue_indirect_dma source(%dma_start3A_11 : memref<100000x128xf32, #tpu.memory_space<hbm>>) target(%dma_start3A_5 : memref<128x128xf32, #tpu.memory_space<vmem>>) offsets(%dma_start3A_8 : memref<128xi32, #tpu.memory_space<vmem>>) semaphore(%arg10 : memref<!tpu.dma_semaphore, #tpu.memory_space<semaphore_mem>>)
    %dma_start3A_12 = arith.constant 0 : i32
    %dma_start3A_13 = arith.constant 128 : i32
    %dma_start3A_14 = arith.constant 0 : i32
    %dma_start3A_15 = tpu.memref_slice %arg6[%dma_start3A_13, %dma_start3A_14] : memref<200x128xf32, #tpu.memory_space<vmem>> -> memref<72x128xf32, #tpu.memory_space<vmem>>
    %dma_start3A_16 = arith.constant 128 : i32
    %dma_start3A_17 = tpu.memref_slice %arg5[%dma_start3A_12, %dma_start3A_16] : memref<128x200xi32, #tpu.memory_space<vmem>> -> memref<1x72xi32, #tpu.memory_space<vmem>>
    %dma_start3A_18 = tpu.memref_squeeze %dma_start3A_17 : memref<1x72xi32, #tpu.memory_space<vmem>> -> memref<72xi32, #tpu.memory_space<vmem>>
    %dma_start3A_19 = arith.constant 0 : i32
    %dma_start3A_20 = arith.constant 0 : i32
    %dma_start3A_21 = tpu.memref_slice %arg3[%dma_start3A_19, %dma_start3A_20] : memref<100000x128xf32, #tpu.memory_space<hbm>> -> memref<100000x128xf32, #tpu.memory_space<hbm>>
    tpu.enqueue_indirect_dma source(%dma_start3A_21 : memref<100000x128xf32, #tpu.memory_space<hbm>>) target(%dma_start3A_15 : memref<72x128xf32, #tpu.memory_space<vmem>>) offsets(%dma_start3A_18 : memref<72xi32, #tpu.memory_space<vmem>>) semaphore(%arg11 : memref<!tpu.dma_semaphore, #tpu.memory_space<semaphore_mem>>)
    %dma_start3A_22 = arith.constant 1 : i32
    %dma_start3A_23 = arith.constant 0 : i32
    %dma_start3A_24 = arith.constant 0 : i32
    %dma_start3A_25 = tpu.memref_slice %arg7[%dma_start3A_23, %dma_start3A_24] : memref<200x128xf32, #tpu.memory_space<vmem>> -> memref<128x128xf32, #tpu.memory_space<vmem>>
    %dma_start3A_26 = arith.constant 0 : i32
    %dma_start3A_27 = tpu.memref_slice %arg5[%dma_start3A_22, %dma_start3A_26] : memref<128x200xi32, #tpu.memory_space<vmem>> -> memref<1x128xi32, #tpu.memory_space<vmem>>
    %dma_start3A_28 = tpu.memref_squeeze %dma_start3A_27 : memref<1x128xi32, #tpu.memory_space<vmem>> -> memref<128xi32, #tpu.memory_space<vmem>>
    %dma_start3A_29 = arith.constant 0 : i32
    %dma_start3A_30 = arith.constant 0 : i32
    %dma_start3A_31 = tpu.memref_slice %arg3[%dma_start3A_29, %dma_start3A_30] : memref<100000x128xf32, #tpu.memory_space<hbm>> -> memref<100000x128xf32, #tpu.memory_space<hbm>>
    tpu.enqueue_indirect_dma source(%dma_start3A_31 : memref<100000x128xf32, #tpu.memory_space<hbm>>) target(%dma_start3A_25 : memref<128x128xf32, #tpu.memory_space<vmem>>) offsets(%dma_start3A_28 : memref<128xi32, #tpu.memory_space<vmem>>) semaphore(%arg12 : memref<!tpu.dma_semaphore, #tpu.memory_space<semaphore_mem>>)
    %dma_start3A_32 = arith.constant 1 : i32
    %dma_start3A_33 = arith.constant 128 : i32
    %dma_start3A_34 = arith.constant 0 : i32
    %dma_start3A_35 = tpu.memref_slice %arg7[%dma_start3A_33, %dma_start3A_34] : memref<200x128xf32, #tpu.memory_space<vmem>> -> memref<72x128xf32, #tpu.memory_space<vmem>>
    %dma_start3A_36 = arith.constant 128 : i32
    %dma_start3A_37 = tpu.memref_slice %arg5[%dma_start3A_32, %dma_start3A_36] : memref<128x200xi32, #tpu.memory_space<vmem>> -> memref<1x72xi32, #tpu.memory_space<vmem>>
    %dma_start3A_38 = tpu.memref_squeeze %dma_start3A_37 : memref<1x72xi32, #tpu.memory_space<vmem>> -> memref<72xi32, #tpu.memory_space<vmem>>
    %dma_start3A_39 = arith.constant 0 : i32
    %dma_start3A_40 = arith.constant 0 : i32
    %dma_start3A_41 = tpu.memref_slice %arg3[%dma_start3A_39, %dma_start3A_40] : memref<100000x128xf32, #tpu.memory_space<hbm>> -> memref<100000x128xf32, #tpu.memory_space<hbm>>
    tpu.enqueue_indirect_dma source(%dma_start3A_41 : memref<100000x128xf32, #tpu.memory_space<hbm>>) target(%dma_start3A_35 : memref<72x128xf32, #tpu.memory_space<vmem>>) offsets(%dma_start3A_38 : memref<72xi32, #tpu.memory_space<vmem>>) semaphore(%arg13 : memref<!tpu.dma_semaphore, #tpu.memory_space<semaphore_mem>>)
    %dma_start3A_42 = arith.constant 2 : i32
    %dma_start3A_43 = arith.constant 0 : i32
    %dma_start3A_44 = arith.constant 0 : i32
    %dma_start3A_45 = tpu.memref_slice %arg8[%dma_start3A_43, %dma_start3A_44] : memref<200x128xf32, #tpu.memory_space<vmem>> -> memref<128x128xf32, #tpu.memory_space<vmem>>
    %dma_start3A_46 = arith.constant 0 : i32
    %dma_start3A_47 = tpu.memref_slice %arg5[%dma_start3A_42, %dma_start3A_46] : memref<128x200xi32, #tpu.memory_space<vmem>> -> memref<1x128xi32, #tpu.memory_space<vmem>>
    %dma_start3A_48 = tpu.memref_squeeze %dma_start3A_47 : memref<1x128xi32, #tpu.memory_space<vmem>> -> memref<128xi32, #tpu.memory_space<vmem>>
    %dma_start3A_49 = arith.constant 0 : i32
    %dma_start3A_50 = arith.constant 0 : i32
    %dma_start3A_51 = tpu.memref_slice %arg3[%dma_start3A_49, %dma_start3A_50] : memref<100000x128xf32, #tpu.memory_space<hbm>> -> memref<100000x128xf32, #tpu.memory_space<hbm>>
    tpu.enqueue_indirect_dma source(%dma_start3A_51 : memref<100000x128xf32, #tpu.memory_space<hbm>>) target(%dma_start3A_45 : memref<128x128xf32, #tpu.memory_space<vmem>>) offsets(%dma_start3A_48 : memref<128xi32, #tpu.memory_space<vmem>>) semaphore(%arg14 : memref<!tpu.dma_semaphore, #tpu.memory_space<semaphore_mem>>)
    %dma_start3A_52 = arith.constant 2 : i32
    %dma_start3A_53 = arith.constant 128 : i32
    %dma_start3A_54 = arith.constant 0 : i32
    %dma_start3A_55 = tpu.memref_slice %arg8[%dma_start3A_53, %dma_start3A_54] : memref<200x128xf32, #tpu.memory_space<vmem>> -> memref<72x128xf32, #tpu.memory_space<vmem>>
    %dma_start3A_56 = arith.constant 128 : i32
    %dma_start3A_57 = tpu.memref_slice %arg5[%dma_start3A_52, %dma_start3A_56] : memref<128x200xi32, #tpu.memory_space<vmem>> -> memref<1x72xi32, #tpu.memory_space<vmem>>
    %dma_start3A_58 = tpu.memref_squeeze %dma_start3A_57 : memref<1x72xi32, #tpu.memory_space<vmem>> -> memref<72xi32, #tpu.memory_space<vmem>>
    %dma_start3A_59 = arith.constant 0 : i32
    %dma_start3A_60 = arith.constant 0 : i32
    %dma_start3A_61 = tpu.memref_slice %arg3[%dma_start3A_59, %dma_start3A_60] : memref<100000x128xf32, #tpu.memory_space<hbm>> -> memref<100000x128xf32, #tpu.memory_space<hbm>>
    tpu.enqueue_indirect_dma source(%dma_start3A_61 : memref<100000x128xf32, #tpu.memory_space<hbm>>) target(%dma_start3A_55 : memref<72x128xf32, #tpu.memory_space<vmem>>) offsets(%dma_start3A_58 : memref<72xi32, #tpu.memory_space<vmem>>) semaphore(%arg15 : memref<!tpu.dma_semaphore, #tpu.memory_space<semaphore_mem>>)
    %scan3A = arith.constant 0 : i32
    %scan3A_62 = arith.constant 0 : i32
    %scan3A_63 = arith.constant 42 : i32
    %scan3A_64 = arith.addi %scan3A_62, %scan3A_63 : i32
    %scan3A_65 = arith.constant 1 : i32
    scf.for %scan3A_304 = %scan3A_62 to %scan3A_64 step %scan3A_65  : i32 {
      %mul3A_305 = arith.constant 3 : i32
      %mul3A_306 = arith.muli %scan3A_304, %mul3A_305 : i32
      %add3A_307 = arith.constant 0 : i32
      %add3A_308 = arith.addi %mul3A_306, %add3A_307 : i32
      %add3A_309 = arith.constant 3 : i32
      %add3A_310 = arith.addi %mul3A_306, %add3A_309 : i32
      %add3A_311 = arith.constant 0 : i32
      %add3A_312 = arith.addi %add3A_310, %add3A_311 : i32
      %broadcast_in_dim3A_313 = arith.constant 0.000000e+00 : f32
      %broadcast_in_dim3A_314 = vector.broadcast %broadcast_in_dim3A_313 : f32 to vector<16xf32>
      %broadcast_in_dim3A_315 = arith.constant 0.000000e+00 : f32
      %broadcast_in_dim3A_316 = vector.broadcast %broadcast_in_dim3A_315 : f32 to vector<16xf32>
      %broadcast_in_dim3A_317 = arith.constant 0.000000e+00 : f32
      %broadcast_in_dim3A_318 = vector.broadcast %broadcast_in_dim3A_317 : f32 to vector<16xf32>
      %broadcast_in_dim3A_319 = arith.constant 0.000000e+00 : f32
      %broadcast_in_dim3A_320 = vector.broadcast %broadcast_in_dim3A_319 : f32 to vector<16xf32>
      %broadcast_in_dim3A_321 = arith.constant 0.000000e+00 : f32
      %broadcast_in_dim3A_322 = vector.broadcast %broadcast_in_dim3A_321 : f32 to vector<16xf32>
      %broadcast_in_dim3A_323 = arith.constant 0.000000e+00 : f32
      %broadcast_in_dim3A_324 = vector.broadcast %broadcast_in_dim3A_323 : f32 to vector<16xf32>
      %broadcast_in_dim3A_325 = arith.constant 0.000000e+00 : f32
      %broadcast_in_dim3A_326 = vector.broadcast %broadcast_in_dim3A_325 : f32 to vector<16xf32>
      %broadcast_in_dim3A_327 = arith.constant 0.000000e+00 : f32
      %broadcast_in_dim3A_328 = vector.broadcast %broadcast_in_dim3A_327 : f32 to vector<16xf32>
      %dma_wait3A_329 = arith.constant 0 : i32
      %dma_wait3A_330 = arith.constant 0 : i32
      %dma_wait3A_331 = tpu.memref_slice %arg6[%dma_wait3A_329, %dma_wait3A_330] : memref<200x128xf32, #tpu.memory_space<vmem>> -> memref<128x128xf32, #tpu.memory_space<vmem>>
      %dma_wait3A_332 = arith.constant 0 : i32
      %dma_wait3A_333 = tpu.memref_slice %arg5[%add3A_308, %dma_wait3A_332] : memref<128x200xi32, #tpu.memory_space<vmem>> -> memref<1x128xi32, #tpu.memory_space<vmem>>
      %dma_wait3A_334 = tpu.memref_squeeze %dma_wait3A_333 : memref<1x128xi32, #tpu.memory_space<vmem>> -> memref<128xi32, #tpu.memory_space<vmem>>
      %dma_wait3A_335 = arith.constant 0 : i32
      %dma_wait3A_336 = arith.constant 0 : i32
      %dma_wait3A_337 = tpu.memref_slice %arg3[%dma_wait3A_335, %dma_wait3A_336] : memref<100000x128xf32, #tpu.memory_space<hbm>> -> memref<100000x128xf32, #tpu.memory_space<hbm>>
      tpu.wait_indirect_dma semaphore(%arg10 : memref<!tpu.dma_semaphore, #tpu.memory_space<semaphore_mem>>) src(%dma_wait3A_337 : memref<100000x128xf32, #tpu.memory_space<hbm>>) dst(%dma_wait3A_331 : memref<128x128xf32, #tpu.memory_space<vmem>>)
      %scan3A_338 = arith.constant 0 : i32
      %scan3A_339 = arith.constant 32 : i32
      %scan3A_340 = arith.addi %scan3A_338, %scan3A_339 : i32
      %scan3A_341 = arith.constant 1 : i32
      %scan3A_342:8 = scf.for %scan3A_667 = %scan3A_338 to %scan3A_340 step %scan3A_341 iter_args(%scan3A_668 = %broadcast_in_dim3A_314, %scan3A_669 = %broadcast_in_dim3A_316, %scan3A_670 = %broadcast_in_dim3A_318, %scan3A_671 = %broadcast_in_dim3A_320, %scan3A_672 = %broadcast_in_dim3A_322, %scan3A_673 = %broadcast_in_dim3A_324, %scan3A_674 = %broadcast_in_dim3A_326, %scan3A_675 = %broadcast_in_dim3A_328) -> (vector<16xf32>, vector<16xf32>, vector<16xf32>, vector<16xf32>, vector<16xf32>, vector<16xf32>, vector<16xf32>, vector<16xf32>)  : i32 {
        %mul3A_676 = arith.constant 4 : i32
        %mul3A_677 = arith.muli %scan3A_667, %mul3A_676 : i32
        %add3A_678 = arith.constant 0 : i32
        %add3A_679 = arith.addi %add3A_678, %mul3A_677 : i32
        %add3A_680 = arith.constant 0 : i32
        %add3A_681 = arith.addi %add3A_679, %add3A_680 : i32
        %get3A = arith.index_cast %add3A_681 : i32 to index
        %get3A_682 = arith.constant 0 : index
        %get3A_683 = tpu.vector_load %arg6[%get3A, %get3A_682] {strides = array<i32>} : memref<200x128xf32, #tpu.memory_space<vmem>>, vector<1x16xf32>,
        %get3A_684 = vector.shape_cast %get3A_683 : vector<1x16xf32> to vector<16xf32>
        %add3A_685 = arith.addf %scan3A_668, %get3A_684 : vector<16xf32>
        %add3A_686 = arith.constant 0 : i32
        %add3A_687 = arith.addi %add3A_679, %add3A_686 : i32
        %get3A_688 = arith.index_cast %add3A_687 : i32 to index
        %get3A_689 = arith.constant 16 : index
        %get3A_690 = tpu.vector_load %arg6[%get3A_688, %get3A_689] {strides = array<i32>} : memref<200x128xf32, #tpu.memory_space<vmem>>, vector<1x16xf32>,
        %get3A_691 = vector.shape_cast %get3A_690 : vector<1x16xf32> to vector<16xf32>
        %add3A_692 = arith.addf %scan3A_669, %get3A_691 : vector<16xf32>
        %add3A_693 = arith.constant 0 : i32
        %add3A_694 = arith.addi %add3A_679, %add3A_693 : i32
        %get3A_695 = arith.index_cast %add3A_694 : i32 to index
        %get3A_696 = arith.constant 32 : index
        %get3A_697 = tpu.vector_load %arg6[%get3A_695, %get3A_696] {strides = array<i32>} : memref<200x128xf32, #tpu.memory_space<vmem>>, vector<1x16xf32>,
        %get3A_698 = vector.shape_cast %get3A_697 : vector<1x16xf32> to vector<16xf32>
        %add3A_699 = arith.addf %scan3A_670, %get3A_698 : vector<16xf32>
        %add3A_700 = arith.constant 0 : i32
        %add3A_701 = arith.addi %add3A_679, %add3A_700 : i32
        %get3A_702 = arith.index_cast %add3A_701 : i32 to index
        %get3A_703 = arith.constant 48 : index
        %get3A_704 = tpu.vector_load %arg6[%get3A_702, %get3A_703] {strides = array<i32>} : memref<200x128xf32, #tpu.memory_space<vmem>>, vector<1x16xf32>,
        %get3A_705 = vector.shape_cast %get3A_704 : vector<1x16xf32> to vector<16xf32>
        %add3A_706 = arith.addf %scan3A_671, %get3A_705 : vector<16xf32>
        %add3A_707 = arith.constant 0 : i32
        %add3A_708 = arith.addi %add3A_679, %add3A_707 : i32
        %get3A_709 = arith.index_cast %add3A_708 : i32 to index
        %get3A_710 = arith.constant 64 : index
        %get3A_711 = tpu.vector_load %arg6[%get3A_709, %get3A_710] {strides = array<i32>} : memref<200x128xf32, #tpu.memory_space<vmem>>, vector<1x16xf32>,
        %get3A_712 = vector.shape_cast %get3A_711 : vector<1x16xf32> to vector<16xf32>
        %add3A_713 = arith.addf %scan3A_672, %get3A_712 : vector<16xf32>
        %add3A_714 = arith.constant 0 : i32
        %add3A_715 = arith.addi %add3A_679, %add3A_714 : i32
        %get3A_716 = arith.index_cast %add3A_715 : i32 to index
        %get3A_717 = arith.constant 80 : index
        %get3A_718 = tpu.vector_load %arg6[%get3A_716, %get3A_717] {strides = array<i32>} : memref<200x128xf32, #tpu.memory_space<vmem>>, vector<1x16xf32>,
        %get3A_719 = vector.shape_cast %get3A_718 : vector<1x16xf32> to vector<16xf32>
        %add3A_720 = arith.addf %scan3A_673, %get3A_719 : vector<16xf32>
        %add3A_721 = arith.constant 0 : i32
        %add3A_722 = arith.addi %add3A_679, %add3A_721 : i32
        %get3A_723 = arith.index_cast %add3A_722 : i32 to index
        %get3A_724 = arith.constant 96 : index
        %get3A_725 = tpu.vector_load %arg6[%get3A_723, %get3A_724] {strides = array<i32>} : memref<200x128xf32, #tpu.memory_space<vmem>>, vector<1x16xf32>,
        %get3A_726 = vector.shape_cast %get3A_725 : vector<1x16xf32> to vector<16xf32>
        %add3A_727 = arith.addf %scan3A_674, %get3A_726 : vector<16xf32>
        %add3A_728 = arith.constant 0 : i32
        %add3A_729 = arith.addi %add3A_679, %add3A_728 : i32
        %get3A_730 = arith.index_cast %add3A_729 : i32 to index
        %get3A_731 = arith.constant 112 : index
        %get3A_732 = tpu.vector_load %arg6[%get3A_730, %get3A_731] {strides = array<i32>} : memref<200x128xf32, #tpu.memory_space<vmem>>, vector<1x16xf32>,
        %get3A_733 = vector.shape_cast %get3A_732 : vector<1x16xf32> to vector<16xf32>
        %add3A_734 = arith.addf %scan3A_675, %get3A_733 : vector<16xf32>
        %add3A_735 = arith.constant 1 : i32
        %add3A_736 = arith.addi %add3A_679, %add3A_735 : i32
        %get3A_737 = arith.index_cast %add3A_736 : i32 to index
        %get3A_738 = arith.constant 0 : index
        %get3A_739 = tpu.vector_load %arg6[%get3A_737, %get3A_738] {strides = array<i32>} : memref<200x128xf32, #tpu.memory_space<vmem>>, vector<1x16xf32>,
        %get3A_740 = vector.shape_cast %get3A_739 : vector<1x16xf32> to vector<16xf32>
        %add3A_741 = arith.addf %add3A_685, %get3A_740 : vector<16xf32>
        %add3A_742 = arith.constant 1 : i32
        %add3A_743 = arith.addi %add3A_679, %add3A_742 : i32
        %get3A_744 = arith.index_cast %add3A_743 : i32 to index
        %get3A_745 = arith.constant 16 : index
        %get3A_746 = tpu.vector_load %arg6[%get3A_744, %get3A_745] {strides = array<i32>} : memref<200x128xf32, #tpu.memory_space<vmem>>, vector<1x16xf32>,
        %get3A_747 = vector.shape_cast %get3A_746 : vector<1x16xf32> to vector<16xf32>
        %add3A_748 = arith.addf %add3A_692, %get3A_747 : vector<16xf32>
        %add3A_749 = arith.constant 1 : i32
        %add3A_750 = arith.addi %add3A_679, %add3A_749 : i32
        %get3A_751 = arith.index_cast %add3A_750 : i32 to index
        %get3A_752 = arith.constant 32 : index
        %get3A_753 = tpu.vector_load %arg6[%get3A_751, %get3A_752] {strides = array<i32>} : memref<200x128xf32, #tpu.memory_space<vmem>>, vector<1x16xf32>,
        %get3A_754 = vector.shape_cast %get3A_753 : vector<1x16xf32> to vector<16xf32>
        %add3A_755 = arith.addf %add3A_699, %get3A_754 : vector<16xf32>
        %add3A_756 = arith.constant 1 : i32
        %add3A_757 = arith.addi %add3A_679, %add3A_756 : i32
        %get3A_758 = arith.index_cast %add3A_757 : i32 to index
        %get3A_759 = arith.constant 48 : index
        %get3A_760 = tpu.vector_load %arg6[%get3A_758, %get3A_759] {strides = array<i32>} : memref<200x128xf32, #tpu.memory_space<vmem>>, vector<1x16xf32>,
        %get3A_761 = vector.shape_cast %get3A_760 : vector<1x16xf32> to vector<16xf32>
        %add3A_762 = arith.addf %add3A_706, %get3A_761 : vector<16xf32>
        %add3A_763 = arith.constant 1 : i32
        %add3A_764 = arith.addi %add3A_679, %add3A_763 : i32
        %get3A_765 = arith.index_cast %add3A_764 : i32 to index
        %get3A_766 = arith.constant 64 : index
        %get3A_767 = tpu.vector_load %arg6[%get3A_765, %get3A_766] {strides = array<i32>} : memref<200x128xf32, #tpu.memory_space<vmem>>, vector<1x16xf32>,
        %get3A_768 = vector.shape_cast %get3A_767 : vector<1x16xf32> to vector<16xf32>
        %add3A_769 = arith.addf %add3A_713, %get3A_768 : vector<16xf32>
        %add3A_770 = arith.constant 1 : i32
        %add3A_771 = arith.addi %add3A_679, %add3A_770 : i32
        %get3A_772 = arith.index_cast %add3A_771 : i32 to index
        %get3A_773 = arith.constant 80 : index
        %get3A_774 = tpu.vector_load %arg6[%get3A_772, %get3A_773] {strides = array<i32>} : memref<200x128xf32, #tpu.memory_space<vmem>>, vector<1x16xf32>,
        %get3A_775 = vector.shape_cast %get3A_774 : vector<1x16xf32> to vector<16xf32>
        %add3A_776 = arith.addf %add3A_720, %get3A_775 : vector<16xf32>
        %add3A_777 = arith.constant 1 : i32
        %add3A_778 = arith.addi %add3A_679, %add3A_777 : i32
        %get3A_779 = arith.index_cast %add3A_778 : i32 to index
        %get3A_780 = arith.constant 96 : index
        %get3A_781 = tpu.vector_load %arg6[%get3A_779, %get3A_780] {strides = array<i32>} : memref<200x128xf32, #tpu.memory_space<vmem>>, vector<1x16xf32>,
        %get3A_782 = vector.shape_cast %get3A_781 : vector<1x16xf32> to vector<16xf32>
        %add3A_783 = arith.addf %add3A_727, %get3A_782 : vector<16xf32>
        %add3A_784 = arith.constant 1 : i32
        %add3A_785 = arith.addi %add3A_679, %add3A_784 : i32
        %get3A_786 = arith.index_cast %add3A_785 : i32 to index
        %get3A_787 = arith.constant 112 : index
        %get3A_788 = tpu.vector_load %arg6[%get3A_786, %get3A_787] {strides = array<i32>} : memref<200x128xf32, #tpu.memory_space<vmem>>, vector<1x16xf32>,
        %get3A_789 = vector.shape_cast %get3A_788 : vector<1x16xf32> to vector<16xf32>
        %add3A_790 = arith.addf %add3A_734, %get3A_789 : vector<16xf32>
        %add3A_791 = arith.constant 2 : i32
        %add3A_792 = arith.addi %add3A_679, %add3A_791 : i32
        %get3A_793 = arith.index_cast %add3A_792 : i32 to index
        %get3A_794 = arith.constant 0 : index
        %get3A_795 = tpu.vector_load %arg6[%get3A_793, %get3A_794] {strides = array<i32>} : memref<200x128xf32, #tpu.memory_space<vmem>>, vector<1x16xf32>,
        %get3A_796 = vector.shape_cast %get3A_795 : vector<1x16xf32> to vector<16xf32>
        %add3A_797 = arith.addf %add3A_741, %get3A_796 : vector<16xf32>
        %add3A_798 = arith.constant 2 : i32
        %add3A_799 = arith.addi %add3A_679, %add3A_798 : i32
        %get3A_800 = arith.index_cast %add3A_799 : i32 to index
        %get3A_801 = arith.constant 16 : index
        %get3A_802 = tpu.vector_load %arg6[%get3A_800, %get3A_801] {strides = array<i32>} : memref<200x128xf32, #tpu.memory_space<vmem>>, vector<1x16xf32>,
        %get3A_803 = vector.shape_cast %get3A_802 : vector<1x16xf32> to vector<16xf32>
        %add3A_804 = arith.addf %add3A_748, %get3A_803 : vector<16xf32>
        %add3A_805 = arith.constant 2 : i32
        %add3A_806 = arith.addi %add3A_679, %add3A_805 : i32
        %get3A_807 = arith.index_cast %add3A_806 : i32 to index
        %get3A_808 = arith.constant 32 : index
        %get3A_809 = tpu.vector_load %arg6[%get3A_807, %get3A_808] {strides = array<i32>} : memref<200x128xf32, #tpu.memory_space<vmem>>, vector<1x16xf32>,
        %get3A_810 = vector.shape_cast %get3A_809 : vector<1x16xf32> to vector<16xf32>
        %add3A_811 = arith.addf %add3A_755, %get3A_810 : vector<16xf32>
        %add3A_812 = arith.constant 2 : i32
        %add3A_813 = arith.addi %add3A_679, %add3A_812 : i32
        %get3A_814 = arith.index_cast %add3A_813 : i32 to index
        %get3A_815 = arith.constant 48 : index
        %get3A_816 = tpu.vector_load %arg6[%get3A_814, %get3A_815] {strides = array<i32>} : memref<200x128xf32, #tpu.memory_space<vmem>>, vector<1x16xf32>,
        %get3A_817 = vector.shape_cast %get3A_816 : vector<1x16xf32> to vector<16xf32>
        %add3A_818 = arith.addf %add3A_762, %get3A_817 : vector<16xf32>
        %add3A_819 = arith.constant 2 : i32
        %add3A_820 = arith.addi %add3A_679, %add3A_819 : i32
        %get3A_821 = arith.index_cast %add3A_820 : i32 to index
        %get3A_822 = arith.constant 64 : index
        %get3A_823 = tpu.vector_load %arg6[%get3A_821, %get3A_822] {strides = array<i32>} : memref<200x128xf32, #tpu.memory_space<vmem>>, vector<1x16xf32>,
        %get3A_824 = vector.shape_cast %get3A_823 : vector<1x16xf32> to vector<16xf32>
        %add3A_825 = arith.addf %add3A_769, %get3A_824 : vector<16xf32>
        %add3A_826 = arith.constant 2 : i32
        %add3A_827 = arith.addi %add3A_679, %add3A_826 : i32
        %get3A_828 = arith.index_cast %add3A_827 : i32 to index
        %get3A_829 = arith.constant 80 : index
        %get3A_830 = tpu.vector_load %arg6[%get3A_828, %get3A_829] {strides = array<i32>} : memref<200x128xf32, #tpu.memory_space<vmem>>, vector<1x16xf32>,
        %get3A_831 = vector.shape_cast %get3A_830 : vector<1x16xf32> to vector<16xf32>
        %add3A_832 = arith.addf %add3A_776, %get3A_831 : vector<16xf32>
        %add3A_833 = arith.constant 2 : i32
        %add3A_834 = arith.addi %add3A_679, %add3A_833 : i32
        %get3A_835 = arith.index_cast %add3A_834 : i32 to index
        %get3A_836 = arith.constant 96 : index
        %get3A_837 = tpu.vector_load %arg6[%get3A_835, %get3A_836] {strides = array<i32>} : memref<200x128xf32, #tpu.memory_space<vmem>>, vector<1x16xf32>,
        %get3A_838 = vector.shape_cast %get3A_837 : vector<1x16xf32> to vector<16xf32>
        %add3A_839 = arith.addf %add3A_783, %get3A_838 : vector<16xf32>
        %add3A_840 = arith.constant 2 : i32
        %add3A_841 = arith.addi %add3A_679, %add3A_840 : i32
        %get3A_842 = arith.index_cast %add3A_841 : i32 to index
        %get3A_843 = arith.constant 112 : index
        %get3A_844 = tpu.vector_load %arg6[%get3A_842, %get3A_843] {strides = array<i32>} : memref<200x128xf32, #tpu.memory_space<vmem>>, vector<1x16xf32>,
        %get3A_845 = vector.shape_cast %get3A_844 : vector<1x16xf32> to vector<16xf32>
        %add3A_846 = arith.addf %add3A_790, %get3A_845 : vector<16xf32>
        %add3A_847 = arith.constant 3 : i32
        %add3A_848 = arith.addi %add3A_679, %add3A_847 : i32
        %get3A_849 = arith.index_cast %add3A_848 : i32 to index
        %get3A_850 = arith.constant 0 : index
        %get3A_851 = tpu.vector_load %arg6[%get3A_849, %get3A_850] {strides = array<i32>} : memref<200x128xf32, #tpu.memory_space<vmem>>, vector<1x16xf32>,
        %get3A_852 = vector.shape_cast %get3A_851 : vector<1x16xf32> to vector<16xf32>
        %add3A_853 = arith.addf %add3A_797, %get3A_852 : vector<16xf32>
        %add3A_854 = arith.constant 3 : i32
        %add3A_855 = arith.addi %add3A_679, %add3A_854 : i32
        %get3A_856 = arith.index_cast %add3A_855 : i32 to index
        %get3A_857 = arith.constant 16 : index
        %get3A_858 = tpu.vector_load %arg6[%get3A_856, %get3A_857] {strides = array<i32>} : memref<200x128xf32, #tpu.memory_space<vmem>>, vector<1x16xf32>,
        %get3A_859 = vector.shape_cast %get3A_858 : vector<1x16xf32> to vector<16xf32>
        %add3A_860 = arith.addf %add3A_804, %get3A_859 : vector<16xf32>
        %add3A_861 = arith.constant 3 : i32
        %add3A_862 = arith.addi %add3A_679, %add3A_861 : i32
        %get3A_863 = arith.index_cast %add3A_862 : i32 to index
        %get3A_864 = arith.constant 32 : index
        %get3A_865 = tpu.vector_load %arg6[%get3A_863, %get3A_864] {strides = array<i32>} : memref<200x128xf32, #tpu.memory_space<vmem>>, vector<1x16xf32>,
        %get3A_866 = vector.shape_cast %get3A_865 : vector<1x16xf32> to vector<16xf32>
        %add3A_867 = arith.addf %add3A_811, %get3A_866 : vector<16xf32>
        %add3A_868 = arith.constant 3 : i32
        %add3A_869 = arith.addi %add3A_679, %add3A_868 : i32
        %get3A_870 = arith.index_cast %add3A_869 : i32 to index
        %get3A_871 = arith.constant 48 : index
        %get3A_872 = tpu.vector_load %arg6[%get3A_870, %get3A_871] {strides = array<i32>} : memref<200x128xf32, #tpu.memory_space<vmem>>, vector<1x16xf32>,
        %get3A_873 = vector.shape_cast %get3A_872 : vector<1x16xf32> to vector<16xf32>
        %add3A_874 = arith.addf %add3A_818, %get3A_873 : vector<16xf32>
        %add3A_875 = arith.constant 3 : i32
        %add3A_876 = arith.addi %add3A_679, %add3A_875 : i32
        %get3A_877 = arith.index_cast %add3A_876 : i32 to index
        %get3A_878 = arith.constant 64 : index
        %get3A_879 = tpu.vector_load %arg6[%get3A_877, %get3A_878] {strides = array<i32>} : memref<200x128xf32, #tpu.memory_space<vmem>>, vector<1x16xf32>,
        %get3A_880 = vector.shape_cast %get3A_879 : vector<1x16xf32> to vector<16xf32>
        %add3A_881 = arith.addf %add3A_825, %get3A_880 : vector<16xf32>
        %add3A_882 = arith.constant 3 : i32
        %add3A_883 = arith.addi %add3A_679, %add3A_882 : i32
        %get3A_884 = arith.index_cast %add3A_883 : i32 to index
        %get3A_885 = arith.constant 80 : index
        %get3A_886 = tpu.vector_load %arg6[%get3A_884, %get3A_885] {strides = array<i32>} : memref<200x128xf32, #tpu.memory_space<vmem>>, vector<1x16xf32>,
        %get3A_887 = vector.shape_cast %get3A_886 : vector<1x16xf32> to vector<16xf32>
        %add3A_888 = arith.addf %add3A_832, %get3A_887 : vector<16xf32>
        %add3A_889 = arith.constant 3 : i32
        %add3A_890 = arith.addi %add3A_679, %add3A_889 : i32
        %get3A_891 = arith.index_cast %add3A_890 : i32 to index
        %get3A_892 = arith.constant 96 : index
        %get3A_893 = tpu.vector_load %arg6[%get3A_891, %get3A_892] {strides = array<i32>} : memref<200x128xf32, #tpu.memory_space<vmem>>, vector<1x16xf32>,
        %get3A_894 = vector.shape_cast %get3A_893 : vector<1x16xf32> to vector<16xf32>
        %add3A_895 = arith.addf %add3A_839, %get3A_894 : vector<16xf32>
        %add3A_896 = arith.constant 3 : i32
        %add3A_897 = arith.addi %add3A_679, %add3A_896 : i32
        %get3A_898 = arith.index_cast %add3A_897 : i32 to index
        %get3A_899 = arith.constant 112 : index
        %get3A_900 = tpu.vector_load %arg6[%get3A_898, %get3A_899] {strides = array<i32>} : memref<200x128xf32, #tpu.memory_space<vmem>>, vector<1x16xf32>,
        %get3A_901 = vector.shape_cast %get3A_900 : vector<1x16xf32> to vector<16xf32>
        %add3A_902 = arith.addf %add3A_846, %get3A_901 : vector<16xf32>
        scf.yield %add3A_853, %add3A_860, %add3A_867, %add3A_874, %add3A_881, %add3A_888, %add3A_895, %add3A_902 : vector<16xf32>, vector<16xf32>, vector<16xf32>, vector<16xf32>, vector<16xf32>, vector<16xf32>, vector<16xf32>, vector<16xf32>
      }
      %scan3A_343 = arith.constant 32 : i32
      %dma_wait3A_344 = arith.constant 128 : i32
      %dma_wait3A_345 = arith.constant 0 : i32
      %dma_wait3A_346 = tpu.memref_slice %arg6[%dma_wait3A_344, %dma_wait3A_345] : memref<200x128xf32, #tpu.memory_space<vmem>> -> memref<72x128xf32, #tpu.memory_space<vmem>>
      %dma_wait3A_347 = arith.constant 128 : i32
      %dma_wait3A_348 = tpu.memref_slice %arg5[%add3A_308, %dma_wait3A_347] : memref<128x200xi32, #tpu.memory_space<vmem>> -> memref<1x72xi32, #tpu.memory_space<vmem>>
      %dma_wait3A_349 = tpu.memref_squeeze %dma_wait3A_348 : memref<1x72xi32, #tpu.memory_space<vmem>> -> memref<72xi32, #tpu.memory_space<vmem>>
      %dma_wait3A_350 = arith.constant 0 : i32
      %dma_wait3A_351 = arith.constant 0 : i32
      %dma_wait3A_352 = tpu.memref_slice %arg3[%dma_wait3A_350, %dma_wait3A_351] : memref<100000x128xf32, #tpu.memory_space<hbm>> -> memref<100000x128xf32, #tpu.memory_space<hbm>>
      tpu.wait_indirect_dma semaphore(%arg11 : memref<!tpu.dma_semaphore, #tpu.memory_space<semaphore_mem>>) src(%dma_wait3A_352 : memref<100000x128xf32, #tpu.memory_space<hbm>>) dst(%dma_wait3A_346 : memref<72x128xf32, #tpu.memory_space<vmem>>)
      %scan3A_353 = arith.constant 0 : i32
      %scan3A_354 = arith.constant 18 : i32
      %scan3A_355 = arith.addi %scan3A_353, %scan3A_354 : i32
      %scan3A_356 = arith.constant 1 : i32
      %scan3A_357:8 = scf.for %scan3A_667 = %scan3A_353 to %scan3A_355 step %scan3A_356 iter_args(%scan3A_668 = %scan3A_342#0, %scan3A_669 = %scan3A_342#1, %scan3A_670 = %scan3A_342#2, %scan3A_671 = %scan3A_342#3, %scan3A_672 = %scan3A_342#4, %scan3A_673 = %scan3A_342#5, %scan3A_674 = %scan3A_342#6, %scan3A_675 = %scan3A_342#7) -> (vector<16xf32>, vector<16xf32>, vector<16xf32>, vector<16xf32>, vector<16xf32>, vector<16xf32>, vector<16xf32>, vector<16xf32>)  : i32 {
        %mul3A_676 = arith.constant 4 : i32
        %mul3A_677 = arith.muli %scan3A_667, %mul3A_676 : i32
        %add3A_678 = arith.constant 128 : i32
        %add3A_679 = arith.addi %add3A_678, %mul3A_677 : i32
        %add3A_680 = arith.constant 0 : i32
        %add3A_681 = arith.addi %add3A_679, %add3A_680 : i32
        %get3A = arith.index_cast %add3A_681 : i32 to index
        %get3A_682 = arith.constant 0 : index
        %get3A_683 = tpu.vector_load %arg6[%get3A, %get3A_682] {strides = array<i32>} : memref<200x128xf32, #tpu.memory_space<vmem>>, vector<1x16xf32>,
        %get3A_684 = vector.shape_cast %get3A_683 : vector<1x16xf32> to vector<16xf32>
        %add3A_685 = arith.addf %scan3A_668, %get3A_684 : vector<16xf32>
        %add3A_686 = arith.constant 0 : i32
        %add3A_687 = arith.addi %add3A_679, %add3A_686 : i32
        %get3A_688 = arith.index_cast %add3A_687 : i32 to index
        %get3A_689 = arith.constant 16 : index
        %get3A_690 = tpu.vector_load %arg6[%get3A_688, %get3A_689] {strides = array<i32>} : memref<200x128xf32, #tpu.memory_space<vmem>>, vector<1x16xf32>,
        %get3A_691 = vector.shape_cast %get3A_690 : vector<1x16xf32> to vector<16xf32>
        %add3A_692 = arith.addf %scan3A_669, %get3A_691 : vector<16xf32>
        %add3A_693 = arith.constant 0 : i32
        %add3A_694 = arith.addi %add3A_679, %add3A_693 : i32
        %get3A_695 = arith.index_cast %add3A_694 : i32 to index
        %get3A_696 = arith.constant 32 : index
        %get3A_697 = tpu.vector_load %arg6[%get3A_695, %get3A_696] {strides = array<i32>} : memref<200x128xf32, #tpu.memory_space<vmem>>, vector<1x16xf32>,
        %get3A_698 = vector.shape_cast %get3A_697 : vector<1x16xf32> to vector<16xf32>
        %add3A_699 = arith.addf %scan3A_670, %get3A_698 : vector<16xf32>
        %add3A_700 = arith.constant 0 : i32
        %add3A_701 = arith.addi %add3A_679, %add3A_700 : i32
        %get3A_702 = arith.index_cast %add3A_701 : i32 to index
        %get3A_703 = arith.constant 48 : index
        %get3A_704 = tpu.vector_load %arg6[%get3A_702, %get3A_703] {strides = array<i32>} : memref<200x128xf32, #tpu.memory_space<vmem>>, vector<1x16xf32>,
        %get3A_705 = vector.shape_cast %get3A_704 : vector<1x16xf32> to vector<16xf32>
        %add3A_706 = arith.addf %scan3A_671, %get3A_705 : vector<16xf32>
        %add3A_707 = arith.constant 0 : i32
        %add3A_708 = arith.addi %add3A_679, %add3A_707 : i32
        %get3A_709 = arith.index_cast %add3A_708 : i32 to index
        %get3A_710 = arith.constant 64 : index
        %get3A_711 = tpu.vector_load %arg6[%get3A_709, %get3A_710] {strides = array<i32>} : memref<200x128xf32, #tpu.memory_space<vmem>>, vector<1x16xf32>,
        %get3A_712 = vector.shape_cast %get3A_711 : vector<1x16xf32> to vector<16xf32>
        %add3A_713 = arith.addf %scan3A_672, %get3A_712 : vector<16xf32>
        %add3A_714 = arith.constant 0 : i32
        %add3A_715 = arith.addi %add3A_679, %add3A_714 : i32
        %get3A_716 = arith.index_cast %add3A_715 : i32 to index
        %get3A_717 = arith.constant 80 : index
        %get3A_718 = tpu.vector_load %arg6[%get3A_716, %get3A_717] {strides = array<i32>} : memref<200x128xf32, #tpu.memory_space<vmem>>, vector<1x16xf32>,
        %get3A_719 = vector.shape_cast %get3A_718 : vector<1x16xf32> to vector<16xf32>
        %add3A_720 = arith.addf %scan3A_673, %get3A_719 : vector<16xf32>
        %add3A_721 = arith.constant 0 : i32
        %add3A_722 = arith.addi %add3A_679, %add3A_721 : i32
        %get3A_723 = arith.index_cast %add3A_722 : i32 to index
        %get3A_724 = arith.constant 96 : index
        %get3A_725 = tpu.vector_load %arg6[%get3A_723, %get3A_724] {strides = array<i32>} : memref<200x128xf32, #tpu.memory_space<vmem>>, vector<1x16xf32>,
        %get3A_726 = vector.shape_cast %get3A_725 : vector<1x16xf32> to vector<16xf32>
        %add3A_727 = arith.addf %scan3A_674, %get3A_726 : vector<16xf32>
        %add3A_728 = arith.constant 0 : i32
        %add3A_729 = arith.addi %add3A_679, %add3A_728 : i32
        %get3A_730 = arith.index_cast %add3A_729 : i32 to index
        %get3A_731 = arith.constant 112 : index
        %get3A_732 = tpu.vector_load %arg6[%get3A_730, %get3A_731] {strides = array<i32>} : memref<200x128xf32, #tpu.memory_space<vmem>>, vector<1x16xf32>,
        %get3A_733 = vector.shape_cast %get3A_732 : vector<1x16xf32> to vector<16xf32>
        %add3A_734 = arith.addf %scan3A_675, %get3A_733 : vector<16xf32>
        %add3A_735 = arith.constant 1 : i32
        %add3A_736 = arith.addi %add3A_679, %add3A_735 : i32
        %get3A_737 = arith.index_cast %add3A_736 : i32 to index
        %get3A_738 = arith.constant 0 : index
        %get3A_739 = tpu.vector_load %arg6[%get3A_737, %get3A_738] {strides = array<i32>} : memref<200x128xf32, #tpu.memory_space<vmem>>, vector<1x16xf32>,
        %get3A_740 = vector.shape_cast %get3A_739 : vector<1x16xf32> to vector<16xf32>
        %add3A_741 = arith.addf %add3A_685, %get3A_740 : vector<16xf32>
        %add3A_742 = arith.constant 1 : i32
        %add3A_743 = arith.addi %add3A_679, %add3A_742 : i32
        %get3A_744 = arith.index_cast %add3A_743 : i32 to index
        %get3A_745 = arith.constant 16 : index
        %get3A_746 = tpu.vector_load %arg6[%get3A_744, %get3A_745] {strides = array<i32>} : memref<200x128xf32, #tpu.memory_space<vmem>>, vector<1x16xf32>,
        %get3A_747 = vector.shape_cast %get3A_746 : vector<1x16xf32> to vector<16xf32>
        %add3A_748 = arith.addf %add3A_692, %get3A_747 : vector<16xf32>
        %add3A_749 = arith.constant 1 : i32
        %add3A_750 = arith.addi %add3A_679, %add3A_749 : i32
        %get3A_751 = arith.index_cast %add3A_750 : i32 to index
        %get3A_752 = arith.constant 32 : index
        %get3A_753 = tpu.vector_load %arg6[%get3A_751, %get3A_752] {strides = array<i32>} : memref<200x128xf32, #tpu.memory_space<vmem>>, vector<1x16xf32>,
        %get3A_754 = vector.shape_cast %get3A_753 : vector<1x16xf32> to vector<16xf32>
        %add3A_755 = arith.addf %add3A_699, %get3A_754 : vector<16xf32>
        %add3A_756 = arith.constant 1 : i32
        %add3A_757 = arith.addi %add3A_679, %add3A_756 : i32
        %get3A_758 = arith.index_cast %add3A_757 : i32 to index
        %get3A_759 = arith.constant 48 : index
        %get3A_760 = tpu.vector_load %arg6[%get3A_758, %get3A_759] {strides = array<i32>} : memref<200x128xf32, #tpu.memory_space<vmem>>, vector<1x16xf32>,
        %get3A_761 = vector.shape_cast %get3A_760 : vector<1x16xf32> to vector<16xf32>
        %add3A_762 = arith.addf %add3A_706, %get3A_761 : vector<16xf32>
        %add3A_763 = arith.constant 1 : i32
        %add3A_764 = arith.addi %add3A_679, %add3A_763 : i32
        %get3A_765 = arith.index_cast %add3A_764 : i32 to index
        %get3A_766 = arith.constant 64 : index
        %get3A_767 = tpu.vector_load %arg6[%get3A_765, %get3A_766] {strides = array<i32>} : memref<200x128xf32, #tpu.memory_space<vmem>>, vector<1x16xf32>,
        %get3A_768 = vector.shape_cast %get3A_767 : vector<1x16xf32> to vector<16xf32>
        %add3A_769 = arith.addf %add3A_713, %get3A_768 : vector<16xf32>
        %add3A_770 = arith.constant 1 : i32
        %add3A_771 = arith.addi %add3A_679, %add3A_770 : i32
        %get3A_772 = arith.index_cast %add3A_771 : i32 to index
        %get3A_773 = arith.constant 80 : index
        %get3A_774 = tpu.vector_load %arg6[%get3A_772, %get3A_773] {strides = array<i32>} : memref<200x128xf32, #tpu.memory_space<vmem>>, vector<1x16xf32>,
        %get3A_775 = vector.shape_cast %get3A_774 : vector<1x16xf32> to vector<16xf32>
        %add3A_776 = arith.addf %add3A_720, %get3A_775 : vector<16xf32>
        %add3A_777 = arith.constant 1 : i32
        %add3A_778 = arith.addi %add3A_679, %add3A_777 : i32
        %get3A_779 = arith.index_cast %add3A_778 : i32 to index
        %get3A_780 = arith.constant 96 : index
        %get3A_781 = tpu.vector_load %arg6[%get3A_779, %get3A_780] {strides = array<i32>} : memref<200x128xf32, #tpu.memory_space<vmem>>, vector<1x16xf32>,
        %get3A_782 = vector.shape_cast %get3A_781 : vector<1x16xf32> to vector<16xf32>
        %add3A_783 = arith.addf %add3A_727, %get3A_782 : vector<16xf32>
        %add3A_784 = arith.constant 1 : i32
        %add3A_785 = arith.addi %add3A_679, %add3A_784 : i32
        %get3A_786 = arith.index_cast %add3A_785 : i32 to index
        %get3A_787 = arith.constant 112 : index
        %get3A_788 = tpu.vector_load %arg6[%get3A_786, %get3A_787] {strides = array<i32>} : memref<200x128xf32, #tpu.memory_space<vmem>>, vector<1x16xf32>,
        %get3A_789 = vector.shape_cast %get3A_788 : vector<1x16xf32> to vector<16xf32>
        %add3A_790 = arith.addf %add3A_734, %get3A_789 : vector<16xf32>
        %add3A_791 = arith.constant 2 : i32
        %add3A_792 = arith.addi %add3A_679, %add3A_791 : i32
        %get3A_793 = arith.index_cast %add3A_792 : i32 to index
        %get3A_794 = arith.constant 0 : index
        %get3A_795 = tpu.vector_load %arg6[%get3A_793, %get3A_794] {strides = array<i32>} : memref<200x128xf32, #tpu.memory_space<vmem>>, vector<1x16xf32>,
        %get3A_796 = vector.shape_cast %get3A_795 : vector<1x16xf32> to vector<16xf32>
        %add3A_797 = arith.addf %add3A_741, %get3A_796 : vector<16xf32>
        %add3A_798 = arith.constant 2 : i32
        %add3A_799 = arith.addi %add3A_679, %add3A_798 : i32
        %get3A_800 = arith.index_cast %add3A_799 : i32 to index
        %get3A_801 = arith.constant 16 : index
        %get3A_802 = tpu.vector_load %arg6[%get3A_800, %get3A_801] {strides = array<i32>} : memref<200x128xf32, #tpu.memory_space<vmem>>, vector<1x16xf32>,
        %get3A_803 = vector.shape_cast %get3A_802 : vector<1x16xf32> to vector<16xf32>
        %add3A_804 = arith.addf %add3A_748, %get3A_803 : vector<16xf32>
        %add3A_805 = arith.constant 2 : i32
        %add3A_806 = arith.addi %add3A_679, %add3A_805 : i32
        %get3A_807 = arith.index_cast %add3A_806 : i32 to index
        %get3A_808 = arith.constant 32 : index
        %get3A_809 = tpu.vector_load %arg6[%get3A_807, %get3A_808] {strides = array<i32>} : memref<200x128xf32, #tpu.memory_space<vmem>>, vector<1x16xf32>,
        %get3A_810 = vector.shape_cast %get3A_809 : vector<1x16xf32> to vector<16xf32>
        %add3A_811 = arith.addf %add3A_755, %get3A_810 : vector<16xf32>
        %add3A_812 = arith.constant 2 : i32
        %add3A_813 = arith.addi %add3A_679, %add3A_812 : i32
        %get3A_814 = arith.index_cast %add3A_813 : i32 to index
        %get3A_815 = arith.constant 48 : index
        %get3A_816 = tpu.vector_load %arg6[%get3A_814, %get3A_815] {strides = array<i32>} : memref<200x128xf32, #tpu.memory_space<vmem>>, vector<1x16xf32>,
        %get3A_817 = vector.shape_cast %get3A_816 : vector<1x16xf32> to vector<16xf32>
        %add3A_818 = arith.addf %add3A_762, %get3A_817 : vector<16xf32>
        %add3A_819 = arith.constant 2 : i32
        %add3A_820 = arith.addi %add3A_679, %add3A_819 : i32
        %get3A_821 = arith.index_cast %add3A_820 : i32 to index
        %get3A_822 = arith.constant 64 : index
        %get3A_823 = tpu.vector_load %arg6[%get3A_821, %get3A_822] {strides = array<i32>} : memref<200x128xf32, #tpu.memory_space<vmem>>, vector<1x16xf32>,
        %get3A_824 = vector.shape_cast %get3A_823 : vector<1x16xf32> to vector<16xf32>
        %add3A_825 = arith.addf %add3A_769, %get3A_824 : vector<16xf32>
        %add3A_826 = arith.constant 2 : i32
        %add3A_827 = arith.addi %add3A_679, %add3A_826 : i32
        %get3A_828 = arith.index_cast %add3A_827 : i32 to index
        %get3A_829 = arith.constant 80 : index
        %get3A_830 = tpu.vector_load %arg6[%get3A_828, %get3A_829] {strides = array<i32>} : memref<200x128xf32, #tpu.memory_space<vmem>>, vector<1x16xf32>,
        %get3A_831 = vector.shape_cast %get3A_830 : vector<1x16xf32> to vector<16xf32>
        %add3A_832 = arith.addf %add3A_776, %get3A_831 : vector<16xf32>
        %add3A_833 = arith.constant 2 : i32
        %add3A_834 = arith.addi %add3A_679, %add3A_833 : i32
        %get3A_835 = arith.index_cast %add3A_834 : i32 to index
        %get3A_836 = arith.constant 96 : index
        %get3A_837 = tpu.vector_load %arg6[%get3A_835, %get3A_836] {strides = array<i32>} : memref<200x128xf32, #tpu.memory_space<vmem>>, vector<1x16xf32>,
        %get3A_838 = vector.shape_cast %get3A_837 : vector<1x16xf32> to vector<16xf32>
        %add3A_839 = arith.addf %add3A_783, %get3A_838 : vector<16xf32>
        %add3A_840 = arith.constant 2 : i32
        %add3A_841 = arith.addi %add3A_679, %add3A_840 : i32
        %get3A_842 = arith.index_cast %add3A_841 : i32 to index
        %get3A_843 = arith.constant 112 : index
        %get3A_844 = tpu.vector_load %arg6[%get3A_842, %get3A_843] {strides = array<i32>} : memref<200x128xf32, #tpu.memory_space<vmem>>, vector<1x16xf32>,
        %get3A_845 = vector.shape_cast %get3A_844 : vector<1x16xf32> to vector<16xf32>
        %add3A_846 = arith.addf %add3A_790, %get3A_845 : vector<16xf32>
        %add3A_847 = arith.constant 3 : i32
        %add3A_848 = arith.addi %add3A_679, %add3A_847 : i32
        %get3A_849 = arith.index_cast %add3A_848 : i32 to index
        %get3A_850 = arith.constant 0 : index
        %get3A_851 = tpu.vector_load %arg6[%get3A_849, %get3A_850] {strides = array<i32>} : memref<200x128xf32, #tpu.memory_space<vmem>>, vector<1x16xf32>,
        %get3A_852 = vector.shape_cast %get3A_851 : vector<1x16xf32> to vector<16xf32>
        %add3A_853 = arith.addf %add3A_797, %get3A_852 : vector<16xf32>
        %add3A_854 = arith.constant 3 : i32
        %add3A_855 = arith.addi %add3A_679, %add3A_854 : i32
        %get3A_856 = arith.index_cast %add3A_855 : i32 to index
        %get3A_857 = arith.constant 16 : index
        %get3A_858 = tpu.vector_load %arg6[%get3A_856, %get3A_857] {strides = array<i32>} : memref<200x128xf32, #tpu.memory_space<vmem>>, vector<1x16xf32>,
        %get3A_859 = vector.shape_cast %get3A_858 : vector<1x16xf32> to vector<16xf32>
        %add3A_860 = arith.addf %add3A_804, %get3A_859 : vector<16xf32>
        %add3A_861 = arith.constant 3 : i32
        %add3A_862 = arith.addi %add3A_679, %add3A_861 : i32
        %get3A_863 = arith.index_cast %add3A_862 : i32 to index
        %get3A_864 = arith.constant 32 : index
        %get3A_865 = tpu.vector_load %arg6[%get3A_863, %get3A_864] {strides = array<i32>} : memref<200x128xf32, #tpu.memory_space<vmem>>, vector<1x16xf32>,
        %get3A_866 = vector.shape_cast %get3A_865 : vector<1x16xf32> to vector<16xf32>
        %add3A_867 = arith.addf %add3A_811, %get3A_866 : vector<16xf32>
        %add3A_868 = arith.constant 3 : i32
        %add3A_869 = arith.addi %add3A_679, %add3A_868 : i32
        %get3A_870 = arith.index_cast %add3A_869 : i32 to index
        %get3A_871 = arith.constant 48 : index
        %get3A_872 = tpu.vector_load %arg6[%get3A_870, %get3A_871] {strides = array<i32>} : memref<200x128xf32, #tpu.memory_space<vmem>>, vector<1x16xf32>,
        %get3A_873 = vector.shape_cast %get3A_872 : vector<1x16xf32> to vector<16xf32>
        %add3A_874 = arith.addf %add3A_818, %get3A_873 : vector<16xf32>
        %add3A_875 = arith.constant 3 : i32
        %add3A_876 = arith.addi %add3A_679, %add3A_875 : i32
        %get3A_877 = arith.index_cast %add3A_876 : i32 to index
        %get3A_878 = arith.constant 64 : index
        %get3A_879 = tpu.vector_load %arg6[%get3A_877, %get3A_878] {strides = array<i32>} : memref<200x128xf32, #tpu.memory_space<vmem>>, vector<1x16xf32>,
        %get3A_880 = vector.shape_cast %get3A_879 : vector<1x16xf32> to vector<16xf32>
        %add3A_881 = arith.addf %add3A_825, %get3A_880 : vector<16xf32>
        %add3A_882 = arith.constant 3 : i32
        %add3A_883 = arith.addi %add3A_679, %add3A_882 : i32
        %get3A_884 = arith.index_cast %add3A_883 : i32 to index
        %get3A_885 = arith.constant 80 : index
        %get3A_886 = tpu.vector_load %arg6[%get3A_884, %get3A_885] {strides = array<i32>} : memref<200x128xf32, #tpu.memory_space<vmem>>, vector<1x16xf32>,
        %get3A_887 = vector.shape_cast %get3A_886 : vector<1x16xf32> to vector<16xf32>
        %add3A_888 = arith.addf %add3A_832, %get3A_887 : vector<16xf32>
        %add3A_889 = arith.constant 3 : i32
        %add3A_890 = arith.addi %add3A_679, %add3A_889 : i32
        %get3A_891 = arith.index_cast %add3A_890 : i32 to index
        %get3A_892 = arith.constant 96 : index
        %get3A_893 = tpu.vector_load %arg6[%get3A_891, %get3A_892] {strides = array<i32>} : memref<200x128xf32, #tpu.memory_space<vmem>>, vector<1x16xf32>,
        %get3A_894 = vector.shape_cast %get3A_893 : vector<1x16xf32> to vector<16xf32>
        %add3A_895 = arith.addf %add3A_839, %get3A_894 : vector<16xf32>
        %add3A_896 = arith.constant 3 : i32
        %add3A_897 = arith.addi %add3A_679, %add3A_896 : i32
        %get3A_898 = arith.index_cast %add3A_897 : i32 to index
        %get3A_899 = arith.constant 112 : index
        %get3A_900 = tpu.vector_load %arg6[%get3A_898, %get3A_899] {strides = array<i32>} : memref<200x128xf32, #tpu.memory_space<vmem>>, vector<1x16xf32>,
        %get3A_901 = vector.shape_cast %get3A_900 : vector<1x16xf32> to vector<16xf32>
        %add3A_902 = arith.addf %add3A_846, %get3A_901 : vector<16xf32>
        scf.yield %add3A_853, %add3A_860, %add3A_867, %add3A_874, %add3A_881, %add3A_888, %add3A_895, %add3A_902 : vector<16xf32>, vector<16xf32>, vector<16xf32>, vector<16xf32>, vector<16xf32>, vector<16xf32>, vector<16xf32>, vector<16xf32>
      }
      %scan3A_358 = arith.constant 18 : i32
      %lt3A = arith.constant 128 : i32
      %lt3A_359 = arith.cmpi slt, %add3A_312, %lt3A : i32
      %convert_element_type3A = arith.extui %lt3A_359 : i1 to i32
      %cond3A = arith.constant 0 : i32
      %cond3A_360 = arith.cmpi ne, %convert_element_type3A, %cond3A : i32
      scf.if %cond3A_360 {
        %dma_start3A_667 = arith.constant 0 : i32
        %dma_start3A_668 = arith.constant 0 : i32
        %dma_start3A_669 = tpu.memref_slice %arg6[%dma_start3A_667, %dma_start3A_668] : memref<200x128xf32, #tpu.memory_space<vmem>> -> memref<128x128xf32, #tpu.memory_space<vmem>>
        %dma_start3A_670 = arith.constant 0 : i32
        %dma_start3A_671 = tpu.memref_slice %arg5[%add3A_312, %dma_start3A_670] : memref<128x200xi32, #tpu.memory_space<vmem>> -> memref<1x128xi32, #tpu.memory_space<vmem>>
        %dma_start3A_672 = tpu.memref_squeeze %dma_start3A_671 : memref<1x128xi32, #tpu.memory_space<vmem>> -> memref<128xi32, #tpu.memory_space<vmem>>
        %dma_start3A_673 = arith.constant 0 : i32
        %dma_start3A_674 = arith.constant 0 : i32
        %dma_start3A_675 = tpu.memref_slice %arg3[%dma_start3A_673, %dma_start3A_674] : memref<100000x128xf32, #tpu.memory_space<hbm>> -> memref<100000x128xf32, #tpu.memory_space<hbm>>
        tpu.enqueue_indirect_dma source(%dma_start3A_675 : memref<100000x128xf32, #tpu.memory_space<hbm>>) target(%dma_start3A_669 : memref<128x128xf32, #tpu.memory_space<vmem>>) offsets(%dma_start3A_672 : memref<128xi32, #tpu.memory_space<vmem>>) semaphore(%arg10 : memref<!tpu.dma_semaphore, #tpu.memory_space<semaphore_mem>>)
        %dma_start3A_676 = arith.constant 128 : i32
        %dma_start3A_677 = arith.constant 0 : i32
        %dma_start3A_678 = tpu.memref_slice %arg6[%dma_start3A_676, %dma_start3A_677] : memref<200x128xf32, #tpu.memory_space<vmem>> -> memref<72x128xf32, #tpu.memory_space<vmem>>
        %dma_start3A_679 = arith.constant 128 : i32
        %dma_start3A_680 = tpu.memref_slice %arg5[%add3A_312, %dma_start3A_679] : memref<128x200xi32, #tpu.memory_space<vmem>> -> memref<1x72xi32, #tpu.memory_space<vmem>>
        %dma_start3A_681 = tpu.memref_squeeze %dma_start3A_680 : memref<1x72xi32, #tpu.memory_space<vmem>> -> memref<72xi32, #tpu.memory_space<vmem>>
        %dma_start3A_682 = arith.constant 0 : i32
        %dma_start3A_683 = arith.constant 0 : i32
        %dma_start3A_684 = tpu.memref_slice %arg3[%dma_start3A_682, %dma_start3A_683] : memref<100000x128xf32, #tpu.memory_space<hbm>> -> memref<100000x128xf32, #tpu.memory_space<hbm>>
        tpu.enqueue_indirect_dma source(%dma_start3A_684 : memref<100000x128xf32, #tpu.memory_space<hbm>>) target(%dma_start3A_678 : memref<72x128xf32, #tpu.memory_space<vmem>>) offsets(%dma_start3A_681 : memref<72xi32, #tpu.memory_space<vmem>>) semaphore(%arg11 : memref<!tpu.dma_semaphore, #tpu.memory_space<semaphore_mem>>)
      } else {
      }
      %mul3A_361 = arith.constant 5.000000e-03 : f32
      %mul3A_362 = vector.broadcast %mul3A_361 : f32 to vector<16xf32>
      %mul3A_363 = arith.mulf %scan3A_357#0, %mul3A_362 : vector<16xf32>
      %swap3A_364 = arith.index_cast %add3A_308 : i32 to index
      %swap3A_365 = arith.constant 0 : index
      %swap3A_366 = tpu.vector_load %arg9[%swap3A_364, %swap3A_365] {strides = array<i32>} : memref<128x128xf32, #tpu.memory_space<vmem>>, vector<1x16xf32>,
      %swap3A_367 = vector.shape_cast %swap3A_366 : vector<1x16xf32> to vector<16xf32>
      %swap3A_368 = vector.shape_cast %mul3A_363 : vector<16xf32> to vector<1x16xf32>
      tpu.vector_store %arg9[%swap3A_364, %swap3A_365], %swap3A_368 {strides = array<i32>} : memref<128x128xf32, #tpu.memory_space<vmem>>, vector<1x16xf32>,
      %mul3A_369 = arith.constant 5.000000e-03 : f32
      %mul3A_370 = vector.broadcast %mul3A_369 : f32 to vector<16xf32>
      %mul3A_371 = arith.mulf %scan3A_357#1, %mul3A_370 : vector<16xf32>
      %swap3A_372 = arith.index_cast %add3A_308 : i32 to index
      %swap3A_373 = arith.constant 16 : index
      %swap3A_374 = tpu.vector_load %arg9[%swap3A_372, %swap3A_373] {strides = array<i32>} : memref<128x128xf32, #tpu.memory_space<vmem>>, vector<1x16xf32>,
      %swap3A_375 = vector.shape_cast %swap3A_374 : vector<1x16xf32> to vector<16xf32>
      %swap3A_376 = vector.shape_cast %mul3A_371 : vector<16xf32> to vector<1x16xf32>
      tpu.vector_store %arg9[%swap3A_372, %swap3A_373], %swap3A_376 {strides = array<i32>} : memref<128x128xf32, #tpu.memory_space<vmem>>, vector<1x16xf32>,
      %mul3A_377 = arith.constant 5.000000e-03 : f32
      %mul3A_378 = vector.broadcast %mul3A_377 : f32 to vector<16xf32>
      %mul3A_379 = arith.mulf %scan3A_357#2, %mul3A_378 : vector<16xf32>
      %swap3A_380 = arith.index_cast %add3A_308 : i32 to index
      %swap3A_381 = arith.constant 32 : index
      %swap3A_382 = tpu.vector_load %arg9[%swap3A_380, %swap3A_381] {strides = array<i32>} : memref<128x128xf32, #tpu.memory_space<vmem>>, vector<1x16xf32>,
      %swap3A_383 = vector.shape_cast %swap3A_382 : vector<1x16xf32> to vector<16xf32>
      %swap3A_384 = vector.shape_cast %mul3A_379 : vector<16xf32> to vector<1x16xf32>
      tpu.vector_store %arg9[%swap3A_380, %swap3A_381], %swap3A_384 {strides = array<i32>} : memref<128x128xf32, #tpu.memory_space<vmem>>, vector<1x16xf32>,
      %mul3A_385 = arith.constant 5.000000e-03 : f32
      %mul3A_386 = vector.broadcast %mul3A_385 : f32 to vector<16xf32>
      %mul3A_387 = arith.mulf %scan3A_357#3, %mul3A_386 : vector<16xf32>
      %swap3A_388 = arith.index_cast %add3A_308 : i32 to index
      %swap3A_389 = arith.constant 48 : index
      %swap3A_390 = tpu.vector_load %arg9[%swap3A_388, %swap3A_389] {strides = array<i32>} : memref<128x128xf32, #tpu.memory_space<vmem>>, vector<1x16xf32>,
      %swap3A_391 = vector.shape_cast %swap3A_390 : vector<1x16xf32> to vector<16xf32>
      %swap3A_392 = vector.shape_cast %mul3A_387 : vector<16xf32> to vector<1x16xf32>
      tpu.vector_store %arg9[%swap3A_388, %swap3A_389], %swap3A_392 {strides = array<i32>} : memref<128x128xf32, #tpu.memory_space<vmem>>, vector<1x16xf32>,
      %mul3A_393 = arith.constant 5.000000e-03 : f32
      %mul3A_394 = vector.broadcast %mul3A_393 : f32 to vector<16xf32>
      %mul3A_395 = arith.mulf %scan3A_357#4, %mul3A_394 : vector<16xf32>
      %swap3A_396 = arith.index_cast %add3A_308 : i32 to index
      %swap3A_397 = arith.constant 64 : index
      %swap3A_398 = tpu.vector_load %arg9[%swap3A_396, %swap3A_397] {strides = array<i32>} : memref<128x128xf32, #tpu.memory_space<vmem>>, vector<1x16xf32>,
      %swap3A_399 = vector.shape_cast %swap3A_398 : vector<1x16xf32> to vector<16xf32>
      %swap3A_400 = vector.shape_cast %mul3A_395 : vector<16xf32> to vector<1x16xf32>
      tpu.vector_store %arg9[%swap3A_396, %swap3A_397], %swap3A_400 {strides = array<i32>} : memref<128x128xf32, #tpu.memory_space<vmem>>, vector<1x16xf32>,
      %mul3A_401 = arith.constant 5.000000e-03 : f32
      %mul3A_402 = vector.broadcast %mul3A_401 : f32 to vector<16xf32>
      %mul3A_403 = arith.mulf %scan3A_357#5, %mul3A_402 : vector<16xf32>
      %swap3A_404 = arith.index_cast %add3A_308 : i32 to index
      %swap3A_405 = arith.constant 80 : index
      %swap3A_406 = tpu.vector_load %arg9[%swap3A_404, %swap3A_405] {strides = array<i32>} : memref<128x128xf32, #tpu.memory_space<vmem>>, vector<1x16xf32>,
      %swap3A_407 = vector.shape_cast %swap3A_406 : vector<1x16xf32> to vector<16xf32>
      %swap3A_408 = vector.shape_cast %mul3A_403 : vector<16xf32> to vector<1x16xf32>
      tpu.vector_store %arg9[%swap3A_404, %swap3A_405], %swap3A_408 {strides = array<i32>} : memref<128x128xf32, #tpu.memory_space<vmem>>, vector<1x16xf32>,
      %mul3A_409 = arith.constant 5.000000e-03 : f32
      %mul3A_410 = vector.broadcast %mul3A_409 : f32 to vector<16xf32>
      %mul3A_411 = arith.mulf %scan3A_357#6, %mul3A_410 : vector<16xf32>
      %swap3A_412 = arith.index_cast %add3A_308 : i32 to index
      %swap3A_413 = arith.constant 96 : index
      %swap3A_414 = tpu.vector_load %arg9[%swap3A_412, %swap3A_413] {strides = array<i32>} : memref<128x128xf32, #tpu.memory_space<vmem>>, vector<1x16xf32>,
      %swap3A_415 = vector.shape_cast %swap3A_414 : vector<1x16xf32> to vector<16xf32>
      %swap3A_416 = vector.shape_cast %mul3A_411 : vector<16xf32> to vector<1x16xf32>
      tpu.vector_store %arg9[%swap3A_412, %swap3A_413], %swap3A_416 {strides = array<i32>} : memref<128x128xf32, #tpu.memory_space<vmem>>, vector<1x16xf32>,
      %mul3A_417 = arith.constant 5.000000e-03 : f32
      %mul3A_418 = vector.broadcast %mul3A_417 : f32 to vector<16xf32>
      %mul3A_419 = arith.mulf %scan3A_357#7, %mul3A_418 : vector<16xf32>
      %swap3A_420 = arith.index_cast %add3A_308 : i32 to index
      %swap3A_421 = arith.constant 112 : index
      %swap3A_422 = tpu.vector_load %arg9[%swap3A_420, %swap3A_421] {strides = array<i32>} : memref<128x128xf32, #tpu.memory_space<vmem>>, vector<1x16xf32>,
      %swap3A_423 = vector.shape_cast %swap3A_422 : vector<1x16xf32> to vector<16xf32>
      %swap3A_424 = vector.shape_cast %mul3A_419 : vector<16xf32> to vector<1x16xf32>
      tpu.vector_store %arg9[%swap3A_420, %swap3A_421], %swap3A_424 {strides = array<i32>} : memref<128x128xf32, #tpu.memory_space<vmem>>, vector<1x16xf32>,
      %add3A_425 = arith.constant 1 : i32
      %add3A_426 = arith.addi %mul3A_306, %add3A_425 : i32
      %add3A_427 = arith.constant 3 : i32
      %add3A_428 = arith.addi %mul3A_306, %add3A_427 : i32
      %add3A_429 = arith.constant 1 : i32
      %add3A_430 = arith.addi %add3A_428, %add3A_429 : i32
      %broadcast_in_dim3A_431 = arith.constant 0.000000e+00 : f32
      %broadcast_in_dim3A_432 = vector.broadcast %broadcast_in_dim3A_431 : f32 to vector<16xf32>
      %broadcast_in_dim3A_433 = arith.constant 0.000000e+00 : f32
      %broadcast_in_dim3A_434 = vector.broadcast %broadcast_in_dim3A_433 : f32 to vector<16xf32>
      %broadcast_in_dim3A_435 = arith.constant 0.000000e+00 : f32
      %broadcast_in_dim3A_436 = vector.broadcast %broadcast_in_dim3A_435 : f32 to vector<16xf32>
      %broadcast_in_dim3A_437 = arith.constant 0.000000e+00 : f32
      %broadcast_in_dim3A_438 = vector.broadcast %broadcast_in_dim3A_437 : f32 to vector<16xf32>
      %broadcast_in_dim3A_439 = arith.constant 0.000000e+00 : f32
      %broadcast_in_dim3A_440 = vector.broadcast %broadcast_in_dim3A_439 : f32 to vector<16xf32>
      %broadcast_in_dim3A_441 = arith.constant 0.000000e+00 : f32
      %broadcast_in_dim3A_442 = vector.broadcast %broadcast_in_dim3A_441 : f32 to vector<16xf32>
      %broadcast_in_dim3A_443 = arith.constant 0.000000e+00 : f32
      %broadcast_in_dim3A_444 = vector.broadcast %broadcast_in_dim3A_443 : f32 to vector<16xf32>
      %broadcast_in_dim3A_445 = arith.constant 0.000000e+00 : f32
      %broadcast_in_dim3A_446 = vector.broadcast %broadcast_in_dim3A_445 : f32 to vector<16xf32>
      %dma_wait3A_447 = arith.constant 0 : i32
      %dma_wait3A_448 = arith.constant 0 : i32
      %dma_wait3A_449 = tpu.memref_slice %arg7[%dma_wait3A_447, %dma_wait3A_448] : memref<200x128xf32, #tpu.memory_space<vmem>> -> memref<128x128xf32, #tpu.memory_space<vmem>>
      %dma_wait3A_450 = arith.constant 0 : i32
      %dma_wait3A_451 = tpu.memref_slice %arg5[%add3A_426, %dma_wait3A_450] : memref<128x200xi32, #tpu.memory_space<vmem>> -> memref<1x128xi32, #tpu.memory_space<vmem>>
      %dma_wait3A_452 = tpu.memref_squeeze %dma_wait3A_451 : memref<1x128xi32, #tpu.memory_space<vmem>> -> memref<128xi32, #tpu.memory_space<vmem>>
      %dma_wait3A_453 = arith.constant 0 : i32
      %dma_wait3A_454 = arith.constant 0 : i32
      %dma_wait3A_455 = tpu.memref_slice %arg3[%dma_wait3A_453, %dma_wait3A_454] : memref<100000x128xf32, #tpu.memory_space<hbm>> -> memref<100000x128xf32, #tpu.memory_space<hbm>>
      tpu.wait_indirect_dma semaphore(%arg12 : memref<!tpu.dma_semaphore, #tpu.memory_space<semaphore_mem>>) src(%dma_wait3A_455 : memref<100000x128xf32, #tpu.memory_space<hbm>>) dst(%dma_wait3A_449 : memref<128x128xf32, #tpu.memory_space<vmem>>)
      %scan3A_456 = arith.constant 0 : i32
      %scan3A_457 = arith.constant 32 : i32
      %scan3A_458 = arith.addi %scan3A_456, %scan3A_457 : i32
      %scan3A_459 = arith.constant 1 : i32
      %scan3A_460:8 = scf.for %scan3A_667 = %scan3A_456 to %scan3A_458 step %scan3A_459 iter_args(%scan3A_668 = %broadcast_in_dim3A_432, %scan3A_669 = %broadcast_in_dim3A_434, %scan3A_670 = %broadcast_in_dim3A_436, %scan3A_671 = %broadcast_in_dim3A_438, %scan3A_672 = %broadcast_in_dim3A_440, %scan3A_673 = %broadcast_in_dim3A_442, %scan3A_674 = %broadcast_in_dim3A_444, %scan3A_675 = %broadcast_in_dim3A_446) -> (vector<16xf32>, vector<16xf32>, vector<16xf32>, vector<16xf32>, vector<16xf32>, vector<16xf32>, vector<16xf32>, vector<16xf32>)  : i32 {
        %mul3A_676 = arith.constant 4 : i32
        %mul3A_677 = arith.muli %scan3A_667, %mul3A_676 : i32
        %add3A_678 = arith.constant 0 : i32
        %add3A_679 = arith.addi %add3A_678, %mul3A_677 : i32
        %add3A_680 = arith.constant 0 : i32
        %add3A_681 = arith.addi %add3A_679, %add3A_680 : i32
        %get3A = arith.index_cast %add3A_681 : i32 to index
        %get3A_682 = arith.constant 0 : index
        %get3A_683 = tpu.vector_load %arg7[%get3A, %get3A_682] {strides = array<i32>} : memref<200x128xf32, #tpu.memory_space<vmem>>, vector<1x16xf32>,
        %get3A_684 = vector.shape_cast %get3A_683 : vector<1x16xf32> to vector<16xf32>
        %add3A_685 = arith.addf %scan3A_668, %get3A_684 : vector<16xf32>
        %add3A_686 = arith.constant 0 : i32
        %add3A_687 = arith.addi %add3A_679, %add3A_686 : i32
        %get3A_688 = arith.index_cast %add3A_687 : i32 to index
        %get3A_689 = arith.constant 16 : index
        %get3A_690 = tpu.vector_load %arg7[%get3A_688, %get3A_689] {strides = array<i32>} : memref<200x128xf32, #tpu.memory_space<vmem>>, vector<1x16xf32>,
        %get3A_691 = vector.shape_cast %get3A_690 : vector<1x16xf32> to vector<16xf32>
        %add3A_692 = arith.addf %scan3A_669, %get3A_691 : vector<16xf32>
        %add3A_693 = arith.constant 0 : i32
        %add3A_694 = arith.addi %add3A_679, %add3A_693 : i32
        %get3A_695 = arith.index_cast %add3A_694 : i32 to index
        %get3A_696 = arith.constant 32 : index
        %get3A_697 = tpu.vector_load %arg7[%get3A_695, %get3A_696] {strides = array<i32>} : memref<200x128xf32, #tpu.memory_space<vmem>>, vector<1x16xf32>,
        %get3A_698 = vector.shape_cast %get3A_697 : vector<1x16xf32> to vector<16xf32>
        %add3A_699 = arith.addf %scan3A_670, %get3A_698 : vector<16xf32>
        %add3A_700 = arith.constant 0 : i32
        %add3A_701 = arith.addi %add3A_679, %add3A_700 : i32
        %get3A_702 = arith.index_cast %add3A_701 : i32 to index
        %get3A_703 = arith.constant 48 : index
        %get3A_704 = tpu.vector_load %arg7[%get3A_702, %get3A_703] {strides = array<i32>} : memref<200x128xf32, #tpu.memory_space<vmem>>, vector<1x16xf32>,
        %get3A_705 = vector.shape_cast %get3A_704 : vector<1x16xf32> to vector<16xf32>
        %add3A_706 = arith.addf %scan3A_671, %get3A_705 : vector<16xf32>
        %add3A_707 = arith.constant 0 : i32
        %add3A_708 = arith.addi %add3A_679, %add3A_707 : i32
        %get3A_709 = arith.index_cast %add3A_708 : i32 to index
        %get3A_710 = arith.constant 64 : index
        %get3A_711 = tpu.vector_load %arg7[%get3A_709, %get3A_710] {strides = array<i32>} : memref<200x128xf32, #tpu.memory_space<vmem>>, vector<1x16xf32>,
        %get3A_712 = vector.shape_cast %get3A_711 : vector<1x16xf32> to vector<16xf32>
        %add3A_713 = arith.addf %scan3A_672, %get3A_712 : vector<16xf32>
        %add3A_714 = arith.constant 0 : i32
        %add3A_715 = arith.addi %add3A_679, %add3A_714 : i32
        %get3A_716 = arith.index_cast %add3A_715 : i32 to index
        %get3A_717 = arith.constant 80 : index
        %get3A_718 = tpu.vector_load %arg7[%get3A_716, %get3A_717] {strides = array<i32>} : memref<200x128xf32, #tpu.memory_space<vmem>>, vector<1x16xf32>,
        %get3A_719 = vector.shape_cast %get3A_718 : vector<1x16xf32> to vector<16xf32>
        %add3A_720 = arith.addf %scan3A_673, %get3A_719 : vector<16xf32>
        %add3A_721 = arith.constant 0 : i32
        %add3A_722 = arith.addi %add3A_679, %add3A_721 : i32
        %get3A_723 = arith.index_cast %add3A_722 : i32 to index
        %get3A_724 = arith.constant 96 : index
        %get3A_725 = tpu.vector_load %arg7[%get3A_723, %get3A_724] {strides = array<i32>} : memref<200x128xf32, #tpu.memory_space<vmem>>, vector<1x16xf32>,
        %get3A_726 = vector.shape_cast %get3A_725 : vector<1x16xf32> to vector<16xf32>
        %add3A_727 = arith.addf %scan3A_674, %get3A_726 : vector<16xf32>
        %add3A_728 = arith.constant 0 : i32
        %add3A_729 = arith.addi %add3A_679, %add3A_728 : i32
        %get3A_730 = arith.index_cast %add3A_729 : i32 to index
        %get3A_731 = arith.constant 112 : index
        %get3A_732 = tpu.vector_load %arg7[%get3A_730, %get3A_731] {strides = array<i32>} : memref<200x128xf32, #tpu.memory_space<vmem>>, vector<1x16xf32>,
        %get3A_733 = vector.shape_cast %get3A_732 : vector<1x16xf32> to vector<16xf32>
        %add3A_734 = arith.addf %scan3A_675, %get3A_733 : vector<16xf32>
        %add3A_735 = arith.constant 1 : i32
        %add3A_736 = arith.addi %add3A_679, %add3A_735 : i32
        %get3A_737 = arith.index_cast %add3A_736 : i32 to index
        %get3A_738 = arith.constant 0 : index
        %get3A_739 = tpu.vector_load %arg7[%get3A_737, %get3A_738] {strides = array<i32>} : memref<200x128xf32, #tpu.memory_space<vmem>>, vector<1x16xf32>,
        %get3A_740 = vector.shape_cast %get3A_739 : vector<1x16xf32> to vector<16xf32>
        %add3A_741 = arith.addf %add3A_685, %get3A_740 : vector<16xf32>
        %add3A_742 = arith.constant 1 : i32
        %add3A_743 = arith.addi %add3A_679, %add3A_742 : i32
        %get3A_744 = arith.index_cast %add3A_743 : i32 to index
        %get3A_745 = arith.constant 16 : index
        %get3A_746 = tpu.vector_load %arg7[%get3A_744, %get3A_745] {strides = array<i32>} : memref<200x128xf32, #tpu.memory_space<vmem>>, vector<1x16xf32>,
        %get3A_747 = vector.shape_cast %get3A_746 : vector<1x16xf32> to vector<16xf32>
        %add3A_748 = arith.addf %add3A_692, %get3A_747 : vector<16xf32>
        %add3A_749 = arith.constant 1 : i32
        %add3A_750 = arith.addi %add3A_679, %add3A_749 : i32
        %get3A_751 = arith.index_cast %add3A_750 : i32 to index
        %get3A_752 = arith.constant 32 : index
        %get3A_753 = tpu.vector_load %arg7[%get3A_751, %get3A_752] {strides = array<i32>} : memref<200x128xf32, #tpu.memory_space<vmem>>, vector<1x16xf32>,
        %get3A_754 = vector.shape_cast %get3A_753 : vector<1x16xf32> to vector<16xf32>
        %add3A_755 = arith.addf %add3A_699, %get3A_754 : vector<16xf32>
        %add3A_756 = arith.constant 1 : i32
        %add3A_757 = arith.addi %add3A_679, %add3A_756 : i32
        %get3A_758 = arith.index_cast %add3A_757 : i32 to index
        %get3A_759 = arith.constant 48 : index
        %get3A_760 = tpu.vector_load %arg7[%get3A_758, %get3A_759] {strides = array<i32>} : memref<200x128xf32, #tpu.memory_space<vmem>>, vector<1x16xf32>,
        %get3A_761 = vector.shape_cast %get3A_760 : vector<1x16xf32> to vector<16xf32>
        %add3A_762 = arith.addf %add3A_706, %get3A_761 : vector<16xf32>
        %add3A_763 = arith.constant 1 : i32
        %add3A_764 = arith.addi %add3A_679, %add3A_763 : i32
        %get3A_765 = arith.index_cast %add3A_764 : i32 to index
        %get3A_766 = arith.constant 64 : index
        %get3A_767 = tpu.vector_load %arg7[%get3A_765, %get3A_766] {strides = array<i32>} : memref<200x128xf32, #tpu.memory_space<vmem>>, vector<1x16xf32>,
        %get3A_768 = vector.shape_cast %get3A_767 : vector<1x16xf32> to vector<16xf32>
        %add3A_769 = arith.addf %add3A_713, %get3A_768 : vector<16xf32>
        %add3A_770 = arith.constant 1 : i32
        %add3A_771 = arith.addi %add3A_679, %add3A_770 : i32
        %get3A_772 = arith.index_cast %add3A_771 : i32 to index
        %get3A_773 = arith.constant 80 : index
        %get3A_774 = tpu.vector_load %arg7[%get3A_772, %get3A_773] {strides = array<i32>} : memref<200x128xf32, #tpu.memory_space<vmem>>, vector<1x16xf32>,
        %get3A_775 = vector.shape_cast %get3A_774 : vector<1x16xf32> to vector<16xf32>
        %add3A_776 = arith.addf %add3A_720, %get3A_775 : vector<16xf32>
        %add3A_777 = arith.constant 1 : i32
        %add3A_778 = arith.addi %add3A_679, %add3A_777 : i32
        %get3A_779 = arith.index_cast %add3A_778 : i32 to index
        %get3A_780 = arith.constant 96 : index
        %get3A_781 = tpu.vector_load %arg7[%get3A_779, %get3A_780] {strides = array<i32>} : memref<200x128xf32, #tpu.memory_space<vmem>>, vector<1x16xf32>,
        %get3A_782 = vector.shape_cast %get3A_781 : vector<1x16xf32> to vector<16xf32>
        %add3A_783 = arith.addf %add3A_727, %get3A_782 : vector<16xf32>
        %add3A_784 = arith.constant 1 : i32
        %add3A_785 = arith.addi %add3A_679, %add3A_784 : i32
        %get3A_786 = arith.index_cast %add3A_785 : i32 to index
        %get3A_787 = arith.constant 112 : index
        %get3A_788 = tpu.vector_load %arg7[%get3A_786, %get3A_787] {strides = array<i32>} : memref<200x128xf32, #tpu.memory_space<vmem>>, vector<1x16xf32>,
        %get3A_789 = vector.shape_cast %get3A_788 : vector<1x16xf32> to vector<16xf32>
        %add3A_790 = arith.addf %add3A_734, %get3A_789 : vector<16xf32>
        %add3A_791 = arith.constant 2 : i32
        %add3A_792 = arith.addi %add3A_679, %add3A_791 : i32
        %get3A_793 = arith.index_cast %add3A_792 : i32 to index
        %get3A_794 = arith.constant 0 : index
        %get3A_795 = tpu.vector_load %arg7[%get3A_793, %get3A_794] {strides = array<i32>} : memref<200x128xf32, #tpu.memory_space<vmem>>, vector<1x16xf32>,
        %get3A_796 = vector.shape_cast %get3A_795 : vector<1x16xf32> to vector<16xf32>
        %add3A_797 = arith.addf %add3A_741, %get3A_796 : vector<16xf32>
        %add3A_798 = arith.constant 2 : i32
        %add3A_799 = arith.addi %add3A_679, %add3A_798 : i32
        %get3A_800 = arith.index_cast %add3A_799 : i32 to index
        %get3A_801 = arith.constant 16 : index
        %get3A_802 = tpu.vector_load %arg7[%get3A_800, %get3A_801] {strides = array<i32>} : memref<200x128xf32, #tpu.memory_space<vmem>>, vector<1x16xf32>,
        %get3A_803 = vector.shape_cast %get3A_802 : vector<1x16xf32> to vector<16xf32>
        %add3A_804 = arith.addf %add3A_748, %get3A_803 : vector<16xf32>
        %add3A_805 = arith.constant 2 : i32
        %add3A_806 = arith.addi %add3A_679, %add3A_805 : i32
        %get3A_807 = arith.index_cast %add3A_806 : i32 to index
        %get3A_808 = arith.constant 32 : index
        %get3A_809 = tpu.vector_load %arg7[%get3A_807, %get3A_808] {strides = array<i32>} : memref<200x128xf32, #tpu.memory_space<vmem>>, vector<1x16xf32>,
        %get3A_810 = vector.shape_cast %get3A_809 : vector<1x16xf32> to vector<16xf32>
        %add3A_811 = arith.addf %add3A_755, %get3A_810 : vector<16xf32>
        %add3A_812 = arith.constant 2 : i32
        %add3A_813 = arith.addi %add3A_679, %add3A_812 : i32
        %get3A_814 = arith.index_cast %add3A_813 : i32 to index
        %get3A_815 = arith.constant 48 : index
        %get3A_816 = tpu.vector_load %arg7[%get3A_814, %get3A_815] {strides = array<i32>} : memref<200x128xf32, #tpu.memory_space<vmem>>, vector<1x16xf32>,
        %get3A_817 = vector.shape_cast %get3A_816 : vector<1x16xf32> to vector<16xf32>
        %add3A_818 = arith.addf %add3A_762, %get3A_817 : vector<16xf32>
        %add3A_819 = arith.constant 2 : i32
        %add3A_820 = arith.addi %add3A_679, %add3A_819 : i32
        %get3A_821 = arith.index_cast %add3A_820 : i32 to index
        %get3A_822 = arith.constant 64 : index
        %get3A_823 = tpu.vector_load %arg7[%get3A_821, %get3A_822] {strides = array<i32>} : memref<200x128xf32, #tpu.memory_space<vmem>>, vector<1x16xf32>,
        %get3A_824 = vector.shape_cast %get3A_823 : vector<1x16xf32> to vector<16xf32>
        %add3A_825 = arith.addf %add3A_769, %get3A_824 : vector<16xf32>
        %add3A_826 = arith.constant 2 : i32
        %add3A_827 = arith.addi %add3A_679, %add3A_826 : i32
        %get3A_828 = arith.index_cast %add3A_827 : i32 to index
        %get3A_829 = arith.constant 80 : index
        %get3A_830 = tpu.vector_load %arg7[%get3A_828, %get3A_829] {strides = array<i32>} : memref<200x128xf32, #tpu.memory_space<vmem>>, vector<1x16xf32>,
        %get3A_831 = vector.shape_cast %get3A_830 : vector<1x16xf32> to vector<16xf32>
        %add3A_832 = arith.addf %add3A_776, %get3A_831 : vector<16xf32>
        %add3A_833 = arith.constant 2 : i32
        %add3A_834 = arith.addi %add3A_679, %add3A_833 : i32
        %get3A_835 = arith.index_cast %add3A_834 : i32 to index
        %get3A_836 = arith.constant 96 : index
        %get3A_837 = tpu.vector_load %arg7[%get3A_835, %get3A_836] {strides = array<i32>} : memref<200x128xf32, #tpu.memory_space<vmem>>, vector<1x16xf32>,
        %get3A_838 = vector.shape_cast %get3A_837 : vector<1x16xf32> to vector<16xf32>
        %add3A_839 = arith.addf %add3A_783, %get3A_838 : vector<16xf32>
        %add3A_840 = arith.constant 2 : i32
        %add3A_841 = arith.addi %add3A_679, %add3A_840 : i32
        %get3A_842 = arith.index_cast %add3A_841 : i32 to index
        %get3A_843 = arith.constant 112 : index
        %get3A_844 = tpu.vector_load %arg7[%get3A_842, %get3A_843] {strides = array<i32>} : memref<200x128xf32, #tpu.memory_space<vmem>>, vector<1x16xf32>,
        %get3A_845 = vector.shape_cast %get3A_844 : vector<1x16xf32> to vector<16xf32>
        %add3A_846 = arith.addf %add3A_790, %get3A_845 : vector<16xf32>
        %add3A_847 = arith.constant 3 : i32
        %add3A_848 = arith.addi %add3A_679, %add3A_847 : i32
        %get3A_849 = arith.index_cast %add3A_848 : i32 to index
        %get3A_850 = arith.constant 0 : index
        %get3A_851 = tpu.vector_load %arg7[%get3A_849, %get3A_850] {strides = array<i32>} : memref<200x128xf32, #tpu.memory_space<vmem>>, vector<1x16xf32>,
        %get3A_852 = vector.shape_cast %get3A_851 : vector<1x16xf32> to vector<16xf32>
        %add3A_853 = arith.addf %add3A_797, %get3A_852 : vector<16xf32>
        %add3A_854 = arith.constant 3 : i32
        %add3A_855 = arith.addi %add3A_679, %add3A_854 : i32
        %get3A_856 = arith.index_cast %add3A_855 : i32 to index
        %get3A_857 = arith.constant 16 : index
        %get3A_858 = tpu.vector_load %arg7[%get3A_856, %get3A_857] {strides = array<i32>} : memref<200x128xf32, #tpu.memory_space<vmem>>, vector<1x16xf32>,
        %get3A_859 = vector.shape_cast %get3A_858 : vector<1x16xf32> to vector<16xf32>
        %add3A_860 = arith.addf %add3A_804, %get3A_859 : vector<16xf32>
        %add3A_861 = arith.constant 3 : i32
        %add3A_862 = arith.addi %add3A_679, %add3A_861 : i32
        %get3A_863 = arith.index_cast %add3A_862 : i32 to index
        %get3A_864 = arith.constant 32 : index
        %get3A_865 = tpu.vector_load %arg7[%get3A_863, %get3A_864] {strides = array<i32>} : memref<200x128xf32, #tpu.memory_space<vmem>>, vector<1x16xf32>,
        %get3A_866 = vector.shape_cast %get3A_865 : vector<1x16xf32> to vector<16xf32>
        %add3A_867 = arith.addf %add3A_811, %get3A_866 : vector<16xf32>
        %add3A_868 = arith.constant 3 : i32
        %add3A_869 = arith.addi %add3A_679, %add3A_868 : i32
        %get3A_870 = arith.index_cast %add3A_869 : i32 to index
        %get3A_871 = arith.constant 48 : index
        %get3A_872 = tpu.vector_load %arg7[%get3A_870, %get3A_871] {strides = array<i32>} : memref<200x128xf32, #tpu.memory_space<vmem>>, vector<1x16xf32>,
        %get3A_873 = vector.shape_cast %get3A_872 : vector<1x16xf32> to vector<16xf32>
        %add3A_874 = arith.addf %add3A_818, %get3A_873 : vector<16xf32>
        %add3A_875 = arith.constant 3 : i32
        %add3A_876 = arith.addi %add3A_679, %add3A_875 : i32
        %get3A_877 = arith.index_cast %add3A_876 : i32 to index
        %get3A_878 = arith.constant 64 : index
        %get3A_879 = tpu.vector_load %arg7[%get3A_877, %get3A_878] {strides = array<i32>} : memref<200x128xf32, #tpu.memory_space<vmem>>, vector<1x16xf32>,
        %get3A_880 = vector.shape_cast %get3A_879 : vector<1x16xf32> to vector<16xf32>
        %add3A_881 = arith.addf %add3A_825, %get3A_880 : vector<16xf32>
        %add3A_882 = arith.constant 3 : i32
        %add3A_883 = arith.addi %add3A_679, %add3A_882 : i32
        %get3A_884 = arith.index_cast %add3A_883 : i32 to index
        %get3A_885 = arith.constant 80 : index
        %get3A_886 = tpu.vector_load %arg7[%get3A_884, %get3A_885] {strides = array<i32>} : memref<200x128xf32, #tpu.memory_space<vmem>>, vector<1x16xf32>,
        %get3A_887 = vector.shape_cast %get3A_886 : vector<1x16xf32> to vector<16xf32>
        %add3A_888 = arith.addf %add3A_832, %get3A_887 : vector<16xf32>
        %add3A_889 = arith.constant 3 : i32
        %add3A_890 = arith.addi %add3A_679, %add3A_889 : i32
        %get3A_891 = arith.index_cast %add3A_890 : i32 to index
        %get3A_892 = arith.constant 96 : index
        %get3A_893 = tpu.vector_load %arg7[%get3A_891, %get3A_892] {strides = array<i32>} : memref<200x128xf32, #tpu.memory_space<vmem>>, vector<1x16xf32>,
        %get3A_894 = vector.shape_cast %get3A_893 : vector<1x16xf32> to vector<16xf32>
        %add3A_895 = arith.addf %add3A_839, %get3A_894 : vector<16xf32>
        %add3A_896 = arith.constant 3 : i32
        %add3A_897 = arith.addi %add3A_679, %add3A_896 : i32
        %get3A_898 = arith.index_cast %add3A_897 : i32 to index
        %get3A_899 = arith.constant 112 : index
        %get3A_900 = tpu.vector_load %arg7[%get3A_898, %get3A_899] {strides = array<i32>} : memref<200x128xf32, #tpu.memory_space<vmem>>, vector<1x16xf32>,
        %get3A_901 = vector.shape_cast %get3A_900 : vector<1x16xf32> to vector<16xf32>
        %add3A_902 = arith.addf %add3A_846, %get3A_901 : vector<16xf32>
        scf.yield %add3A_853, %add3A_860, %add3A_867, %add3A_874, %add3A_881, %add3A_888, %add3A_895, %add3A_902 : vector<16xf32>, vector<16xf32>, vector<16xf32>, vector<16xf32>, vector<16xf32>, vector<16xf32>, vector<16xf32>, vector<16xf32>
      }
      %scan3A_461 = arith.constant 32 : i32
      %dma_wait3A_462 = arith.constant 128 : i32
      %dma_wait3A_463 = arith.constant 0 : i32
      %dma_wait3A_464 = tpu.memref_slice %arg7[%dma_wait3A_462, %dma_wait3A_463] : memref<200x128xf32, #tpu.memory_space<vmem>> -> memref<72x128xf32, #tpu.memory_space<vmem>>
      %dma_wait3A_465 = arith.constant 128 : i32
      %dma_wait3A_466 = tpu.memref_slice %arg5[%add3A_426, %dma_wait3A_465] : memref<128x200xi32, #tpu.memory_space<vmem>> -> memref<1x72xi32, #tpu.memory_space<vmem>>
      %dma_wait3A_467 = tpu.memref_squeeze %dma_wait3A_466 : memref<1x72xi32, #tpu.memory_space<vmem>> -> memref<72xi32, #tpu.memory_space<vmem>>
      %dma_wait3A_468 = arith.constant 0 : i32
      %dma_wait3A_469 = arith.constant 0 : i32
      %dma_wait3A_470 = tpu.memref_slice %arg3[%dma_wait3A_468, %dma_wait3A_469] : memref<100000x128xf32, #tpu.memory_space<hbm>> -> memref<100000x128xf32, #tpu.memory_space<hbm>>
      tpu.wait_indirect_dma semaphore(%arg13 : memref<!tpu.dma_semaphore, #tpu.memory_space<semaphore_mem>>) src(%dma_wait3A_470 : memref<100000x128xf32, #tpu.memory_space<hbm>>) dst(%dma_wait3A_464 : memref<72x128xf32, #tpu.memory_space<vmem>>)
      %scan3A_471 = arith.constant 0 : i32
      %scan3A_472 = arith.constant 18 : i32
      %scan3A_473 = arith.addi %scan3A_471, %scan3A_472 : i32
      %scan3A_474 = arith.constant 1 : i32
      %scan3A_475:8 = scf.for %scan3A_667 = %scan3A_471 to %scan3A_473 step %scan3A_474 iter_args(%scan3A_668 = %scan3A_460#0, %scan3A_669 = %scan3A_460#1, %scan3A_670 = %scan3A_460#2, %scan3A_671 = %scan3A_460#3, %scan3A_672 = %scan3A_460#4, %scan3A_673 = %scan3A_460#5, %scan3A_674 = %scan3A_460#6, %scan3A_675 = %scan3A_460#7) -> (vector<16xf32>, vector<16xf32>, vector<16xf32>, vector<16xf32>, vector<16xf32>, vector<16xf32>, vector<16xf32>, vector<16xf32>)  : i32 {
        %mul3A_676 = arith.constant 4 : i32
        %mul3A_677 = arith.muli %scan3A_667, %mul3A_676 : i32
        %add3A_678 = arith.constant 128 : i32
        %add3A_679 = arith.addi %add3A_678, %mul3A_677 : i32
        %add3A_680 = arith.constant 0 : i32
        %add3A_681 = arith.addi %add3A_679, %add3A_680 : i32
        %get3A = arith.index_cast %add3A_681 : i32 to index
        %get3A_682 = arith.constant 0 : index
        %get3A_683 = tpu.vector_load %arg7[%get3A, %get3A_682] {strides = array<i32>} : memref<200x128xf32, #tpu.memory_space<vmem>>, vector<1x16xf32>,
        %get3A_684 = vector.shape_cast %get3A_683 : vector<1x16xf32> to vector<16xf32>
        %add3A_685 = arith.addf %scan3A_668, %get3A_684 : vector<16xf32>
        %add3A_686 = arith.constant 0 : i32
        %add3A_687 = arith.addi %add3A_679, %add3A_686 : i32
        %get3A_688 = arith.index_cast %add3A_687 : i32 to index
        %get3A_689 = arith.constant 16 : index
        %get3A_690 = tpu.vector_load %arg7[%get3A_688, %get3A_689] {strides = array<i32>} : memref<200x128xf32, #tpu.memory_space<vmem>>, vector<1x16xf32>,
        %get3A_691 = vector.shape_cast %get3A_690 : vector<1x16xf32> to vector<16xf32>
        %add3A_692 = arith.addf %scan3A_669, %get3A_691 : vector<16xf32>
        %add3A_693 = arith.constant 0 : i32
        %add3A_694 = arith.addi %add3A_679, %add3A_693 : i32
        %get3A_695 = arith.index_cast %add3A_694 : i32 to index
        %get3A_696 = arith.constant 32 : index
        %get3A_697 = tpu.vector_load %arg7[%get3A_695, %get3A_696] {strides = array<i32>} : memref<200x128xf32, #tpu.memory_space<vmem>>, vector<1x16xf32>,
        %get3A_698 = vector.shape_cast %get3A_697 : vector<1x16xf32> to vector<16xf32>
        %add3A_699 = arith.addf %scan3A_670, %get3A_698 : vector<16xf32>
        %add3A_700 = arith.constant 0 : i32
        %add3A_701 = arith.addi %add3A_679, %add3A_700 : i32
        %get3A_702 = arith.index_cast %add3A_701 : i32 to index
        %get3A_703 = arith.constant 48 : index
        %get3A_704 = tpu.vector_load %arg7[%get3A_702, %get3A_703] {strides = array<i32>} : memref<200x128xf32, #tpu.memory_space<vmem>>, vector<1x16xf32>,
        %get3A_705 = vector.shape_cast %get3A_704 : vector<1x16xf32> to vector<16xf32>
        %add3A_706 = arith.addf %scan3A_671, %get3A_705 : vector<16xf32>
        %add3A_707 = arith.constant 0 : i32
        %add3A_708 = arith.addi %add3A_679, %add3A_707 : i32
        %get3A_709 = arith.index_cast %add3A_708 : i32 to index
        %get3A_710 = arith.constant 64 : index
        %get3A_711 = tpu.vector_load %arg7[%get3A_709, %get3A_710] {strides = array<i32>} : memref<200x128xf32, #tpu.memory_space<vmem>>, vector<1x16xf32>,
        %get3A_712 = vector.shape_cast %get3A_711 : vector<1x16xf32> to vector<16xf32>
        %add3A_713 = arith.addf %scan3A_672, %get3A_712 : vector<16xf32>
        %add3A_714 = arith.constant 0 : i32
        %add3A_715 = arith.addi %add3A_679, %add3A_714 : i32
        %get3A_716 = arith.index_cast %add3A_715 : i32 to index
        %get3A_717 = arith.constant 80 : index
        %get3A_718 = tpu.vector_load %arg7[%get3A_716, %get3A_717] {strides = array<i32>} : memref<200x128xf32, #tpu.memory_space<vmem>>, vector<1x16xf32>,
        %get3A_719 = vector.shape_cast %get3A_718 : vector<1x16xf32> to vector<16xf32>
        %add3A_720 = arith.addf %scan3A_673, %get3A_719 : vector<16xf32>
        %add3A_721 = arith.constant 0 : i32
        %add3A_722 = arith.addi %add3A_679, %add3A_721 : i32
        %get3A_723 = arith.index_cast %add3A_722 : i32 to index
        %get3A_724 = arith.constant 96 : index
        %get3A_725 = tpu.vector_load %arg7[%get3A_723, %get3A_724] {strides = array<i32>} : memref<200x128xf32, #tpu.memory_space<vmem>>, vector<1x16xf32>,
        %get3A_726 = vector.shape_cast %get3A_725 : vector<1x16xf32> to vector<16xf32>
        %add3A_727 = arith.addf %scan3A_674, %get3A_726 : vector<16xf32>
        %add3A_728 = arith.constant 0 : i32
        %add3A_729 = arith.addi %add3A_679, %add3A_728 : i32
        %get3A_730 = arith.index_cast %add3A_729 : i32 to index
        %get3A_731 = arith.constant 112 : index
        %get3A_732 = tpu.vector_load %arg7[%get3A_730, %get3A_731] {strides = array<i32>} : memref<200x128xf32, #tpu.memory_space<vmem>>, vector<1x16xf32>,
        %get3A_733 = vector.shape_cast %get3A_732 : vector<1x16xf32> to vector<16xf32>
        %add3A_734 = arith.addf %scan3A_675, %get3A_733 : vector<16xf32>
        %add3A_735 = arith.constant 1 : i32
        %add3A_736 = arith.addi %add3A_679, %add3A_735 : i32
        %get3A_737 = arith.index_cast %add3A_736 : i32 to index
        %get3A_738 = arith.constant 0 : index
        %get3A_739 = tpu.vector_load %arg7[%get3A_737, %get3A_738] {strides = array<i32>} : memref<200x128xf32, #tpu.memory_space<vmem>>, vector<1x16xf32>,
        %get3A_740 = vector.shape_cast %get3A_739 : vector<1x16xf32> to vector<16xf32>
        %add3A_741 = arith.addf %add3A_685, %get3A_740 : vector<16xf32>
        %add3A_742 = arith.constant 1 : i32
        %add3A_743 = arith.addi %add3A_679, %add3A_742 : i32
        %get3A_744 = arith.index_cast %add3A_743 : i32 to index
        %get3A_745 = arith.constant 16 : index
        %get3A_746 = tpu.vector_load %arg7[%get3A_744, %get3A_745] {strides = array<i32>} : memref<200x128xf32, #tpu.memory_space<vmem>>, vector<1x16xf32>,
        %get3A_747 = vector.shape_cast %get3A_746 : vector<1x16xf32> to vector<16xf32>
        %add3A_748 = arith.addf %add3A_692, %get3A_747 : vector<16xf32>
        %add3A_749 = arith.constant 1 : i32
        %add3A_750 = arith.addi %add3A_679, %add3A_749 : i32
        %get3A_751 = arith.index_cast %add3A_750 : i32 to index
        %get3A_752 = arith.constant 32 : index
        %get3A_753 = tpu.vector_load %arg7[%get3A_751, %get3A_752] {strides = array<i32>} : memref<200x128xf32, #tpu.memory_space<vmem>>, vector<1x16xf32>,
        %get3A_754 = vector.shape_cast %get3A_753 : vector<1x16xf32> to vector<16xf32>
        %add3A_755 = arith.addf %add3A_699, %get3A_754 : vector<16xf32>
        %add3A_756 = arith.constant 1 : i32
        %add3A_757 = arith.addi %add3A_679, %add3A_756 : i32
        %get3A_758 = arith.index_cast %add3A_757 : i32 to index
        %get3A_759 = arith.constant 48 : index
        %get3A_760 = tpu.vector_load %arg7[%get3A_758, %get3A_759] {strides = array<i32>} : memref<200x128xf32, #tpu.memory_space<vmem>>, vector<1x16xf32>,
        %get3A_761 = vector.shape_cast %get3A_760 : vector<1x16xf32> to vector<16xf32>
        %add3A_762 = arith.addf %add3A_706, %get3A_761 : vector<16xf32>
        %add3A_763 = arith.constant 1 : i32
        %add3A_764 = arith.addi %add3A_679, %add3A_763 : i32
        %get3A_765 = arith.index_cast %add3A_764 : i32 to index
        %get3A_766 = arith.constant 64 : index
        %get3A_767 = tpu.vector_load %arg7[%get3A_765, %get3A_766] {strides = array<i32>} : memref<200x128xf32, #tpu.memory_space<vmem>>, vector<1x16xf32>,
        %get3A_768 = vector.shape_cast %get3A_767 : vector<1x16xf32> to vector<16xf32>
        %add3A_769 = arith.addf %add3A_713, %get3A_768 : vector<16xf32>
        %add3A_770 = arith.constant 1 : i32
        %add3A_771 = arith.addi %add3A_679, %add3A_770 : i32
        %get3A_772 = arith.index_cast %add3A_771 : i32 to index
        %get3A_773 = arith.constant 80 : index
        %get3A_774 = tpu.vector_load %arg7[%get3A_772, %get3A_773] {strides = array<i32>} : memref<200x128xf32, #tpu.memory_space<vmem>>, vector<1x16xf32>,
        %get3A_775 = vector.shape_cast %get3A_774 : vector<1x16xf32> to vector<16xf32>
        %add3A_776 = arith.addf %add3A_720, %get3A_775 : vector<16xf32>
        %add3A_777 = arith.constant 1 : i32
        %add3A_778 = arith.addi %add3A_679, %add3A_777 : i32
        %get3A_779 = arith.index_cast %add3A_778 : i32 to index
        %get3A_780 = arith.constant 96 : index
        %get3A_781 = tpu.vector_load %arg7[%get3A_779, %get3A_780] {strides = array<i32>} : memref<200x128xf32, #tpu.memory_space<vmem>>, vector<1x16xf32>,
        %get3A_782 = vector.shape_cast %get3A_781 : vector<1x16xf32> to vector<16xf32>
        %add3A_783 = arith.addf %add3A_727, %get3A_782 : vector<16xf32>
        %add3A_784 = arith.constant 1 : i32
        %add3A_785 = arith.addi %add3A_679, %add3A_784 : i32
        %get3A_786 = arith.index_cast %add3A_785 : i32 to index
        %get3A_787 = arith.constant 112 : index
        %get3A_788 = tpu.vector_load %arg7[%get3A_786, %get3A_787] {strides = array<i32>} : memref<200x128xf32, #tpu.memory_space<vmem>>, vector<1x16xf32>,
        %get3A_789 = vector.shape_cast %get3A_788 : vector<1x16xf32> to vector<16xf32>
        %add3A_790 = arith.addf %add3A_734, %get3A_789 : vector<16xf32>
        %add3A_791 = arith.constant 2 : i32
        %add3A_792 = arith.addi %add3A_679, %add3A_791 : i32
        %get3A_793 = arith.index_cast %add3A_792 : i32 to index
        %get3A_794 = arith.constant 0 : index
        %get3A_795 = tpu.vector_load %arg7[%get3A_793, %get3A_794] {strides = array<i32>} : memref<200x128xf32, #tpu.memory_space<vmem>>, vector<1x16xf32>,
        %get3A_796 = vector.shape_cast %get3A_795 : vector<1x16xf32> to vector<16xf32>
        %add3A_797 = arith.addf %add3A_741, %get3A_796 : vector<16xf32>
        %add3A_798 = arith.constant 2 : i32
        %add3A_799 = arith.addi %add3A_679, %add3A_798 : i32
        %get3A_800 = arith.index_cast %add3A_799 : i32 to index
        %get3A_801 = arith.constant 16 : index
        %get3A_802 = tpu.vector_load %arg7[%get3A_800, %get3A_801] {strides = array<i32>} : memref<200x128xf32, #tpu.memory_space<vmem>>, vector<1x16xf32>,
        %get3A_803 = vector.shape_cast %get3A_802 : vector<1x16xf32> to vector<16xf32>
        %add3A_804 = arith.addf %add3A_748, %get3A_803 : vector<16xf32>
        %add3A_805 = arith.constant 2 : i32
        %add3A_806 = arith.addi %add3A_679, %add3A_805 : i32
        %get3A_807 = arith.index_cast %add3A_806 : i32 to index
        %get3A_808 = arith.constant 32 : index
        %get3A_809 = tpu.vector_load %arg7[%get3A_807, %get3A_808] {strides = array<i32>} : memref<200x128xf32, #tpu.memory_space<vmem>>, vector<1x16xf32>,
        %get3A_810 = vector.shape_cast %get3A_809 : vector<1x16xf32> to vector<16xf32>
        %add3A_811 = arith.addf %add3A_755, %get3A_810 : vector<16xf32>
        %add3A_812 = arith.constant 2 : i32
        %add3A_813 = arith.addi %add3A_679, %add3A_812 : i32
        %get3A_814 = arith.index_cast %add3A_813 : i32 to index
        %get3A_815 = arith.constant 48 : index
        %get3A_816 = tpu.vector_load %arg7[%get3A_814, %get3A_815] {strides = array<i32>} : memref<200x128xf32, #tpu.memory_space<vmem>>, vector<1x16xf32>,
        %get3A_817 = vector.shape_cast %get3A_816 : vector<1x16xf32> to vector<16xf32>
        %add3A_818 = arith.addf %add3A_762, %get3A_817 : vector<16xf32>
        %add3A_819 = arith.constant 2 : i32
        %add3A_820 = arith.addi %add3A_679, %add3A_819 : i32
        %get3A_821 = arith.index_cast %add3A_820 : i32 to index
        %get3A_822 = arith.constant 64 : index
        %get3A_823 = tpu.vector_load %arg7[%get3A_821, %get3A_822] {strides = array<i32>} : memref<200x128xf32, #tpu.memory_space<vmem>>, vector<1x16xf32>,
        %get3A_824 = vector.shape_cast %get3A_823 : vector<1x16xf32> to vector<16xf32>
        %add3A_825 = arith.addf %add3A_769, %get3A_824 : vector<16xf32>
        %add3A_826 = arith.constant 2 : i32
        %add3A_827 = arith.addi %add3A_679, %add3A_826 : i32
        %get3A_828 = arith.index_cast %add3A_827 : i32 to index
        %get3A_829 = arith.constant 80 : index
        %get3A_830 = tpu.vector_load %arg7[%get3A_828, %get3A_829] {strides = array<i32>} : memref<200x128xf32, #tpu.memory_space<vmem>>, vector<1x16xf32>,
        %get3A_831 = vector.shape_cast %get3A_830 : vector<1x16xf32> to vector<16xf32>
        %add3A_832 = arith.addf %add3A_776, %get3A_831 : vector<16xf32>
        %add3A_833 = arith.constant 2 : i32
        %add3A_834 = arith.addi %add3A_679, %add3A_833 : i32
        %get3A_835 = arith.index_cast %add3A_834 : i32 to index
        %get3A_836 = arith.constant 96 : index
        %get3A_837 = tpu.vector_load %arg7[%get3A_835, %get3A_836] {strides = array<i32>} : memref<200x128xf32, #tpu.memory_space<vmem>>, vector<1x16xf32>,
        %get3A_838 = vector.shape_cast %get3A_837 : vector<1x16xf32> to vector<16xf32>
        %add3A_839 = arith.addf %add3A_783, %get3A_838 : vector<16xf32>
        %add3A_840 = arith.constant 2 : i32
        %add3A_841 = arith.addi %add3A_679, %add3A_840 : i32
        %get3A_842 = arith.index_cast %add3A_841 : i32 to index
        %get3A_843 = arith.constant 112 : index
        %get3A_844 = tpu.vector_load %arg7[%get3A_842, %get3A_843] {strides = array<i32>} : memref<200x128xf32, #tpu.memory_space<vmem>>, vector<1x16xf32>,
        %get3A_845 = vector.shape_cast %get3A_844 : vector<1x16xf32> to vector<16xf32>
        %add3A_846 = arith.addf %add3A_790, %get3A_845 : vector<16xf32>
        %add3A_847 = arith.constant 3 : i32
        %add3A_848 = arith.addi %add3A_679, %add3A_847 : i32
        %get3A_849 = arith.index_cast %add3A_848 : i32 to index
        %get3A_850 = arith.constant 0 : index
        %get3A_851 = tpu.vector_load %arg7[%get3A_849, %get3A_850] {strides = array<i32>} : memref<200x128xf32, #tpu.memory_space<vmem>>, vector<1x16xf32>,
        %get3A_852 = vector.shape_cast %get3A_851 : vector<1x16xf32> to vector<16xf32>
        %add3A_853 = arith.addf %add3A_797, %get3A_852 : vector<16xf32>
        %add3A_854 = arith.constant 3 : i32
        %add3A_855 = arith.addi %add3A_679, %add3A_854 : i32
        %get3A_856 = arith.index_cast %add3A_855 : i32 to index
        %get3A_857 = arith.constant 16 : index
        %get3A_858 = tpu.vector_load %arg7[%get3A_856, %get3A_857] {strides = array<i32>} : memref<200x128xf32, #tpu.memory_space<vmem>>, vector<1x16xf32>,
        %get3A_859 = vector.shape_cast %get3A_858 : vector<1x16xf32> to vector<16xf32>
        %add3A_860 = arith.addf %add3A_804, %get3A_859 : vector<16xf32>
        %add3A_861 = arith.constant 3 : i32
        %add3A_862 = arith.addi %add3A_679, %add3A_861 : i32
        %get3A_863 = arith.index_cast %add3A_862 : i32 to index
        %get3A_864 = arith.constant 32 : index
        %get3A_865 = tpu.vector_load %arg7[%get3A_863, %get3A_864] {strides = array<i32>} : memref<200x128xf32, #tpu.memory_space<vmem>>, vector<1x16xf32>,
        %get3A_866 = vector.shape_cast %get3A_865 : vector<1x16xf32> to vector<16xf32>
        %add3A_867 = arith.addf %add3A_811, %get3A_866 : vector<16xf32>
        %add3A_868 = arith.constant 3 : i32
        %add3A_869 = arith.addi %add3A_679, %add3A_868 : i32
        %get3A_870 = arith.index_cast %add3A_869 : i32 to index
        %get3A_871 = arith.constant 48 : index
        %get3A_872 = tpu.vector_load %arg7[%get3A_870, %get3A_871] {strides = array<i32>} : memref<200x128xf32, #tpu.memory_space<vmem>>, vector<1x16xf32>,
        %get3A_873 = vector.shape_cast %get3A_872 : vector<1x16xf32> to vector<16xf32>
        %add3A_874 = arith.addf %add3A_818, %get3A_873 : vector<16xf32>
        %add3A_875 = arith.constant 3 : i32
        %add3A_876 = arith.addi %add3A_679, %add3A_875 : i32
        %get3A_877 = arith.index_cast %add3A_876 : i32 to index
        %get3A_878 = arith.constant 64 : index
        %get3A_879 = tpu.vector_load %arg7[%get3A_877, %get3A_878] {strides = array<i32>} : memref<200x128xf32, #tpu.memory_space<vmem>>, vector<1x16xf32>,
        %get3A_880 = vector.shape_cast %get3A_879 : vector<1x16xf32> to vector<16xf32>
        %add3A_881 = arith.addf %add3A_825, %get3A_880 : vector<16xf32>
        %add3A_882 = arith.constant 3 : i32
        %add3A_883 = arith.addi %add3A_679, %add3A_882 : i32
        %get3A_884 = arith.index_cast %add3A_883 : i32 to index
        %get3A_885 = arith.constant 80 : index
        %get3A_886 = tpu.vector_load %arg7[%get3A_884, %get3A_885] {strides = array<i32>} : memref<200x128xf32, #tpu.memory_space<vmem>>, vector<1x16xf32>,
        %get3A_887 = vector.shape_cast %get3A_886 : vector<1x16xf32> to vector<16xf32>
        %add3A_888 = arith.addf %add3A_832, %get3A_887 : vector<16xf32>
        %add3A_889 = arith.constant 3 : i32
        %add3A_890 = arith.addi %add3A_679, %add3A_889 : i32
        %get3A_891 = arith.index_cast %add3A_890 : i32 to index
        %get3A_892 = arith.constant 96 : index
        %get3A_893 = tpu.vector_load %arg7[%get3A_891, %get3A_892] {strides = array<i32>} : memref<200x128xf32, #tpu.memory_space<vmem>>, vector<1x16xf32>,
        %get3A_894 = vector.shape_cast %get3A_893 : vector<1x16xf32> to vector<16xf32>
        %add3A_895 = arith.addf %add3A_839, %get3A_894 : vector<16xf32>
        %add3A_896 = arith.constant 3 : i32
        %add3A_897 = arith.addi %add3A_679, %add3A_896 : i32
        %get3A_898 = arith.index_cast %add3A_897 : i32 to index
        %get3A_899 = arith.constant 112 : index
        %get3A_900 = tpu.vector_load %arg7[%get3A_898, %get3A_899] {strides = array<i32>} : memref<200x128xf32, #tpu.memory_space<vmem>>, vector<1x16xf32>,
        %get3A_901 = vector.shape_cast %get3A_900 : vector<1x16xf32> to vector<16xf32>
        %add3A_902 = arith.addf %add3A_846, %get3A_901 : vector<16xf32>
        scf.yield %add3A_853, %add3A_860, %add3A_867, %add3A_874, %add3A_881, %add3A_888, %add3A_895, %add3A_902 : vector<16xf32>, vector<16xf32>, vector<16xf32>, vector<16xf32>, vector<16xf32>, vector<16xf32>, vector<16xf32>, vector<16xf32>
      }
      %scan3A_476 = arith.constant 18 : i32
      %lt3A_477 = arith.constant 128 : i32
      %lt3A_478 = arith.cmpi slt, %add3A_430, %lt3A_477 : i32
      %convert_element_type3A_479 = arith.extui %lt3A_478 : i1 to i32
      %cond3A_480 = arith.constant 0 : i32
      %cond3A_481 = arith.cmpi ne, %convert_element_type3A_479, %cond3A_480 : i32
      scf.if %cond3A_481 {
        %dma_start3A_667 = arith.constant 0 : i32
        %dma_start3A_668 = arith.constant 0 : i32
        %dma_start3A_669 = tpu.memref_slice %arg7[%dma_start3A_667, %dma_start3A_668] : memref<200x128xf32, #tpu.memory_space<vmem>> -> memref<128x128xf32, #tpu.memory_space<vmem>>
        %dma_start3A_670 = arith.constant 0 : i32
        %dma_start3A_671 = tpu.memref_slice %arg5[%add3A_430, %dma_start3A_670] : memref<128x200xi32, #tpu.memory_space<vmem>> -> memref<1x128xi32, #tpu.memory_space<vmem>>
        %dma_start3A_672 = tpu.memref_squeeze %dma_start3A_671 : memref<1x128xi32, #tpu.memory_space<vmem>> -> memref<128xi32, #tpu.memory_space<vmem>>
        %dma_start3A_673 = arith.constant 0 : i32
        %dma_start3A_674 = arith.constant 0 : i32
        %dma_start3A_675 = tpu.memref_slice %arg3[%dma_start3A_673, %dma_start3A_674] : memref<100000x128xf32, #tpu.memory_space<hbm>> -> memref<100000x128xf32, #tpu.memory_space<hbm>>
        tpu.enqueue_indirect_dma source(%dma_start3A_675 : memref<100000x128xf32, #tpu.memory_space<hbm>>) target(%dma_start3A_669 : memref<128x128xf32, #tpu.memory_space<vmem>>) offsets(%dma_start3A_672 : memref<128xi32, #tpu.memory_space<vmem>>) semaphore(%arg12 : memref<!tpu.dma_semaphore, #tpu.memory_space<semaphore_mem>>)
        %dma_start3A_676 = arith.constant 128 : i32
        %dma_start3A_677 = arith.constant 0 : i32
        %dma_start3A_678 = tpu.memref_slice %arg7[%dma_start3A_676, %dma_start3A_677] : memref<200x128xf32, #tpu.memory_space<vmem>> -> memref<72x128xf32, #tpu.memory_space<vmem>>
        %dma_start3A_679 = arith.constant 128 : i32
        %dma_start3A_680 = tpu.memref_slice %arg5[%add3A_430, %dma_start3A_679] : memref<128x200xi32, #tpu.memory_space<vmem>> -> memref<1x72xi32, #tpu.memory_space<vmem>>
        %dma_start3A_681 = tpu.memref_squeeze %dma_start3A_680 : memref<1x72xi32, #tpu.memory_space<vmem>> -> memref<72xi32, #tpu.memory_space<vmem>>
        %dma_start3A_682 = arith.constant 0 : i32
        %dma_start3A_683 = arith.constant 0 : i32
        %dma_start3A_684 = tpu.memref_slice %arg3[%dma_start3A_682, %dma_start3A_683] : memref<100000x128xf32, #tpu.memory_space<hbm>> -> memref<100000x128xf32, #tpu.memory_space<hbm>>
        tpu.enqueue_indirect_dma source(%dma_start3A_684 : memref<100000x128xf32, #tpu.memory_space<hbm>>) target(%dma_start3A_678 : memref<72x128xf32, #tpu.memory_space<vmem>>) offsets(%dma_start3A_681 : memref<72xi32, #tpu.memory_space<vmem>>) semaphore(%arg13 : memref<!tpu.dma_semaphore, #tpu.memory_space<semaphore_mem>>)
      } else {
      }
      %mul3A_482 = arith.constant 5.000000e-03 : f32
      %mul3A_483 = vector.broadcast %mul3A_482 : f32 to vector<16xf32>
      %mul3A_484 = arith.mulf %scan3A_475#0, %mul3A_483 : vector<16xf32>
      %swap3A_485 = arith.index_cast %add3A_426 : i32 to index
      %swap3A_486 = arith.constant 0 : index
      %swap3A_487 = tpu.vector_load %arg9[%swap3A_485, %swap3A_486] {strides = array<i32>} : memref<128x128xf32, #tpu.memory_space<vmem>>, vector<1x16xf32>,
      %swap3A_488 = vector.shape_cast %swap3A_487 : vector<1x16xf32> to vector<16xf32>
      %swap3A_489 = vector.shape_cast %mul3A_484 : vector<16xf32> to vector<1x16xf32>
      tpu.vector_store %arg9[%swap3A_485, %swap3A_486], %swap3A_489 {strides = array<i32>} : memref<128x128xf32, #tpu.memory_space<vmem>>, vector<1x16xf32>,
      %mul3A_490 = arith.constant 5.000000e-03 : f32
      %mul3A_491 = vector.broadcast %mul3A_490 : f32 to vector<16xf32>
      %mul3A_492 = arith.mulf %scan3A_475#1, %mul3A_491 : vector<16xf32>
      %swap3A_493 = arith.index_cast %add3A_426 : i32 to index
      %swap3A_494 = arith.constant 16 : index
      %swap3A_495 = tpu.vector_load %arg9[%swap3A_493, %swap3A_494] {strides = array<i32>} : memref<128x128xf32, #tpu.memory_space<vmem>>, vector<1x16xf32>,
      %swap3A_496 = vector.shape_cast %swap3A_495 : vector<1x16xf32> to vector<16xf32>
      %swap3A_497 = vector.shape_cast %mul3A_492 : vector<16xf32> to vector<1x16xf32>
      tpu.vector_store %arg9[%swap3A_493, %swap3A_494], %swap3A_497 {strides = array<i32>} : memref<128x128xf32, #tpu.memory_space<vmem>>, vector<1x16xf32>,
      %mul3A_498 = arith.constant 5.000000e-03 : f32
      %mul3A_499 = vector.broadcast %mul3A_498 : f32 to vector<16xf32>
      %mul3A_500 = arith.mulf %scan3A_475#2, %mul3A_499 : vector<16xf32>
      %swap3A_501 = arith.index_cast %add3A_426 : i32 to index
      %swap3A_502 = arith.constant 32 : index
      %swap3A_503 = tpu.vector_load %arg9[%swap3A_501, %swap3A_502] {strides = array<i32>} : memref<128x128xf32, #tpu.memory_space<vmem>>, vector<1x16xf32>,
      %swap3A_504 = vector.shape_cast %swap3A_503 : vector<1x16xf32> to vector<16xf32>
      %swap3A_505 = vector.shape_cast %mul3A_500 : vector<16xf32> to vector<1x16xf32>
      tpu.vector_store %arg9[%swap3A_501, %swap3A_502], %swap3A_505 {strides = array<i32>} : memref<128x128xf32, #tpu.memory_space<vmem>>, vector<1x16xf32>,
      %mul3A_506 = arith.constant 5.000000e-03 : f32
      %mul3A_507 = vector.broadcast %mul3A_506 : f32 to vector<16xf32>
      %mul3A_508 = arith.mulf %scan3A_475#3, %mul3A_507 : vector<16xf32>
      %swap3A_509 = arith.index_cast %add3A_426 : i32 to index
      %swap3A_510 = arith.constant 48 : index
      %swap3A_511 = tpu.vector_load %arg9[%swap3A_509, %swap3A_510] {strides = array<i32>} : memref<128x128xf32, #tpu.memory_space<vmem>>, vector<1x16xf32>,
      %swap3A_512 = vector.shape_cast %swap3A_511 : vector<1x16xf32> to vector<16xf32>
      %swap3A_513 = vector.shape_cast %mul3A_508 : vector<16xf32> to vector<1x16xf32>
      tpu.vector_store %arg9[%swap3A_509, %swap3A_510], %swap3A_513 {strides = array<i32>} : memref<128x128xf32, #tpu.memory_space<vmem>>, vector<1x16xf32>,
      %mul3A_514 = arith.constant 5.000000e-03 : f32
      %mul3A_515 = vector.broadcast %mul3A_514 : f32 to vector<16xf32>
      %mul3A_516 = arith.mulf %scan3A_475#4, %mul3A_515 : vector<16xf32>
      %swap3A_517 = arith.index_cast %add3A_426 : i32 to index
      %swap3A_518 = arith.constant 64 : index
      %swap3A_519 = tpu.vector_load %arg9[%swap3A_517, %swap3A_518] {strides = array<i32>} : memref<128x128xf32, #tpu.memory_space<vmem>>, vector<1x16xf32>,
      %swap3A_520 = vector.shape_cast %swap3A_519 : vector<1x16xf32> to vector<16xf32>
      %swap3A_521 = vector.shape_cast %mul3A_516 : vector<16xf32> to vector<1x16xf32>
      tpu.vector_store %arg9[%swap3A_517, %swap3A_518], %swap3A_521 {strides = array<i32>} : memref<128x128xf32, #tpu.memory_space<vmem>>, vector<1x16xf32>,
      %mul3A_522 = arith.constant 5.000000e-03 : f32
      %mul3A_523 = vector.broadcast %mul3A_522 : f32 to vector<16xf32>
      %mul3A_524 = arith.mulf %scan3A_475#5, %mul3A_523 : vector<16xf32>
      %swap3A_525 = arith.index_cast %add3A_426 : i32 to index
      %swap3A_526 = arith.constant 80 : index
      %swap3A_527 = tpu.vector_load %arg9[%swap3A_525, %swap3A_526] {strides = array<i32>} : memref<128x128xf32, #tpu.memory_space<vmem>>, vector<1x16xf32>,
      %swap3A_528 = vector.shape_cast %swap3A_527 : vector<1x16xf32> to vector<16xf32>
      %swap3A_529 = vector.shape_cast %mul3A_524 : vector<16xf32> to vector<1x16xf32>
      tpu.vector_store %arg9[%swap3A_525, %swap3A_526], %swap3A_529 {strides = array<i32>} : memref<128x128xf32, #tpu.memory_space<vmem>>, vector<1x16xf32>,
      %mul3A_530 = arith.constant 5.000000e-03 : f32
      %mul3A_531 = vector.broadcast %mul3A_530 : f32 to vector<16xf32>
      %mul3A_532 = arith.mulf %scan3A_475#6, %mul3A_531 : vector<16xf32>
      %swap3A_533 = arith.index_cast %add3A_426 : i32 to index
      %swap3A_534 = arith.constant 96 : index
      %swap3A_535 = tpu.vector_load %arg9[%swap3A_533, %swap3A_534] {strides = array<i32>} : memref<128x128xf32, #tpu.memory_space<vmem>>, vector<1x16xf32>,
      %swap3A_536 = vector.shape_cast %swap3A_535 : vector<1x16xf32> to vector<16xf32>
      %swap3A_537 = vector.shape_cast %mul3A_532 : vector<16xf32> to vector<1x16xf32>
      tpu.vector_store %arg9[%swap3A_533, %swap3A_534], %swap3A_537 {strides = array<i32>} : memref<128x128xf32, #tpu.memory_space<vmem>>, vector<1x16xf32>,
      %mul3A_538 = arith.constant 5.000000e-03 : f32
      %mul3A_539 = vector.broadcast %mul3A_538 : f32 to vector<16xf32>
      %mul3A_540 = arith.mulf %scan3A_475#7, %mul3A_539 : vector<16xf32>
      %swap3A_541 = arith.index_cast %add3A_426 : i32 to index
      %swap3A_542 = arith.constant 112 : index
      %swap3A_543 = tpu.vector_load %arg9[%swap3A_541, %swap3A_542] {strides = array<i32>} : memref<128x128xf32, #tpu.memory_space<vmem>>, vector<1x16xf32>,
      %swap3A_544 = vector.shape_cast %swap3A_543 : vector<1x16xf32> to vector<16xf32>
      %swap3A_545 = vector.shape_cast %mul3A_540 : vector<16xf32> to vector<1x16xf32>
      tpu.vector_store %arg9[%swap3A_541, %swap3A_542], %swap3A_545 {strides = array<i32>} : memref<128x128xf32, #tpu.memory_space<vmem>>, vector<1x16xf32>,
      %add3A_546 = arith.constant 2 : i32
      %add3A_547 = arith.addi %mul3A_306, %add3A_546 : i32
      %add3A_548 = arith.constant 3 : i32
      %add3A_549 = arith.addi %mul3A_306, %add3A_548 : i32
      %add3A_550 = arith.constant 2 : i32
      %add3A_551 = arith.addi %add3A_549, %add3A_550 : i32
      %broadcast_in_dim3A_552 = arith.constant 0.000000e+00 : f32
      %broadcast_in_dim3A_553 = vector.broadcast %broadcast_in_dim3A_552 : f32 to vector<16xf32>
      %broadcast_in_dim3A_554 = arith.constant 0.000000e+00 : f32
      %broadcast_in_dim3A_555 = vector.broadcast %broadcast_in_dim3A_554 : f32 to vector<16xf32>
      %broadcast_in_dim3A_556 = arith.constant 0.000000e+00 : f32
      %broadcast_in_dim3A_557 = vector.broadcast %broadcast_in_dim3A_556 : f32 to vector<16xf32>
      %broadcast_in_dim3A_558 = arith.constant 0.000000e+00 : f32
      %broadcast_in_dim3A_559 = vector.broadcast %broadcast_in_dim3A_558 : f32 to vector<16xf32>
      %broadcast_in_dim3A_560 = arith.constant 0.000000e+00 : f32
      %broadcast_in_dim3A_561 = vector.broadcast %broadcast_in_dim3A_560 : f32 to vector<16xf32>
      %broadcast_in_dim3A_562 = arith.constant 0.000000e+00 : f32
      %broadcast_in_dim3A_563 = vector.broadcast %broadcast_in_dim3A_562 : f32 to vector<16xf32>
      %broadcast_in_dim3A_564 = arith.constant 0.000000e+00 : f32
      %broadcast_in_dim3A_565 = vector.broadcast %broadcast_in_dim3A_564 : f32 to vector<16xf32>
      %broadcast_in_dim3A_566 = arith.constant 0.000000e+00 : f32
      %broadcast_in_dim3A_567 = vector.broadcast %broadcast_in_dim3A_566 : f32 to vector<16xf32>
      %dma_wait3A_568 = arith.constant 0 : i32
      %dma_wait3A_569 = arith.constant 0 : i32
      %dma_wait3A_570 = tpu.memref_slice %arg8[%dma_wait3A_568, %dma_wait3A_569] : memref<200x128xf32, #tpu.memory_space<vmem>> -> memref<128x128xf32, #tpu.memory_space<vmem>>
      %dma_wait3A_571 = arith.constant 0 : i32
      %dma_wait3A_572 = tpu.memref_slice %arg5[%add3A_547, %dma_wait3A_571] : memref<128x200xi32, #tpu.memory_space<vmem>> -> memref<1x128xi32, #tpu.memory_space<vmem>>
      %dma_wait3A_573 = tpu.memref_squeeze %dma_wait3A_572 : memref<1x128xi32, #tpu.memory_space<vmem>> -> memref<128xi32, #tpu.memory_space<vmem>>
      %dma_wait3A_574 = arith.constant 0 : i32
      %dma_wait3A_575 = arith.constant 0 : i32
      %dma_wait3A_576 = tpu.memref_slice %arg3[%dma_wait3A_574, %dma_wait3A_575] : memref<100000x128xf32, #tpu.memory_space<hbm>> -> memref<100000x128xf32, #tpu.memory_space<hbm>>
      tpu.wait_indirect_dma semaphore(%arg14 : memref<!tpu.dma_semaphore, #tpu.memory_space<semaphore_mem>>) src(%dma_wait3A_576 : memref<100000x128xf32, #tpu.memory_space<hbm>>) dst(%dma_wait3A_570 : memref<128x128xf32, #tpu.memory_space<vmem>>)
      %scan3A_577 = arith.constant 0 : i32
      %scan3A_578 = arith.constant 32 : i32
      %scan3A_579 = arith.addi %scan3A_577, %scan3A_578 : i32
      %scan3A_580 = arith.constant 1 : i32
      %scan3A_581:8 = scf.for %scan3A_667 = %scan3A_577 to %scan3A_579 step %scan3A_580 iter_args(%scan3A_668 = %broadcast_in_dim3A_553, %scan3A_669 = %broadcast_in_dim3A_555, %scan3A_670 = %broadcast_in_dim3A_557, %scan3A_671 = %broadcast_in_dim3A_559, %scan3A_672 = %broadcast_in_dim3A_561, %scan3A_673 = %broadcast_in_dim3A_563, %scan3A_674 = %broadcast_in_dim3A_565, %scan3A_675 = %broadcast_in_dim3A_567) -> (vector<16xf32>, vector<16xf32>, vector<16xf32>, vector<16xf32>, vector<16xf32>, vector<16xf32>, vector<16xf32>, vector<16xf32>)  : i32 {
        %mul3A_676 = arith.constant 4 : i32
        %mul3A_677 = arith.muli %scan3A_667, %mul3A_676 : i32
        %add3A_678 = arith.constant 0 : i32
        %add3A_679 = arith.addi %add3A_678, %mul3A_677 : i32
        %add3A_680 = arith.constant 0 : i32
        %add3A_681 = arith.addi %add3A_679, %add3A_680 : i32
        %get3A = arith.index_cast %add3A_681 : i32 to index
        %get3A_682 = arith.constant 0 : index
        %get3A_683 = tpu.vector_load %arg8[%get3A, %get3A_682] {strides = array<i32>} : memref<200x128xf32, #tpu.memory_space<vmem>>, vector<1x16xf32>,
        %get3A_684 = vector.shape_cast %get3A_683 : vector<1x16xf32> to vector<16xf32>
        %add3A_685 = arith.addf %scan3A_668, %get3A_684 : vector<16xf32>
        %add3A_686 = arith.constant 0 : i32
        %add3A_687 = arith.addi %add3A_679, %add3A_686 : i32
        %get3A_688 = arith.index_cast %add3A_687 : i32 to index
        %get3A_689 = arith.constant 16 : index
        %get3A_690 = tpu.vector_load %arg8[%get3A_688, %get3A_689] {strides = array<i32>} : memref<200x128xf32, #tpu.memory_space<vmem>>, vector<1x16xf32>,
        %get3A_691 = vector.shape_cast %get3A_690 : vector<1x16xf32> to vector<16xf32>
        %add3A_692 = arith.addf %scan3A_669, %get3A_691 : vector<16xf32>
        %add3A_693 = arith.constant 0 : i32
        %add3A_694 = arith.addi %add3A_679, %add3A_693 : i32
        %get3A_695 = arith.index_cast %add3A_694 : i32 to index
        %get3A_696 = arith.constant 32 : index
        %get3A_697 = tpu.vector_load %arg8[%get3A_695, %get3A_696] {strides = array<i32>} : memref<200x128xf32, #tpu.memory_space<vmem>>, vector<1x16xf32>,
        %get3A_698 = vector.shape_cast %get3A_697 : vector<1x16xf32> to vector<16xf32>
        %add3A_699 = arith.addf %scan3A_670, %get3A_698 : vector<16xf32>
        %add3A_700 = arith.constant 0 : i32
        %add3A_701 = arith.addi %add3A_679, %add3A_700 : i32
        %get3A_702 = arith.index_cast %add3A_701 : i32 to index
        %get3A_703 = arith.constant 48 : index
        %get3A_704 = tpu.vector_load %arg8[%get3A_702, %get3A_703] {strides = array<i32>} : memref<200x128xf32, #tpu.memory_space<vmem>>, vector<1x16xf32>,
        %get3A_705 = vector.shape_cast %get3A_704 : vector<1x16xf32> to vector<16xf32>
        %add3A_706 = arith.addf %scan3A_671, %get3A_705 : vector<16xf32>
        %add3A_707 = arith.constant 0 : i32
        %add3A_708 = arith.addi %add3A_679, %add3A_707 : i32
        %get3A_709 = arith.index_cast %add3A_708 : i32 to index
        %get3A_710 = arith.constant 64 : index
        %get3A_711 = tpu.vector_load %arg8[%get3A_709, %get3A_710] {strides = array<i32>} : memref<200x128xf32, #tpu.memory_space<vmem>>, vector<1x16xf32>,
        %get3A_712 = vector.shape_cast %get3A_711 : vector<1x16xf32> to vector<16xf32>
        %add3A_713 = arith.addf %scan3A_672, %get3A_712 : vector<16xf32>
        %add3A_714 = arith.constant 0 : i32
        %add3A_715 = arith.addi %add3A_679, %add3A_714 : i32
        %get3A_716 = arith.index_cast %add3A_715 : i32 to index
        %get3A_717 = arith.constant 80 : index
        %get3A_718 = tpu.vector_load %arg8[%get3A_716, %get3A_717] {strides = array<i32>} : memref<200x128xf32, #tpu.memory_space<vmem>>, vector<1x16xf32>,
        %get3A_719 = vector.shape_cast %get3A_718 : vector<1x16xf32> to vector<16xf32>
        %add3A_720 = arith.addf %scan3A_673, %get3A_719 : vector<16xf32>
        %add3A_721 = arith.constant 0 : i32
        %add3A_722 = arith.addi %add3A_679, %add3A_721 : i32
        %get3A_723 = arith.index_cast %add3A_722 : i32 to index
        %get3A_724 = arith.constant 96 : index
        %get3A_725 = tpu.vector_load %arg8[%get3A_723, %get3A_724] {strides = array<i32>} : memref<200x128xf32, #tpu.memory_space<vmem>>, vector<1x16xf32>,
        %get3A_726 = vector.shape_cast %get3A_725 : vector<1x16xf32> to vector<16xf32>
        %add3A_727 = arith.addf %scan3A_674, %get3A_726 : vector<16xf32>
        %add3A_728 = arith.constant 0 : i32
        %add3A_729 = arith.addi %add3A_679, %add3A_728 : i32
        %get3A_730 = arith.index_cast %add3A_729 : i32 to index
        %get3A_731 = arith.constant 112 : index
        %get3A_732 = tpu.vector_load %arg8[%get3A_730, %get3A_731] {strides = array<i32>} : memref<200x128xf32, #tpu.memory_space<vmem>>, vector<1x16xf32>,
        %get3A_733 = vector.shape_cast %get3A_732 : vector<1x16xf32> to vector<16xf32>
        %add3A_734 = arith.addf %scan3A_675, %get3A_733 : vector<16xf32>
        %add3A_735 = arith.constant 1 : i32
        %add3A_736 = arith.addi %add3A_679, %add3A_735 : i32
        %get3A_737 = arith.index_cast %add3A_736 : i32 to index
        %get3A_738 = arith.constant 0 : index
        %get3A_739 = tpu.vector_load %arg8[%get3A_737, %get3A_738] {strides = array<i32>} : memref<200x128xf32, #tpu.memory_space<vmem>>, vector<1x16xf32>,
        %get3A_740 = vector.shape_cast %get3A_739 : vector<1x16xf32> to vector<16xf32>
        %add3A_741 = arith.addf %add3A_685, %get3A_740 : vector<16xf32>
        %add3A_742 = arith.constant 1 : i32
        %add3A_743 = arith.addi %add3A_679, %add3A_742 : i32
        %get3A_744 = arith.index_cast %add3A_743 : i32 to index
        %get3A_745 = arith.constant 16 : index
        %get3A_746 = tpu.vector_load %arg8[%get3A_744, %get3A_745] {strides = array<i32>} : memref<200x128xf32, #tpu.memory_space<vmem>>, vector<1x16xf32>,
        %get3A_747 = vector.shape_cast %get3A_746 : vector<1x16xf32> to vector<16xf32>
        %add3A_748 = arith.addf %add3A_692, %get3A_747 : vector<16xf32>
        %add3A_749 = arith.constant 1 : i32
        %add3A_750 = arith.addi %add3A_679, %add3A_749 : i32
        %get3A_751 = arith.index_cast %add3A_750 : i32 to index
        %get3A_752 = arith.constant 32 : index
        %get3A_753 = tpu.vector_load %arg8[%get3A_751, %get3A_752] {strides = array<i32>} : memref<200x128xf32, #tpu.memory_space<vmem>>, vector<1x16xf32>,
        %get3A_754 = vector.shape_cast %get3A_753 : vector<1x16xf32> to vector<16xf32>
        %add3A_755 = arith.addf %add3A_699, %get3A_754 : vector<16xf32>
        %add3A_756 = arith.constant 1 : i32
        %add3A_757 = arith.addi %add3A_679, %add3A_756 : i32
        %get3A_758 = arith.index_cast %add3A_757 : i32 to index
        %get3A_759 = arith.constant 48 : index
        %get3A_760 = tpu.vector_load %arg8[%get3A_758, %get3A_759] {strides = array<i32>} : memref<200x128xf32, #tpu.memory_space<vmem>>, vector<1x16xf32>,
        %get3A_761 = vector.shape_cast %get3A_760 : vector<1x16xf32> to vector<16xf32>
        %add3A_762 = arith.addf %add3A_706, %get3A_761 : vector<16xf32>
        %add3A_763 = arith.constant 1 : i32
        %add3A_764 = arith.addi %add3A_679, %add3A_763 : i32
        %get3A_765 = arith.index_cast %add3A_764 : i32 to index
        %get3A_766 = arith.constant 64 : index
        %get3A_767 = tpu.vector_load %arg8[%get3A_765, %get3A_766] {strides = array<i32>} : memref<200x128xf32, #tpu.memory_space<vmem>>, vector<1x16xf32>,
        %get3A_768 = vector.shape_cast %get3A_767 : vector<1x16xf32> to vector<16xf32>
        %add3A_769 = arith.addf %add3A_713, %get3A_768 : vector<16xf32>
        %add3A_770 = arith.constant 1 : i32
        %add3A_771 = arith.addi %add3A_679, %add3A_770 : i32
        %get3A_772 = arith.index_cast %add3A_771 : i32 to index
        %get3A_773 = arith.constant 80 : index
        %get3A_774 = tpu.vector_load %arg8[%get3A_772, %get3A_773] {strides = array<i32>} : memref<200x128xf32, #tpu.memory_space<vmem>>, vector<1x16xf32>,
        %get3A_775 = vector.shape_cast %get3A_774 : vector<1x16xf32> to vector<16xf32>
        %add3A_776 = arith.addf %add3A_720, %get3A_775 : vector<16xf32>
        %add3A_777 = arith.constant 1 : i32
        %add3A_778 = arith.addi %add3A_679, %add3A_777 : i32
        %get3A_779 = arith.index_cast %add3A_778 : i32 to index
        %get3A_780 = arith.constant 96 : index
        %get3A_781 = tpu.vector_load %arg8[%get3A_779, %get3A_780] {strides = array<i32>} : memref<200x128xf32, #tpu.memory_space<vmem>>, vector<1x16xf32>,
        %get3A_782 = vector.shape_cast %get3A_781 : vector<1x16xf32> to vector<16xf32>
        %add3A_783 = arith.addf %add3A_727, %get3A_782 : vector<16xf32>
        %add3A_784 = arith.constant 1 : i32
        %add3A_785 = arith.addi %add3A_679, %add3A_784 : i32
        %get3A_786 = arith.index_cast %add3A_785 : i32 to index
        %get3A_787 = arith.constant 112 : index
        %get3A_788 = tpu.vector_load %arg8[%get3A_786, %get3A_787] {strides = array<i32>} : memref<200x128xf32, #tpu.memory_space<vmem>>, vector<1x16xf32>,
        %get3A_789 = vector.shape_cast %get3A_788 : vector<1x16xf32> to vector<16xf32>
        %add3A_790 = arith.addf %add3A_734, %get3A_789 : vector<16xf32>
        %add3A_791 = arith.constant 2 : i32
        %add3A_792 = arith.addi %add3A_679, %add3A_791 : i32
        %get3A_793 = arith.index_cast %add3A_792 : i32 to index
        %get3A_794 = arith.constant 0 : index
        %get3A_795 = tpu.vector_load %arg8[%get3A_793, %get3A_794] {strides = array<i32>} : memref<200x128xf32, #tpu.memory_space<vmem>>, vector<1x16xf32>,
        %get3A_796 = vector.shape_cast %get3A_795 : vector<1x16xf32> to vector<16xf32>
        %add3A_797 = arith.addf %add3A_741, %get3A_796 : vector<16xf32>
        %add3A_798 = arith.constant 2 : i32
        %add3A_799 = arith.addi %add3A_679, %add3A_798 : i32
        %get3A_800 = arith.index_cast %add3A_799 : i32 to index
        %get3A_801 = arith.constant 16 : index
        %get3A_802 = tpu.vector_load %arg8[%get3A_800, %get3A_801] {strides = array<i32>} : memref<200x128xf32, #tpu.memory_space<vmem>>, vector<1x16xf32>,
        %get3A_803 = vector.shape_cast %get3A_802 : vector<1x16xf32> to vector<16xf32>
        %add3A_804 = arith.addf %add3A_748, %get3A_803 : vector<16xf32>
        %add3A_805 = arith.constant 2 : i32
        %add3A_806 = arith.addi %add3A_679, %add3A_805 : i32
        %get3A_807 = arith.index_cast %add3A_806 : i32 to index
        %get3A_808 = arith.constant 32 : index
        %get3A_809 = tpu.vector_load %arg8[%get3A_807, %get3A_808] {strides = array<i32>} : memref<200x128xf32, #tpu.memory_space<vmem>>, vector<1x16xf32>,
        %get3A_810 = vector.shape_cast %get3A_809 : vector<1x16xf32> to vector<16xf32>
        %add3A_811 = arith.addf %add3A_755, %get3A_810 : vector<16xf32>
        %add3A_812 = arith.constant 2 : i32
        %add3A_813 = arith.addi %add3A_679, %add3A_812 : i32
        %get3A_814 = arith.index_cast %add3A_813 : i32 to index
        %get3A_815 = arith.constant 48 : index
        %get3A_816 = tpu.vector_load %arg8[%get3A_814, %get3A_815] {strides = array<i32>} : memref<200x128xf32, #tpu.memory_space<vmem>>, vector<1x16xf32>,
        %get3A_817 = vector.shape_cast %get3A_816 : vector<1x16xf32> to vector<16xf32>
        %add3A_818 = arith.addf %add3A_762, %get3A_817 : vector<16xf32>
        %add3A_819 = arith.constant 2 : i32
        %add3A_820 = arith.addi %add3A_679, %add3A_819 : i32
        %get3A_821 = arith.index_cast %add3A_820 : i32 to index
        %get3A_822 = arith.constant 64 : index
        %get3A_823 = tpu.vector_load %arg8[%get3A_821, %get3A_822] {strides = array<i32>} : memref<200x128xf32, #tpu.memory_space<vmem>>, vector<1x16xf32>,
        %get3A_824 = vector.shape_cast %get3A_823 : vector<1x16xf32> to vector<16xf32>
        %add3A_825 = arith.addf %add3A_769, %get3A_824 : vector<16xf32>
        %add3A_826 = arith.constant 2 : i32
        %add3A_827 = arith.addi %add3A_679, %add3A_826 : i32
        %get3A_828 = arith.index_cast %add3A_827 : i32 to index
        %get3A_829 = arith.constant 80 : index
        %get3A_830 = tpu.vector_load %arg8[%get3A_828, %get3A_829] {strides = array<i32>} : memref<200x128xf32, #tpu.memory_space<vmem>>, vector<1x16xf32>,
        %get3A_831 = vector.shape_cast %get3A_830 : vector<1x16xf32> to vector<16xf32>
        %add3A_832 = arith.addf %add3A_776, %get3A_831 : vector<16xf32>
        %add3A_833 = arith.constant 2 : i32
        %add3A_834 = arith.addi %add3A_679, %add3A_833 : i32
        %get3A_835 = arith.index_cast %add3A_834 : i32 to index
        %get3A_836 = arith.constant 96 : index
        %get3A_837 = tpu.vector_load %arg8[%get3A_835, %get3A_836] {strides = array<i32>} : memref<200x128xf32, #tpu.memory_space<vmem>>, vector<1x16xf32>,
        %get3A_838 = vector.shape_cast %get3A_837 : vector<1x16xf32> to vector<16xf32>
        %add3A_839 = arith.addf %add3A_783, %get3A_838 : vector<16xf32>
        %add3A_840 = arith.constant 2 : i32
        %add3A_841 = arith.addi %add3A_679, %add3A_840 : i32
        %get3A_842 = arith.index_cast %add3A_841 : i32 to index
        %get3A_843 = arith.constant 112 : index
        %get3A_844 = tpu.vector_load %arg8[%get3A_842, %get3A_843] {strides = array<i32>} : memref<200x128xf32, #tpu.memory_space<vmem>>, vector<1x16xf32>,
        %get3A_845 = vector.shape_cast %get3A_844 : vector<1x16xf32> to vector<16xf32>
        %add3A_846 = arith.addf %add3A_790, %get3A_845 : vector<16xf32>
        %add3A_847 = arith.constant 3 : i32
        %add3A_848 = arith.addi %add3A_679, %add3A_847 : i32
        %get3A_849 = arith.index_cast %add3A_848 : i32 to index
        %get3A_850 = arith.constant 0 : index
        %get3A_851 = tpu.vector_load %arg8[%get3A_849, %get3A_850] {strides = array<i32>} : memref<200x128xf32, #tpu.memory_space<vmem>>, vector<1x16xf32>,
        %get3A_852 = vector.shape_cast %get3A_851 : vector<1x16xf32> to vector<16xf32>
        %add3A_853 = arith.addf %add3A_797, %get3A_852 : vector<16xf32>
        %add3A_854 = arith.constant 3 : i32
        %add3A_855 = arith.addi %add3A_679, %add3A_854 : i32
        %get3A_856 = arith.index_cast %add3A_855 : i32 to index
        %get3A_857 = arith.constant 16 : index
        %get3A_858 = tpu.vector_load %arg8[%get3A_856, %get3A_857] {strides = array<i32>} : memref<200x128xf32, #tpu.memory_space<vmem>>, vector<1x16xf32>,
        %get3A_859 = vector.shape_cast %get3A_858 : vector<1x16xf32> to vector<16xf32>
        %add3A_860 = arith.addf %add3A_804, %get3A_859 : vector<16xf32>
        %add3A_861 = arith.constant 3 : i32
        %add3A_862 = arith.addi %add3A_679, %add3A_861 : i32
        %get3A_863 = arith.index_cast %add3A_862 : i32 to index
        %get3A_864 = arith.constant 32 : index
        %get3A_865 = tpu.vector_load %arg8[%get3A_863, %get3A_864] {strides = array<i32>} : memref<200x128xf32, #tpu.memory_space<vmem>>, vector<1x16xf32>,
        %get3A_866 = vector.shape_cast %get3A_865 : vector<1x16xf32> to vector<16xf32>
        %add3A_867 = arith.addf %add3A_811, %get3A_866 : vector<16xf32>
        %add3A_868 = arith.constant 3 : i32
        %add3A_869 = arith.addi %add3A_679, %add3A_868 : i32
        %get3A_870 = arith.index_cast %add3A_869 : i32 to index
        %get3A_871 = arith.constant 48 : index
        %get3A_872 = tpu.vector_load %arg8[%get3A_870, %get3A_871] {strides = array<i32>} : memref<200x128xf32, #tpu.memory_space<vmem>>, vector<1x16xf32>,
        %get3A_873 = vector.shape_cast %get3A_872 : vector<1x16xf32> to vector<16xf32>
        %add3A_874 = arith.addf %add3A_818, %get3A_873 : vector<16xf32>
        %add3A_875 = arith.constant 3 : i32
        %add3A_876 = arith.addi %add3A_679, %add3A_875 : i32
        %get3A_877 = arith.index_cast %add3A_876 : i32 to index
        %get3A_878 = arith.constant 64 : index
        %get3A_879 = tpu.vector_load %arg8[%get3A_877, %get3A_878] {strides = array<i32>} : memref<200x128xf32, #tpu.memory_space<vmem>>, vector<1x16xf32>,
        %get3A_880 = vector.shape_cast %get3A_879 : vector<1x16xf32> to vector<16xf32>
        %add3A_881 = arith.addf %add3A_825, %get3A_880 : vector<16xf32>
        %add3A_882 = arith.constant 3 : i32
        %add3A_883 = arith.addi %add3A_679, %add3A_882 : i32
        %get3A_884 = arith.index_cast %add3A_883 : i32 to index
        %get3A_885 = arith.constant 80 : index
        %get3A_886 = tpu.vector_load %arg8[%get3A_884, %get3A_885] {strides = array<i32>} : memref<200x128xf32, #tpu.memory_space<vmem>>, vector<1x16xf32>,
        %get3A_887 = vector.shape_cast %get3A_886 : vector<1x16xf32> to vector<16xf32>
        %add3A_888 = arith.addf %add3A_832, %get3A_887 : vector<16xf32>
        %add3A_889 = arith.constant 3 : i32
        %add3A_890 = arith.addi %add3A_679, %add3A_889 : i32
        %get3A_891 = arith.index_cast %add3A_890 : i32 to index
        %get3A_892 = arith.constant 96 : index
        %get3A_893 = tpu.vector_load %arg8[%get3A_891, %get3A_892] {strides = array<i32>} : memref<200x128xf32, #tpu.memory_space<vmem>>, vector<1x16xf32>,
        %get3A_894 = vector.shape_cast %get3A_893 : vector<1x16xf32> to vector<16xf32>
        %add3A_895 = arith.addf %add3A_839, %get3A_894 : vector<16xf32>
        %add3A_896 = arith.constant 3 : i32
        %add3A_897 = arith.addi %add3A_679, %add3A_896 : i32
        %get3A_898 = arith.index_cast %add3A_897 : i32 to index
        %get3A_899 = arith.constant 112 : index
        %get3A_900 = tpu.vector_load %arg8[%get3A_898, %get3A_899] {strides = array<i32>} : memref<200x128xf32, #tpu.memory_space<vmem>>, vector<1x16xf32>,
        %get3A_901 = vector.shape_cast %get3A_900 : vector<1x16xf32> to vector<16xf32>
        %add3A_902 = arith.addf %add3A_846, %get3A_901 : vector<16xf32>
        scf.yield %add3A_853, %add3A_860, %add3A_867, %add3A_874, %add3A_881, %add3A_888, %add3A_895, %add3A_902 : vector<16xf32>, vector<16xf32>, vector<16xf32>, vector<16xf32>, vector<16xf32>, vector<16xf32>, vector<16xf32>, vector<16xf32>
      }
      %scan3A_582 = arith.constant 32 : i32
      %dma_wait3A_583 = arith.constant 128 : i32
      %dma_wait3A_584 = arith.constant 0 : i32
      %dma_wait3A_585 = tpu.memref_slice %arg8[%dma_wait3A_583, %dma_wait3A_584] : memref<200x128xf32, #tpu.memory_space<vmem>> -> memref<72x128xf32, #tpu.memory_space<vmem>>
      %dma_wait3A_586 = arith.constant 128 : i32
      %dma_wait3A_587 = tpu.memref_slice %arg5[%add3A_547, %dma_wait3A_586] : memref<128x200xi32, #tpu.memory_space<vmem>> -> memref<1x72xi32, #tpu.memory_space<vmem>>
      %dma_wait3A_588 = tpu.memref_squeeze %dma_wait3A_587 : memref<1x72xi32, #tpu.memory_space<vmem>> -> memref<72xi32, #tpu.memory_space<vmem>>
      %dma_wait3A_589 = arith.constant 0 : i32
      %dma_wait3A_590 = arith.constant 0 : i32
      %dma_wait3A_591 = tpu.memref_slice %arg3[%dma_wait3A_589, %dma_wait3A_590] : memref<100000x128xf32, #tpu.memory_space<hbm>> -> memref<100000x128xf32, #tpu.memory_space<hbm>>
      tpu.wait_indirect_dma semaphore(%arg15 : memref<!tpu.dma_semaphore, #tpu.memory_space<semaphore_mem>>) src(%dma_wait3A_591 : memref<100000x128xf32, #tpu.memory_space<hbm>>) dst(%dma_wait3A_585 : memref<72x128xf32, #tpu.memory_space<vmem>>)
      %scan3A_592 = arith.constant 0 : i32
      %scan3A_593 = arith.constant 18 : i32
      %scan3A_594 = arith.addi %scan3A_592, %scan3A_593 : i32
      %scan3A_595 = arith.constant 1 : i32
      %scan3A_596:8 = scf.for %scan3A_667 = %scan3A_592 to %scan3A_594 step %scan3A_595 iter_args(%scan3A_668 = %scan3A_581#0, %scan3A_669 = %scan3A_581#1, %scan3A_670 = %scan3A_581#2, %scan3A_671 = %scan3A_581#3, %scan3A_672 = %scan3A_581#4, %scan3A_673 = %scan3A_581#5, %scan3A_674 = %scan3A_581#6, %scan3A_675 = %scan3A_581#7) -> (vector<16xf32>, vector<16xf32>, vector<16xf32>, vector<16xf32>, vector<16xf32>, vector<16xf32>, vector<16xf32>, vector<16xf32>)  : i32 {
        %mul3A_676 = arith.constant 4 : i32
        %mul3A_677 = arith.muli %scan3A_667, %mul3A_676 : i32
        %add3A_678 = arith.constant 128 : i32
        %add3A_679 = arith.addi %add3A_678, %mul3A_677 : i32
        %add3A_680 = arith.constant 0 : i32
        %add3A_681 = arith.addi %add3A_679, %add3A_680 : i32
        %get3A = arith.index_cast %add3A_681 : i32 to index
        %get3A_682 = arith.constant 0 : index
        %get3A_683 = tpu.vector_load %arg8[%get3A, %get3A_682] {strides = array<i32>} : memref<200x128xf32, #tpu.memory_space<vmem>>, vector<1x16xf32>,
        %get3A_684 = vector.shape_cast %get3A_683 : vector<1x16xf32> to vector<16xf32>
        %add3A_685 = arith.addf %scan3A_668, %get3A_684 : vector<16xf32>
        %add3A_686 = arith.constant 0 : i32
        %add3A_687 = arith.addi %add3A_679, %add3A_686 : i32
        %get3A_688 = arith.index_cast %add3A_687 : i32 to index
        %get3A_689 = arith.constant 16 : index
        %get3A_690 = tpu.vector_load %arg8[%get3A_688, %get3A_689] {strides = array<i32>} : memref<200x128xf32, #tpu.memory_space<vmem>>, vector<1x16xf32>,
        %get3A_691 = vector.shape_cast %get3A_690 : vector<1x16xf32> to vector<16xf32>
        %add3A_692 = arith.addf %scan3A_669, %get3A_691 : vector<16xf32>
        %add3A_693 = arith.constant 0 : i32
        %add3A_694 = arith.addi %add3A_679, %add3A_693 : i32
        %get3A_695 = arith.index_cast %add3A_694 : i32 to index
        %get3A_696 = arith.constant 32 : index
        %get3A_697 = tpu.vector_load %arg8[%get3A_695, %get3A_696] {strides = array<i32>} : memref<200x128xf32, #tpu.memory_space<vmem>>, vector<1x16xf32>,
        %get3A_698 = vector.shape_cast %get3A_697 : vector<1x16xf32> to vector<16xf32>
        %add3A_699 = arith.addf %scan3A_670, %get3A_698 : vector<16xf32>
        %add3A_700 = arith.constant 0 : i32
        %add3A_701 = arith.addi %add3A_679, %add3A_700 : i32
        %get3A_702 = arith.index_cast %add3A_701 : i32 to index
        %get3A_703 = arith.constant 48 : index
        %get3A_704 = tpu.vector_load %arg8[%get3A_702, %get3A_703] {strides = array<i32>} : memref<200x128xf32, #tpu.memory_space<vmem>>, vector<1x16xf32>,
        %get3A_705 = vector.shape_cast %get3A_704 : vector<1x16xf32> to vector<16xf32>
        %add3A_706 = arith.addf %scan3A_671, %get3A_705 : vector<16xf32>
        %add3A_707 = arith.constant 0 : i32
        %add3A_708 = arith.addi %add3A_679, %add3A_707 : i32
        %get3A_709 = arith.index_cast %add3A_708 : i32 to index
        %get3A_710 = arith.constant 64 : index
        %get3A_711 = tpu.vector_load %arg8[%get3A_709, %get3A_710] {strides = array<i32>} : memref<200x128xf32, #tpu.memory_space<vmem>>, vector<1x16xf32>,
        %get3A_712 = vector.shape_cast %get3A_711 : vector<1x16xf32> to vector<16xf32>
        %add3A_713 = arith.addf %scan3A_672, %get3A_712 : vector<16xf32>
        %add3A_714 = arith.constant 0 : i32
        %add3A_715 = arith.addi %add3A_679, %add3A_714 : i32
        %get3A_716 = arith.index_cast %add3A_715 : i32 to index
        %get3A_717 = arith.constant 80 : index
        %get3A_718 = tpu.vector_load %arg8[%get3A_716, %get3A_717] {strides = array<i32>} : memref<200x128xf32, #tpu.memory_space<vmem>>, vector<1x16xf32>,
        %get3A_719 = vector.shape_cast %get3A_718 : vector<1x16xf32> to vector<16xf32>
        %add3A_720 = arith.addf %scan3A_673, %get3A_719 : vector<16xf32>
        %add3A_721 = arith.constant 0 : i32
        %add3A_722 = arith.addi %add3A_679, %add3A_721 : i32
        %get3A_723 = arith.index_cast %add3A_722 : i32 to index
        %get3A_724 = arith.constant 96 : index
        %get3A_725 = tpu.vector_load %arg8[%get3A_723, %get3A_724] {strides = array<i32>} : memref<200x128xf32, #tpu.memory_space<vmem>>, vector<1x16xf32>,
        %get3A_726 = vector.shape_cast %get3A_725 : vector<1x16xf32> to vector<16xf32>
        %add3A_727 = arith.addf %scan3A_674, %get3A_726 : vector<16xf32>
        %add3A_728 = arith.constant 0 : i32
        %add3A_729 = arith.addi %add3A_679, %add3A_728 : i32
        %get3A_730 = arith.index_cast %add3A_729 : i32 to index
        %get3A_731 = arith.constant 112 : index
        %get3A_732 = tpu.vector_load %arg8[%get3A_730, %get3A_731] {strides = array<i32>} : memref<200x128xf32, #tpu.memory_space<vmem>>, vector<1x16xf32>,
        %get3A_733 = vector.shape_cast %get3A_732 : vector<1x16xf32> to vector<16xf32>
        %add3A_734 = arith.addf %scan3A_675, %get3A_733 : vector<16xf32>
        %add3A_735 = arith.constant 1 : i32
        %add3A_736 = arith.addi %add3A_679, %add3A_735 : i32
        %get3A_737 = arith.index_cast %add3A_736 : i32 to index
        %get3A_738 = arith.constant 0 : index
        %get3A_739 = tpu.vector_load %arg8[%get3A_737, %get3A_738] {strides = array<i32>} : memref<200x128xf32, #tpu.memory_space<vmem>>, vector<1x16xf32>,
        %get3A_740 = vector.shape_cast %get3A_739 : vector<1x16xf32> to vector<16xf32>
        %add3A_741 = arith.addf %add3A_685, %get3A_740 : vector<16xf32>
        %add3A_742 = arith.constant 1 : i32
        %add3A_743 = arith.addi %add3A_679, %add3A_742 : i32
        %get3A_744 = arith.index_cast %add3A_743 : i32 to index
        %get3A_745 = arith.constant 16 : index
        %get3A_746 = tpu.vector_load %arg8[%get3A_744, %get3A_745] {strides = array<i32>} : memref<200x128xf32, #tpu.memory_space<vmem>>, vector<1x16xf32>,
        %get3A_747 = vector.shape_cast %get3A_746 : vector<1x16xf32> to vector<16xf32>
        %add3A_748 = arith.addf %add3A_692, %get3A_747 : vector<16xf32>
        %add3A_749 = arith.constant 1 : i32
        %add3A_750 = arith.addi %add3A_679, %add3A_749 : i32
        %get3A_751 = arith.index_cast %add3A_750 : i32 to index
        %get3A_752 = arith.constant 32 : index
        %get3A_753 = tpu.vector_load %arg8[%get3A_751, %get3A_752] {strides = array<i32>} : memref<200x128xf32, #tpu.memory_space<vmem>>, vector<1x16xf32>,
        %get3A_754 = vector.shape_cast %get3A_753 : vector<1x16xf32> to vector<16xf32>
        %add3A_755 = arith.addf %add3A_699, %get3A_754 : vector<16xf32>
        %add3A_756 = arith.constant 1 : i32
        %add3A_757 = arith.addi %add3A_679, %add3A_756 : i32
        %get3A_758 = arith.index_cast %add3A_757 : i32 to index
        %get3A_759 = arith.constant 48 : index
        %get3A_760 = tpu.vector_load %arg8[%get3A_758, %get3A_759] {strides = array<i32>} : memref<200x128xf32, #tpu.memory_space<vmem>>, vector<1x16xf32>,
        %get3A_761 = vector.shape_cast %get3A_760 : vector<1x16xf32> to vector<16xf32>
        %add3A_762 = arith.addf %add3A_706, %get3A_761 : vector<16xf32>
        %add3A_763 = arith.constant 1 : i32
        %add3A_764 = arith.addi %add3A_679, %add3A_763 : i32
        %get3A_765 = arith.index_cast %add3A_764 : i32 to index
        %get3A_766 = arith.constant 64 : index
        %get3A_767 = tpu.vector_load %arg8[%get3A_765, %get3A_766] {strides = array<i32>} : memref<200x128xf32, #tpu.memory_space<vmem>>, vector<1x16xf32>,
        %get3A_768 = vector.shape_cast %get3A_767 : vector<1x16xf32> to vector<16xf32>
        %add3A_769 = arith.addf %add3A_713, %get3A_768 : vector<16xf32>
        %add3A_770 = arith.constant 1 : i32
        %add3A_771 = arith.addi %add3A_679, %add3A_770 : i32
        %get3A_772 = arith.index_cast %add3A_771 : i32 to index
        %get3A_773 = arith.constant 80 : index
        %get3A_774 = tpu.vector_load %arg8[%get3A_772, %get3A_773] {strides = array<i32>} : memref<200x128xf32, #tpu.memory_space<vmem>>, vector<1x16xf32>,
        %get3A_775 = vector.shape_cast %get3A_774 : vector<1x16xf32> to vector<16xf32>
        %add3A_776 = arith.addf %add3A_720, %get3A_775 : vector<16xf32>
        %add3A_777 = arith.constant 1 : i32
        %add3A_778 = arith.addi %add3A_679, %add3A_777 : i32
        %get3A_779 = arith.index_cast %add3A_778 : i32 to index
        %get3A_780 = arith.constant 96 : index
        %get3A_781 = tpu.vector_load %arg8[%get3A_779, %get3A_780] {strides = array<i32>} : memref<200x128xf32, #tpu.memory_space<vmem>>, vector<1x16xf32>,
        %get3A_782 = vector.shape_cast %get3A_781 : vector<1x16xf32> to vector<16xf32>
        %add3A_783 = arith.addf %add3A_727, %get3A_782 : vector<16xf32>
        %add3A_784 = arith.constant 1 : i32
        %add3A_785 = arith.addi %add3A_679, %add3A_784 : i32
        %get3A_786 = arith.index_cast %add3A_785 : i32 to index
        %get3A_787 = arith.constant 112 : index
        %get3A_788 = tpu.vector_load %arg8[%get3A_786, %get3A_787] {strides = array<i32>} : memref<200x128xf32, #tpu.memory_space<vmem>>, vector<1x16xf32>,
        %get3A_789 = vector.shape_cast %get3A_788 : vector<1x16xf32> to vector<16xf32>
        %add3A_790 = arith.addf %add3A_734, %get3A_789 : vector<16xf32>
        %add3A_791 = arith.constant 2 : i32
        %add3A_792 = arith.addi %add3A_679, %add3A_791 : i32
        %get3A_793 = arith.index_cast %add3A_792 : i32 to index
        %get3A_794 = arith.constant 0 : index
        %get3A_795 = tpu.vector_load %arg8[%get3A_793, %get3A_794] {strides = array<i32>} : memref<200x128xf32, #tpu.memory_space<vmem>>, vector<1x16xf32>,
        %get3A_796 = vector.shape_cast %get3A_795 : vector<1x16xf32> to vector<16xf32>
        %add3A_797 = arith.addf %add3A_741, %get3A_796 : vector<16xf32>
        %add3A_798 = arith.constant 2 : i32
        %add3A_799 = arith.addi %add3A_679, %add3A_798 : i32
        %get3A_800 = arith.index_cast %add3A_799 : i32 to index
        %get3A_801 = arith.constant 16 : index
        %get3A_802 = tpu.vector_load %arg8[%get3A_800, %get3A_801] {strides = array<i32>} : memref<200x128xf32, #tpu.memory_space<vmem>>, vector<1x16xf32>,
        %get3A_803 = vector.shape_cast %get3A_802 : vector<1x16xf32> to vector<16xf32>
        %add3A_804 = arith.addf %add3A_748, %get3A_803 : vector<16xf32>
        %add3A_805 = arith.constant 2 : i32
        %add3A_806 = arith.addi %add3A_679, %add3A_805 : i32
        %get3A_807 = arith.index_cast %add3A_806 : i32 to index
        %get3A_808 = arith.constant 32 : index
        %get3A_809 = tpu.vector_load %arg8[%get3A_807, %get3A_808] {strides = array<i32>} : memref<200x128xf32, #tpu.memory_space<vmem>>, vector<1x16xf32>,
        %get3A_810 = vector.shape_cast %get3A_809 : vector<1x16xf32> to vector<16xf32>
        %add3A_811 = arith.addf %add3A_755, %get3A_810 : vector<16xf32>
        %add3A_812 = arith.constant 2 : i32
        %add3A_813 = arith.addi %add3A_679, %add3A_812 : i32
        %get3A_814 = arith.index_cast %add3A_813 : i32 to index
        %get3A_815 = arith.constant 48 : index
        %get3A_816 = tpu.vector_load %arg8[%get3A_814, %get3A_815] {strides = array<i32>} : memref<200x128xf32, #tpu.memory_space<vmem>>, vector<1x16xf32>,
        %get3A_817 = vector.shape_cast %get3A_816 : vector<1x16xf32> to vector<16xf32>
        %add3A_818 = arith.addf %add3A_762, %get3A_817 : vector<16xf32>
        %add3A_819 = arith.constant 2 : i32
        %add3A_820 = arith.addi %add3A_679, %add3A_819 : i32
        %get3A_821 = arith.index_cast %add3A_820 : i32 to index
        %get3A_822 = arith.constant 64 : index
        %get3A_823 = tpu.vector_load %arg8[%get3A_821, %get3A_822] {strides = array<i32>} : memref<200x128xf32, #tpu.memory_space<vmem>>, vector<1x16xf32>,
        %get3A_824 = vector.shape_cast %get3A_823 : vector<1x16xf32> to vector<16xf32>
        %add3A_825 = arith.addf %add3A_769, %get3A_824 : vector<16xf32>
        %add3A_826 = arith.constant 2 : i32
        %add3A_827 = arith.addi %add3A_679, %add3A_826 : i32
        %get3A_828 = arith.index_cast %add3A_827 : i32 to index
        %get3A_829 = arith.constant 80 : index
        %get3A_830 = tpu.vector_load %arg8[%get3A_828, %get3A_829] {strides = array<i32>} : memref<200x128xf32, #tpu.memory_space<vmem>>, vector<1x16xf32>,
        %get3A_831 = vector.shape_cast %get3A_830 : vector<1x16xf32> to vector<16xf32>
        %add3A_832 = arith.addf %add3A_776, %get3A_831 : vector<16xf32>
        %add3A_833 = arith.constant 2 : i32
        %add3A_834 = arith.addi %add3A_679, %add3A_833 : i32
        %get3A_835 = arith.index_cast %add3A_834 : i32 to index
        %get3A_836 = arith.constant 96 : index
        %get3A_837 = tpu.vector_load %arg8[%get3A_835, %get3A_836] {strides = array<i32>} : memref<200x128xf32, #tpu.memory_space<vmem>>, vector<1x16xf32>,
        %get3A_838 = vector.shape_cast %get3A_837 : vector<1x16xf32> to vector<16xf32>
        %add3A_839 = arith.addf %add3A_783, %get3A_838 : vector<16xf32>
        %add3A_840 = arith.constant 2 : i32
        %add3A_841 = arith.addi %add3A_679, %add3A_840 : i32
        %get3A_842 = arith.index_cast %add3A_841 : i32 to index
        %get3A_843 = arith.constant 112 : index
        %get3A_844 = tpu.vector_load %arg8[%get3A_842, %get3A_843] {strides = array<i32>} : memref<200x128xf32, #tpu.memory_space<vmem>>, vector<1x16xf32>,
        %get3A_845 = vector.shape_cast %get3A_844 : vector<1x16xf32> to vector<16xf32>
        %add3A_846 = arith.addf %add3A_790, %get3A_845 : vector<16xf32>
        %add3A_847 = arith.constant 3 : i32
        %add3A_848 = arith.addi %add3A_679, %add3A_847 : i32
        %get3A_849 = arith.index_cast %add3A_848 : i32 to index
        %get3A_850 = arith.constant 0 : index
        %get3A_851 = tpu.vector_load %arg8[%get3A_849, %get3A_850] {strides = array<i32>} : memref<200x128xf32, #tpu.memory_space<vmem>>, vector<1x16xf32>,
        %get3A_852 = vector.shape_cast %get3A_851 : vector<1x16xf32> to vector<16xf32>
        %add3A_853 = arith.addf %add3A_797, %get3A_852 : vector<16xf32>
        %add3A_854 = arith.constant 3 : i32
        %add3A_855 = arith.addi %add3A_679, %add3A_854 : i32
        %get3A_856 = arith.index_cast %add3A_855 : i32 to index
        %get3A_857 = arith.constant 16 : index
        %get3A_858 = tpu.vector_load %arg8[%get3A_856, %get3A_857] {strides = array<i32>} : memref<200x128xf32, #tpu.memory_space<vmem>>, vector<1x16xf32>,
        %get3A_859 = vector.shape_cast %get3A_858 : vector<1x16xf32> to vector<16xf32>
        %add3A_860 = arith.addf %add3A_804, %get3A_859 : vector<16xf32>
        %add3A_861 = arith.constant 3 : i32
        %add3A_862 = arith.addi %add3A_679, %add3A_861 : i32
        %get3A_863 = arith.index_cast %add3A_862 : i32 to index
        %get3A_864 = arith.constant 32 : index
        %get3A_865 = tpu.vector_load %arg8[%get3A_863, %get3A_864] {strides = array<i32>} : memref<200x128xf32, #tpu.memory_space<vmem>>, vector<1x16xf32>,
        %get3A_866 = vector.shape_cast %get3A_865 : vector<1x16xf32> to vector<16xf32>
        %add3A_867 = arith.addf %add3A_811, %get3A_866 : vector<16xf32>
        %add3A_868 = arith.constant 3 : i32
        %add3A_869 = arith.addi %add3A_679, %add3A_868 : i32
        %get3A_870 = arith.index_cast %add3A_869 : i32 to index
        %get3A_871 = arith.constant 48 : index
        %get3A_872 = tpu.vector_load %arg8[%get3A_870, %get3A_871] {strides = array<i32>} : memref<200x128xf32, #tpu.memory_space<vmem>>, vector<1x16xf32>,
        %get3A_873 = vector.shape_cast %get3A_872 : vector<1x16xf32> to vector<16xf32>
        %add3A_874 = arith.addf %add3A_818, %get3A_873 : vector<16xf32>
        %add3A_875 = arith.constant 3 : i32
        %add3A_876 = arith.addi %add3A_679, %add3A_875 : i32
        %get3A_877 = arith.index_cast %add3A_876 : i32 to index
        %get3A_878 = arith.constant 64 : index
        %get3A_879 = tpu.vector_load %arg8[%get3A_877, %get3A_878] {strides = array<i32>} : memref<200x128xf32, #tpu.memory_space<vmem>>, vector<1x16xf32>,
        %get3A_880 = vector.shape_cast %get3A_879 : vector<1x16xf32> to vector<16xf32>
        %add3A_881 = arith.addf %add3A_825, %get3A_880 : vector<16xf32>
        %add3A_882 = arith.constant 3 : i32
        %add3A_883 = arith.addi %add3A_679, %add3A_882 : i32
        %get3A_884 = arith.index_cast %add3A_883 : i32 to index
        %get3A_885 = arith.constant 80 : index
        %get3A_886 = tpu.vector_load %arg8[%get3A_884, %get3A_885] {strides = array<i32>} : memref<200x128xf32, #tpu.memory_space<vmem>>, vector<1x16xf32>,
        %get3A_887 = vector.shape_cast %get3A_886 : vector<1x16xf32> to vector<16xf32>
        %add3A_888 = arith.addf %add3A_832, %get3A_887 : vector<16xf32>
        %add3A_889 = arith.constant 3 : i32
        %add3A_890 = arith.addi %add3A_679, %add3A_889 : i32
        %get3A_891 = arith.index_cast %add3A_890 : i32 to index
        %get3A_892 = arith.constant 96 : index
        %get3A_893 = tpu.vector_load %arg8[%get3A_891, %get3A_892] {strides = array<i32>} : memref<200x128xf32, #tpu.memory_space<vmem>>, vector<1x16xf32>,
        %get3A_894 = vector.shape_cast %get3A_893 : vector<1x16xf32> to vector<16xf32>
        %add3A_895 = arith.addf %add3A_839, %get3A_894 : vector<16xf32>
        %add3A_896 = arith.constant 3 : i32
        %add3A_897 = arith.addi %add3A_679, %add3A_896 : i32
        %get3A_898 = arith.index_cast %add3A_897 : i32 to index
        %get3A_899 = arith.constant 112 : index
        %get3A_900 = tpu.vector_load %arg8[%get3A_898, %get3A_899] {strides = array<i32>} : memref<200x128xf32, #tpu.memory_space<vmem>>, vector<1x16xf32>,
        %get3A_901 = vector.shape_cast %get3A_900 : vector<1x16xf32> to vector<16xf32>
        %add3A_902 = arith.addf %add3A_846, %get3A_901 : vector<16xf32>
        scf.yield %add3A_853, %add3A_860, %add3A_867, %add3A_874, %add3A_881, %add3A_888, %add3A_895, %add3A_902 : vector<16xf32>, vector<16xf32>, vector<16xf32>, vector<16xf32>, vector<16xf32>, vector<16xf32>, vector<16xf32>, vector<16xf32>
      }
      %scan3A_597 = arith.constant 18 : i32
      %lt3A_598 = arith.constant 128 : i32
      %lt3A_599 = arith.cmpi slt, %add3A_551, %lt3A_598 : i32
      %convert_element_type3A_600 = arith.extui %lt3A_599 : i1 to i32
      %cond3A_601 = arith.constant 0 : i32
      %cond3A_602 = arith.cmpi ne, %convert_element_type3A_600, %cond3A_601 : i32
      scf.if %cond3A_602 {
        %dma_start3A_667 = arith.constant 0 : i32
        %dma_start3A_668 = arith.constant 0 : i32
        %dma_start3A_669 = tpu.memref_slice %arg8[%dma_start3A_667, %dma_start3A_668] : memref<200x128xf32, #tpu.memory_space<vmem>> -> memref<128x128xf32, #tpu.memory_space<vmem>>
        %dma_start3A_670 = arith.constant 0 : i32
        %dma_start3A_671 = tpu.memref_slice %arg5[%add3A_551, %dma_start3A_670] : memref<128x200xi32, #tpu.memory_space<vmem>> -> memref<1x128xi32, #tpu.memory_space<vmem>>
        %dma_start3A_672 = tpu.memref_squeeze %dma_start3A_671 : memref<1x128xi32, #tpu.memory_space<vmem>> -> memref<128xi32, #tpu.memory_space<vmem>>
        %dma_start3A_673 = arith.constant 0 : i32
        %dma_start3A_674 = arith.constant 0 : i32
        %dma_start3A_675 = tpu.memref_slice %arg3[%dma_start3A_673, %dma_start3A_674] : memref<100000x128xf32, #tpu.memory_space<hbm>> -> memref<100000x128xf32, #tpu.memory_space<hbm>>
        tpu.enqueue_indirect_dma source(%dma_start3A_675 : memref<100000x128xf32, #tpu.memory_space<hbm>>) target(%dma_start3A_669 : memref<128x128xf32, #tpu.memory_space<vmem>>) offsets(%dma_start3A_672 : memref<128xi32, #tpu.memory_space<vmem>>) semaphore(%arg14 : memref<!tpu.dma_semaphore, #tpu.memory_space<semaphore_mem>>)
        %dma_start3A_676 = arith.constant 128 : i32
        %dma_start3A_677 = arith.constant 0 : i32
        %dma_start3A_678 = tpu.memref_slice %arg8[%dma_start3A_676, %dma_start3A_677] : memref<200x128xf32, #tpu.memory_space<vmem>> -> memref<72x128xf32, #tpu.memory_space<vmem>>
        %dma_start3A_679 = arith.constant 128 : i32
        %dma_start3A_680 = tpu.memref_slice %arg5[%add3A_551, %dma_start3A_679] : memref<128x200xi32, #tpu.memory_space<vmem>> -> memref<1x72xi32, #tpu.memory_space<vmem>>
        %dma_start3A_681 = tpu.memref_squeeze %dma_start3A_680 : memref<1x72xi32, #tpu.memory_space<vmem>> -> memref<72xi32, #tpu.memory_space<vmem>>
        %dma_start3A_682 = arith.constant 0 : i32
        %dma_start3A_683 = arith.constant 0 : i32
        %dma_start3A_684 = tpu.memref_slice %arg3[%dma_start3A_682, %dma_start3A_683] : memref<100000x128xf32, #tpu.memory_space<hbm>> -> memref<100000x128xf32, #tpu.memory_space<hbm>>
        tpu.enqueue_indirect_dma source(%dma_start3A_684 : memref<100000x128xf32, #tpu.memory_space<hbm>>) target(%dma_start3A_678 : memref<72x128xf32, #tpu.memory_space<vmem>>) offsets(%dma_start3A_681 : memref<72xi32, #tpu.memory_space<vmem>>) semaphore(%arg15 : memref<!tpu.dma_semaphore, #tpu.memory_space<semaphore_mem>>)
      } else {
      }
      %mul3A_603 = arith.constant 5.000000e-03 : f32
      %mul3A_604 = vector.broadcast %mul3A_603 : f32 to vector<16xf32>
      %mul3A_605 = arith.mulf %scan3A_596#0, %mul3A_604 : vector<16xf32>
      %swap3A_606 = arith.index_cast %add3A_547 : i32 to index
      %swap3A_607 = arith.constant 0 : index
      %swap3A_608 = tpu.vector_load %arg9[%swap3A_606, %swap3A_607] {strides = array<i32>} : memref<128x128xf32, #tpu.memory_space<vmem>>, vector<1x16xf32>,
      %swap3A_609 = vector.shape_cast %swap3A_608 : vector<1x16xf32> to vector<16xf32>
      %swap3A_610 = vector.shape_cast %mul3A_605 : vector<16xf32> to vector<1x16xf32>
      tpu.vector_store %arg9[%swap3A_606, %swap3A_607], %swap3A_610 {strides = array<i32>} : memref<128x128xf32, #tpu.memory_space<vmem>>, vector<1x16xf32>,
      %mul3A_611 = arith.constant 5.000000e-03 : f32
      %mul3A_612 = vector.broadcast %mul3A_611 : f32 to vector<16xf32>
      %mul3A_613 = arith.mulf %scan3A_596#1, %mul3A_612 : vector<16xf32>
      %swap3A_614 = arith.index_cast %add3A_547 : i32 to index
      %swap3A_615 = arith.constant 16 : index
      %swap3A_616 = tpu.vector_load %arg9[%swap3A_614, %swap3A_615] {strides = array<i32>} : memref<128x128xf32, #tpu.memory_space<vmem>>, vector<1x16xf32>,
      %swap3A_617 = vector.shape_cast %swap3A_616 : vector<1x16xf32> to vector<16xf32>
      %swap3A_618 = vector.shape_cast %mul3A_613 : vector<16xf32> to vector<1x16xf32>
      tpu.vector_store %arg9[%swap3A_614, %swap3A_615], %swap3A_618 {strides = array<i32>} : memref<128x128xf32, #tpu.memory_space<vmem>>, vector<1x16xf32>,
      %mul3A_619 = arith.constant 5.000000e-03 : f32
      %mul3A_620 = vector.broadcast %mul3A_619 : f32 to vector<16xf32>
      %mul3A_621 = arith.mulf %scan3A_596#2, %mul3A_620 : vector<16xf32>
      %swap3A_622 = arith.index_cast %add3A_547 : i32 to index
      %swap3A_623 = arith.constant 32 : index
      %swap3A_624 = tpu.vector_load %arg9[%swap3A_622, %swap3A_623] {strides = array<i32>} : memref<128x128xf32, #tpu.memory_space<vmem>>, vector<1x16xf32>,
      %swap3A_625 = vector.shape_cast %swap3A_624 : vector<1x16xf32> to vector<16xf32>
      %swap3A_626 = vector.shape_cast %mul3A_621 : vector<16xf32> to vector<1x16xf32>
      tpu.vector_store %arg9[%swap3A_622, %swap3A_623], %swap3A_626 {strides = array<i32>} : memref<128x128xf32, #tpu.memory_space<vmem>>, vector<1x16xf32>,
      %mul3A_627 = arith.constant 5.000000e-03 : f32
      %mul3A_628 = vector.broadcast %mul3A_627 : f32 to vector<16xf32>
      %mul3A_629 = arith.mulf %scan3A_596#3, %mul3A_628 : vector<16xf32>
      %swap3A_630 = arith.index_cast %add3A_547 : i32 to index
      %swap3A_631 = arith.constant 48 : index
      %swap3A_632 = tpu.vector_load %arg9[%swap3A_630, %swap3A_631] {strides = array<i32>} : memref<128x128xf32, #tpu.memory_space<vmem>>, vector<1x16xf32>,
      %swap3A_633 = vector.shape_cast %swap3A_632 : vector<1x16xf32> to vector<16xf32>
      %swap3A_634 = vector.shape_cast %mul3A_629 : vector<16xf32> to vector<1x16xf32>
      tpu.vector_store %arg9[%swap3A_630, %swap3A_631], %swap3A_634 {strides = array<i32>} : memref<128x128xf32, #tpu.memory_space<vmem>>, vector<1x16xf32>,
      %mul3A_635 = arith.constant 5.000000e-03 : f32
      %mul3A_636 = vector.broadcast %mul3A_635 : f32 to vector<16xf32>
      %mul3A_637 = arith.mulf %scan3A_596#4, %mul3A_636 : vector<16xf32>
      %swap3A_638 = arith.index_cast %add3A_547 : i32 to index
      %swap3A_639 = arith.constant 64 : index
      %swap3A_640 = tpu.vector_load %arg9[%swap3A_638, %swap3A_639] {strides = array<i32>} : memref<128x128xf32, #tpu.memory_space<vmem>>, vector<1x16xf32>,
      %swap3A_641 = vector.shape_cast %swap3A_640 : vector<1x16xf32> to vector<16xf32>
      %swap3A_642 = vector.shape_cast %mul3A_637 : vector<16xf32> to vector<1x16xf32>
      tpu.vector_store %arg9[%swap3A_638, %swap3A_639], %swap3A_642 {strides = array<i32>} : memref<128x128xf32, #tpu.memory_space<vmem>>, vector<1x16xf32>,
      %mul3A_643 = arith.constant 5.000000e-03 : f32
      %mul3A_644 = vector.broadcast %mul3A_643 : f32 to vector<16xf32>
      %mul3A_645 = arith.mulf %scan3A_596#5, %mul3A_644 : vector<16xf32>
      %swap3A_646 = arith.index_cast %add3A_547 : i32 to index
      %swap3A_647 = arith.constant 80 : index
      %swap3A_648 = tpu.vector_load %arg9[%swap3A_646, %swap3A_647] {strides = array<i32>} : memref<128x128xf32, #tpu.memory_space<vmem>>, vector<1x16xf32>,
      %swap3A_649 = vector.shape_cast %swap3A_648 : vector<1x16xf32> to vector<16xf32>
      %swap3A_650 = vector.shape_cast %mul3A_645 : vector<16xf32> to vector<1x16xf32>
      tpu.vector_store %arg9[%swap3A_646, %swap3A_647], %swap3A_650 {strides = array<i32>} : memref<128x128xf32, #tpu.memory_space<vmem>>, vector<1x16xf32>,
      %mul3A_651 = arith.constant 5.000000e-03 : f32
      %mul3A_652 = vector.broadcast %mul3A_651 : f32 to vector<16xf32>
      %mul3A_653 = arith.mulf %scan3A_596#6, %mul3A_652 : vector<16xf32>
      %swap3A_654 = arith.index_cast %add3A_547 : i32 to index
      %swap3A_655 = arith.constant 96 : index
      %swap3A_656 = tpu.vector_load %arg9[%swap3A_654, %swap3A_655] {strides = array<i32>} : memref<128x128xf32, #tpu.memory_space<vmem>>, vector<1x16xf32>,
      %swap3A_657 = vector.shape_cast %swap3A_656 : vector<1x16xf32> to vector<16xf32>
      %swap3A_658 = vector.shape_cast %mul3A_653 : vector<16xf32> to vector<1x16xf32>
      tpu.vector_store %arg9[%swap3A_654, %swap3A_655], %swap3A_658 {strides = array<i32>} : memref<128x128xf32, #tpu.memory_space<vmem>>, vector<1x16xf32>,
      %mul3A_659 = arith.constant 5.000000e-03 : f32
      %mul3A_660 = vector.broadcast %mul3A_659 : f32 to vector<16xf32>
      %mul3A_661 = arith.mulf %scan3A_596#7, %mul3A_660 : vector<16xf32>
      %swap3A_662 = arith.index_cast %add3A_547 : i32 to index
      %swap3A_663 = arith.constant 112 : index
      %swap3A_664 = tpu.vector_load %arg9[%swap3A_662, %swap3A_663] {strides = array<i32>} : memref<128x128xf32, #tpu.memory_space<vmem>>, vector<1x16xf32>,
      %swap3A_665 = vector.shape_cast %swap3A_664 : vector<1x16xf32> to vector<16xf32>
      %swap3A_666 = vector.shape_cast %mul3A_661 : vector<16xf32> to vector<1x16xf32>
      tpu.vector_store %arg9[%swap3A_662, %swap3A_663], %swap3A_666 {strides = array<i32>} : memref<128x128xf32, #tpu.memory_space<vmem>>, vector<1x16xf32>,
    }
    %scan3A_66 = arith.constant 42 : i32
    %broadcast_in_dim3A = arith.constant 0.000000e+00 : f32
    %broadcast_in_dim3A_67 = vector.broadcast %broadcast_in_dim3A : f32 to vector<16xf32>
    %broadcast_in_dim3A_68 = arith.constant 0.000000e+00 : f32
    %broadcast_in_dim3A_69 = vector.broadcast %broadcast_in_dim3A_68 : f32 to vector<16xf32>
    %broadcast_in_dim3A_70 = arith.constant 0.000000e+00 : f32
    %broadcast_in_dim3A_71 = vector.broadcast %broadcast_in_dim3A_70 : f32 to vector<16xf32>
    %broadcast_in_dim3A_72 = arith.constant 0.000000e+00 : f32
    %broadcast_in_dim3A_73 = vector.broadcast %broadcast_in_dim3A_72 : f32 to vector<16xf32>
    %broadcast_in_dim3A_74 = arith.constant 0.000000e+00 : f32
    %broadcast_in_dim3A_75 = vector.broadcast %broadcast_in_dim3A_74 : f32 to vector<16xf32>
    %broadcast_in_dim3A_76 = arith.constant 0.000000e+00 : f32
    %broadcast_in_dim3A_77 = vector.broadcast %broadcast_in_dim3A_76 : f32 to vector<16xf32>
    %broadcast_in_dim3A_78 = arith.constant 0.000000e+00 : f32
    %broadcast_in_dim3A_79 = vector.broadcast %broadcast_in_dim3A_78 : f32 to vector<16xf32>
    %broadcast_in_dim3A_80 = arith.constant 0.000000e+00 : f32
    %broadcast_in_dim3A_81 = vector.broadcast %broadcast_in_dim3A_80 : f32 to vector<16xf32>
    %dma_wait3A = arith.constant 126 : i32
    %dma_wait3A_82 = arith.constant 0 : i32
    %dma_wait3A_83 = arith.constant 0 : i32
    %dma_wait3A_84 = tpu.memref_slice %arg6[%dma_wait3A_82, %dma_wait3A_83] : memref<200x128xf32, #tpu.memory_space<vmem>> -> memref<128x128xf32, #tpu.memory_space<vmem>>
    %dma_wait3A_85 = arith.constant 0 : i32
    %dma_wait3A_86 = tpu.memref_slice %arg5[%dma_wait3A, %dma_wait3A_85] : memref<128x200xi32, #tpu.memory_space<vmem>> -> memref<1x128xi32, #tpu.memory_space<vmem>>
    %dma_wait3A_87 = tpu.memref_squeeze %dma_wait3A_86 : memref<1x128xi32, #tpu.memory_space<vmem>> -> memref<128xi32, #tpu.memory_space<vmem>>
    %dma_wait3A_88 = arith.constant 0 : i32
    %dma_wait3A_89 = arith.constant 0 : i32
    %dma_wait3A_90 = tpu.memref_slice %arg3[%dma_wait3A_88, %dma_wait3A_89] : memref<100000x128xf32, #tpu.memory_space<hbm>> -> memref<100000x128xf32, #tpu.memory_space<hbm>>
    tpu.wait_indirect_dma semaphore(%arg10 : memref<!tpu.dma_semaphore, #tpu.memory_space<semaphore_mem>>) src(%dma_wait3A_90 : memref<100000x128xf32, #tpu.memory_space<hbm>>) dst(%dma_wait3A_84 : memref<128x128xf32, #tpu.memory_space<vmem>>)
    %scan3A_91 = arith.constant 0 : i32
    %scan3A_92 = arith.constant 32 : i32
    %scan3A_93 = arith.addi %scan3A_91, %scan3A_92 : i32
    %scan3A_94 = arith.constant 1 : i32
    %scan3A_95:8 = scf.for %scan3A_304 = %scan3A_91 to %scan3A_93 step %scan3A_94 iter_args(%scan3A_305 = %broadcast_in_dim3A_67, %scan3A_306 = %broadcast_in_dim3A_69, %scan3A_307 = %broadcast_in_dim3A_71, %scan3A_308 = %broadcast_in_dim3A_73, %scan3A_309 = %broadcast_in_dim3A_75, %scan3A_310 = %broadcast_in_dim3A_77, %scan3A_311 = %broadcast_in_dim3A_79, %scan3A_312 = %broadcast_in_dim3A_81) -> (vector<16xf32>, vector<16xf32>, vector<16xf32>, vector<16xf32>, vector<16xf32>, vector<16xf32>, vector<16xf32>, vector<16xf32>)  : i32 {
      %mul3A_313 = arith.constant 4 : i32
      %mul3A_314 = arith.muli %scan3A_304, %mul3A_313 : i32
      %add3A_315 = arith.constant 0 : i32
      %add3A_316 = arith.addi %add3A_315, %mul3A_314 : i32
      %add3A_317 = arith.constant 0 : i32
      %add3A_318 = arith.addi %add3A_316, %add3A_317 : i32
      %get3A = arith.index_cast %add3A_318 : i32 to index
      %get3A_319 = arith.constant 0 : index
      %get3A_320 = tpu.vector_load %arg6[%get3A, %get3A_319] {strides = array<i32>} : memref<200x128xf32, #tpu.memory_space<vmem>>, vector<1x16xf32>,
      %get3A_321 = vector.shape_cast %get3A_320 : vector<1x16xf32> to vector<16xf32>
      %add3A_322 = arith.addf %scan3A_305, %get3A_321 : vector<16xf32>
      %add3A_323 = arith.constant 0 : i32
      %add3A_324 = arith.addi %add3A_316, %add3A_323 : i32
      %get3A_325 = arith.index_cast %add3A_324 : i32 to index
      %get3A_326 = arith.constant 16 : index
      %get3A_327 = tpu.vector_load %arg6[%get3A_325, %get3A_326] {strides = array<i32>} : memref<200x128xf32, #tpu.memory_space<vmem>>, vector<1x16xf32>,
      %get3A_328 = vector.shape_cast %get3A_327 : vector<1x16xf32> to vector<16xf32>
      %add3A_329 = arith.addf %scan3A_306, %get3A_328 : vector<16xf32>
      %add3A_330 = arith.constant 0 : i32
      %add3A_331 = arith.addi %add3A_316, %add3A_330 : i32
      %get3A_332 = arith.index_cast %add3A_331 : i32 to index
      %get3A_333 = arith.constant 32 : index
      %get3A_334 = tpu.vector_load %arg6[%get3A_332, %get3A_333] {strides = array<i32>} : memref<200x128xf32, #tpu.memory_space<vmem>>, vector<1x16xf32>,
      %get3A_335 = vector.shape_cast %get3A_334 : vector<1x16xf32> to vector<16xf32>
      %add3A_336 = arith.addf %scan3A_307, %get3A_335 : vector<16xf32>
      %add3A_337 = arith.constant 0 : i32
      %add3A_338 = arith.addi %add3A_316, %add3A_337 : i32
      %get3A_339 = arith.index_cast %add3A_338 : i32 to index
      %get3A_340 = arith.constant 48 : index
      %get3A_341 = tpu.vector_load %arg6[%get3A_339, %get3A_340] {strides = array<i32>} : memref<200x128xf32, #tpu.memory_space<vmem>>, vector<1x16xf32>,
      %get3A_342 = vector.shape_cast %get3A_341 : vector<1x16xf32> to vector<16xf32>
      %add3A_343 = arith.addf %scan3A_308, %get3A_342 : vector<16xf32>
      %add3A_344 = arith.constant 0 : i32
      %add3A_345 = arith.addi %add3A_316, %add3A_344 : i32
      %get3A_346 = arith.index_cast %add3A_345 : i32 to index
      %get3A_347 = arith.constant 64 : index
      %get3A_348 = tpu.vector_load %arg6[%get3A_346, %get3A_347] {strides = array<i32>} : memref<200x128xf32, #tpu.memory_space<vmem>>, vector<1x16xf32>,
      %get3A_349 = vector.shape_cast %get3A_348 : vector<1x16xf32> to vector<16xf32>
      %add3A_350 = arith.addf %scan3A_309, %get3A_349 : vector<16xf32>
      %add3A_351 = arith.constant 0 : i32
      %add3A_352 = arith.addi %add3A_316, %add3A_351 : i32
      %get3A_353 = arith.index_cast %add3A_352 : i32 to index
      %get3A_354 = arith.constant 80 : index
      %get3A_355 = tpu.vector_load %arg6[%get3A_353, %get3A_354] {strides = array<i32>} : memref<200x128xf32, #tpu.memory_space<vmem>>, vector<1x16xf32>,
      %get3A_356 = vector.shape_cast %get3A_355 : vector<1x16xf32> to vector<16xf32>
      %add3A_357 = arith.addf %scan3A_310, %get3A_356 : vector<16xf32>
      %add3A_358 = arith.constant 0 : i32
      %add3A_359 = arith.addi %add3A_316, %add3A_358 : i32
      %get3A_360 = arith.index_cast %add3A_359 : i32 to index
      %get3A_361 = arith.constant 96 : index
      %get3A_362 = tpu.vector_load %arg6[%get3A_360, %get3A_361] {strides = array<i32>} : memref<200x128xf32, #tpu.memory_space<vmem>>, vector<1x16xf32>,
      %get3A_363 = vector.shape_cast %get3A_362 : vector<1x16xf32> to vector<16xf32>
      %add3A_364 = arith.addf %scan3A_311, %get3A_363 : vector<16xf32>
      %add3A_365 = arith.constant 0 : i32
      %add3A_366 = arith.addi %add3A_316, %add3A_365 : i32
      %get3A_367 = arith.index_cast %add3A_366 : i32 to index
      %get3A_368 = arith.constant 112 : index
      %get3A_369 = tpu.vector_load %arg6[%get3A_367, %get3A_368] {strides = array<i32>} : memref<200x128xf32, #tpu.memory_space<vmem>>, vector<1x16xf32>,
      %get3A_370 = vector.shape_cast %get3A_369 : vector<1x16xf32> to vector<16xf32>
      %add3A_371 = arith.addf %scan3A_312, %get3A_370 : vector<16xf32>
      %add3A_372 = arith.constant 1 : i32
      %add3A_373 = arith.addi %add3A_316, %add3A_372 : i32
      %get3A_374 = arith.index_cast %add3A_373 : i32 to index
      %get3A_375 = arith.constant 0 : index
      %get3A_376 = tpu.vector_load %arg6[%get3A_374, %get3A_375] {strides = array<i32>} : memref<200x128xf32, #tpu.memory_space<vmem>>, vector<1x16xf32>,
      %get3A_377 = vector.shape_cast %get3A_376 : vector<1x16xf32> to vector<16xf32>
      %add3A_378 = arith.addf %add3A_322, %get3A_377 : vector<16xf32>
      %add3A_379 = arith.constant 1 : i32
      %add3A_380 = arith.addi %add3A_316, %add3A_379 : i32
      %get3A_381 = arith.index_cast %add3A_380 : i32 to index
      %get3A_382 = arith.constant 16 : index
      %get3A_383 = tpu.vector_load %arg6[%get3A_381, %get3A_382] {strides = array<i32>} : memref<200x128xf32, #tpu.memory_space<vmem>>, vector<1x16xf32>,
      %get3A_384 = vector.shape_cast %get3A_383 : vector<1x16xf32> to vector<16xf32>
      %add3A_385 = arith.addf %add3A_329, %get3A_384 : vector<16xf32>
      %add3A_386 = arith.constant 1 : i32
      %add3A_387 = arith.addi %add3A_316, %add3A_386 : i32
      %get3A_388 = arith.index_cast %add3A_387 : i32 to index
      %get3A_389 = arith.constant 32 : index
      %get3A_390 = tpu.vector_load %arg6[%get3A_388, %get3A_389] {strides = array<i32>} : memref<200x128xf32, #tpu.memory_space<vmem>>, vector<1x16xf32>,
      %get3A_391 = vector.shape_cast %get3A_390 : vector<1x16xf32> to vector<16xf32>
      %add3A_392 = arith.addf %add3A_336, %get3A_391 : vector<16xf32>
      %add3A_393 = arith.constant 1 : i32
      %add3A_394 = arith.addi %add3A_316, %add3A_393 : i32
      %get3A_395 = arith.index_cast %add3A_394 : i32 to index
      %get3A_396 = arith.constant 48 : index
      %get3A_397 = tpu.vector_load %arg6[%get3A_395, %get3A_396] {strides = array<i32>} : memref<200x128xf32, #tpu.memory_space<vmem>>, vector<1x16xf32>,
      %get3A_398 = vector.shape_cast %get3A_397 : vector<1x16xf32> to vector<16xf32>
      %add3A_399 = arith.addf %add3A_343, %get3A_398 : vector<16xf32>
      %add3A_400 = arith.constant 1 : i32
      %add3A_401 = arith.addi %add3A_316, %add3A_400 : i32
      %get3A_402 = arith.index_cast %add3A_401 : i32 to index
      %get3A_403 = arith.constant 64 : index
      %get3A_404 = tpu.vector_load %arg6[%get3A_402, %get3A_403] {strides = array<i32>} : memref<200x128xf32, #tpu.memory_space<vmem>>, vector<1x16xf32>,
      %get3A_405 = vector.shape_cast %get3A_404 : vector<1x16xf32> to vector<16xf32>
      %add3A_406 = arith.addf %add3A_350, %get3A_405 : vector<16xf32>
      %add3A_407 = arith.constant 1 : i32
      %add3A_408 = arith.addi %add3A_316, %add3A_407 : i32
      %get3A_409 = arith.index_cast %add3A_408 : i32 to index
      %get3A_410 = arith.constant 80 : index
      %get3A_411 = tpu.vector_load %arg6[%get3A_409, %get3A_410] {strides = array<i32>} : memref<200x128xf32, #tpu.memory_space<vmem>>, vector<1x16xf32>,
      %get3A_412 = vector.shape_cast %get3A_411 : vector<1x16xf32> to vector<16xf32>
      %add3A_413 = arith.addf %add3A_357, %get3A_412 : vector<16xf32>
      %add3A_414 = arith.constant 1 : i32
      %add3A_415 = arith.addi %add3A_316, %add3A_414 : i32
      %get3A_416 = arith.index_cast %add3A_415 : i32 to index
      %get3A_417 = arith.constant 96 : index
      %get3A_418 = tpu.vector_load %arg6[%get3A_416, %get3A_417] {strides = array<i32>} : memref<200x128xf32, #tpu.memory_space<vmem>>, vector<1x16xf32>,
      %get3A_419 = vector.shape_cast %get3A_418 : vector<1x16xf32> to vector<16xf32>
      %add3A_420 = arith.addf %add3A_364, %get3A_419 : vector<16xf32>
      %add3A_421 = arith.constant 1 : i32
      %add3A_422 = arith.addi %add3A_316, %add3A_421 : i32
      %get3A_423 = arith.index_cast %add3A_422 : i32 to index
      %get3A_424 = arith.constant 112 : index
      %get3A_425 = tpu.vector_load %arg6[%get3A_423, %get3A_424] {strides = array<i32>} : memref<200x128xf32, #tpu.memory_space<vmem>>, vector<1x16xf32>,
      %get3A_426 = vector.shape_cast %get3A_425 : vector<1x16xf32> to vector<16xf32>
      %add3A_427 = arith.addf %add3A_371, %get3A_426 : vector<16xf32>
      %add3A_428 = arith.constant 2 : i32
      %add3A_429 = arith.addi %add3A_316, %add3A_428 : i32
      %get3A_430 = arith.index_cast %add3A_429 : i32 to index
      %get3A_431 = arith.constant 0 : index
      %get3A_432 = tpu.vector_load %arg6[%get3A_430, %get3A_431] {strides = array<i32>} : memref<200x128xf32, #tpu.memory_space<vmem>>, vector<1x16xf32>,
      %get3A_433 = vector.shape_cast %get3A_432 : vector<1x16xf32> to vector<16xf32>
      %add3A_434 = arith.addf %add3A_378, %get3A_433 : vector<16xf32>
      %add3A_435 = arith.constant 2 : i32
      %add3A_436 = arith.addi %add3A_316, %add3A_435 : i32
      %get3A_437 = arith.index_cast %add3A_436 : i32 to index
      %get3A_438 = arith.constant 16 : index
      %get3A_439 = tpu.vector_load %arg6[%get3A_437, %get3A_438] {strides = array<i32>} : memref<200x128xf32, #tpu.memory_space<vmem>>, vector<1x16xf32>,
      %get3A_440 = vector.shape_cast %get3A_439 : vector<1x16xf32> to vector<16xf32>
      %add3A_441 = arith.addf %add3A_385, %get3A_440 : vector<16xf32>
      %add3A_442 = arith.constant 2 : i32
      %add3A_443 = arith.addi %add3A_316, %add3A_442 : i32
      %get3A_444 = arith.index_cast %add3A_443 : i32 to index
      %get3A_445 = arith.constant 32 : index
      %get3A_446 = tpu.vector_load %arg6[%get3A_444, %get3A_445] {strides = array<i32>} : memref<200x128xf32, #tpu.memory_space<vmem>>, vector<1x16xf32>,
      %get3A_447 = vector.shape_cast %get3A_446 : vector<1x16xf32> to vector<16xf32>
      %add3A_448 = arith.addf %add3A_392, %get3A_447 : vector<16xf32>
      %add3A_449 = arith.constant 2 : i32
      %add3A_450 = arith.addi %add3A_316, %add3A_449 : i32
      %get3A_451 = arith.index_cast %add3A_450 : i32 to index
      %get3A_452 = arith.constant 48 : index
      %get3A_453 = tpu.vector_load %arg6[%get3A_451, %get3A_452] {strides = array<i32>} : memref<200x128xf32, #tpu.memory_space<vmem>>, vector<1x16xf32>,
      %get3A_454 = vector.shape_cast %get3A_453 : vector<1x16xf32> to vector<16xf32>
      %add3A_455 = arith.addf %add3A_399, %get3A_454 : vector<16xf32>
      %add3A_456 = arith.constant 2 : i32
      %add3A_457 = arith.addi %add3A_316, %add3A_456 : i32
      %get3A_458 = arith.index_cast %add3A_457 : i32 to index
      %get3A_459 = arith.constant 64 : index
      %get3A_460 = tpu.vector_load %arg6[%get3A_458, %get3A_459] {strides = array<i32>} : memref<200x128xf32, #tpu.memory_space<vmem>>, vector<1x16xf32>,
      %get3A_461 = vector.shape_cast %get3A_460 : vector<1x16xf32> to vector<16xf32>
      %add3A_462 = arith.addf %add3A_406, %get3A_461 : vector<16xf32>
      %add3A_463 = arith.constant 2 : i32
      %add3A_464 = arith.addi %add3A_316, %add3A_463 : i32
      %get3A_465 = arith.index_cast %add3A_464 : i32 to index
      %get3A_466 = arith.constant 80 : index
      %get3A_467 = tpu.vector_load %arg6[%get3A_465, %get3A_466] {strides = array<i32>} : memref<200x128xf32, #tpu.memory_space<vmem>>, vector<1x16xf32>,
      %get3A_468 = vector.shape_cast %get3A_467 : vector<1x16xf32> to vector<16xf32>
      %add3A_469 = arith.addf %add3A_413, %get3A_468 : vector<16xf32>
      %add3A_470 = arith.constant 2 : i32
      %add3A_471 = arith.addi %add3A_316, %add3A_470 : i32
      %get3A_472 = arith.index_cast %add3A_471 : i32 to index
      %get3A_473 = arith.constant 96 : index
      %get3A_474 = tpu.vector_load %arg6[%get3A_472, %get3A_473] {strides = array<i32>} : memref<200x128xf32, #tpu.memory_space<vmem>>, vector<1x16xf32>,
      %get3A_475 = vector.shape_cast %get3A_474 : vector<1x16xf32> to vector<16xf32>
      %add3A_476 = arith.addf %add3A_420, %get3A_475 : vector<16xf32>
      %add3A_477 = arith.constant 2 : i32
      %add3A_478 = arith.addi %add3A_316, %add3A_477 : i32
      %get3A_479 = arith.index_cast %add3A_478 : i32 to index
      %get3A_480 = arith.constant 112 : index
      %get3A_481 = tpu.vector_load %arg6[%get3A_479, %get3A_480] {strides = array<i32>} : memref<200x128xf32, #tpu.memory_space<vmem>>, vector<1x16xf32>,
      %get3A_482 = vector.shape_cast %get3A_481 : vector<1x16xf32> to vector<16xf32>
      %add3A_483 = arith.addf %add3A_427, %get3A_482 : vector<16xf32>
      %add3A_484 = arith.constant 3 : i32
      %add3A_485 = arith.addi %add3A_316, %add3A_484 : i32
      %get3A_486 = arith.index_cast %add3A_485 : i32 to index
      %get3A_487 = arith.constant 0 : index
      %get3A_488 = tpu.vector_load %arg6[%get3A_486, %get3A_487] {strides = array<i32>} : memref<200x128xf32, #tpu.memory_space<vmem>>, vector<1x16xf32>,
      %get3A_489 = vector.shape_cast %get3A_488 : vector<1x16xf32> to vector<16xf32>
      %add3A_490 = arith.addf %add3A_434, %get3A_489 : vector<16xf32>
      %add3A_491 = arith.constant 3 : i32
      %add3A_492 = arith.addi %add3A_316, %add3A_491 : i32
      %get3A_493 = arith.index_cast %add3A_492 : i32 to index
      %get3A_494 = arith.constant 16 : index
      %get3A_495 = tpu.vector_load %arg6[%get3A_493, %get3A_494] {strides = array<i32>} : memref<200x128xf32, #tpu.memory_space<vmem>>, vector<1x16xf32>,
      %get3A_496 = vector.shape_cast %get3A_495 : vector<1x16xf32> to vector<16xf32>
      %add3A_497 = arith.addf %add3A_441, %get3A_496 : vector<16xf32>
      %add3A_498 = arith.constant 3 : i32
      %add3A_499 = arith.addi %add3A_316, %add3A_498 : i32
      %get3A_500 = arith.index_cast %add3A_499 : i32 to index
      %get3A_501 = arith.constant 32 : index
      %get3A_502 = tpu.vector_load %arg6[%get3A_500, %get3A_501] {strides = array<i32>} : memref<200x128xf32, #tpu.memory_space<vmem>>, vector<1x16xf32>,
      %get3A_503 = vector.shape_cast %get3A_502 : vector<1x16xf32> to vector<16xf32>
      %add3A_504 = arith.addf %add3A_448, %get3A_503 : vector<16xf32>
      %add3A_505 = arith.constant 3 : i32
      %add3A_506 = arith.addi %add3A_316, %add3A_505 : i32
      %get3A_507 = arith.index_cast %add3A_506 : i32 to index
      %get3A_508 = arith.constant 48 : index
      %get3A_509 = tpu.vector_load %arg6[%get3A_507, %get3A_508] {strides = array<i32>} : memref<200x128xf32, #tpu.memory_space<vmem>>, vector<1x16xf32>,
      %get3A_510 = vector.shape_cast %get3A_509 : vector<1x16xf32> to vector<16xf32>
      %add3A_511 = arith.addf %add3A_455, %get3A_510 : vector<16xf32>
      %add3A_512 = arith.constant 3 : i32
      %add3A_513 = arith.addi %add3A_316, %add3A_512 : i32
      %get3A_514 = arith.index_cast %add3A_513 : i32 to index
      %get3A_515 = arith.constant 64 : index
      %get3A_516 = tpu.vector_load %arg6[%get3A_514, %get3A_515] {strides = array<i32>} : memref<200x128xf32, #tpu.memory_space<vmem>>, vector<1x16xf32>,
      %get3A_517 = vector.shape_cast %get3A_516 : vector<1x16xf32> to vector<16xf32>
      %add3A_518 = arith.addf %add3A_462, %get3A_517 : vector<16xf32>
      %add3A_519 = arith.constant 3 : i32
      %add3A_520 = arith.addi %add3A_316, %add3A_519 : i32
      %get3A_521 = arith.index_cast %add3A_520 : i32 to index
      %get3A_522 = arith.constant 80 : index
      %get3A_523 = tpu.vector_load %arg6[%get3A_521, %get3A_522] {strides = array<i32>} : memref<200x128xf32, #tpu.memory_space<vmem>>, vector<1x16xf32>,
      %get3A_524 = vector.shape_cast %get3A_523 : vector<1x16xf32> to vector<16xf32>
      %add3A_525 = arith.addf %add3A_469, %get3A_524 : vector<16xf32>
      %add3A_526 = arith.constant 3 : i32
      %add3A_527 = arith.addi %add3A_316, %add3A_526 : i32
      %get3A_528 = arith.index_cast %add3A_527 : i32 to index
      %get3A_529 = arith.constant 96 : index
      %get3A_530 = tpu.vector_load %arg6[%get3A_528, %get3A_529] {strides = array<i32>} : memref<200x128xf32, #tpu.memory_space<vmem>>, vector<1x16xf32>,
      %get3A_531 = vector.shape_cast %get3A_530 : vector<1x16xf32> to vector<16xf32>
      %add3A_532 = arith.addf %add3A_476, %get3A_531 : vector<16xf32>
      %add3A_533 = arith.constant 3 : i32
      %add3A_534 = arith.addi %add3A_316, %add3A_533 : i32
      %get3A_535 = arith.index_cast %add3A_534 : i32 to index
      %get3A_536 = arith.constant 112 : index
      %get3A_537 = tpu.vector_load %arg6[%get3A_535, %get3A_536] {strides = array<i32>} : memref<200x128xf32, #tpu.memory_space<vmem>>, vector<1x16xf32>,
      %get3A_538 = vector.shape_cast %get3A_537 : vector<1x16xf32> to vector<16xf32>
      %add3A_539 = arith.addf %add3A_483, %get3A_538 : vector<16xf32>
      scf.yield %add3A_490, %add3A_497, %add3A_504, %add3A_511, %add3A_518, %add3A_525, %add3A_532, %add3A_539 : vector<16xf32>, vector<16xf32>, vector<16xf32>, vector<16xf32>, vector<16xf32>, vector<16xf32>, vector<16xf32>, vector<16xf32>
    }
    %scan3A_96 = arith.constant 32 : i32
    %dma_wait3A_97 = arith.constant 126 : i32
    %dma_wait3A_98 = arith.constant 128 : i32
    %dma_wait3A_99 = arith.constant 0 : i32
    %dma_wait3A_100 = tpu.memref_slice %arg6[%dma_wait3A_98, %dma_wait3A_99] : memref<200x128xf32, #tpu.memory_space<vmem>> -> memref<72x128xf32, #tpu.memory_space<vmem>>
    %dma_wait3A_101 = arith.constant 128 : i32
    %dma_wait3A_102 = tpu.memref_slice %arg5[%dma_wait3A_97, %dma_wait3A_101] : memref<128x200xi32, #tpu.memory_space<vmem>> -> memref<1x72xi32, #tpu.memory_space<vmem>>
    %dma_wait3A_103 = tpu.memref_squeeze %dma_wait3A_102 : memref<1x72xi32, #tpu.memory_space<vmem>> -> memref<72xi32, #tpu.memory_space<vmem>>
    %dma_wait3A_104 = arith.constant 0 : i32
    %dma_wait3A_105 = arith.constant 0 : i32
    %dma_wait3A_106 = tpu.memref_slice %arg3[%dma_wait3A_104, %dma_wait3A_105] : memref<100000x128xf32, #tpu.memory_space<hbm>> -> memref<100000x128xf32, #tpu.memory_space<hbm>>
    tpu.wait_indirect_dma semaphore(%arg11 : memref<!tpu.dma_semaphore, #tpu.memory_space<semaphore_mem>>) src(%dma_wait3A_106 : memref<100000x128xf32, #tpu.memory_space<hbm>>) dst(%dma_wait3A_100 : memref<72x128xf32, #tpu.memory_space<vmem>>)
    %scan3A_107 = arith.constant 0 : i32
    %scan3A_108 = arith.constant 18 : i32
    %scan3A_109 = arith.addi %scan3A_107, %scan3A_108 : i32
    %scan3A_110 = arith.constant 1 : i32
    %scan3A_111:8 = scf.for %scan3A_304 = %scan3A_107 to %scan3A_109 step %scan3A_110 iter_args(%scan3A_305 = %scan3A_95#0, %scan3A_306 = %scan3A_95#1, %scan3A_307 = %scan3A_95#2, %scan3A_308 = %scan3A_95#3, %scan3A_309 = %scan3A_95#4, %scan3A_310 = %scan3A_95#5, %scan3A_311 = %scan3A_95#6, %scan3A_312 = %scan3A_95#7) -> (vector<16xf32>, vector<16xf32>, vector<16xf32>, vector<16xf32>, vector<16xf32>, vector<16xf32>, vector<16xf32>, vector<16xf32>)  : i32 {
      %mul3A_313 = arith.constant 4 : i32
      %mul3A_314 = arith.muli %scan3A_304, %mul3A_313 : i32
      %add3A_315 = arith.constant 128 : i32
      %add3A_316 = arith.addi %add3A_315, %mul3A_314 : i32
      %add3A_317 = arith.constant 0 : i32
      %add3A_318 = arith.addi %add3A_316, %add3A_317 : i32
      %get3A = arith.index_cast %add3A_318 : i32 to index
      %get3A_319 = arith.constant 0 : index
      %get3A_320 = tpu.vector_load %arg6[%get3A, %get3A_319] {strides = array<i32>} : memref<200x128xf32, #tpu.memory_space<vmem>>, vector<1x16xf32>,
      %get3A_321 = vector.shape_cast %get3A_320 : vector<1x16xf32> to vector<16xf32>
      %add3A_322 = arith.addf %scan3A_305, %get3A_321 : vector<16xf32>
      %add3A_323 = arith.constant 0 : i32
      %add3A_324 = arith.addi %add3A_316, %add3A_323 : i32
      %get3A_325 = arith.index_cast %add3A_324 : i32 to index
      %get3A_326 = arith.constant 16 : index
      %get3A_327 = tpu.vector_load %arg6[%get3A_325, %get3A_326] {strides = array<i32>} : memref<200x128xf32, #tpu.memory_space<vmem>>, vector<1x16xf32>,
      %get3A_328 = vector.shape_cast %get3A_327 : vector<1x16xf32> to vector<16xf32>
      %add3A_329 = arith.addf %scan3A_306, %get3A_328 : vector<16xf32>
      %add3A_330 = arith.constant 0 : i32
      %add3A_331 = arith.addi %add3A_316, %add3A_330 : i32
      %get3A_332 = arith.index_cast %add3A_331 : i32 to index
      %get3A_333 = arith.constant 32 : index
      %get3A_334 = tpu.vector_load %arg6[%get3A_332, %get3A_333] {strides = array<i32>} : memref<200x128xf32, #tpu.memory_space<vmem>>, vector<1x16xf32>,
      %get3A_335 = vector.shape_cast %get3A_334 : vector<1x16xf32> to vector<16xf32>
      %add3A_336 = arith.addf %scan3A_307, %get3A_335 : vector<16xf32>
      %add3A_337 = arith.constant 0 : i32
      %add3A_338 = arith.addi %add3A_316, %add3A_337 : i32
      %get3A_339 = arith.index_cast %add3A_338 : i32 to index
      %get3A_340 = arith.constant 48 : index
      %get3A_341 = tpu.vector_load %arg6[%get3A_339, %get3A_340] {strides = array<i32>} : memref<200x128xf32, #tpu.memory_space<vmem>>, vector<1x16xf32>,
      %get3A_342 = vector.shape_cast %get3A_341 : vector<1x16xf32> to vector<16xf32>
      %add3A_343 = arith.addf %scan3A_308, %get3A_342 : vector<16xf32>
      %add3A_344 = arith.constant 0 : i32
      %add3A_345 = arith.addi %add3A_316, %add3A_344 : i32
      %get3A_346 = arith.index_cast %add3A_345 : i32 to index
      %get3A_347 = arith.constant 64 : index
      %get3A_348 = tpu.vector_load %arg6[%get3A_346, %get3A_347] {strides = array<i32>} : memref<200x128xf32, #tpu.memory_space<vmem>>, vector<1x16xf32>,
      %get3A_349 = vector.shape_cast %get3A_348 : vector<1x16xf32> to vector<16xf32>
      %add3A_350 = arith.addf %scan3A_309, %get3A_349 : vector<16xf32>
      %add3A_351 = arith.constant 0 : i32
      %add3A_352 = arith.addi %add3A_316, %add3A_351 : i32
      %get3A_353 = arith.index_cast %add3A_352 : i32 to index
      %get3A_354 = arith.constant 80 : index
      %get3A_355 = tpu.vector_load %arg6[%get3A_353, %get3A_354] {strides = array<i32>} : memref<200x128xf32, #tpu.memory_space<vmem>>, vector<1x16xf32>,
      %get3A_356 = vector.shape_cast %get3A_355 : vector<1x16xf32> to vector<16xf32>
      %add3A_357 = arith.addf %scan3A_310, %get3A_356 : vector<16xf32>
      %add3A_358 = arith.constant 0 : i32
      %add3A_359 = arith.addi %add3A_316, %add3A_358 : i32
      %get3A_360 = arith.index_cast %add3A_359 : i32 to index
      %get3A_361 = arith.constant 96 : index
      %get3A_362 = tpu.vector_load %arg6[%get3A_360, %get3A_361] {strides = array<i32>} : memref<200x128xf32, #tpu.memory_space<vmem>>, vector<1x16xf32>,
      %get3A_363 = vector.shape_cast %get3A_362 : vector<1x16xf32> to vector<16xf32>
      %add3A_364 = arith.addf %scan3A_311, %get3A_363 : vector<16xf32>
      %add3A_365 = arith.constant 0 : i32
      %add3A_366 = arith.addi %add3A_316, %add3A_365 : i32
      %get3A_367 = arith.index_cast %add3A_366 : i32 to index
      %get3A_368 = arith.constant 112 : index
      %get3A_369 = tpu.vector_load %arg6[%get3A_367, %get3A_368] {strides = array<i32>} : memref<200x128xf32, #tpu.memory_space<vmem>>, vector<1x16xf32>,
      %get3A_370 = vector.shape_cast %get3A_369 : vector<1x16xf32> to vector<16xf32>
      %add3A_371 = arith.addf %scan3A_312, %get3A_370 : vector<16xf32>
      %add3A_372 = arith.constant 1 : i32
      %add3A_373 = arith.addi %add3A_316, %add3A_372 : i32
      %get3A_374 = arith.index_cast %add3A_373 : i32 to index
      %get3A_375 = arith.constant 0 : index
      %get3A_376 = tpu.vector_load %arg6[%get3A_374, %get3A_375] {strides = array<i32>} : memref<200x128xf32, #tpu.memory_space<vmem>>, vector<1x16xf32>,
      %get3A_377 = vector.shape_cast %get3A_376 : vector<1x16xf32> to vector<16xf32>
      %add3A_378 = arith.addf %add3A_322, %get3A_377 : vector<16xf32>
      %add3A_379 = arith.constant 1 : i32
      %add3A_380 = arith.addi %add3A_316, %add3A_379 : i32
      %get3A_381 = arith.index_cast %add3A_380 : i32 to index
      %get3A_382 = arith.constant 16 : index
      %get3A_383 = tpu.vector_load %arg6[%get3A_381, %get3A_382] {strides = array<i32>} : memref<200x128xf32, #tpu.memory_space<vmem>>, vector<1x16xf32>,
      %get3A_384 = vector.shape_cast %get3A_383 : vector<1x16xf32> to vector<16xf32>
      %add3A_385 = arith.addf %add3A_329, %get3A_384 : vector<16xf32>
      %add3A_386 = arith.constant 1 : i32
      %add3A_387 = arith.addi %add3A_316, %add3A_386 : i32
      %get3A_388 = arith.index_cast %add3A_387 : i32 to index
      %get3A_389 = arith.constant 32 : index
      %get3A_390 = tpu.vector_load %arg6[%get3A_388, %get3A_389] {strides = array<i32>} : memref<200x128xf32, #tpu.memory_space<vmem>>, vector<1x16xf32>,
      %get3A_391 = vector.shape_cast %get3A_390 : vector<1x16xf32> to vector<16xf32>
      %add3A_392 = arith.addf %add3A_336, %get3A_391 : vector<16xf32>
      %add3A_393 = arith.constant 1 : i32
      %add3A_394 = arith.addi %add3A_316, %add3A_393 : i32
      %get3A_395 = arith.index_cast %add3A_394 : i32 to index
      %get3A_396 = arith.constant 48 : index
      %get3A_397 = tpu.vector_load %arg6[%get3A_395, %get3A_396] {strides = array<i32>} : memref<200x128xf32, #tpu.memory_space<vmem>>, vector<1x16xf32>,
      %get3A_398 = vector.shape_cast %get3A_397 : vector<1x16xf32> to vector<16xf32>
      %add3A_399 = arith.addf %add3A_343, %get3A_398 : vector<16xf32>
      %add3A_400 = arith.constant 1 : i32
      %add3A_401 = arith.addi %add3A_316, %add3A_400 : i32
      %get3A_402 = arith.index_cast %add3A_401 : i32 to index
      %get3A_403 = arith.constant 64 : index
      %get3A_404 = tpu.vector_load %arg6[%get3A_402, %get3A_403] {strides = array<i32>} : memref<200x128xf32, #tpu.memory_space<vmem>>, vector<1x16xf32>,
      %get3A_405 = vector.shape_cast %get3A_404 : vector<1x16xf32> to vector<16xf32>
      %add3A_406 = arith.addf %add3A_350, %get3A_405 : vector<16xf32>
      %add3A_407 = arith.constant 1 : i32
      %add3A_408 = arith.addi %add3A_316, %add3A_407 : i32
      %get3A_409 = arith.index_cast %add3A_408 : i32 to index
      %get3A_410 = arith.constant 80 : index
      %get3A_411 = tpu.vector_load %arg6[%get3A_409, %get3A_410] {strides = array<i32>} : memref<200x128xf32, #tpu.memory_space<vmem>>, vector<1x16xf32>,
      %get3A_412 = vector.shape_cast %get3A_411 : vector<1x16xf32> to vector<16xf32>
      %add3A_413 = arith.addf %add3A_357, %get3A_412 : vector<16xf32>
      %add3A_414 = arith.constant 1 : i32
      %add3A_415 = arith.addi %add3A_316, %add3A_414 : i32
      %get3A_416 = arith.index_cast %add3A_415 : i32 to index
      %get3A_417 = arith.constant 96 : index
      %get3A_418 = tpu.vector_load %arg6[%get3A_416, %get3A_417] {strides = array<i32>} : memref<200x128xf32, #tpu.memory_space<vmem>>, vector<1x16xf32>,
      %get3A_419 = vector.shape_cast %get3A_418 : vector<1x16xf32> to vector<16xf32>
      %add3A_420 = arith.addf %add3A_364, %get3A_419 : vector<16xf32>
      %add3A_421 = arith.constant 1 : i32
      %add3A_422 = arith.addi %add3A_316, %add3A_421 : i32
      %get3A_423 = arith.index_cast %add3A_422 : i32 to index
      %get3A_424 = arith.constant 112 : index
      %get3A_425 = tpu.vector_load %arg6[%get3A_423, %get3A_424] {strides = array<i32>} : memref<200x128xf32, #tpu.memory_space<vmem>>, vector<1x16xf32>,
      %get3A_426 = vector.shape_cast %get3A_425 : vector<1x16xf32> to vector<16xf32>
      %add3A_427 = arith.addf %add3A_371, %get3A_426 : vector<16xf32>
      %add3A_428 = arith.constant 2 : i32
      %add3A_429 = arith.addi %add3A_316, %add3A_428 : i32
      %get3A_430 = arith.index_cast %add3A_429 : i32 to index
      %get3A_431 = arith.constant 0 : index
      %get3A_432 = tpu.vector_load %arg6[%get3A_430, %get3A_431] {strides = array<i32>} : memref<200x128xf32, #tpu.memory_space<vmem>>, vector<1x16xf32>,
      %get3A_433 = vector.shape_cast %get3A_432 : vector<1x16xf32> to vector<16xf32>
      %add3A_434 = arith.addf %add3A_378, %get3A_433 : vector<16xf32>
      %add3A_435 = arith.constant 2 : i32
      %add3A_436 = arith.addi %add3A_316, %add3A_435 : i32
      %get3A_437 = arith.index_cast %add3A_436 : i32 to index
      %get3A_438 = arith.constant 16 : index
      %get3A_439 = tpu.vector_load %arg6[%get3A_437, %get3A_438] {strides = array<i32>} : memref<200x128xf32, #tpu.memory_space<vmem>>, vector<1x16xf32>,
      %get3A_440 = vector.shape_cast %get3A_439 : vector<1x16xf32> to vector<16xf32>
      %add3A_441 = arith.addf %add3A_385, %get3A_440 : vector<16xf32>
      %add3A_442 = arith.constant 2 : i32
      %add3A_443 = arith.addi %add3A_316, %add3A_442 : i32
      %get3A_444 = arith.index_cast %add3A_443 : i32 to index
      %get3A_445 = arith.constant 32 : index
      %get3A_446 = tpu.vector_load %arg6[%get3A_444, %get3A_445] {strides = array<i32>} : memref<200x128xf32, #tpu.memory_space<vmem>>, vector<1x16xf32>,
      %get3A_447 = vector.shape_cast %get3A_446 : vector<1x16xf32> to vector<16xf32>
      %add3A_448 = arith.addf %add3A_392, %get3A_447 : vector<16xf32>
      %add3A_449 = arith.constant 2 : i32
      %add3A_450 = arith.addi %add3A_316, %add3A_449 : i32
      %get3A_451 = arith.index_cast %add3A_450 : i32 to index
      %get3A_452 = arith.constant 48 : index
      %get3A_453 = tpu.vector_load %arg6[%get3A_451, %get3A_452] {strides = array<i32>} : memref<200x128xf32, #tpu.memory_space<vmem>>, vector<1x16xf32>,
      %get3A_454 = vector.shape_cast %get3A_453 : vector<1x16xf32> to vector<16xf32>
      %add3A_455 = arith.addf %add3A_399, %get3A_454 : vector<16xf32>
      %add3A_456 = arith.constant 2 : i32
      %add3A_457 = arith.addi %add3A_316, %add3A_456 : i32
      %get3A_458 = arith.index_cast %add3A_457 : i32 to index
      %get3A_459 = arith.constant 64 : index
      %get3A_460 = tpu.vector_load %arg6[%get3A_458, %get3A_459] {strides = array<i32>} : memref<200x128xf32, #tpu.memory_space<vmem>>, vector<1x16xf32>,
      %get3A_461 = vector.shape_cast %get3A_460 : vector<1x16xf32> to vector<16xf32>
      %add3A_462 = arith.addf %add3A_406, %get3A_461 : vector<16xf32>
      %add3A_463 = arith.constant 2 : i32
      %add3A_464 = arith.addi %add3A_316, %add3A_463 : i32
      %get3A_465 = arith.index_cast %add3A_464 : i32 to index
      %get3A_466 = arith.constant 80 : index
      %get3A_467 = tpu.vector_load %arg6[%get3A_465, %get3A_466] {strides = array<i32>} : memref<200x128xf32, #tpu.memory_space<vmem>>, vector<1x16xf32>,
      %get3A_468 = vector.shape_cast %get3A_467 : vector<1x16xf32> to vector<16xf32>
      %add3A_469 = arith.addf %add3A_413, %get3A_468 : vector<16xf32>
      %add3A_470 = arith.constant 2 : i32
      %add3A_471 = arith.addi %add3A_316, %add3A_470 : i32
      %get3A_472 = arith.index_cast %add3A_471 : i32 to index
      %get3A_473 = arith.constant 96 : index
      %get3A_474 = tpu.vector_load %arg6[%get3A_472, %get3A_473] {strides = array<i32>} : memref<200x128xf32, #tpu.memory_space<vmem>>, vector<1x16xf32>,
      %get3A_475 = vector.shape_cast %get3A_474 : vector<1x16xf32> to vector<16xf32>
      %add3A_476 = arith.addf %add3A_420, %get3A_475 : vector<16xf32>
      %add3A_477 = arith.constant 2 : i32
      %add3A_478 = arith.addi %add3A_316, %add3A_477 : i32
      %get3A_479 = arith.index_cast %add3A_478 : i32 to index
      %get3A_480 = arith.constant 112 : index
      %get3A_481 = tpu.vector_load %arg6[%get3A_479, %get3A_480] {strides = array<i32>} : memref<200x128xf32, #tpu.memory_space<vmem>>, vector<1x16xf32>,
      %get3A_482 = vector.shape_cast %get3A_481 : vector<1x16xf32> to vector<16xf32>
      %add3A_483 = arith.addf %add3A_427, %get3A_482 : vector<16xf32>
      %add3A_484 = arith.constant 3 : i32
      %add3A_485 = arith.addi %add3A_316, %add3A_484 : i32
      %get3A_486 = arith.index_cast %add3A_485 : i32 to index
      %get3A_487 = arith.constant 0 : index
      %get3A_488 = tpu.vector_load %arg6[%get3A_486, %get3A_487] {strides = array<i32>} : memref<200x128xf32, #tpu.memory_space<vmem>>, vector<1x16xf32>,
      %get3A_489 = vector.shape_cast %get3A_488 : vector<1x16xf32> to vector<16xf32>
      %add3A_490 = arith.addf %add3A_434, %get3A_489 : vector<16xf32>
      %add3A_491 = arith.constant 3 : i32
      %add3A_492 = arith.addi %add3A_316, %add3A_491 : i32
      %get3A_493 = arith.index_cast %add3A_492 : i32 to index
      %get3A_494 = arith.constant 16 : index
      %get3A_495 = tpu.vector_load %arg6[%get3A_493, %get3A_494] {strides = array<i32>} : memref<200x128xf32, #tpu.memory_space<vmem>>, vector<1x16xf32>,
      %get3A_496 = vector.shape_cast %get3A_495 : vector<1x16xf32> to vector<16xf32>
      %add3A_497 = arith.addf %add3A_441, %get3A_496 : vector<16xf32>
      %add3A_498 = arith.constant 3 : i32
      %add3A_499 = arith.addi %add3A_316, %add3A_498 : i32
      %get3A_500 = arith.index_cast %add3A_499 : i32 to index
      %get3A_501 = arith.constant 32 : index
      %get3A_502 = tpu.vector_load %arg6[%get3A_500, %get3A_501] {strides = array<i32>} : memref<200x128xf32, #tpu.memory_space<vmem>>, vector<1x16xf32>,
      %get3A_503 = vector.shape_cast %get3A_502 : vector<1x16xf32> to vector<16xf32>
      %add3A_504 = arith.addf %add3A_448, %get3A_503 : vector<16xf32>
      %add3A_505 = arith.constant 3 : i32
      %add3A_506 = arith.addi %add3A_316, %add3A_505 : i32
      %get3A_507 = arith.index_cast %add3A_506 : i32 to index
      %get3A_508 = arith.constant 48 : index
      %get3A_509 = tpu.vector_load %arg6[%get3A_507, %get3A_508] {strides = array<i32>} : memref<200x128xf32, #tpu.memory_space<vmem>>, vector<1x16xf32>,
      %get3A_510 = vector.shape_cast %get3A_509 : vector<1x16xf32> to vector<16xf32>
      %add3A_511 = arith.addf %add3A_455, %get3A_510 : vector<16xf32>
      %add3A_512 = arith.constant 3 : i32
      %add3A_513 = arith.addi %add3A_316, %add3A_512 : i32
      %get3A_514 = arith.index_cast %add3A_513 : i32 to index
      %get3A_515 = arith.constant 64 : index
      %get3A_516 = tpu.vector_load %arg6[%get3A_514, %get3A_515] {strides = array<i32>} : memref<200x128xf32, #tpu.memory_space<vmem>>, vector<1x16xf32>,
      %get3A_517 = vector.shape_cast %get3A_516 : vector<1x16xf32> to vector<16xf32>
      %add3A_518 = arith.addf %add3A_462, %get3A_517 : vector<16xf32>
      %add3A_519 = arith.constant 3 : i32
      %add3A_520 = arith.addi %add3A_316, %add3A_519 : i32
      %get3A_521 = arith.index_cast %add3A_520 : i32 to index
      %get3A_522 = arith.constant 80 : index
      %get3A_523 = tpu.vector_load %arg6[%get3A_521, %get3A_522] {strides = array<i32>} : memref<200x128xf32, #tpu.memory_space<vmem>>, vector<1x16xf32>,
      %get3A_524 = vector.shape_cast %get3A_523 : vector<1x16xf32> to vector<16xf32>
      %add3A_525 = arith.addf %add3A_469, %get3A_524 : vector<16xf32>
      %add3A_526 = arith.constant 3 : i32
      %add3A_527 = arith.addi %add3A_316, %add3A_526 : i32
      %get3A_528 = arith.index_cast %add3A_527 : i32 to index
      %get3A_529 = arith.constant 96 : index
      %get3A_530 = tpu.vector_load %arg6[%get3A_528, %get3A_529] {strides = array<i32>} : memref<200x128xf32, #tpu.memory_space<vmem>>, vector<1x16xf32>,
      %get3A_531 = vector.shape_cast %get3A_530 : vector<1x16xf32> to vector<16xf32>
      %add3A_532 = arith.addf %add3A_476, %get3A_531 : vector<16xf32>
      %add3A_533 = arith.constant 3 : i32
      %add3A_534 = arith.addi %add3A_316, %add3A_533 : i32
      %get3A_535 = arith.index_cast %add3A_534 : i32 to index
      %get3A_536 = arith.constant 112 : index
      %get3A_537 = tpu.vector_load %arg6[%get3A_535, %get3A_536] {strides = array<i32>} : memref<200x128xf32, #tpu.memory_space<vmem>>, vector<1x16xf32>,
      %get3A_538 = vector.shape_cast %get3A_537 : vector<1x16xf32> to vector<16xf32>
      %add3A_539 = arith.addf %add3A_483, %get3A_538 : vector<16xf32>
      scf.yield %add3A_490, %add3A_497, %add3A_504, %add3A_511, %add3A_518, %add3A_525, %add3A_532, %add3A_539 : vector<16xf32>, vector<16xf32>, vector<16xf32>, vector<16xf32>, vector<16xf32>, vector<16xf32>, vector<16xf32>, vector<16xf32>
    }
    %scan3A_112 = arith.constant 18 : i32
    %mul3A_113 = arith.constant 5.000000e-03 : f32
    %mul3A_114 = vector.broadcast %mul3A_113 : f32 to vector<16xf32>
    %mul3A_115 = arith.mulf %scan3A_111#0, %mul3A_114 : vector<16xf32>
    %swap3A = arith.constant 126 : i32
    %swap3A_116 = arith.index_cast %swap3A : i32 to index
    %swap3A_117 = arith.constant 0 : index
    %swap3A_118 = tpu.vector_load %arg9[%swap3A_116, %swap3A_117] {strides = array<i32>} : memref<128x128xf32, #tpu.memory_space<vmem>>, vector<1x16xf32>,
    %swap3A_119 = vector.shape_cast %swap3A_118 : vector<1x16xf32> to vector<16xf32>
    %swap3A_120 = vector.shape_cast %mul3A_115 : vector<16xf32> to vector<1x16xf32>
    tpu.vector_store %arg9[%swap3A_116, %swap3A_117], %swap3A_120 {strides = array<i32>} : memref<128x128xf32, #tpu.memory_space<vmem>>, vector<1x16xf32>,
    %mul3A_121 = arith.constant 5.000000e-03 : f32
    %mul3A_122 = vector.broadcast %mul3A_121 : f32 to vector<16xf32>
    %mul3A_123 = arith.mulf %scan3A_111#1, %mul3A_122 : vector<16xf32>
    %swap3A_124 = arith.constant 126 : i32
    %swap3A_125 = arith.index_cast %swap3A_124 : i32 to index
    %swap3A_126 = arith.constant 16 : index
    %swap3A_127 = tpu.vector_load %arg9[%swap3A_125, %swap3A_126] {strides = array<i32>} : memref<128x128xf32, #tpu.memory_space<vmem>>, vector<1x16xf32>,
    %swap3A_128 = vector.shape_cast %swap3A_127 : vector<1x16xf32> to vector<16xf32>
    %swap3A_129 = vector.shape_cast %mul3A_123 : vector<16xf32> to vector<1x16xf32>
    tpu.vector_store %arg9[%swap3A_125, %swap3A_126], %swap3A_129 {strides = array<i32>} : memref<128x128xf32, #tpu.memory_space<vmem>>, vector<1x16xf32>,
    %mul3A_130 = arith.constant 5.000000e-03 : f32
    %mul3A_131 = vector.broadcast %mul3A_130 : f32 to vector<16xf32>
    %mul3A_132 = arith.mulf %scan3A_111#2, %mul3A_131 : vector<16xf32>
    %swap3A_133 = arith.constant 126 : i32
    %swap3A_134 = arith.index_cast %swap3A_133 : i32 to index
    %swap3A_135 = arith.constant 32 : index
    %swap3A_136 = tpu.vector_load %arg9[%swap3A_134, %swap3A_135] {strides = array<i32>} : memref<128x128xf32, #tpu.memory_space<vmem>>, vector<1x16xf32>,
    %swap3A_137 = vector.shape_cast %swap3A_136 : vector<1x16xf32> to vector<16xf32>
    %swap3A_138 = vector.shape_cast %mul3A_132 : vector<16xf32> to vector<1x16xf32>
    tpu.vector_store %arg9[%swap3A_134, %swap3A_135], %swap3A_138 {strides = array<i32>} : memref<128x128xf32, #tpu.memory_space<vmem>>, vector<1x16xf32>,
    %mul3A_139 = arith.constant 5.000000e-03 : f32
    %mul3A_140 = vector.broadcast %mul3A_139 : f32 to vector<16xf32>
    %mul3A_141 = arith.mulf %scan3A_111#3, %mul3A_140 : vector<16xf32>
    %swap3A_142 = arith.constant 126 : i32
    %swap3A_143 = arith.index_cast %swap3A_142 : i32 to index
    %swap3A_144 = arith.constant 48 : index
    %swap3A_145 = tpu.vector_load %arg9[%swap3A_143, %swap3A_144] {strides = array<i32>} : memref<128x128xf32, #tpu.memory_space<vmem>>, vector<1x16xf32>,
    %swap3A_146 = vector.shape_cast %swap3A_145 : vector<1x16xf32> to vector<16xf32>
    %swap3A_147 = vector.shape_cast %mul3A_141 : vector<16xf32> to vector<1x16xf32>
    tpu.vector_store %arg9[%swap3A_143, %swap3A_144], %swap3A_147 {strides = array<i32>} : memref<128x128xf32, #tpu.memory_space<vmem>>, vector<1x16xf32>,
    %mul3A_148 = arith.constant 5.000000e-03 : f32
    %mul3A_149 = vector.broadcast %mul3A_148 : f32 to vector<16xf32>
    %mul3A_150 = arith.mulf %scan3A_111#4, %mul3A_149 : vector<16xf32>
    %swap3A_151 = arith.constant 126 : i32
    %swap3A_152 = arith.index_cast %swap3A_151 : i32 to index
    %swap3A_153 = arith.constant 64 : index
    %swap3A_154 = tpu.vector_load %arg9[%swap3A_152, %swap3A_153] {strides = array<i32>} : memref<128x128xf32, #tpu.memory_space<vmem>>, vector<1x16xf32>,
    %swap3A_155 = vector.shape_cast %swap3A_154 : vector<1x16xf32> to vector<16xf32>
    %swap3A_156 = vector.shape_cast %mul3A_150 : vector<16xf32> to vector<1x16xf32>
    tpu.vector_store %arg9[%swap3A_152, %swap3A_153], %swap3A_156 {strides = array<i32>} : memref<128x128xf32, #tpu.memory_space<vmem>>, vector<1x16xf32>,
    %mul3A_157 = arith.constant 5.000000e-03 : f32
    %mul3A_158 = vector.broadcast %mul3A_157 : f32 to vector<16xf32>
    %mul3A_159 = arith.mulf %scan3A_111#5, %mul3A_158 : vector<16xf32>
    %swap3A_160 = arith.constant 126 : i32
    %swap3A_161 = arith.index_cast %swap3A_160 : i32 to index
    %swap3A_162 = arith.constant 80 : index
    %swap3A_163 = tpu.vector_load %arg9[%swap3A_161, %swap3A_162] {strides = array<i32>} : memref<128x128xf32, #tpu.memory_space<vmem>>, vector<1x16xf32>,
    %swap3A_164 = vector.shape_cast %swap3A_163 : vector<1x16xf32> to vector<16xf32>
    %swap3A_165 = vector.shape_cast %mul3A_159 : vector<16xf32> to vector<1x16xf32>
    tpu.vector_store %arg9[%swap3A_161, %swap3A_162], %swap3A_165 {strides = array<i32>} : memref<128x128xf32, #tpu.memory_space<vmem>>, vector<1x16xf32>,
    %mul3A_166 = arith.constant 5.000000e-03 : f32
    %mul3A_167 = vector.broadcast %mul3A_166 : f32 to vector<16xf32>
    %mul3A_168 = arith.mulf %scan3A_111#6, %mul3A_167 : vector<16xf32>
    %swap3A_169 = arith.constant 126 : i32
    %swap3A_170 = arith.index_cast %swap3A_169 : i32 to index
    %swap3A_171 = arith.constant 96 : index
    %swap3A_172 = tpu.vector_load %arg9[%swap3A_170, %swap3A_171] {strides = array<i32>} : memref<128x128xf32, #tpu.memory_space<vmem>>, vector<1x16xf32>,
    %swap3A_173 = vector.shape_cast %swap3A_172 : vector<1x16xf32> to vector<16xf32>
    %swap3A_174 = vector.shape_cast %mul3A_168 : vector<16xf32> to vector<1x16xf32>
    tpu.vector_store %arg9[%swap3A_170, %swap3A_171], %swap3A_174 {strides = array<i32>} : memref<128x128xf32, #tpu.memory_space<vmem>>, vector<1x16xf32>,
    %mul3A_175 = arith.constant 5.000000e-03 : f32
    %mul3A_176 = vector.broadcast %mul3A_175 : f32 to vector<16xf32>
    %mul3A_177 = arith.mulf %scan3A_111#7, %mul3A_176 : vector<16xf32>
    %swap3A_178 = arith.constant 126 : i32
    %swap3A_179 = arith.index_cast %swap3A_178 : i32 to index
    %swap3A_180 = arith.constant 112 : index
    %swap3A_181 = tpu.vector_load %arg9[%swap3A_179, %swap3A_180] {strides = array<i32>} : memref<128x128xf32, #tpu.memory_space<vmem>>, vector<1x16xf32>,
    %swap3A_182 = vector.shape_cast %swap3A_181 : vector<1x16xf32> to vector<16xf32>
    %swap3A_183 = vector.shape_cast %mul3A_177 : vector<16xf32> to vector<1x16xf32>
    tpu.vector_store %arg9[%swap3A_179, %swap3A_180], %swap3A_183 {strides = array<i32>} : memref<128x128xf32, #tpu.memory_space<vmem>>, vector<1x16xf32>,
    %broadcast_in_dim3A_184 = arith.constant 0.000000e+00 : f32
    %broadcast_in_dim3A_185 = vector.broadcast %broadcast_in_dim3A_184 : f32 to vector<16xf32>
    %broadcast_in_dim3A_186 = arith.constant 0.000000e+00 : f32
    %broadcast_in_dim3A_187 = vector.broadcast %broadcast_in_dim3A_186 : f32 to vector<16xf32>
    %broadcast_in_dim3A_188 = arith.constant 0.000000e+00 : f32
    %broadcast_in_dim3A_189 = vector.broadcast %broadcast_in_dim3A_188 : f32 to vector<16xf32>
    %broadcast_in_dim3A_190 = arith.constant 0.000000e+00 : f32
    %broadcast_in_dim3A_191 = vector.broadcast %broadcast_in_dim3A_190 : f32 to vector<16xf32>
    %broadcast_in_dim3A_192 = arith.constant 0.000000e+00 : f32
    %broadcast_in_dim3A_193 = vector.broadcast %broadcast_in_dim3A_192 : f32 to vector<16xf32>
    %broadcast_in_dim3A_194 = arith.constant 0.000000e+00 : f32
    %broadcast_in_dim3A_195 = vector.broadcast %broadcast_in_dim3A_194 : f32 to vector<16xf32>
    %broadcast_in_dim3A_196 = arith.constant 0.000000e+00 : f32
    %broadcast_in_dim3A_197 = vector.broadcast %broadcast_in_dim3A_196 : f32 to vector<16xf32>
    %broadcast_in_dim3A_198 = arith.constant 0.000000e+00 : f32
    %broadcast_in_dim3A_199 = vector.broadcast %broadcast_in_dim3A_198 : f32 to vector<16xf32>
    %dma_wait3A_200 = arith.constant 127 : i32
    %dma_wait3A_201 = arith.constant 0 : i32
    %dma_wait3A_202 = arith.constant 0 : i32
    %dma_wait3A_203 = tpu.memref_slice %arg7[%dma_wait3A_201, %dma_wait3A_202] : memref<200x128xf32, #tpu.memory_space<vmem>> -> memref<128x128xf32, #tpu.memory_space<vmem>>
    %dma_wait3A_204 = arith.constant 0 : i32
    %dma_wait3A_205 = tpu.memref_slice %arg5[%dma_wait3A_200, %dma_wait3A_204] : memref<128x200xi32, #tpu.memory_space<vmem>> -> memref<1x128xi32, #tpu.memory_space<vmem>>
    %dma_wait3A_206 = tpu.memref_squeeze %dma_wait3A_205 : memref<1x128xi32, #tpu.memory_space<vmem>> -> memref<128xi32, #tpu.memory_space<vmem>>
    %dma_wait3A_207 = arith.constant 0 : i32
    %dma_wait3A_208 = arith.constant 0 : i32
    %dma_wait3A_209 = tpu.memref_slice %arg3[%dma_wait3A_207, %dma_wait3A_208] : memref<100000x128xf32, #tpu.memory_space<hbm>> -> memref<100000x128xf32, #tpu.memory_space<hbm>>
    tpu.wait_indirect_dma semaphore(%arg12 : memref<!tpu.dma_semaphore, #tpu.memory_space<semaphore_mem>>) src(%dma_wait3A_209 : memref<100000x128xf32, #tpu.memory_space<hbm>>) dst(%dma_wait3A_203 : memref<128x128xf32, #tpu.memory_space<vmem>>)
    %scan3A_210 = arith.constant 0 : i32
    %scan3A_211 = arith.constant 32 : i32
    %scan3A_212 = arith.addi %scan3A_210, %scan3A_211 : i32
    %scan3A_213 = arith.constant 1 : i32
    %scan3A_214:8 = scf.for %scan3A_304 = %scan3A_210 to %scan3A_212 step %scan3A_213 iter_args(%scan3A_305 = %broadcast_in_dim3A_185, %scan3A_306 = %broadcast_in_dim3A_187, %scan3A_307 = %broadcast_in_dim3A_189, %scan3A_308 = %broadcast_in_dim3A_191, %scan3A_309 = %broadcast_in_dim3A_193, %scan3A_310 = %broadcast_in_dim3A_195, %scan3A_311 = %broadcast_in_dim3A_197, %scan3A_312 = %broadcast_in_dim3A_199) -> (vector<16xf32>, vector<16xf32>, vector<16xf32>, vector<16xf32>, vector<16xf32>, vector<16xf32>, vector<16xf32>, vector<16xf32>)  : i32 {
      %mul3A_313 = arith.constant 4 : i32
      %mul3A_314 = arith.muli %scan3A_304, %mul3A_313 : i32
      %add3A_315 = arith.constant 0 : i32
      %add3A_316 = arith.addi %add3A_315, %mul3A_314 : i32
      %add3A_317 = arith.constant 0 : i32
      %add3A_318 = arith.addi %add3A_316, %add3A_317 : i32
      %get3A = arith.index_cast %add3A_318 : i32 to index
      %get3A_319 = arith.constant 0 : index
      %get3A_320 = tpu.vector_load %arg7[%get3A, %get3A_319] {strides = array<i32>} : memref<200x128xf32, #tpu.memory_space<vmem>>, vector<1x16xf32>,
      %get3A_321 = vector.shape_cast %get3A_320 : vector<1x16xf32> to vector<16xf32>
      %add3A_322 = arith.addf %scan3A_305, %get3A_321 : vector<16xf32>
      %add3A_323 = arith.constant 0 : i32
      %add3A_324 = arith.addi %add3A_316, %add3A_323 : i32
      %get3A_325 = arith.index_cast %add3A_324 : i32 to index
      %get3A_326 = arith.constant 16 : index
      %get3A_327 = tpu.vector_load %arg7[%get3A_325, %get3A_326] {strides = array<i32>} : memref<200x128xf32, #tpu.memory_space<vmem>>, vector<1x16xf32>,
      %get3A_328 = vector.shape_cast %get3A_327 : vector<1x16xf32> to vector<16xf32>
      %add3A_329 = arith.addf %scan3A_306, %get3A_328 : vector<16xf32>
      %add3A_330 = arith.constant 0 : i32
      %add3A_331 = arith.addi %add3A_316, %add3A_330 : i32
      %get3A_332 = arith.index_cast %add3A_331 : i32 to index
      %get3A_333 = arith.constant 32 : index
      %get3A_334 = tpu.vector_load %arg7[%get3A_332, %get3A_333] {strides = array<i32>} : memref<200x128xf32, #tpu.memory_space<vmem>>, vector<1x16xf32>,
      %get3A_335 = vector.shape_cast %get3A_334 : vector<1x16xf32> to vector<16xf32>
      %add3A_336 = arith.addf %scan3A_307, %get3A_335 : vector<16xf32>
      %add3A_337 = arith.constant 0 : i32
      %add3A_338 = arith.addi %add3A_316, %add3A_337 : i32
      %get3A_339 = arith.index_cast %add3A_338 : i32 to index
      %get3A_340 = arith.constant 48 : index
      %get3A_341 = tpu.vector_load %arg7[%get3A_339, %get3A_340] {strides = array<i32>} : memref<200x128xf32, #tpu.memory_space<vmem>>, vector<1x16xf32>,
      %get3A_342 = vector.shape_cast %get3A_341 : vector<1x16xf32> to vector<16xf32>
      %add3A_343 = arith.addf %scan3A_308, %get3A_342 : vector<16xf32>
      %add3A_344 = arith.constant 0 : i32
      %add3A_345 = arith.addi %add3A_316, %add3A_344 : i32
      %get3A_346 = arith.index_cast %add3A_345 : i32 to index
      %get3A_347 = arith.constant 64 : index
      %get3A_348 = tpu.vector_load %arg7[%get3A_346, %get3A_347] {strides = array<i32>} : memref<200x128xf32, #tpu.memory_space<vmem>>, vector<1x16xf32>,
      %get3A_349 = vector.shape_cast %get3A_348 : vector<1x16xf32> to vector<16xf32>
      %add3A_350 = arith.addf %scan3A_309, %get3A_349 : vector<16xf32>
      %add3A_351 = arith.constant 0 : i32
      %add3A_352 = arith.addi %add3A_316, %add3A_351 : i32
      %get3A_353 = arith.index_cast %add3A_352 : i32 to index
      %get3A_354 = arith.constant 80 : index
      %get3A_355 = tpu.vector_load %arg7[%get3A_353, %get3A_354] {strides = array<i32>} : memref<200x128xf32, #tpu.memory_space<vmem>>, vector<1x16xf32>,
      %get3A_356 = vector.shape_cast %get3A_355 : vector<1x16xf32> to vector<16xf32>
      %add3A_357 = arith.addf %scan3A_310, %get3A_356 : vector<16xf32>
      %add3A_358 = arith.constant 0 : i32
      %add3A_359 = arith.addi %add3A_316, %add3A_358 : i32
      %get3A_360 = arith.index_cast %add3A_359 : i32 to index
      %get3A_361 = arith.constant 96 : index
      %get3A_362 = tpu.vector_load %arg7[%get3A_360, %get3A_361] {strides = array<i32>} : memref<200x128xf32, #tpu.memory_space<vmem>>, vector<1x16xf32>,
      %get3A_363 = vector.shape_cast %get3A_362 : vector<1x16xf32> to vector<16xf32>
      %add3A_364 = arith.addf %scan3A_311, %get3A_363 : vector<16xf32>
      %add3A_365 = arith.constant 0 : i32
      %add3A_366 = arith.addi %add3A_316, %add3A_365 : i32
      %get3A_367 = arith.index_cast %add3A_366 : i32 to index
      %get3A_368 = arith.constant 112 : index
      %get3A_369 = tpu.vector_load %arg7[%get3A_367, %get3A_368] {strides = array<i32>} : memref<200x128xf32, #tpu.memory_space<vmem>>, vector<1x16xf32>,
      %get3A_370 = vector.shape_cast %get3A_369 : vector<1x16xf32> to vector<16xf32>
      %add3A_371 = arith.addf %scan3A_312, %get3A_370 : vector<16xf32>
      %add3A_372 = arith.constant 1 : i32
      %add3A_373 = arith.addi %add3A_316, %add3A_372 : i32
      %get3A_374 = arith.index_cast %add3A_373 : i32 to index
      %get3A_375 = arith.constant 0 : index
      %get3A_376 = tpu.vector_load %arg7[%get3A_374, %get3A_375] {strides = array<i32>} : memref<200x128xf32, #tpu.memory_space<vmem>>, vector<1x16xf32>,
      %get3A_377 = vector.shape_cast %get3A_376 : vector<1x16xf32> to vector<16xf32>
      %add3A_378 = arith.addf %add3A_322, %get3A_377 : vector<16xf32>
      %add3A_379 = arith.constant 1 : i32
      %add3A_380 = arith.addi %add3A_316, %add3A_379 : i32
      %get3A_381 = arith.index_cast %add3A_380 : i32 to index
      %get3A_382 = arith.constant 16 : index
      %get3A_383 = tpu.vector_load %arg7[%get3A_381, %get3A_382] {strides = array<i32>} : memref<200x128xf32, #tpu.memory_space<vmem>>, vector<1x16xf32>,
      %get3A_384 = vector.shape_cast %get3A_383 : vector<1x16xf32> to vector<16xf32>
      %add3A_385 = arith.addf %add3A_329, %get3A_384 : vector<16xf32>
      %add3A_386 = arith.constant 1 : i32
      %add3A_387 = arith.addi %add3A_316, %add3A_386 : i32
      %get3A_388 = arith.index_cast %add3A_387 : i32 to index
      %get3A_389 = arith.constant 32 : index
      %get3A_390 = tpu.vector_load %arg7[%get3A_388, %get3A_389] {strides = array<i32>} : memref<200x128xf32, #tpu.memory_space<vmem>>, vector<1x16xf32>,
      %get3A_391 = vector.shape_cast %get3A_390 : vector<1x16xf32> to vector<16xf32>
      %add3A_392 = arith.addf %add3A_336, %get3A_391 : vector<16xf32>
      %add3A_393 = arith.constant 1 : i32
      %add3A_394 = arith.addi %add3A_316, %add3A_393 : i32
      %get3A_395 = arith.index_cast %add3A_394 : i32 to index
      %get3A_396 = arith.constant 48 : index
      %get3A_397 = tpu.vector_load %arg7[%get3A_395, %get3A_396] {strides = array<i32>} : memref<200x128xf32, #tpu.memory_space<vmem>>, vector<1x16xf32>,
      %get3A_398 = vector.shape_cast %get3A_397 : vector<1x16xf32> to vector<16xf32>
      %add3A_399 = arith.addf %add3A_343, %get3A_398 : vector<16xf32>
      %add3A_400 = arith.constant 1 : i32
      %add3A_401 = arith.addi %add3A_316, %add3A_400 : i32
      %get3A_402 = arith.index_cast %add3A_401 : i32 to index
      %get3A_403 = arith.constant 64 : index
      %get3A_404 = tpu.vector_load %arg7[%get3A_402, %get3A_403] {strides = array<i32>} : memref<200x128xf32, #tpu.memory_space<vmem>>, vector<1x16xf32>,
      %get3A_405 = vector.shape_cast %get3A_404 : vector<1x16xf32> to vector<16xf32>
      %add3A_406 = arith.addf %add3A_350, %get3A_405 : vector<16xf32>
      %add3A_407 = arith.constant 1 : i32
      %add3A_408 = arith.addi %add3A_316, %add3A_407 : i32
      %get3A_409 = arith.index_cast %add3A_408 : i32 to index
      %get3A_410 = arith.constant 80 : index
      %get3A_411 = tpu.vector_load %arg7[%get3A_409, %get3A_410] {strides = array<i32>} : memref<200x128xf32, #tpu.memory_space<vmem>>, vector<1x16xf32>,
      %get3A_412 = vector.shape_cast %get3A_411 : vector<1x16xf32> to vector<16xf32>
      %add3A_413 = arith.addf %add3A_357, %get3A_412 : vector<16xf32>
      %add3A_414 = arith.constant 1 : i32
      %add3A_415 = arith.addi %add3A_316, %add3A_414 : i32
      %get3A_416 = arith.index_cast %add3A_415 : i32 to index
      %get3A_417 = arith.constant 96 : index
      %get3A_418 = tpu.vector_load %arg7[%get3A_416, %get3A_417] {strides = array<i32>} : memref<200x128xf32, #tpu.memory_space<vmem>>, vector<1x16xf32>,
      %get3A_419 = vector.shape_cast %get3A_418 : vector<1x16xf32> to vector<16xf32>
      %add3A_420 = arith.addf %add3A_364, %get3A_419 : vector<16xf32>
      %add3A_421 = arith.constant 1 : i32
      %add3A_422 = arith.addi %add3A_316, %add3A_421 : i32
      %get3A_423 = arith.index_cast %add3A_422 : i32 to index
      %get3A_424 = arith.constant 112 : index
      %get3A_425 = tpu.vector_load %arg7[%get3A_423, %get3A_424] {strides = array<i32>} : memref<200x128xf32, #tpu.memory_space<vmem>>, vector<1x16xf32>,
      %get3A_426 = vector.shape_cast %get3A_425 : vector<1x16xf32> to vector<16xf32>
      %add3A_427 = arith.addf %add3A_371, %get3A_426 : vector<16xf32>
      %add3A_428 = arith.constant 2 : i32
      %add3A_429 = arith.addi %add3A_316, %add3A_428 : i32
      %get3A_430 = arith.index_cast %add3A_429 : i32 to index
      %get3A_431 = arith.constant 0 : index
      %get3A_432 = tpu.vector_load %arg7[%get3A_430, %get3A_431] {strides = array<i32>} : memref<200x128xf32, #tpu.memory_space<vmem>>, vector<1x16xf32>,
      %get3A_433 = vector.shape_cast %get3A_432 : vector<1x16xf32> to vector<16xf32>
      %add3A_434 = arith.addf %add3A_378, %get3A_433 : vector<16xf32>
      %add3A_435 = arith.constant 2 : i32
      %add3A_436 = arith.addi %add3A_316, %add3A_435 : i32
      %get3A_437 = arith.index_cast %add3A_436 : i32 to index
      %get3A_438 = arith.constant 16 : index
      %get3A_439 = tpu.vector_load %arg7[%get3A_437, %get3A_438] {strides = array<i32>} : memref<200x128xf32, #tpu.memory_space<vmem>>, vector<1x16xf32>,
      %get3A_440 = vector.shape_cast %get3A_439 : vector<1x16xf32> to vector<16xf32>
      %add3A_441 = arith.addf %add3A_385, %get3A_440 : vector<16xf32>
      %add3A_442 = arith.constant 2 : i32
      %add3A_443 = arith.addi %add3A_316, %add3A_442 : i32
      %get3A_444 = arith.index_cast %add3A_443 : i32 to index
      %get3A_445 = arith.constant 32 : index
      %get3A_446 = tpu.vector_load %arg7[%get3A_444, %get3A_445] {strides = array<i32>} : memref<200x128xf32, #tpu.memory_space<vmem>>, vector<1x16xf32>,
      %get3A_447 = vector.shape_cast %get3A_446 : vector<1x16xf32> to vector<16xf32>
      %add3A_448 = arith.addf %add3A_392, %get3A_447 : vector<16xf32>
      %add3A_449 = arith.constant 2 : i32
      %add3A_450 = arith.addi %add3A_316, %add3A_449 : i32
      %get3A_451 = arith.index_cast %add3A_450 : i32 to index
      %get3A_452 = arith.constant 48 : index
      %get3A_453 = tpu.vector_load %arg7[%get3A_451, %get3A_452] {strides = array<i32>} : memref<200x128xf32, #tpu.memory_space<vmem>>, vector<1x16xf32>,
      %get3A_454 = vector.shape_cast %get3A_453 : vector<1x16xf32> to vector<16xf32>
      %add3A_455 = arith.addf %add3A_399, %get3A_454 : vector<16xf32>
      %add3A_456 = arith.constant 2 : i32
      %add3A_457 = arith.addi %add3A_316, %add3A_456 : i32
      %get3A_458 = arith.index_cast %add3A_457 : i32 to index
      %get3A_459 = arith.constant 64 : index
      %get3A_460 = tpu.vector_load %arg7[%get3A_458, %get3A_459] {strides = array<i32>} : memref<200x128xf32, #tpu.memory_space<vmem>>, vector<1x16xf32>,
      %get3A_461 = vector.shape_cast %get3A_460 : vector<1x16xf32> to vector<16xf32>
      %add3A_462 = arith.addf %add3A_406, %get3A_461 : vector<16xf32>
      %add3A_463 = arith.constant 2 : i32
      %add3A_464 = arith.addi %add3A_316, %add3A_463 : i32
      %get3A_465 = arith.index_cast %add3A_464 : i32 to index
      %get3A_466 = arith.constant 80 : index
      %get3A_467 = tpu.vector_load %arg7[%get3A_465, %get3A_466] {strides = array<i32>} : memref<200x128xf32, #tpu.memory_space<vmem>>, vector<1x16xf32>,
      %get3A_468 = vector.shape_cast %get3A_467 : vector<1x16xf32> to vector<16xf32>
      %add3A_469 = arith.addf %add3A_413, %get3A_468 : vector<16xf32>
      %add3A_470 = arith.constant 2 : i32
      %add3A_471 = arith.addi %add3A_316, %add3A_470 : i32
      %get3A_472 = arith.index_cast %add3A_471 : i32 to index
      %get3A_473 = arith.constant 96 : index
      %get3A_474 = tpu.vector_load %arg7[%get3A_472, %get3A_473] {strides = array<i32>} : memref<200x128xf32, #tpu.memory_space<vmem>>, vector<1x16xf32>,
      %get3A_475 = vector.shape_cast %get3A_474 : vector<1x16xf32> to vector<16xf32>
      %add3A_476 = arith.addf %add3A_420, %get3A_475 : vector<16xf32>
      %add3A_477 = arith.constant 2 : i32
      %add3A_478 = arith.addi %add3A_316, %add3A_477 : i32
      %get3A_479 = arith.index_cast %add3A_478 : i32 to index
      %get3A_480 = arith.constant 112 : index
      %get3A_481 = tpu.vector_load %arg7[%get3A_479, %get3A_480] {strides = array<i32>} : memref<200x128xf32, #tpu.memory_space<vmem>>, vector<1x16xf32>,
      %get3A_482 = vector.shape_cast %get3A_481 : vector<1x16xf32> to vector<16xf32>
      %add3A_483 = arith.addf %add3A_427, %get3A_482 : vector<16xf32>
      %add3A_484 = arith.constant 3 : i32
      %add3A_485 = arith.addi %add3A_316, %add3A_484 : i32
      %get3A_486 = arith.index_cast %add3A_485 : i32 to index
      %get3A_487 = arith.constant 0 : index
      %get3A_488 = tpu.vector_load %arg7[%get3A_486, %get3A_487] {strides = array<i32>} : memref<200x128xf32, #tpu.memory_space<vmem>>, vector<1x16xf32>,
      %get3A_489 = vector.shape_cast %get3A_488 : vector<1x16xf32> to vector<16xf32>
      %add3A_490 = arith.addf %add3A_434, %get3A_489 : vector<16xf32>
      %add3A_491 = arith.constant 3 : i32
      %add3A_492 = arith.addi %add3A_316, %add3A_491 : i32
      %get3A_493 = arith.index_cast %add3A_492 : i32 to index
      %get3A_494 = arith.constant 16 : index
      %get3A_495 = tpu.vector_load %arg7[%get3A_493, %get3A_494] {strides = array<i32>} : memref<200x128xf32, #tpu.memory_space<vmem>>, vector<1x16xf32>,
      %get3A_496 = vector.shape_cast %get3A_495 : vector<1x16xf32> to vector<16xf32>
      %add3A_497 = arith.addf %add3A_441, %get3A_496 : vector<16xf32>
      %add3A_498 = arith.constant 3 : i32
      %add3A_499 = arith.addi %add3A_316, %add3A_498 : i32
      %get3A_500 = arith.index_cast %add3A_499 : i32 to index
      %get3A_501 = arith.constant 32 : index
      %get3A_502 = tpu.vector_load %arg7[%get3A_500, %get3A_501] {strides = array<i32>} : memref<200x128xf32, #tpu.memory_space<vmem>>, vector<1x16xf32>,
      %get3A_503 = vector.shape_cast %get3A_502 : vector<1x16xf32> to vector<16xf32>
      %add3A_504 = arith.addf %add3A_448, %get3A_503 : vector<16xf32>
      %add3A_505 = arith.constant 3 : i32
      %add3A_506 = arith.addi %add3A_316, %add3A_505 : i32
      %get3A_507 = arith.index_cast %add3A_506 : i32 to index
      %get3A_508 = arith.constant 48 : index
      %get3A_509 = tpu.vector_load %arg7[%get3A_507, %get3A_508] {strides = array<i32>} : memref<200x128xf32, #tpu.memory_space<vmem>>, vector<1x16xf32>,
      %get3A_510 = vector.shape_cast %get3A_509 : vector<1x16xf32> to vector<16xf32>
      %add3A_511 = arith.addf %add3A_455, %get3A_510 : vector<16xf32>
      %add3A_512 = arith.constant 3 : i32
      %add3A_513 = arith.addi %add3A_316, %add3A_512 : i32
      %get3A_514 = arith.index_cast %add3A_513 : i32 to index
      %get3A_515 = arith.constant 64 : index
      %get3A_516 = tpu.vector_load %arg7[%get3A_514, %get3A_515] {strides = array<i32>} : memref<200x128xf32, #tpu.memory_space<vmem>>, vector<1x16xf32>,
      %get3A_517 = vector.shape_cast %get3A_516 : vector<1x16xf32> to vector<16xf32>
      %add3A_518 = arith.addf %add3A_462, %get3A_517 : vector<16xf32>
      %add3A_519 = arith.constant 3 : i32
      %add3A_520 = arith.addi %add3A_316, %add3A_519 : i32
      %get3A_521 = arith.index_cast %add3A_520 : i32 to index
      %get3A_522 = arith.constant 80 : index
      %get3A_523 = tpu.vector_load %arg7[%get3A_521, %get3A_522] {strides = array<i32>} : memref<200x128xf32, #tpu.memory_space<vmem>>, vector<1x16xf32>,
      %get3A_524 = vector.shape_cast %get3A_523 : vector<1x16xf32> to vector<16xf32>
      %add3A_525 = arith.addf %add3A_469, %get3A_524 : vector<16xf32>
      %add3A_526 = arith.constant 3 : i32
      %add3A_527 = arith.addi %add3A_316, %add3A_526 : i32
      %get3A_528 = arith.index_cast %add3A_527 : i32 to index
      %get3A_529 = arith.constant 96 : index
      %get3A_530 = tpu.vector_load %arg7[%get3A_528, %get3A_529] {strides = array<i32>} : memref<200x128xf32, #tpu.memory_space<vmem>>, vector<1x16xf32>,
      %get3A_531 = vector.shape_cast %get3A_530 : vector<1x16xf32> to vector<16xf32>
      %add3A_532 = arith.addf %add3A_476, %get3A_531 : vector<16xf32>
      %add3A_533 = arith.constant 3 : i32
      %add3A_534 = arith.addi %add3A_316, %add3A_533 : i32
      %get3A_535 = arith.index_cast %add3A_534 : i32 to index
      %get3A_536 = arith.constant 112 : index
      %get3A_537 = tpu.vector_load %arg7[%get3A_535, %get3A_536] {strides = array<i32>} : memref<200x128xf32, #tpu.memory_space<vmem>>, vector<1x16xf32>,
      %get3A_538 = vector.shape_cast %get3A_537 : vector<1x16xf32> to vector<16xf32>
      %add3A_539 = arith.addf %add3A_483, %get3A_538 : vector<16xf32>
      scf.yield %add3A_490, %add3A_497, %add3A_504, %add3A_511, %add3A_518, %add3A_525, %add3A_532, %add3A_539 : vector<16xf32>, vector<16xf32>, vector<16xf32>, vector<16xf32>, vector<16xf32>, vector<16xf32>, vector<16xf32>, vector<16xf32>
    }
    %scan3A_215 = arith.constant 32 : i32
    %dma_wait3A_216 = arith.constant 127 : i32
    %dma_wait3A_217 = arith.constant 128 : i32
    %dma_wait3A_218 = arith.constant 0 : i32
    %dma_wait3A_219 = tpu.memref_slice %arg7[%dma_wait3A_217, %dma_wait3A_218] : memref<200x128xf32, #tpu.memory_space<vmem>> -> memref<72x128xf32, #tpu.memory_space<vmem>>
    %dma_wait3A_220 = arith.constant 128 : i32
    %dma_wait3A_221 = tpu.memref_slice %arg5[%dma_wait3A_216, %dma_wait3A_220] : memref<128x200xi32, #tpu.memory_space<vmem>> -> memref<1x72xi32, #tpu.memory_space<vmem>>
    %dma_wait3A_222 = tpu.memref_squeeze %dma_wait3A_221 : memref<1x72xi32, #tpu.memory_space<vmem>> -> memref<72xi32, #tpu.memory_space<vmem>>
    %dma_wait3A_223 = arith.constant 0 : i32
    %dma_wait3A_224 = arith.constant 0 : i32
    %dma_wait3A_225 = tpu.memref_slice %arg3[%dma_wait3A_223, %dma_wait3A_224] : memref<100000x128xf32, #tpu.memory_space<hbm>> -> memref<100000x128xf32, #tpu.memory_space<hbm>>
    tpu.wait_indirect_dma semaphore(%arg13 : memref<!tpu.dma_semaphore, #tpu.memory_space<semaphore_mem>>) src(%dma_wait3A_225 : memref<100000x128xf32, #tpu.memory_space<hbm>>) dst(%dma_wait3A_219 : memref<72x128xf32, #tpu.memory_space<vmem>>)
    %scan3A_226 = arith.constant 0 : i32
    %scan3A_227 = arith.constant 18 : i32
    %scan3A_228 = arith.addi %scan3A_226, %scan3A_227 : i32
    %scan3A_229 = arith.constant 1 : i32
    %scan3A_230:8 = scf.for %scan3A_304 = %scan3A_226 to %scan3A_228 step %scan3A_229 iter_args(%scan3A_305 = %scan3A_214#0, %scan3A_306 = %scan3A_214#1, %scan3A_307 = %scan3A_214#2, %scan3A_308 = %scan3A_214#3, %scan3A_309 = %scan3A_214#4, %scan3A_310 = %scan3A_214#5, %scan3A_311 = %scan3A_214#6, %scan3A_312 = %scan3A_214#7) -> (vector<16xf32>, vector<16xf32>, vector<16xf32>, vector<16xf32>, vector<16xf32>, vector<16xf32>, vector<16xf32>, vector<16xf32>)  : i32 {
      %mul3A_313 = arith.constant 4 : i32
      %mul3A_314 = arith.muli %scan3A_304, %mul3A_313 : i32
      %add3A_315 = arith.constant 128 : i32
      %add3A_316 = arith.addi %add3A_315, %mul3A_314 : i32
      %add3A_317 = arith.constant 0 : i32
      %add3A_318 = arith.addi %add3A_316, %add3A_317 : i32
      %get3A = arith.index_cast %add3A_318 : i32 to index
      %get3A_319 = arith.constant 0 : index
      %get3A_320 = tpu.vector_load %arg7[%get3A, %get3A_319] {strides = array<i32>} : memref<200x128xf32, #tpu.memory_space<vmem>>, vector<1x16xf32>,
      %get3A_321 = vector.shape_cast %get3A_320 : vector<1x16xf32> to vector<16xf32>
      %add3A_322 = arith.addf %scan3A_305, %get3A_321 : vector<16xf32>
      %add3A_323 = arith.constant 0 : i32
      %add3A_324 = arith.addi %add3A_316, %add3A_323 : i32
      %get3A_325 = arith.index_cast %add3A_324 : i32 to index
      %get3A_326 = arith.constant 16 : index
      %get3A_327 = tpu.vector_load %arg7[%get3A_325, %get3A_326] {strides = array<i32>} : memref<200x128xf32, #tpu.memory_space<vmem>>, vector<1x16xf32>,
      %get3A_328 = vector.shape_cast %get3A_327 : vector<1x16xf32> to vector<16xf32>
      %add3A_329 = arith.addf %scan3A_306, %get3A_328 : vector<16xf32>
      %add3A_330 = arith.constant 0 : i32
      %add3A_331 = arith.addi %add3A_316, %add3A_330 : i32
      %get3A_332 = arith.index_cast %add3A_331 : i32 to index
      %get3A_333 = arith.constant 32 : index
      %get3A_334 = tpu.vector_load %arg7[%get3A_332, %get3A_333] {strides = array<i32>} : memref<200x128xf32, #tpu.memory_space<vmem>>, vector<1x16xf32>,
      %get3A_335 = vector.shape_cast %get3A_334 : vector<1x16xf32> to vector<16xf32>
      %add3A_336 = arith.addf %scan3A_307, %get3A_335 : vector<16xf32>
      %add3A_337 = arith.constant 0 : i32
      %add3A_338 = arith.addi %add3A_316, %add3A_337 : i32
      %get3A_339 = arith.index_cast %add3A_338 : i32 to index
      %get3A_340 = arith.constant 48 : index
      %get3A_341 = tpu.vector_load %arg7[%get3A_339, %get3A_340] {strides = array<i32>} : memref<200x128xf32, #tpu.memory_space<vmem>>, vector<1x16xf32>,
      %get3A_342 = vector.shape_cast %get3A_341 : vector<1x16xf32> to vector<16xf32>
      %add3A_343 = arith.addf %scan3A_308, %get3A_342 : vector<16xf32>
      %add3A_344 = arith.constant 0 : i32
      %add3A_345 = arith.addi %add3A_316, %add3A_344 : i32
      %get3A_346 = arith.index_cast %add3A_345 : i32 to index
      %get3A_347 = arith.constant 64 : index
      %get3A_348 = tpu.vector_load %arg7[%get3A_346, %get3A_347] {strides = array<i32>} : memref<200x128xf32, #tpu.memory_space<vmem>>, vector<1x16xf32>,
      %get3A_349 = vector.shape_cast %get3A_348 : vector<1x16xf32> to vector<16xf32>
      %add3A_350 = arith.addf %scan3A_309, %get3A_349 : vector<16xf32>
      %add3A_351 = arith.constant 0 : i32
      %add3A_352 = arith.addi %add3A_316, %add3A_351 : i32
      %get3A_353 = arith.index_cast %add3A_352 : i32 to index
      %get3A_354 = arith.constant 80 : index
      %get3A_355 = tpu.vector_load %arg7[%get3A_353, %get3A_354] {strides = array<i32>} : memref<200x128xf32, #tpu.memory_space<vmem>>, vector<1x16xf32>,
      %get3A_356 = vector.shape_cast %get3A_355 : vector<1x16xf32> to vector<16xf32>
      %add3A_357 = arith.addf %scan3A_310, %get3A_356 : vector<16xf32>
      %add3A_358 = arith.constant 0 : i32
      %add3A_359 = arith.addi %add3A_316, %add3A_358 : i32
      %get3A_360 = arith.index_cast %add3A_359 : i32 to index
      %get3A_361 = arith.constant 96 : index
      %get3A_362 = tpu.vector_load %arg7[%get3A_360, %get3A_361] {strides = array<i32>} : memref<200x128xf32, #tpu.memory_space<vmem>>, vector<1x16xf32>,
      %get3A_363 = vector.shape_cast %get3A_362 : vector<1x16xf32> to vector<16xf32>
      %add3A_364 = arith.addf %scan3A_311, %get3A_363 : vector<16xf32>
      %add3A_365 = arith.constant 0 : i32
      %add3A_366 = arith.addi %add3A_316, %add3A_365 : i32
      %get3A_367 = arith.index_cast %add3A_366 : i32 to index
      %get3A_368 = arith.constant 112 : index
      %get3A_369 = tpu.vector_load %arg7[%get3A_367, %get3A_368] {strides = array<i32>} : memref<200x128xf32, #tpu.memory_space<vmem>>, vector<1x16xf32>,
      %get3A_370 = vector.shape_cast %get3A_369 : vector<1x16xf32> to vector<16xf32>
      %add3A_371 = arith.addf %scan3A_312, %get3A_370 : vector<16xf32>
      %add3A_372 = arith.constant 1 : i32
      %add3A_373 = arith.addi %add3A_316, %add3A_372 : i32
      %get3A_374 = arith.index_cast %add3A_373 : i32 to index
      %get3A_375 = arith.constant 0 : index
      %get3A_376 = tpu.vector_load %arg7[%get3A_374, %get3A_375] {strides = array<i32>} : memref<200x128xf32, #tpu.memory_space<vmem>>, vector<1x16xf32>,
      %get3A_377 = vector.shape_cast %get3A_376 : vector<1x16xf32> to vector<16xf32>
      %add3A_378 = arith.addf %add3A_322, %get3A_377 : vector<16xf32>
      %add3A_379 = arith.constant 1 : i32
      %add3A_380 = arith.addi %add3A_316, %add3A_379 : i32
      %get3A_381 = arith.index_cast %add3A_380 : i32 to index
      %get3A_382 = arith.constant 16 : index
      %get3A_383 = tpu.vector_load %arg7[%get3A_381, %get3A_382] {strides = array<i32>} : memref<200x128xf32, #tpu.memory_space<vmem>>, vector<1x16xf32>,
      %get3A_384 = vector.shape_cast %get3A_383 : vector<1x16xf32> to vector<16xf32>
      %add3A_385 = arith.addf %add3A_329, %get3A_384 : vector<16xf32>
      %add3A_386 = arith.constant 1 : i32
      %add3A_387 = arith.addi %add3A_316, %add3A_386 : i32
      %get3A_388 = arith.index_cast %add3A_387 : i32 to index
      %get3A_389 = arith.constant 32 : index
      %get3A_390 = tpu.vector_load %arg7[%get3A_388, %get3A_389] {strides = array<i32>} : memref<200x128xf32, #tpu.memory_space<vmem>>, vector<1x16xf32>,
      %get3A_391 = vector.shape_cast %get3A_390 : vector<1x16xf32> to vector<16xf32>
      %add3A_392 = arith.addf %add3A_336, %get3A_391 : vector<16xf32>
      %add3A_393 = arith.constant 1 : i32
      %add3A_394 = arith.addi %add3A_316, %add3A_393 : i32
      %get3A_395 = arith.index_cast %add3A_394 : i32 to index
      %get3A_396 = arith.constant 48 : index
      %get3A_397 = tpu.vector_load %arg7[%get3A_395, %get3A_396] {strides = array<i32>} : memref<200x128xf32, #tpu.memory_space<vmem>>, vector<1x16xf32>,
      %get3A_398 = vector.shape_cast %get3A_397 : vector<1x16xf32> to vector<16xf32>
      %add3A_399 = arith.addf %add3A_343, %get3A_398 : vector<16xf32>
      %add3A_400 = arith.constant 1 : i32
      %add3A_401 = arith.addi %add3A_316, %add3A_400 : i32
      %get3A_402 = arith.index_cast %add3A_401 : i32 to index
      %get3A_403 = arith.constant 64 : index
      %get3A_404 = tpu.vector_load %arg7[%get3A_402, %get3A_403] {strides = array<i32>} : memref<200x128xf32, #tpu.memory_space<vmem>>, vector<1x16xf32>,
      %get3A_405 = vector.shape_cast %get3A_404 : vector<1x16xf32> to vector<16xf32>
      %add3A_406 = arith.addf %add3A_350, %get3A_405 : vector<16xf32>
      %add3A_407 = arith.constant 1 : i32
      %add3A_408 = arith.addi %add3A_316, %add3A_407 : i32
      %get3A_409 = arith.index_cast %add3A_408 : i32 to index
      %get3A_410 = arith.constant 80 : index
      %get3A_411 = tpu.vector_load %arg7[%get3A_409, %get3A_410] {strides = array<i32>} : memref<200x128xf32, #tpu.memory_space<vmem>>, vector<1x16xf32>,
      %get3A_412 = vector.shape_cast %get3A_411 : vector<1x16xf32> to vector<16xf32>
      %add3A_413 = arith.addf %add3A_357, %get3A_412 : vector<16xf32>
      %add3A_414 = arith.constant 1 : i32
      %add3A_415 = arith.addi %add3A_316, %add3A_414 : i32
      %get3A_416 = arith.index_cast %add3A_415 : i32 to index
      %get3A_417 = arith.constant 96 : index
      %get3A_418 = tpu.vector_load %arg7[%get3A_416, %get3A_417] {strides = array<i32>} : memref<200x128xf32, #tpu.memory_space<vmem>>, vector<1x16xf32>,
      %get3A_419 = vector.shape_cast %get3A_418 : vector<1x16xf32> to vector<16xf32>
      %add3A_420 = arith.addf %add3A_364, %get3A_419 : vector<16xf32>
      %add3A_421 = arith.constant 1 : i32
      %add3A_422 = arith.addi %add3A_316, %add3A_421 : i32
      %get3A_423 = arith.index_cast %add3A_422 : i32 to index
      %get3A_424 = arith.constant 112 : index
      %get3A_425 = tpu.vector_load %arg7[%get3A_423, %get3A_424] {strides = array<i32>} : memref<200x128xf32, #tpu.memory_space<vmem>>, vector<1x16xf32>,
      %get3A_426 = vector.shape_cast %get3A_425 : vector<1x16xf32> to vector<16xf32>
      %add3A_427 = arith.addf %add3A_371, %get3A_426 : vector<16xf32>
      %add3A_428 = arith.constant 2 : i32
      %add3A_429 = arith.addi %add3A_316, %add3A_428 : i32
      %get3A_430 = arith.index_cast %add3A_429 : i32 to index
      %get3A_431 = arith.constant 0 : index
      %get3A_432 = tpu.vector_load %arg7[%get3A_430, %get3A_431] {strides = array<i32>} : memref<200x128xf32, #tpu.memory_space<vmem>>, vector<1x16xf32>,
      %get3A_433 = vector.shape_cast %get3A_432 : vector<1x16xf32> to vector<16xf32>
      %add3A_434 = arith.addf %add3A_378, %get3A_433 : vector<16xf32>
      %add3A_435 = arith.constant 2 : i32
      %add3A_436 = arith.addi %add3A_316, %add3A_435 : i32
      %get3A_437 = arith.index_cast %add3A_436 : i32 to index
      %get3A_438 = arith.constant 16 : index
      %get3A_439 = tpu.vector_load %arg7[%get3A_437, %get3A_438] {strides = array<i32>} : memref<200x128xf32, #tpu.memory_space<vmem>>, vector<1x16xf32>,
      %get3A_440 = vector.shape_cast %get3A_439 : vector<1x16xf32> to vector<16xf32>
      %add3A_441 = arith.addf %add3A_385, %get3A_440 : vector<16xf32>
      %add3A_442 = arith.constant 2 : i32
      %add3A_443 = arith.addi %add3A_316, %add3A_442 : i32
      %get3A_444 = arith.index_cast %add3A_443 : i32 to index
      %get3A_445 = arith.constant 32 : index
      %get3A_446 = tpu.vector_load %arg7[%get3A_444, %get3A_445] {strides = array<i32>} : memref<200x128xf32, #tpu.memory_space<vmem>>, vector<1x16xf32>,
      %get3A_447 = vector.shape_cast %get3A_446 : vector<1x16xf32> to vector<16xf32>
      %add3A_448 = arith.addf %add3A_392, %get3A_447 : vector<16xf32>
      %add3A_449 = arith.constant 2 : i32
      %add3A_450 = arith.addi %add3A_316, %add3A_449 : i32
      %get3A_451 = arith.index_cast %add3A_450 : i32 to index
      %get3A_452 = arith.constant 48 : index
      %get3A_453 = tpu.vector_load %arg7[%get3A_451, %get3A_452] {strides = array<i32>} : memref<200x128xf32, #tpu.memory_space<vmem>>, vector<1x16xf32>,
      %get3A_454 = vector.shape_cast %get3A_453 : vector<1x16xf32> to vector<16xf32>
      %add3A_455 = arith.addf %add3A_399, %get3A_454 : vector<16xf32>
      %add3A_456 = arith.constant 2 : i32
      %add3A_457 = arith.addi %add3A_316, %add3A_456 : i32
      %get3A_458 = arith.index_cast %add3A_457 : i32 to index
      %get3A_459 = arith.constant 64 : index
      %get3A_460 = tpu.vector_load %arg7[%get3A_458, %get3A_459] {strides = array<i32>} : memref<200x128xf32, #tpu.memory_space<vmem>>, vector<1x16xf32>,
      %get3A_461 = vector.shape_cast %get3A_460 : vector<1x16xf32> to vector<16xf32>
      %add3A_462 = arith.addf %add3A_406, %get3A_461 : vector<16xf32>
      %add3A_463 = arith.constant 2 : i32
      %add3A_464 = arith.addi %add3A_316, %add3A_463 : i32
      %get3A_465 = arith.index_cast %add3A_464 : i32 to index
      %get3A_466 = arith.constant 80 : index
      %get3A_467 = tpu.vector_load %arg7[%get3A_465, %get3A_466] {strides = array<i32>} : memref<200x128xf32, #tpu.memory_space<vmem>>, vector<1x16xf32>,
      %get3A_468 = vector.shape_cast %get3A_467 : vector<1x16xf32> to vector<16xf32>
      %add3A_469 = arith.addf %add3A_413, %get3A_468 : vector<16xf32>
      %add3A_470 = arith.constant 2 : i32
      %add3A_471 = arith.addi %add3A_316, %add3A_470 : i32
      %get3A_472 = arith.index_cast %add3A_471 : i32 to index
      %get3A_473 = arith.constant 96 : index
      %get3A_474 = tpu.vector_load %arg7[%get3A_472, %get3A_473] {strides = array<i32>} : memref<200x128xf32, #tpu.memory_space<vmem>>, vector<1x16xf32>,
      %get3A_475 = vector.shape_cast %get3A_474 : vector<1x16xf32> to vector<16xf32>
      %add3A_476 = arith.addf %add3A_420, %get3A_475 : vector<16xf32>
      %add3A_477 = arith.constant 2 : i32
      %add3A_478 = arith.addi %add3A_316, %add3A_477 : i32
      %get3A_479 = arith.index_cast %add3A_478 : i32 to index
      %get3A_480 = arith.constant 112 : index
      %get3A_481 = tpu.vector_load %arg7[%get3A_479, %get3A_480] {strides = array<i32>} : memref<200x128xf32, #tpu.memory_space<vmem>>, vector<1x16xf32>,
      %get3A_482 = vector.shape_cast %get3A_481 : vector<1x16xf32> to vector<16xf32>
      %add3A_483 = arith.addf %add3A_427, %get3A_482 : vector<16xf32>
      %add3A_484 = arith.constant 3 : i32
      %add3A_485 = arith.addi %add3A_316, %add3A_484 : i32
      %get3A_486 = arith.index_cast %add3A_485 : i32 to index
      %get3A_487 = arith.constant 0 : index
      %get3A_488 = tpu.vector_load %arg7[%get3A_486, %get3A_487] {strides = array<i32>} : memref<200x128xf32, #tpu.memory_space<vmem>>, vector<1x16xf32>,
      %get3A_489 = vector.shape_cast %get3A_488 : vector<1x16xf32> to vector<16xf32>
      %add3A_490 = arith.addf %add3A_434, %get3A_489 : vector<16xf32>
      %add3A_491 = arith.constant 3 : i32
      %add3A_492 = arith.addi %add3A_316, %add3A_491 : i32
      %get3A_493 = arith.index_cast %add3A_492 : i32 to index
      %get3A_494 = arith.constant 16 : index
      %get3A_495 = tpu.vector_load %arg7[%get3A_493, %get3A_494] {strides = array<i32>} : memref<200x128xf32, #tpu.memory_space<vmem>>, vector<1x16xf32>,
      %get3A_496 = vector.shape_cast %get3A_495 : vector<1x16xf32> to vector<16xf32>
      %add3A_497 = arith.addf %add3A_441, %get3A_496 : vector<16xf32>
      %add3A_498 = arith.constant 3 : i32
      %add3A_499 = arith.addi %add3A_316, %add3A_498 : i32
      %get3A_500 = arith.index_cast %add3A_499 : i32 to index
      %get3A_501 = arith.constant 32 : index
      %get3A_502 = tpu.vector_load %arg7[%get3A_500, %get3A_501] {strides = array<i32>} : memref<200x128xf32, #tpu.memory_space<vmem>>, vector<1x16xf32>,
      %get3A_503 = vector.shape_cast %get3A_502 : vector<1x16xf32> to vector<16xf32>
      %add3A_504 = arith.addf %add3A_448, %get3A_503 : vector<16xf32>
      %add3A_505 = arith.constant 3 : i32
      %add3A_506 = arith.addi %add3A_316, %add3A_505 : i32
      %get3A_507 = arith.index_cast %add3A_506 : i32 to index
      %get3A_508 = arith.constant 48 : index
      %get3A_509 = tpu.vector_load %arg7[%get3A_507, %get3A_508] {strides = array<i32>} : memref<200x128xf32, #tpu.memory_space<vmem>>, vector<1x16xf32>,
      %get3A_510 = vector.shape_cast %get3A_509 : vector<1x16xf32> to vector<16xf32>
      %add3A_511 = arith.addf %add3A_455, %get3A_510 : vector<16xf32>
      %add3A_512 = arith.constant 3 : i32
      %add3A_513 = arith.addi %add3A_316, %add3A_512 : i32
      %get3A_514 = arith.index_cast %add3A_513 : i32 to index
      %get3A_515 = arith.constant 64 : index
      %get3A_516 = tpu.vector_load %arg7[%get3A_514, %get3A_515] {strides = array<i32>} : memref<200x128xf32, #tpu.memory_space<vmem>>, vector<1x16xf32>,
      %get3A_517 = vector.shape_cast %get3A_516 : vector<1x16xf32> to vector<16xf32>
      %add3A_518 = arith.addf %add3A_462, %get3A_517 : vector<16xf32>
      %add3A_519 = arith.constant 3 : i32
      %add3A_520 = arith.addi %add3A_316, %add3A_519 : i32
      %get3A_521 = arith.index_cast %add3A_520 : i32 to index
      %get3A_522 = arith.constant 80 : index
      %get3A_523 = tpu.vector_load %arg7[%get3A_521, %get3A_522] {strides = array<i32>} : memref<200x128xf32, #tpu.memory_space<vmem>>, vector<1x16xf32>,
      %get3A_524 = vector.shape_cast %get3A_523 : vector<1x16xf32> to vector<16xf32>
      %add3A_525 = arith.addf %add3A_469, %get3A_524 : vector<16xf32>
      %add3A_526 = arith.constant 3 : i32
      %add3A_527 = arith.addi %add3A_316, %add3A_526 : i32
      %get3A_528 = arith.index_cast %add3A_527 : i32 to index
      %get3A_529 = arith.constant 96 : index
      %get3A_530 = tpu.vector_load %arg7[%get3A_528, %get3A_529] {strides = array<i32>} : memref<200x128xf32, #tpu.memory_space<vmem>>, vector<1x16xf32>,
      %get3A_531 = vector.shape_cast %get3A_530 : vector<1x16xf32> to vector<16xf32>
      %add3A_532 = arith.addf %add3A_476, %get3A_531 : vector<16xf32>
      %add3A_533 = arith.constant 3 : i32
      %add3A_534 = arith.addi %add3A_316, %add3A_533 : i32
      %get3A_535 = arith.index_cast %add3A_534 : i32 to index
      %get3A_536 = arith.constant 112 : index
      %get3A_537 = tpu.vector_load %arg7[%get3A_535, %get3A_536] {strides = array<i32>} : memref<200x128xf32, #tpu.memory_space<vmem>>, vector<1x16xf32>,
      %get3A_538 = vector.shape_cast %get3A_537 : vector<1x16xf32> to vector<16xf32>
      %add3A_539 = arith.addf %add3A_483, %get3A_538 : vector<16xf32>
      scf.yield %add3A_490, %add3A_497, %add3A_504, %add3A_511, %add3A_518, %add3A_525, %add3A_532, %add3A_539 : vector<16xf32>, vector<16xf32>, vector<16xf32>, vector<16xf32>, vector<16xf32>, vector<16xf32>, vector<16xf32>, vector<16xf32>
    }
    %scan3A_231 = arith.constant 18 : i32
    %mul3A_232 = arith.constant 5.000000e-03 : f32
    %mul3A_233 = vector.broadcast %mul3A_232 : f32 to vector<16xf32>
    %mul3A_234 = arith.mulf %scan3A_230#0, %mul3A_233 : vector<16xf32>
    %swap3A_235 = arith.constant 127 : i32
    %swap3A_236 = arith.index_cast %swap3A_235 : i32 to index
    %swap3A_237 = arith.constant 0 : index
    %swap3A_238 = tpu.vector_load %arg9[%swap3A_236, %swap3A_237] {strides = array<i32>} : memref<128x128xf32, #tpu.memory_space<vmem>>, vector<1x16xf32>,
    %swap3A_239 = vector.shape_cast %swap3A_238 : vector<1x16xf32> to vector<16xf32>
    %swap3A_240 = vector.shape_cast %mul3A_234 : vector<16xf32> to vector<1x16xf32>
    tpu.vector_store %arg9[%swap3A_236, %swap3A_237], %swap3A_240 {strides = array<i32>} : memref<128x128xf32, #tpu.memory_space<vmem>>, vector<1x16xf32>,
    %mul3A_241 = arith.constant 5.000000e-03 : f32
    %mul3A_242 = vector.broadcast %mul3A_241 : f32 to vector<16xf32>
    %mul3A_243 = arith.mulf %scan3A_230#1, %mul3A_242 : vector<16xf32>
    %swap3A_244 = arith.constant 127 : i32
    %swap3A_245 = arith.index_cast %swap3A_244 : i32 to index
    %swap3A_246 = arith.constant 16 : index
    %swap3A_247 = tpu.vector_load %arg9[%swap3A_245, %swap3A_246] {strides = array<i32>} : memref<128x128xf32, #tpu.memory_space<vmem>>, vector<1x16xf32>,
    %swap3A_248 = vector.shape_cast %swap3A_247 : vector<1x16xf32> to vector<16xf32>
    %swap3A_249 = vector.shape_cast %mul3A_243 : vector<16xf32> to vector<1x16xf32>
    tpu.vector_store %arg9[%swap3A_245, %swap3A_246], %swap3A_249 {strides = array<i32>} : memref<128x128xf32, #tpu.memory_space<vmem>>, vector<1x16xf32>,
    %mul3A_250 = arith.constant 5.000000e-03 : f32
    %mul3A_251 = vector.broadcast %mul3A_250 : f32 to vector<16xf32>
    %mul3A_252 = arith.mulf %scan3A_230#2, %mul3A_251 : vector<16xf32>
    %swap3A_253 = arith.constant 127 : i32
    %swap3A_254 = arith.index_cast %swap3A_253 : i32 to index
    %swap3A_255 = arith.constant 32 : index
    %swap3A_256 = tpu.vector_load %arg9[%swap3A_254, %swap3A_255] {strides = array<i32>} : memref<128x128xf32, #tpu.memory_space<vmem>>, vector<1x16xf32>,
    %swap3A_257 = vector.shape_cast %swap3A_256 : vector<1x16xf32> to vector<16xf32>
    %swap3A_258 = vector.shape_cast %mul3A_252 : vector<16xf32> to vector<1x16xf32>
    tpu.vector_store %arg9[%swap3A_254, %swap3A_255], %swap3A_258 {strides = array<i32>} : memref<128x128xf32, #tpu.memory_space<vmem>>, vector<1x16xf32>,
    %mul3A_259 = arith.constant 5.000000e-03 : f32
    %mul3A_260 = vector.broadcast %mul3A_259 : f32 to vector<16xf32>
    %mul3A_261 = arith.mulf %scan3A_230#3, %mul3A_260 : vector<16xf32>
    %swap3A_262 = arith.constant 127 : i32
    %swap3A_263 = arith.index_cast %swap3A_262 : i32 to index
    %swap3A_264 = arith.constant 48 : index
    %swap3A_265 = tpu.vector_load %arg9[%swap3A_263, %swap3A_264] {strides = array<i32>} : memref<128x128xf32, #tpu.memory_space<vmem>>, vector<1x16xf32>,
    %swap3A_266 = vector.shape_cast %swap3A_265 : vector<1x16xf32> to vector<16xf32>
    %swap3A_267 = vector.shape_cast %mul3A_261 : vector<16xf32> to vector<1x16xf32>
    tpu.vector_store %arg9[%swap3A_263, %swap3A_264], %swap3A_267 {strides = array<i32>} : memref<128x128xf32, #tpu.memory_space<vmem>>, vector<1x16xf32>,
    %mul3A_268 = arith.constant 5.000000e-03 : f32
    %mul3A_269 = vector.broadcast %mul3A_268 : f32 to vector<16xf32>
    %mul3A_270 = arith.mulf %scan3A_230#4, %mul3A_269 : vector<16xf32>
    %swap3A_271 = arith.constant 127 : i32
    %swap3A_272 = arith.index_cast %swap3A_271 : i32 to index
    %swap3A_273 = arith.constant 64 : index
    %swap3A_274 = tpu.vector_load %arg9[%swap3A_272, %swap3A_273] {strides = array<i32>} : memref<128x128xf32, #tpu.memory_space<vmem>>, vector<1x16xf32>,
    %swap3A_275 = vector.shape_cast %swap3A_274 : vector<1x16xf32> to vector<16xf32>
    %swap3A_276 = vector.shape_cast %mul3A_270 : vector<16xf32> to vector<1x16xf32>
    tpu.vector_store %arg9[%swap3A_272, %swap3A_273], %swap3A_276 {strides = array<i32>} : memref<128x128xf32, #tpu.memory_space<vmem>>, vector<1x16xf32>,
    %mul3A_277 = arith.constant 5.000000e-03 : f32
    %mul3A_278 = vector.broadcast %mul3A_277 : f32 to vector<16xf32>
    %mul3A_279 = arith.mulf %scan3A_230#5, %mul3A_278 : vector<16xf32>
    %swap3A_280 = arith.constant 127 : i32
    %swap3A_281 = arith.index_cast %swap3A_280 : i32 to index
    %swap3A_282 = arith.constant 80 : index
    %swap3A_283 = tpu.vector_load %arg9[%swap3A_281, %swap3A_282] {strides = array<i32>} : memref<128x128xf32, #tpu.memory_space<vmem>>, vector<1x16xf32>,
    %swap3A_284 = vector.shape_cast %swap3A_283 : vector<1x16xf32> to vector<16xf32>
    %swap3A_285 = vector.shape_cast %mul3A_279 : vector<16xf32> to vector<1x16xf32>
    tpu.vector_store %arg9[%swap3A_281, %swap3A_282], %swap3A_285 {strides = array<i32>} : memref<128x128xf32, #tpu.memory_space<vmem>>, vector<1x16xf32>,
    %mul3A_286 = arith.constant 5.000000e-03 : f32
    %mul3A_287 = vector.broadcast %mul3A_286 : f32 to vector<16xf32>
    %mul3A_288 = arith.mulf %scan3A_230#6, %mul3A_287 : vector<16xf32>
    %swap3A_289 = arith.constant 127 : i32
    %swap3A_290 = arith.index_cast %swap3A_289 : i32 to index
    %swap3A_291 = arith.constant 96 : index
    %swap3A_292 = tpu.vector_load %arg9[%swap3A_290, %swap3A_291] {strides = array<i32>} : memref<128x128xf32, #tpu.memory_space<vmem>>, vector<1x16xf32>,
    %swap3A_293 = vector.shape_cast %swap3A_292 : vector<1x16xf32> to vector<16xf32>
    %swap3A_294 = vector.shape_cast %mul3A_288 : vector<16xf32> to vector<1x16xf32>
    tpu.vector_store %arg9[%swap3A_290, %swap3A_291], %swap3A_294 {strides = array<i32>} : memref<128x128xf32, #tpu.memory_space<vmem>>, vector<1x16xf32>,
    %mul3A_295 = arith.constant 5.000000e-03 : f32
    %mul3A_296 = vector.broadcast %mul3A_295 : f32 to vector<16xf32>
    %mul3A_297 = arith.mulf %scan3A_230#7, %mul3A_296 : vector<16xf32>
    %swap3A_298 = arith.constant 127 : i32
    %swap3A_299 = arith.index_cast %swap3A_298 : i32 to index
    %swap3A_300 = arith.constant 112 : index
    %swap3A_301 = tpu.vector_load %arg9[%swap3A_299, %swap3A_300] {strides = array<i32>} : memref<128x128xf32, #tpu.memory_space<vmem>>, vector<1x16xf32>,
    %swap3A_302 = vector.shape_cast %swap3A_301 : vector<1x16xf32> to vector<16xf32>
    %swap3A_303 = vector.shape_cast %mul3A_297 : vector<16xf32> to vector<1x16xf32>
    tpu.vector_store %arg9[%swap3A_299, %swap3A_300], %swap3A_303 {strides = array<i32>} : memref<128x128xf32, #tpu.memory_space<vmem>>, vector<1x16xf32>,
    "tpu.region"() ({
      %run_scoped3A = tpu.sem_alloc : memref<!tpu.dma_semaphore, #tpu.memory_space<semaphore_mem>>
      %dma_start3A_304 = arith.constant 0 : i32
      %dma_start3A_305 = tpu.memref_slice %arg4[%mul3A_2, %dma_start3A_304] : memref<4096x128xf32, #tpu.memory_space<hbm>> -> memref<128x128xf32, #tpu.memory_space<hbm>>
      %dma_start3A_306 = arith.constant 0 : i32
      %dma_start3A_307 = tpu.memref_slice %arg4[%mul3A_2, %dma_start3A_306] : memref<4096x128xf32, #tpu.memory_space<hbm>> -> memref<128x128xf32, #tpu.memory_space<hbm>>
      tpu.enqueue_dma source(%arg9 : memref<128x128xf32, #tpu.memory_space<vmem>>) target(%dma_start3A_307 : memref<128x128xf32, #tpu.memory_space<hbm>>) target_semaphore(%run_scoped3A : memref<!tpu.dma_semaphore, #tpu.memory_space<semaphore_mem>>)
      %dma_wait3A_308 = arith.constant 0 : i32
      %dma_wait3A_309 = tpu.memref_slice %arg4[%mul3A_2, %dma_wait3A_308] : memref<4096x128xf32, #tpu.memory_space<hbm>> -> memref<128x128xf32, #tpu.memory_space<hbm>>
      %dma_wait3A_310 = arith.constant 0 : i32
      %dma_wait3A_311 = tpu.memref_slice %arg4[%mul3A_2, %dma_wait3A_310] : memref<4096x128xf32, #tpu.memory_space<hbm>> -> memref<128x128xf32, #tpu.memory_space<hbm>>
      tpu.wait_dma2 semaphore(%run_scoped3A : memref<!tpu.dma_semaphore, #tpu.memory_space<semaphore_mem>>) src(%arg9 : memref<128x128xf32, #tpu.memory_space<vmem>>) dst(%dma_wait3A_311 : memref<128x128xf32, #tpu.memory_space<hbm>>)
      tpu.yield
    }) : () -> ()
    return
  }
}

</mosaic_0001>

<sc_bundles>
// kernel: kernel.3.cloned.1.call-start
scs
__scs_entry_jumppad:
0x0: {  	(pc) =	sbr.rel $0x88, $3  }
0x1: {  	(tag) =	ssettag $0x0;
	lr =	simm.s32 $0x1  }
0x2: {  	[smem:$0x3F9F] =	sst lr;
	_ =	strace $0xD0000000  }
0x3: {  	_ = 	snop  }
0x4: {  	_ = 	snop  }
0x5: {  	_ = 	snop  }
0x6: {  	_ = 	snop  }
0x7: {  	_ = 	snop  }
__scs_overlays_trampoline_lowered:
0x8: {  	[smem:$0x3FAE] =	sst s0  }
0x9: {  	[smem:$0x3FAF] =	sst s1  }
0xa: {  	[smem:$0x3FB0] =	sst s2  }
0xb: {  	[smem:$0x3FB1] =	sst s3  }
0xc: {  	[smem:$0x3FB2] =	sst s4  }
0xd: {  	[smem:$0x3FB3] =	sst s5  }
0xe: {  	[smem:$0x3FB4] =	sst s6  }
0xf: {  	[smem:$0x3FB5] =	sst s7  }
0x10: {  	[smem:$0x3FB6] =	sst s8  }
0x11: {  	[smem:$0x3FB7] =	sst s9;
	s0 =	simm.s32 @!p0 $0x0  }
0x12: {  	s1 =	sld [smem:$0x3F9D];
	s0 =	simm.s32 @p0 $0x1  }
0x13: {  	[smem:$0x3FB8] =	sst s0;
	s0 =	simm.s32 @!p1 $0x0  }
0x14: {  	s2 =	sld [smem:$0x3F9C];
	s0 =	simm.s32 @p1 $0x1  }
0x15: {  	[smem:$0x3FB9] =	sst s0;
	s0 =	simm.s32 @!p2 $0x0  }
0x16: {  	s3 =	sld [smem:$0x3FDB];
	s0 =	simm.s32 @p2 $0x1  }
0x17: {  	s4 =	simm.s32 $0x1BF5;
	[smem:$0x3FBB] =	sst s0  }
0x18: {  	s0 =	sld [smem:$0x3F9E];
	_ =	swait.ge [sflag:s4], $0x0  }
0x19: {  	s7 =	sld [smem:$0x3F9F]  }
0x1a: {  	s8 =	sadd.s32 $0xFFFFE003, lr  }
0x1b: {  	s9 =	sadd.s32 $0xFFFFFEF7, lr;
	s5 =	simm.s32 $0xFFFFFFFF;
	p2 =	slt.u32 s8, $0xFFFFF086  }
0x1c: {  	p1 =	slt.u32 s9, $0xF7A;
	s5 =	simm.s32 @!p2 $0x0  }
0x1d: {  	s5 =	simm.s32 @p1 $0x1;
	p0 =	seq.s32 s7, s2  }
0x1e: {  	s7 =	smul.u32 @!p0 $0xF7A, s2;
	p2 =	seq.s32 @!p0 s5, $0x0  }
0x1f: {  	s9 =	smul.u32 $0xF7A, s1;
	s8 =	simm.s32 @!p0 $0x1BF5;
	p2 =	por !p2, p0  }
0x20: {  	[sflag:s8] =	ssyncset.s32 @!p0 $0xFFFFF086;
	s6 =	sadd.s32 @!p0 s3, s7;
	s7 =	simm.s32 @!p0 $0x108  }
0x21: {  	s3 =	sadd.s32 s3, s9;
	s6 =	sadd.s32 @!p0 $0x88, s6;
	s7 =	simm.s32 @p2 $0x1082  }
0x22: {  	[simem:s7], [sflag:s8] =	dma.local @!p0 [hbm:s6], $0xF7A  }
0x23: {  	s9 =	sor.u32 $0xD0000000, s2;
	s6 =	simm.s32 $0x108;
	_ =	swait.ge @!p0 [sflag:s8], $0x0  }
0x24: {  	s3 =	sadd.s32 $0x88, s3;
	s6 =	simm.s32 @!p1 $0x1082;
	[sflag:s4] =	ssyncset.s32 $0xFFFFF086  }
0x25: {  	[simem:s6], [sflag:s4] =	dma.local [hbm:s3], $0xF7A  }
0x26: {  	[smem:$0x3F9F] =	sst s1;
	(tag) =	ssettag s2;
	_ =	strace s9  }
0x27: {  	s1 =	sld [smem:$0x3FAF]  }
0x28: {  	s2 =	sld [smem:$0x3FB0]  }
0x29: {  	s4 =	sld [smem:$0x3FB2]  }
0x2a: {  	p0 =	seq.s32 s5, $0x0;
	s5 =	sld [smem:$0x3FB3]  }
0x2b: {  	s6 =	sld [smem:$0x3FB4]  }
0x2c: {  	s7 =	sld [smem:$0x3FB5]  }
0x2d: {  	s3 =	simm.s32 $0x108;
	s8 =	sld [smem:$0x3FB6]  }
0x2e: {  	s3 =	simm.s32 @!p0 $0x1082;
	s9 =	sld [smem:$0x3FB7]  }
0x2f: {  	lr =	sadd.s32 s0, s3;
	s0 =	sld [smem:$0x3FAE]  }
0x30: {  	s3 =	sld [smem:$0x3FB1]  }
0x31: {  	[smem:$0x3FBA] =	sst s10  }
0x32: {  	s10 =	sld [smem:$0x3FB8];
	_ =	sdelay $0x3  }
0x33: {  	p0 =	seq.s32 s10, $0x1;
	s10 =	sld [smem:$0x3FBA];
	_ =	sdelay $0x3  }
0x34: {  	[smem:$0x3FBA] =	sst s10  }
0x35: {  	s10 =	sld [smem:$0x3FB9];
	_ =	sdelay $0x3  }
0x36: {  	p1 =	seq.s32 s10, $0x1;
	s10 =	sld [smem:$0x3FBA];
	_ =	sdelay $0x3  }
0x37: {  	[smem:$0x3FBA] =	sst s10  }
0x38: {  	s10 =	sld [smem:$0x3FBB]  }
0x39: {  	_ = 	snop;
	(pc) =	sbr.ind lr, $3  }
0x3a: {  	_ = 	snop  }
0x3b: {  	_ = 	snop  }
0x3c: {  	p2 =	seq.s32 s10, $0x1;
	s10 =	sld [smem:$0x3FBA]  }
0x3d: {  	_ =	shalt  }
0x3e: {  	_ =	shalt  }
0x3f: {  	_ =	shalt  }
0x40: {  	_ =	shalt  }
0x41: {  	_ =	shalt  }
0x42: {  	_ =	shalt  }
0x43: {  	_ =	shalt  }
0x44: {  	_ =	shalt  }
0x45: {  	_ =	shalt  }
0x46: {  	_ =	shalt  }
0x47: {  	_ =	shalt  }
0x48: {  	_ =	shalt  }
0x49: {  	_ =	shalt  }
0x4a: {  	_ =	shalt  }
0x4b: {  	_ =	shalt  }
0x4c: {  	_ =	shalt  }
0x4d: {  	_ =	shalt  }
0x4e: {  	_ =	shalt  }
0x4f: {  	_ =	shalt  }
0x50: {  	_ =	shalt  }
0x51: {  	_ =	shalt  }
0x52: {  	_ =	shalt  }
0x53: {  	_ =	shalt  }
0x54: {  	_ =	shalt  }
0x55: {  	_ =	shalt  }
0x56: {  	_ =	shalt  }
0x57: {  	_ =	shalt  }
0x58: {  	_ =	shalt  }
0x59: {  	_ =	shalt  }
0x5a: {  	_ =	shalt  }
0x5b: {  	_ =	shalt  }
0x5c: {  	_ =	shalt  }
0x5d: {  	_ =	shalt  }
0x5e: {  	_ =	shalt  }
0x5f: {  	_ =	shalt  }
0x60: {  	_ =	shalt  }
0x61: {  	_ =	shalt  }
0x62: {  	_ =	shalt  }
0x63: {  	_ =	shalt  }
0x64: {  	_ =	shalt  }
0x65: {  	_ =	shalt  }
0x66: {  	_ =	shalt  }
0x67: {  	_ =	shalt  }
0x68: {  	_ =	shalt  }
0x69: {  	_ =	shalt  }
0x6a: {  	_ =	shalt  }
0x6b: {  	_ =	shalt  }
0x6c: {  	_ =	shalt  }
0x6d: {  	_ =	shalt  }
0x6e: {  	_ =	shalt  }
0x6f: {  	_ =	shalt  }
0x70: {  	_ =	shalt  }
0x71: {  	_ =	shalt  }
0x72: {  	_ =	shalt  }
0x73: {  	_ =	shalt  }
0x74: {  	_ =	shalt  }
0x75: {  	_ =	shalt  }
0x76: {  	_ =	shalt  }
0x77: {  	_ =	shalt  }
0x78: {  	_ =	shalt  }
0x79: {  	_ =	shalt  }
0x7a: {  	_ =	shalt  }
0x7b: {  	_ =	shalt  }
0x7c: {  	_ =	shalt  }
0x7d: {  	_ =	shalt  }
0x7e: {  	_ =	shalt  }
0x7f: {  	_ =	shalt  }
0x80: {  	_ =	shalt  }
0x81: {  	_ =	shalt  }
0x82: {  	_ =	shalt  }
0x83: {  	_ =	shalt  }
0x84: {  	_ =	shalt  }
0x85: {  	_ =	shalt  }
0x86: {  	_ =	shalt  }
0x87: {  	_ =	shalt  }
.Lfunc_end0:
.L_simem_size_0:
called_computation_lowered:
.L_overlay_start_0:
0x88: {  	s2 =	sld [smem:$0x3FD9]  }
0x89: {  	s3 =	sld [smem:$0x3FFE];
	_ =	sdelay $0x1  }
0x8a: {  	s1 =	srdreg.scid  }
0x8b: {  	s0 =	sand.u32 $0x1, s1  }
0x8c: {  	s17 =	sshll.u32 s0, $0xA;
	s2 =	sadd.s32 s3, s2  }
0x8d: {  	s2 =	sadd.s32 s2, s17  }
0x8e: {  	[smem:$0x3FC6] =	sst s2  }
0x8f: {  	_ = 	snop  }
0x90: {  	s2 =	sld [smem:$0x3FC8]  }
0x91: {  	s18 =	sld [smem:$0x3FD0];
	(tm) =	ssettm $0x1  }
0x92: {  	s4 =	sld [smem:$0x3FFB];
	_ =	sdelay $0x3  }
0x93: {  	_ =	strace s4  }
0x94: {  	s4 =	sld [smem:$0x3FFC];
	_ =	sdelay $0x3  }
0x95: {  	_ =	strace s4  }
0x96: {  	s4 =	sld [smem:$0x3FFD];
	_ =	sdelay $0x3  }
0x97: {  	_ =	strace s4  }
0x98: {  	_ =	strace $0x8FFFFFFF  }
0x99: {  	s19 =	sld [smem:$0x3FDB];
	_ =	sdelay $0x1  }
0x9a: {  	s5 =	simm.s32 $_scs_section_size  }
0x9b: {  	s6 =	simm.s32 $_size__tile_overlayer_lowered;
	s7 =	simm.s32 $_tile_overlayer_lowered  }
0x9c: {  	s22 =	simm.s32 $0x1BFF;
	s21 =	sshll.u32 s7, $0x1;
	s4 =	sadd.s32 s5, s19  }
0x9d: {  	s8 =	simm.s32 $0x0;
	s20 =	sshll.u32 s6, $0x1;
	s6 =	sadd.s32 s21, s4  }
0x9e: {  	[timem:s8], [sflag:s22] =	dma.local [hbm:s6], s20  }
0x9f: {  	_ =	swait.ge [sflag:s22], s20  }
0xa0: {  	s5 =	ssub.s32 $0x0, s20;
	[sflag:s22] =	ssyncset.done $0x0  }
0xa1: {  	[sflag:s22] =	ssyncadd.s32 s5;
	_ =	sdelay $0x1  }
0xa2: {  	s23 =	simm.s32 $0x1B8B  }
0xa3: {  	_ =	swait.ge [sflag:s23], $0x1  }
0xa4: {  	[sflag:s23] =	ssyncset.done $0x0  }
0xa5: {  	s25 =	simm.s32 $0x1B8E;
	s24 =	sld [smem:$0x3FFE];
	[sflag:s23] =	ssyncadd.s32 $0xFFFFFFFF  }
0xa6: {  	s26 =	simm.s32 $execute0_lowered;
	[smem:$0x3FD2] =	sst s25  }
0xa7: {  	s6 =	sshll.u32 s26, $0x1;
	_ =	strace $0x80000046;
	[dreg:$0x1] =	wrdreg $0xFFFFFFFF  }
0xa8: {  	s28 =	simm.s32 $_size_execute0_lowered;
	s4 =	sadd.s32 s4, s6;
	[dreg:$0x0] =	wrdreg $0x0  }
0xa9: {  	s6 =	sshll.u32 s28, $0x1;
	[dreg:$0x2] =	wrdreg s4  }
0xaa: {  	[dreg:$0x3] =	wrdreg s6  }
0xab: {  	[dreg:$0x4] =	wrdreg $0xC0  }
0xac: {  	_ =	task [dreg:s8], $0x5FFFF  }
0xad: {  	[dreg:$0x1] =	wrdreg $0xFFFFFFFF  }
0xae: {  	[dreg:$0x0] =	wrdreg $0x60  }
0xaf: {  	[dreg:$0x2] =	wrdreg s24  }
0xb0: {  	[dreg:$0x3] =	wrdreg s2  }
0xb1: {  	[dreg:$0x4] =	wrdreg s18  }
0xb2: {  	[dreg:$0x5] =	wrdreg $0x9  }
0xb3: {  	_ =	task.clear_ibuf [dreg:s8], $0x6FFFF;
	_ =	strace $0x90000046  }
0xb4: {  	s29 =	simm.s32 $0x9;
	_ =	strace $0x80000048  }
0xb5: {  	_ =	swait.ge [sflag:s29], $0x1  }
0xb6: {  	[sflag:s29] =	ssyncadd.s32 $0xFFFFFFFF  }
0xb7: {  	_ =	strace $0x90000048  }
0xb8: {  	_ =	sfence  }
0xb9: {  	s30 =	sld [smem:$0x0];
	_ =	sdelay $0x2  }
0xba: {  	s31 =	sshll.u32 s1, $0xD;
	s1 =	sshrl.u32 s1, $0x2  }
0xbb: {  	s3 =	sand.u32 $0x4000, s31;
	s1 =	sadd.s32 s1, s30  }
0xbc: {  	s0 =	sor.u32 s3, s0;
	s1 =	sshll.u32 s1, $0x11  }
0xbd: {  	s0 =	sor.u32 s1, s0  }
0xbe: {  	s0 =	sadd.s32 $0x8F2B, s0  }
0xbf: {  	[sflag:s0] =	ssyncadd.remote.s32 $0x1  }
0xc0: {  	_ =	sfence.sel $0xFFFF  }
0xc1: {  	[dreg:$0x0] =	wrdreg $0xFFFFFFFF;
	(pc) =	sbr.abs _section_cstart, $3  }
0xc2: {  	[dreg:$0x1] =	wrdreg $0xFFFFFFFF  }
0xc3: {  	_ =	task.clear_ibuf [dreg:s8], $0x2FFFF;
	_ =	strace $0x9FFFFFFF  }
0xc4: {  	(tm) =	ssettm $0x7FFFFFFF  }
0xc5: {  	_ =	shalt  }
tec
execute0_lowered:
.L_overlay_start_1:
0x0: {  	(tag) =	ssettag $0x1  }
0x1: {  	s0 =	rddreg [dreg:$0x0]  }
0x2: {  	s2 =	rddreg [dreg:$0x1]  }
0x3: {  	s1 =	rddreg [dreg:$0x2]  }
0x4: {  	s3 =	srdreg.scid;
	s5 =	stileid.u32  }
0x5: {  	s8 =	simm.s32 $0x80;
	s9 =	simm.s32 $0x8000;
	s10 =	simm.s32 $0x48  }
0x6: {  	s12 =	simm.s32 $0xC000;
	s13 =	simm.s32 $0xE400;
	s14 =	simm.s32 $0x480  }
0x7: {  	s15 =	simm.s32 $0x12400;
	s16 =	simm.s32 $0x100;
	s17 =	simm.s32 $0x14800  }
0x8: {  	s18 =	simm.s32 $0x500;
	s19 =	simm.s32 $0x18800;
	s20 =	simm.s32 $0x1  }
0x9: {  	s21 =	simm.s32 $0x2;
	s22 =	simm.s32 $0x3;
	s23 =	simm.s32 $0x4  }
0xa: {  	s24 =	simm.s32 $0x5;
	s25 =	simm.s32 $0x6;
	s26 =	simm.s32 $0x1AC00  }
0xb: {  	s28 =	simm.s32 $0x0;
	s4 =	sand.u32 $0x1, s3;
	s3 =	simm.s32 $0x0  }
0xc: {  	s5 =	sshll.u32 s5, $0x8;
	s6 =	sshll.u32 s4, $0x7;
	s4 =	ssub.s32 $0x2, s4  }
0xd: {  	[smem:$0x7FF] =	sst s3;
	s5 =	sor.u32 s6, s5;
	s7 =	sshrl.u32 s4, $0x1  }
0xe: {  	_ =	strace $0x80000047;
	s6 =	sshll.u32 s5, $0x5;
	s31 =	ssub.s32 s4, s7  }
0xf: {  	s5 =	sshll.u32 s5, $0x4;
	s7 =	simm.s32 $0x7;
	s0 =	sadd.s32 s6, s0  }
0x10: {  	s5 =	sadd.s32 s1, s5;
	s6 =	smax.u32 s31, $0x1;
	s4 =	sadd.s32 $0x400, s0  }
.LBB2_1:
0x11: {  	[tilespmem:s3], [sflag:$0x7] =	stream.linear.gather [hbm4b:s4+s3], $0x8000, $0x38;
	[tilespmem:$0x1EC00] =	vst v63  }
0x12: {  	_ =	swait.ge [sflag:s7], $0x8000  }
0x13: {  	[sflag:s7] =	ssyncset.done $0x0  }
0x14: {  	[sflag:s7] =	ssyncadd.s32 $0xFFFF8000  }
0x15: {  	[tilespmem:s9], [sflag:$0x1] =	stream.indirect.gather [hbm4b:s2+s8], $0x80, s3, s8, $0xb8;
	[tilespmem:$0x1EC00] =	vst v63  }
0x16: {  	s0 =	simm.s32 $0x400  }
0x17: {  	[tilespmem:s12], [sflag:$0x2] =	stream.indirect.gather [hbm4b:s2+s10], $0x80, s0, s10, $0xb8;
	[tilespmem:$0x1EC00] =	vst v63  }
0x18: {  	_ = 	snop  }
0x19: {  	[tilespmem:s13], [sflag:$0x3] =	stream.indirect.gather [hbm4b:s2+s8], $0x80, s8, s8, $0xb8;
	[tilespmem:$0x1EC00] =	vst v63  }
0x1a: {  	_ = 	snop  }
0x1b: {  	[tilespmem:s15], [sflag:$0x4] =	stream.indirect.gather [hbm4b:s2+s10], $0x80, s14, s10, $0xb8;
	[tilespmem:$0x1EC00] =	vst v63  }
0x1c: {  	_ = 	snop  }
0x1d: {  	[tilespmem:s17], [sflag:$0x5] =	stream.indirect.gather [hbm4b:s2+s8], $0x80, s16, s8, $0xb8;
	[tilespmem:$0x1EC00] =	vst v63  }
0x1e: {  	s29 =	simm.s32 $0x0  }
0x1f: {  	[tilespmem:s19], [sflag:$0x6] =	stream.indirect.gather [hbm4b:s2+s10], $0x80, s18, s10, $0xb8;
	[tilespmem:$0x1EC00] =	vst v63  }
.LBB2_2:
0x20: {  	_ =	swait.ge [sflag:s20], $0x4000  }
0x21: {  	[sflag:s20] =	ssyncset.done $0x0  }
0x22: {  	s0 =	simm.s32 $0x0;
	[sflag:s20] =	ssyncadd.s32 $0xFFFFC000  }
0x23: {  	v5 =	vld [tilespmem:s0+$0x8180]  }
0x24: {  	v11 =	vld [tilespmem:s0+$0x8190]  }
0x25: {  	v12 =	vld [tilespmem:s0+$0x81A0]  }
0x26: {  	v13 =	vld [tilespmem:s0+$0x81B0]  }
0x27: {  	v2 =	vld [tilespmem:s0+$0x81C0]  }
0x28: {  	v3 =	vld [tilespmem:s0+$0x81D0]  }
0x29: {  	v22 =	vld [tilespmem:s0+$0x8100]  }
0x2a: {  	v24 =	vld [tilespmem:s0+$0x8110]  }
0x2b: {  	v4 =	vld [tilespmem:s0+$0x8120]  }
0x2c: {  	v23 =	vld [tilespmem:s0+$0x8130]  }
0x2d: {  	v8 =	vld [tilespmem:s0+$0x8140]  }
0x2e: {  	v0 =	vld [tilespmem:s0+$0x8080]  }
0x2f: {  	v1 =	vld [tilespmem:s0+$0x8090]  }
0x30: {  	v6 =	vld [tilespmem:s0+$0x8000]  }
0x31: {  	v7 =	vld [tilespmem:s0+$0x8010]  }
0x32: {  	v9 =	vld [tilespmem:s0+$0x8020]  }
0x33: {  	v10 =	vld [tilespmem:s0+$0x8030]  }
0x34: {  	v16 =	vld [tilespmem:s0+$0x80A0]  }
0x35: {  	v17 =	vld [tilespmem:s0+$0x80B0]  }
0x36: {  	v15 =	vimm.f32 $0.0e+00;
	v14 =	vld [tilespmem:s0+$0x8150]  }
0x37: {  	v25 =	vld [tilespmem:s0+$0x80C0];
	v6 =	vadd.f32 v6, v15  }
0x38: {  	v26 =	vld [tilespmem:s0+$0x80D0];
	v7 =	vadd.f32 v7, v15;
	v9 =	vadd.f32 v9, v15  }
0x39: {  	v27 =	vld [tilespmem:s0+$0x8040];
	v10 =	vadd.f32 v10, v15;
	v30 =	vadd.f32 v0, v6  }
0x3a: {  	v18 =	vimm.f32 $0.0e+00;
	v28 =	vld [tilespmem:s0+$0x8050];
	v31 =	vadd.f32 v1, v7;
	v32 =	vadd.f32 v16, v9  }
0x3b: {  	s30 =	simm.s32 $0x800;
	v29 =	vld [tilespmem:s0+$0x8060];
	v33 =	vadd.f32 v17, v10;
	v16 =	vimm.f32 $0.0e+00;
	v17 =	vimm.f32 $0.0e+00  }
.LBB2_3:
0x3c: {  	p0 =	sne.s32 s30, $0xF800;
	v0 =	vld [tilespmem:s0+$0x8070];
	v1 =	vadd.f32 v22, v30;
	v6 =	vadd.f32 v24, v31  }
0x3d: {  	v7 =	vld [tilespmem:s0+$0x80E0];
	v4 =	vadd.f32 v4, v32;
	v9 =	vadd.f32 v23, v33  }
0x3e: {  	v10 =	vld [tilespmem:s0+$0x80F0];
	v1 =	vadd.f32 v5, v1;
	v6 =	vadd.f32 v11, v6  }
0x3f: {  	v19 =	vld [tilespmem:s0+$0x8160];
	v20 =	vadd.f32 v12, v4;
	v9 =	vadd.f32 v13, v9  }
0x40: {  	v4 =	vadd.f32 v27, v15;
	v5 =	vadd.f32 v28, v18;
	v13 =	vld [tilespmem:s0+$0x8170]  }
0x41: {  	v11 =	vadd.f32 v29, v16;
	v0 =	vadd.f32 v0, v17;
	v16 =	vld [tilespmem:s0+$0x81E0]  }
0x42: {  	v4 =	vadd.f32 v25, v4;
	v12 =	vadd.f32 v26, v5;
	v17 =	vld [tilespmem:s0+$0x81F0];
	s0 =	sshra.s32 s30, $0x2  }
0x43: {  	v7 =	vadd.f32 v7, v11;
	v5 =	vld [tilespmem:s0+$0x8180];
	v0 =	vadd.f32 v10, v0  }
0x44: {  	v4 =	vadd.f32 v8, v4;
	v8 =	vadd.f32 v14, v12;
	v11 =	vld [tilespmem:s0+$0x8190]  }
0x45: {  	v7 =	vadd.f32 v19, v7;
	v12 =	vld [tilespmem:s0+$0x81A0];
	v0 =	vadd.f32 v13, v0  }
0x46: {  	v15 =	vadd.f32 v2, v4;
	v18 =	vadd.f32 v3, v8;
	v13 =	vld [tilespmem:s0+$0x81B0]  }
0x47: {  	v16 =	vadd.f32 v16, v7;
	v2 =	vld [tilespmem:s0+$0x81C0];
	v17 =	vadd.f32 v17, v0  }
0x48: {  	v3 =	vld [tilespmem:s0+$0x81D0]  }
0x49: {  	v22 =	vld [tilespmem:s0+$0x8100]  }
0x4a: {  	v24 =	vld [tilespmem:s0+$0x8110]  }
0x4b: {  	v4 =	vld [tilespmem:s0+$0x8120]  }
0x4c: {  	v23 =	vld [tilespmem:s0+$0x8130]  }
0x4d: {  	v8 =	vld [tilespmem:s0+$0x8140]  }
0x4e: {  	v14 =	vld [tilespmem:s0+$0x8150]  }
0x4f: {  	v0 =	vld [tilespmem:s0+$0x8080]  }
0x50: {  	v7 =	vld [tilespmem:s0+$0x8090]  }
0x51: {  	v10 =	vld [tilespmem:s0+$0x8000]  }
0x52: {  	v19 =	vld [tilespmem:s0+$0x8010]  }
0x53: {  	v21 =	vld [tilespmem:s0+$0x8020]  }
0x54: {  	v27 =	vld [tilespmem:s0+$0x8030]  }
0x55: {  	v32 =	vld [tilespmem:s0+$0x80A0]  }
0x56: {  	v33 =	vld [tilespmem:s0+$0x80B0]  }
.Ltmp0:
0x57: {  	v25 =	vld [tilespmem:s0+$0x80C0];
	(pc) =	sbr.rel @p0 .LBB2_3-.Ltmp0, $4  }
0x58: {  	v1 =	vadd.f32 v10, v1;
	v6 =	vadd.f32 v19, v6;
	v26 =	vld [tilespmem:s0+$0x80D0]  }
0x59: {  	v10 =	vadd.f32 v21, v20;
	v9 =	vadd.f32 v27, v9;
	v27 =	vld [tilespmem:s0+$0x8040]  }
0x5a: {  	v30 =	vadd.f32 v0, v1;
	v31 =	vadd.f32 v7, v6;
	v28 =	vld [tilespmem:s0+$0x8050]  }
0x5b: {  	s30 =	sadd.s32 $0x800, s30;
	v32 =	vadd.f32 v32, v10;
	v29 =	vld [tilespmem:s0+$0x8060];
	v33 =	vadd.f32 v33, v9  }
0x5c: {  	v34 =	vld [tilespmem:s0+$0x8070]  }
0x5d: {  	v35 =	vld [tilespmem:s0+$0x80E0]  }
0x5e: {  	v36 =	vld [tilespmem:s0+$0x80F0]  }
0x5f: {  	v37 =	vld [tilespmem:s0+$0x8160]  }
0x60: {  	v38 =	vld [tilespmem:s0+$0x8170]  }
0x61: {  	v39 =	vld [tilespmem:s0+$0x81E0]  }
0x62: {  	v40 =	vld [tilespmem:s0+$0x81F0];
	_ =	swait.ge [sflag:s21], $0x2400  }
0x63: {  	[sflag:s21] =	ssyncset.done $0x0  }
0x64: {  	s0 =	simm.s32 $0x0;
	[sflag:s21] =	ssyncadd.s32 $0xFFFFDC00  }
0x65: {  	v6 =	vld [tilespmem:s0+$0xC180]  }
0x66: {  	v10 =	vld [tilespmem:s0+$0xC190]  }
0x67: {  	v9 =	vld [tilespmem:s0+$0xC1A0]  }
0x68: {  	v7 =	vld [tilespmem:s0+$0xC1B0]  }
0x69: {  	v0 =	vld [tilespmem:s0+$0xC1C0]  }
0x6a: {  	v1 =	vld [tilespmem:s0+$0xC1D0]  }
0x6b: {  	v20 =	vld [tilespmem:s0+$0xC100]  }
0x6c: {  	v21 =	vld [tilespmem:s0+$0xC110]  }
0x6d: {  	v19 =	vld [tilespmem:s0+$0xC120]  }
0x6e: {  	v30 =	vadd.f32 v22, v30;
	v24 =	vadd.f32 v24, v31;
	v22 =	vld [tilespmem:s0+$0xC130]  }
0x6f: {  	v62 =	vadd.f32 v4, v32;
	v23 =	vadd.f32 v23, v33;
	v4 =	vld [tilespmem:s0+$0xC140]  }
0x70: {  	v30 =	vadd.f32 v5, v30;
	v24 =	vadd.f32 v11, v24;
	v5 =	vld [tilespmem:s0+$0xC150]  }
0x71: {  	v11 =	vadd.f32 v27, v15;
	v31 =	vadd.f32 v12, v62;
	v63 =	vld [tilespmem:s0+$0xC080]  }
0x72: {  	v23 =	vadd.f32 v13, v23;
	v12 =	vadd.f32 v28, v18;
	v15 =	vld [tilespmem:s0+$0xC090]  }
0x73: {  	v18 =	vld [tilespmem:s0+$0xC010];
	v13 =	vadd.f32 v29, v16;
	v11 =	vadd.f32 v25, v11  }
0x74: {  	v25 =	vld [tilespmem:s0+$0xC020];
	v16 =	vadd.f32 v34, v17;
	v12 =	vadd.f32 v26, v12  }
0x75: {  	v17 =	vld [tilespmem:s0+$0xC000];
	v13 =	vadd.f32 v35, v13;
	v8 =	vadd.f32 v8, v11  }
0x76: {  	v16 =	vadd.f32 v36, v16;
	v12 =	vadd.f32 v14, v12;
	v14 =	vld [tilespmem:s0+$0xC030]  }
0x77: {  	v27 =	vld [tilespmem:s0+$0xC0B0];
	v13 =	vadd.f32 v37, v13;
	v11 =	vadd.f32 v2, v8  }
0x78: {  	v26 =	vld [tilespmem:s0+$0xC0A0];
	v18 =	vadd.f32 v18, v24;
	v16 =	vadd.f32 v38, v16  }
0x79: {  	v8 =	vadd.f32 v3, v12;
	v12 =	vld [tilespmem:s0+$0xC0C0];
	v24 =	vadd.f32 v25, v31  }
0x7a: {  	v3 =	vadd.f32 v39, v13;
	v17 =	vadd.f32 v17, v30;
	v13 =	vld [tilespmem:s0+$0xC0D0]  }
0x7b: {  	v18 =	vadd.f32 v15, v18;
	v15 =	vld [tilespmem:s0+$0xC060];
	v25 =	vadd.f32 v14, v23  }
0x7c: {  	v2 =	vadd.f32 v40, v16;
	v16 =	vld [tilespmem:s0+$0xC040];
	v17 =	vadd.f32 v63, v17  }
0x7d: {  	s1 =	simm.s32 $0x800;
	v14 =	vld [tilespmem:s0+$0xC050];
	v23 =	vadd.f32 v26, v24;
	v24 =	vadd.f32 v27, v25  }
.LBB2_5:
0x7e: {  	p0 =	sne.s32 s1, $0x8800;
	v25 =	vld [tilespmem:s0+$0xC070];
	v17 =	vadd.f32 v20, v17;
	v18 =	vadd.f32 v21, v18  }
0x7f: {  	v20 =	vld [tilespmem:s0+$0xC0E0];
	v19 =	vadd.f32 v19, v23;
	v21 =	vadd.f32 v22, v24  }
0x80: {  	v22 =	vld [tilespmem:s0+$0xC0F0];
	v17 =	vadd.f32 v6, v17;
	v18 =	vadd.f32 v10, v18  }
0x81: {  	v23 =	vld [tilespmem:s0+$0xC160];
	v24 =	vadd.f32 v9, v19;
	v26 =	vadd.f32 v7, v21  }
0x82: {  	v6 =	vadd.f32 v16, v11;
	v7 =	vadd.f32 v14, v8;
	v8 =	vld [tilespmem:s0+$0xC170]  }
0x83: {  	v3 =	vadd.f32 v15, v3;
	v2 =	vadd.f32 v25, v2;
	v14 =	vld [tilespmem:s0+$0xC1E0]  }
0x84: {  	v9 =	vadd.f32 v12, v6;
	v7 =	vadd.f32 v13, v7;
	v12 =	vld [tilespmem:s0+$0xC1F0];
	s0 =	sshra.s32 s1, $0x2  }
0x85: {  	v3 =	vadd.f32 v20, v3;
	v6 =	vld [tilespmem:s0+$0xC180];
	v2 =	vadd.f32 v22, v2  }
0x86: {  	v4 =	vadd.f32 v4, v9;
	v5 =	vadd.f32 v5, v7;
	v10 =	vld [tilespmem:s0+$0xC190]  }
0x87: {  	v3 =	vadd.f32 v23, v3;
	v9 =	vld [tilespmem:s0+$0xC1A0];
	v2 =	vadd.f32 v8, v2  }
0x88: {  	v11 =	vadd.f32 v0, v4;
	v8 =	vadd.f32 v1, v5;
	v7 =	vld [tilespmem:s0+$0xC1B0]  }
0x89: {  	v3 =	vadd.f32 v14, v3;
	v0 =	vld [tilespmem:s0+$0xC1C0];
	v2 =	vadd.f32 v12, v2  }
0x8a: {  	v1 =	vld [tilespmem:s0+$0xC1D0]  }
0x8b: {  	v20 =	vld [tilespmem:s0+$0xC100]  }
0x8c: {  	v21 =	vld [tilespmem:s0+$0xC110]  }
0x8d: {  	v19 =	vld [tilespmem:s0+$0xC120]  }
0x8e: {  	v22 =	vld [tilespmem:s0+$0xC130]  }
0x8f: {  	v4 =	vld [tilespmem:s0+$0xC140]  }
0x90: {  	v5 =	vld [tilespmem:s0+$0xC150]  }
0x91: {  	v15 =	vld [tilespmem:s0+$0xC080]  }
0x92: {  	v23 =	vld [tilespmem:s0+$0xC090]  }
0x93: {  	v13 =	vld [tilespmem:s0+$0xC000]  }
0x94: {  	v14 =	vld [tilespmem:s0+$0xC010]  }
0x95: {  	v16 =	vld [tilespmem:s0+$0xC020]  }
0x96: {  	v25 =	vld [tilespmem:s0+$0xC030]  }
0x97: {  	v27 =	vld [tilespmem:s0+$0xC0A0]  }
0x98: {  	v28 =	vld [tilespmem:s0+$0xC0B0]  }
.Ltmp1:
0x99: {  	v12 =	vld [tilespmem:s0+$0xC0C0];
	(pc) =	sbr.rel @p0 .LBB2_5-.Ltmp1, $4  }
0x9a: {  	v17 =	vadd.f32 v13, v17;
	v18 =	vadd.f32 v14, v18;
	v13 =	vld [tilespmem:s0+$0xC0D0]  }
0x9b: {  	v24 =	vadd.f32 v16, v24;
	v25 =	vadd.f32 v25, v26;
	v16 =	vld [tilespmem:s0+$0xC040]  }
0x9c: {  	v17 =	vadd.f32 v15, v17;
	v18 =	vadd.f32 v23, v18;
	v14 =	vld [tilespmem:s0+$0xC050]  }
0x9d: {  	s1 =	sadd.s32 $0x800, s1;
	v23 =	vadd.f32 v27, v24;
	v15 =	vld [tilespmem:s0+$0xC060];
	v24 =	vadd.f32 v28, v25  }
0x9e: {  	v25 =	vld [tilespmem:s0+$0xC070];
	s31 =	smul.u32 $0x3, s29;
	v17 =	vadd.f32 v20, v17;
	v18 =	vadd.f32 v21, v18  }
0x9f: {  	v26 =	vld [tilespmem:s0+$0xC0E0];
	v19 =	vadd.f32 v19, v23;
	v21 =	vadd.f32 v22, v24  }
0xa0: {  	v20 =	vld [tilespmem:s0+$0xC0F0];
	s1 =	sadd.s32 $0x3, s31;
	v6 =	vadd.f32 v6, v17;
	v10 =	vadd.f32 v10, v18  }
0xa1: {  	v22 =	vld [tilespmem:s0+$0xC160];
	v11 =	vadd.f32 v16, v11;
	s30 =	sshll.u32 s1, $0x8;
	s1 =	sshll.u32 s1, $0x7;
	v9 =	vadd.f32 v9, v19  }
0xa2: {  	v17 =	vld [tilespmem:s0+$0xC170];
	v7 =	vadd.f32 v7, v21;
	v8 =	vadd.f32 v14, v8;
	s30 =	sand.u32 $0x1F800, s30;
	s1 =	sand.u32 $0x380, s1  }
0xa3: {  	s11 =	smul.u32 $0x600, s29;
	v16 =	vld [tilespmem:s0+$0xC1E0];
	v3 =	vadd.f32 v15, v3;
	v11 =	vadd.f32 v12, v11;
	s1 =	sor.u32 s1, s30  }
0xa4: {  	v14 =	vld [tilespmem:s0+$0xC1F0];
	v2 =	vadd.f32 v25, v2;
	v8 =	vadd.f32 v13, v8;
	[tilespmem:s9], [sflag:$0x1] =	stream.indirect.gather [hbm4b:s2+s8], $0x80, s1, s8, $0xb8  }
0xa5: {  	v6 =	vmul.f32 $4.999999890e-03, v6;
	s30 =	sshra.s32 s11, $0x2;
	s0 =	sor.u32 $0x400, s1;
	v3 =	vadd.f32 v26, v3;
	v4 =	vadd.f32 v4, v11  }
0xa6: {  	v2 =	vadd.f32 v20, v2;
	v5 =	vadd.f32 v5, v8;
	v8 =	vmul.f32 $4.999999890e-03, v10;
	[tilespmem:s12], [sflag:$0x2] =	stream.indirect.gather [hbm4b:s2+s10], $0x80, s0, s10, $0xb8;
	[tilespmem:$0x1EC00] =	vst v63  }
0xa7: {  	v3 =	vadd.f32 v22, v3;
	v0 =	vadd.f32 v0, v4;
	v4 =	vmul.f32 $4.999999890e-03, v9;
	[tilespmem:s30+$0x1AC00] =	vst v6  }
0xa8: {  	v2 =	vadd.f32 v17, v2;
	v1 =	vadd.f32 v1, v5;
	[tilespmem:s30+$0x1AC10] =	vst v8;
	v5 =	vmul.f32 $4.999999890e-03, v7  }
0xa9: {  	v3 =	vadd.f32 v16, v3;
	[tilespmem:s30+$0x1AC20] =	vst v4;
	v0 =	vmul.f32 $4.999999890e-03, v0  }
0xaa: {  	v2 =	vadd.f32 v14, v2;
	[tilespmem:s30+$0x1AC30] =	vst v5;
	v1 =	vmul.f32 $4.999999890e-03, v1  }
0xab: {  	[tilespmem:s30+$0x1AC40] =	vst v0;
	v0 =	vmul.f32 $4.999999890e-03, v3  }
0xac: {  	[tilespmem:s30+$0x1AC50] =	vst v1;
	v1 =	vmul.f32 $4.999999890e-03, v2  }
0xad: {  	[tilespmem:s30+$0x1AC60] =	vst v0  }
0xae: {  	[tilespmem:s30+$0x1AC70] =	vst v1  }
0xaf: {  	_ =	swait.ge [sflag:s22], $0x4000  }
0xb0: {  	[sflag:s22] =	ssyncset.done $0x0  }
0xb1: {  	s0 =	simm.s32 $0x0;
	[sflag:s22] =	ssyncadd.s32 $0xFFFFC000  }
0xb2: {  	v5 =	vld [tilespmem:s0+$0xE580]  }
0xb3: {  	v11 =	vld [tilespmem:s0+$0xE590]  }
0xb4: {  	v12 =	vld [tilespmem:s0+$0xE5A0]  }
0xb5: {  	v13 =	vld [tilespmem:s0+$0xE5B0]  }
0xb6: {  	v2 =	vld [tilespmem:s0+$0xE5C0]  }
0xb7: {  	v3 =	vld [tilespmem:s0+$0xE5D0]  }
0xb8: {  	v21 =	vld [tilespmem:s0+$0xE500]  }
0xb9: {  	v24 =	vld [tilespmem:s0+$0xE510]  }
0xba: {  	v4 =	vld [tilespmem:s0+$0xE520]  }
0xbb: {  	v22 =	vld [tilespmem:s0+$0xE530]  }
0xbc: {  	v6 =	vld [tilespmem:s0+$0xE540]  }
0xbd: {  	v0 =	vld [tilespmem:s0+$0xE480]  }
0xbe: {  	v1 =	vld [tilespmem:s0+$0xE490]  }
0xbf: {  	v7 =	vld [tilespmem:s0+$0xE400]  }
0xc0: {  	v8 =	vld [tilespmem:s0+$0xE410]  }
0xc1: {  	v9 =	vld [tilespmem:s0+$0xE420]  }
0xc2: {  	v10 =	vld [tilespmem:s0+$0xE430]  }
0xc3: {  	v16 =	vld [tilespmem:s0+$0xE4A0]  }
0xc4: {  	v17 =	vld [tilespmem:s0+$0xE4B0]  }
0xc5: {  	v15 =	vimm.f32 $0.0e+00;
	v14 =	vld [tilespmem:s0+$0xE550]  }
0xc6: {  	v25 =	vld [tilespmem:s0+$0xE4C0];
	v7 =	vadd.f32 v7, v15  }
0xc7: {  	v26 =	vld [tilespmem:s0+$0xE4D0];
	v8 =	vadd.f32 v8, v15;
	v9 =	vadd.f32 v9, v15  }
0xc8: {  	v27 =	vld [tilespmem:s0+$0xE440];
	v10 =	vadd.f32 v10, v15;
	v30 =	vadd.f32 v0, v7  }
0xc9: {  	v18 =	vimm.f32 $0.0e+00;
	v28 =	vld [tilespmem:s0+$0xE450];
	v31 =	vadd.f32 v1, v8;
	v32 =	vadd.f32 v16, v9  }
0xca: {  	s1 =	simm.s32 $0x800;
	v29 =	vld [tilespmem:s0+$0xE460];
	v33 =	vadd.f32 v17, v10;
	v16 =	vimm.f32 $0.0e+00;
	v17 =	vimm.f32 $0.0e+00  }
.LBB2_7:
0xcb: {  	p0 =	sne.s32 s1, $0xF800;
	v0 =	vld [tilespmem:s0+$0xE470];
	v1 =	vadd.f32 v21, v30;
	v7 =	vadd.f32 v24, v31  }
0xcc: {  	v8 =	vld [tilespmem:s0+$0xE4E0];
	v4 =	vadd.f32 v4, v32;
	v9 =	vadd.f32 v22, v33  }
0xcd: {  	v10 =	vld [tilespmem:s0+$0xE4F0];
	v1 =	vadd.f32 v5, v1;
	v7 =	vadd.f32 v11, v7  }
0xce: {  	v19 =	vld [tilespmem:s0+$0xE560];
	v20 =	vadd.f32 v12, v4;
	v9 =	vadd.f32 v13, v9  }
0xcf: {  	v4 =	vadd.f32 v27, v15;
	v5 =	vadd.f32 v28, v18;
	v13 =	vld [tilespmem:s0+$0xE570]  }
0xd0: {  	v11 =	vadd.f32 v29, v16;
	v0 =	vadd.f32 v0, v17;
	v16 =	vld [tilespmem:s0+$0xE5E0]  }
0xd1: {  	v4 =	vadd.f32 v25, v4;
	v12 =	vadd.f32 v26, v5;
	v17 =	vld [tilespmem:s0+$0xE5F0];
	s0 =	sshra.s32 s1, $0x2  }
0xd2: {  	v8 =	vadd.f32 v8, v11;
	v5 =	vld [tilespmem:s0+$0xE580];
	v0 =	vadd.f32 v10, v0  }
0xd3: {  	v4 =	vadd.f32 v6, v4;
	v6 =	vadd.f32 v14, v12;
	v11 =	vld [tilespmem:s0+$0xE590]  }
0xd4: {  	v8 =	vadd.f32 v19, v8;
	v12 =	vld [tilespmem:s0+$0xE5A0];
	v0 =	vadd.f32 v13, v0  }
0xd5: {  	v15 =	vadd.f32 v2, v4;
	v18 =	vadd.f32 v3, v6;
	v13 =	vld [tilespmem:s0+$0xE5B0]  }
0xd6: {  	v16 =	vadd.f32 v16, v8;
	v2 =	vld [tilespmem:s0+$0xE5C0];
	v17 =	vadd.f32 v17, v0  }
0xd7: {  	v3 =	vld [tilespmem:s0+$0xE5D0]  }
0xd8: {  	v21 =	vld [tilespmem:s0+$0xE500]  }
0xd9: {  	v24 =	vld [tilespmem:s0+$0xE510]  }
0xda: {  	v4 =	vld [tilespmem:s0+$0xE520]  }
0xdb: {  	v22 =	vld [tilespmem:s0+$0xE530]  }
0xdc: {  	v6 =	vld [tilespmem:s0+$0xE540]  }
0xdd: {  	v14 =	vld [tilespmem:s0+$0xE550]  }
0xde: {  	v0 =	vld [tilespmem:s0+$0xE480]  }
0xdf: {  	v8 =	vld [tilespmem:s0+$0xE490]  }
0xe0: {  	v10 =	vld [tilespmem:s0+$0xE400]  }
0xe1: {  	v19 =	vld [tilespmem:s0+$0xE410]  }
0xe2: {  	v23 =	vld [tilespmem:s0+$0xE420]  }
0xe3: {  	v27 =	vld [tilespmem:s0+$0xE430]  }
0xe4: {  	v32 =	vld [tilespmem:s0+$0xE4A0]  }
0xe5: {  	v33 =	vld [tilespmem:s0+$0xE4B0]  }
.Ltmp2:
0xe6: {  	v25 =	vld [tilespmem:s0+$0xE4C0];
	(pc) =	sbr.rel @p0 .LBB2_7-.Ltmp2, $4  }
0xe7: {  	v1 =	vadd.f32 v10, v1;
	v7 =	vadd.f32 v19, v7;
	v26 =	vld [tilespmem:s0+$0xE4D0]  }
0xe8: {  	v10 =	vadd.f32 v23, v20;
	v9 =	vadd.f32 v27, v9;
	v27 =	vld [tilespmem:s0+$0xE440]  }
0xe9: {  	v30 =	vadd.f32 v0, v1;
	v31 =	vadd.f32 v8, v7;
	v28 =	vld [tilespmem:s0+$0xE450]  }
0xea: {  	s1 =	sadd.s32 $0x800, s1;
	v32 =	vadd.f32 v32, v10;
	v29 =	vld [tilespmem:s0+$0xE460];
	v33 =	vadd.f32 v33, v9  }
0xeb: {  	v34 =	vld [tilespmem:s0+$0xE470]  }
0xec: {  	v35 =	vld [tilespmem:s0+$0xE4E0]  }
0xed: {  	v36 =	vld [tilespmem:s0+$0xE4F0]  }
0xee: {  	v37 =	vld [tilespmem:s0+$0xE560]  }
0xef: {  	v38 =	vld [tilespmem:s0+$0xE570]  }
0xf0: {  	v39 =	vld [tilespmem:s0+$0xE5E0]  }
0xf1: {  	v40 =	vld [tilespmem:s0+$0xE5F0];
	_ =	swait.ge [sflag:s23], $0x2400  }
0xf2: {  	[sflag:s23] =	ssyncset.done $0x0  }
0xf3: {  	s0 =	simm.s32 $0x0;
	[sflag:s23] =	ssyncadd.s32 $0xFFFFDC00  }
0xf4: {  	v7 =	vld [tilespmem:s0+$0x12580]  }
0xf5: {  	v10 =	vld [tilespmem:s0+$0x12590]  }
0xf6: {  	v9 =	vld [tilespmem:s0+$0x125A0]  }
0xf7: {  	v8 =	vld [tilespmem:s0+$0x125B0]  }
0xf8: {  	v0 =	vld [tilespmem:s0+$0x125C0]  }
0xf9: {  	v1 =	vld [tilespmem:s0+$0x125D0]  }
0xfa: {  	v20 =	vld [tilespmem:s0+$0x12500]  }
0xfb: {  	v23 =	vld [tilespmem:s0+$0x12510]  }
0xfc: {  	v19 =	vld [tilespmem:s0+$0x12520]  }
0xfd: {  	v30 =	vadd.f32 v21, v30;
	v24 =	vadd.f32 v24, v31;
	v21 =	vld [tilespmem:s0+$0x12530]  }
0xfe: {  	v60 =	vadd.f32 v4, v32;
	v22 =	vadd.f32 v22, v33;
	v4 =	vld [tilespmem:s0+$0x12540]  }
0xff: {  	v30 =	vadd.f32 v5, v30;
	v24 =	vadd.f32 v11, v24;
	v5 =	vld [tilespmem:s0+$0x12550]  }
0x100: {  	v11 =	vadd.f32 v27, v15;
	v31 =	vadd.f32 v12, v60;
	v61 =	vld [tilespmem:s0+$0x12480]  }
0x101: {  	v22 =	vadd.f32 v13, v22;
	v12 =	vadd.f32 v28, v18;
	v18 =	vld [tilespmem:s0+$0x12490]  }
0x102: {  	v13 =	vadd.f32 v29, v16;
	v16 =	vld [tilespmem:s0+$0x12400];
	v11 =	vadd.f32 v25, v11  }
0x103: {  	v25 =	vld [tilespmem:s0+$0x12420];
	v15 =	vadd.f32 v34, v17;
	v12 =	vadd.f32 v26, v12  }
0x104: {  	v17 =	vld [tilespmem:s0+$0x12410];
	v13 =	vadd.f32 v35, v13;
	v6 =	vadd.f32 v6, v11  }
0x105: {  	v15 =	vadd.f32 v36, v15;
	v12 =	vadd.f32 v14, v12;
	v14 =	vld [tilespmem:s0+$0x12430]  }
0x106: {  	v27 =	vld [tilespmem:s0+$0x124B0];
	v13 =	vadd.f32 v37, v13;
	v11 =	vadd.f32 v2, v6  }
0x107: {  	v26 =	vld [tilespmem:s0+$0x124A0];
	v15 =	vadd.f32 v38, v15;
	v6 =	vadd.f32 v3, v12  }
0x108: {  	v12 =	vld [tilespmem:s0+$0x124C0];
	v62 =	vadd.f32 v16, v30;
	v25 =	vadd.f32 v25, v31  }
0x109: {  	v16 =	vld [tilespmem:s0+$0x12440];
	v3 =	vadd.f32 v39, v13;
	v24 =	vadd.f32 v17, v24  }
0x10a: {  	v13 =	vld [tilespmem:s0+$0x124D0];
	v2 =	vadd.f32 v40, v15;
	v63 =	vadd.f32 v14, v22  }
0x10b: {  	v15 =	vld [tilespmem:s0+$0x12450];
	v17 =	vadd.f32 v61, v62;
	v18 =	vadd.f32 v18, v24  }
0x10c: {  	s1 =	simm.s32 $0x800;
	v14 =	vld [tilespmem:s0+$0x12460];
	v22 =	vadd.f32 v26, v25;
	v24 =	vadd.f32 v27, v63  }
.LBB2_9:
0x10d: {  	p0 =	sne.s32 s1, $0x8800;
	v25 =	vld [tilespmem:s0+$0x12470];
	v17 =	vadd.f32 v20, v17;
	v18 =	vadd.f32 v23, v18  }
0x10e: {  	v20 =	vld [tilespmem:s0+$0x124E0];
	v19 =	vadd.f32 v19, v22;
	v21 =	vadd.f32 v21, v24  }
0x10f: {  	v22 =	vld [tilespmem:s0+$0x124F0];
	v17 =	vadd.f32 v7, v17;
	v18 =	vadd.f32 v10, v18  }
0x110: {  	v23 =	vld [tilespmem:s0+$0x12560];
	v24 =	vadd.f32 v9, v19;
	v26 =	vadd.f32 v8, v21  }
0x111: {  	v7 =	vadd.f32 v16, v11;
	v6 =	vadd.f32 v15, v6;
	v8 =	vld [tilespmem:s0+$0x12570]  }
0x112: {  	v3 =	vadd.f32 v14, v3;
	v2 =	vadd.f32 v25, v2;
	v14 =	vld [tilespmem:s0+$0x125E0]  }
0x113: {  	v9 =	vadd.f32 v12, v7;
	v6 =	vadd.f32 v13, v6;
	v12 =	vld [tilespmem:s0+$0x125F0];
	s0 =	sshra.s32 s1, $0x2  }
0x114: {  	v3 =	vadd.f32 v20, v3;
	v7 =	vld [tilespmem:s0+$0x12580];
	v2 =	vadd.f32 v22, v2  }
0x115: {  	v4 =	vadd.f32 v4, v9;
	v5 =	vadd.f32 v5, v6;
	v10 =	vld [tilespmem:s0+$0x12590]  }
0x116: {  	v3 =	vadd.f32 v23, v3;
	v9 =	vld [tilespmem:s0+$0x125A0];
	v2 =	vadd.f32 v8, v2  }
0x117: {  	v11 =	vadd.f32 v0, v4;
	v6 =	vadd.f32 v1, v5;
	v8 =	vld [tilespmem:s0+$0x125B0]  }
0x118: {  	v3 =	vadd.f32 v14, v3;
	v0 =	vld [tilespmem:s0+$0x125C0];
	v2 =	vadd.f32 v12, v2  }
0x119: {  	v1 =	vld [tilespmem:s0+$0x125D0]  }
0x11a: {  	v20 =	vld [tilespmem:s0+$0x12500]  }
0x11b: {  	v23 =	vld [tilespmem:s0+$0x12510]  }
0x11c: {  	v19 =	vld [tilespmem:s0+$0x12520]  }
0x11d: {  	v21 =	vld [tilespmem:s0+$0x12530]  }
0x11e: {  	v4 =	vld [tilespmem:s0+$0x12540]  }
0x11f: {  	v5 =	vld [tilespmem:s0+$0x12550]  }
0x120: {  	v14 =	vld [tilespmem:s0+$0x12480]  }
0x121: {  	v22 =	vld [tilespmem:s0+$0x12490]  }
0x122: {  	v13 =	vld [tilespmem:s0+$0x12400]  }
0x123: {  	v15 =	vld [tilespmem:s0+$0x12410]  }
0x124: {  	v16 =	vld [tilespmem:s0+$0x12420]  }
0x125: {  	v25 =	vld [tilespmem:s0+$0x12430]  }
0x126: {  	v27 =	vld [tilespmem:s0+$0x124A0]  }
0x127: {  	v28 =	vld [tilespmem:s0+$0x124B0]  }
.Ltmp3:
0x128: {  	v12 =	vld [tilespmem:s0+$0x124C0];
	(pc) =	sbr.rel @p0 .LBB2_9-.Ltmp3, $4  }
0x129: {  	v17 =	vadd.f32 v13, v17;
	v18 =	vadd.f32 v15, v18;
	v13 =	vld [tilespmem:s0+$0x124D0]  }
0x12a: {  	v24 =	vadd.f32 v16, v24;
	v25 =	vadd.f32 v25, v26;
	v16 =	vld [tilespmem:s0+$0x12440]  }
0x12b: {  	v17 =	vadd.f32 v14, v17;
	v18 =	vadd.f32 v22, v18;
	v15 =	vld [tilespmem:s0+$0x12450]  }
0x12c: {  	s1 =	sadd.s32 $0x800, s1;
	v22 =	vadd.f32 v27, v24;
	v14 =	vld [tilespmem:s0+$0x12460];
	v24 =	vadd.f32 v28, v25  }
0x12d: {  	v25 =	vld [tilespmem:s0+$0x12470];
	v17 =	vadd.f32 v20, v17;
	v18 =	vadd.f32 v23, v18  }
0x12e: {  	v20 =	vld [tilespmem:s0+$0x124E0];
	v19 =	vadd.f32 v19, v22;
	v21 =	vadd.f32 v21, v24  }
0x12f: {  	s1 =	sadd.s32 $0x4, s31;
	v22 =	vld [tilespmem:s0+$0x124F0];
	v7 =	vadd.f32 v7, v17;
	v10 =	vadd.f32 v10, v18  }
0x130: {  	s11 =	sshll.u32 s1, $0x8;
	s1 =	sshll.u32 s1, $0x7;
	v17 =	vld [tilespmem:s0+$0x12560];
	v11 =	vadd.f32 v16, v11;
	v9 =	vadd.f32 v9, v19  }
0x131: {  	v16 =	vld [tilespmem:s0+$0x12570];
	s11 =	sand.u32 $0x1F800, s11;
	s1 =	sand.u32 $0x380, s1;
	v8 =	vadd.f32 v8, v21;
	v6 =	vadd.f32 v15, v6  }
0x132: {  	v18 =	vld [tilespmem:s0+$0x125F0];
	s11 =	sor.u32 s1, s11;
	v3 =	vadd.f32 v14, v3;
	v11 =	vadd.f32 v12, v11  }
0x133: {  	v15 =	vld [tilespmem:s0+$0x125E0];
	[tilespmem:s13], [sflag:$0x3] =	stream.indirect.gather [hbm4b:s2+s8], $0x80, s11, s8, $0xb8;
	v2 =	vadd.f32 v25, v2;
	v6 =	vadd.f32 v13, v6  }
0x134: {  	s0 =	sor.u32 $0x400, s11;
	v7 =	vmul.f32 $4.999999890e-03, v7;
	v3 =	vadd.f32 v20, v3;
	v4 =	vadd.f32 v4, v11  }
0x135: {  	[tilespmem:s15], [sflag:$0x4] =	stream.indirect.gather [hbm4b:s2+s10], $0x80, s0, s10, $0xb8;
	v2 =	vadd.f32 v22, v2;
	v5 =	vadd.f32 v5, v6;
	v6 =	vmul.f32 $4.999999890e-03, v10;
	[tilespmem:$0x1EC00] =	vst v63  }
0x136: {  	[tilespmem:s30+$0x1AC80] =	vst v7;
	v3 =	vadd.f32 v17, v3;
	v0 =	vadd.f32 v0, v4;
	v4 =	vmul.f32 $4.999999890e-03, v9  }
0x137: {  	v2 =	vadd.f32 v16, v2;
	v1 =	vadd.f32 v1, v5;
	[tilespmem:s30+$0x1AC90] =	vst v6;
	v5 =	vmul.f32 $4.999999890e-03, v8  }
0x138: {  	v3 =	vadd.f32 v15, v3;
	[tilespmem:s30+$0x1ACA0] =	vst v4;
	v0 =	vmul.f32 $4.999999890e-03, v0  }
0x139: {  	v2 =	vadd.f32 v18, v2;
	[tilespmem:s30+$0x1ACB0] =	vst v5;
	v1 =	vmul.f32 $4.999999890e-03, v1  }
0x13a: {  	[tilespmem:s30+$0x1ACC0] =	vst v0;
	v0 =	vmul.f32 $4.999999890e-03, v3  }
0x13b: {  	[tilespmem:s30+$0x1ACD0] =	vst v1;
	v1 =	vmul.f32 $4.999999890e-03, v2  }
0x13c: {  	[tilespmem:s30+$0x1ACE0] =	vst v0  }
0x13d: {  	[tilespmem:s30+$0x1ACF0] =	vst v1  }
0x13e: {  	_ =	swait.ge [sflag:s24], $0x4000  }
0x13f: {  	[sflag:s24] =	ssyncset.done $0x0  }
0x140: {  	s0 =	simm.s32 $0x0;
	[sflag:s24] =	ssyncadd.s32 $0xFFFFC000  }
0x141: {  	v4 =	vld [tilespmem:s0+$0x14980]  }
0x142: {  	v11 =	vld [tilespmem:s0+$0x14990]  }
0x143: {  	v12 =	vld [tilespmem:s0+$0x149A0]  }
0x144: {  	v13 =	vld [tilespmem:s0+$0x149B0]  }
0x145: {  	v2 =	vld [tilespmem:s0+$0x149C0]  }
0x146: {  	v3 =	vld [tilespmem:s0+$0x149D0]  }
0x147: {  	v21 =	vld [tilespmem:s0+$0x14900]  }
0x148: {  	v24 =	vld [tilespmem:s0+$0x14910]  }
0x149: {  	v5 =	vld [tilespmem:s0+$0x14920]  }
0x14a: {  	v22 =	vld [tilespmem:s0+$0x14930]  }
0x14b: {  	v6 =	vld [tilespmem:s0+$0x14940]  }
0x14c: {  	v0 =	vld [tilespmem:s0+$0x14880]  }
0x14d: {  	v1 =	vld [tilespmem:s0+$0x14890]  }
0x14e: {  	v7 =	vld [tilespmem:s0+$0x14800]  }
0x14f: {  	v8 =	vld [tilespmem:s0+$0x14810]  }
0x150: {  	v9 =	vld [tilespmem:s0+$0x14820]  }
0x151: {  	v10 =	vld [tilespmem:s0+$0x14830]  }
0x152: {  	v16 =	vld [tilespmem:s0+$0x148A0]  }
0x153: {  	v17 =	vld [tilespmem:s0+$0x148B0]  }
0x154: {  	v15 =	vimm.f32 $0.0e+00;
	v14 =	vld [tilespmem:s0+$0x14950]  }
0x155: {  	v25 =	vld [tilespmem:s0+$0x148C0];
	v7 =	vadd.f32 v7, v15  }
0x156: {  	v26 =	vld [tilespmem:s0+$0x148D0];
	v8 =	vadd.f32 v8, v15;
	v9 =	vadd.f32 v9, v15  }
0x157: {  	v27 =	vld [tilespmem:s0+$0x14840];
	v10 =	vadd.f32 v10, v15;
	v30 =	vadd.f32 v0, v7  }
0x158: {  	v18 =	vimm.f32 $0.0e+00;
	v28 =	vld [tilespmem:s0+$0x14850];
	v31 =	vadd.f32 v1, v8;
	v32 =	vadd.f32 v16, v9  }
0x159: {  	s1 =	simm.s32 $0x800;
	v29 =	vld [tilespmem:s0+$0x14860];
	v33 =	vadd.f32 v17, v10;
	v16 =	vimm.f32 $0.0e+00;
	v17 =	vimm.f32 $0.0e+00  }
.LBB2_11:
0x15a: {  	p0 =	sne.s32 s1, $0xF800;
	v0 =	vld [tilespmem:s0+$0x14870];
	v1 =	vadd.f32 v21, v30;
	v7 =	vadd.f32 v24, v31  }
0x15b: {  	v8 =	vld [tilespmem:s0+$0x148E0];
	v5 =	vadd.f32 v5, v32;
	v9 =	vadd.f32 v22, v33  }
0x15c: {  	v10 =	vld [tilespmem:s0+$0x148F0];
	v1 =	vadd.f32 v4, v1;
	v7 =	vadd.f32 v11, v7  }
0x15d: {  	v19 =	vld [tilespmem:s0+$0x14960];
	v20 =	vadd.f32 v12, v5;
	v9 =	vadd.f32 v13, v9  }
0x15e: {  	v4 =	vadd.f32 v27, v15;
	v5 =	vadd.f32 v28, v18;
	v13 =	vld [tilespmem:s0+$0x14970]  }
0x15f: {  	v11 =	vadd.f32 v29, v16;
	v0 =	vadd.f32 v0, v17;
	v16 =	vld [tilespmem:s0+$0x149E0]  }
0x160: {  	v12 =	vadd.f32 v25, v4;
	v5 =	vadd.f32 v26, v5;
	v17 =	vld [tilespmem:s0+$0x149F0];
	s0 =	sshra.s32 s1, $0x2  }
0x161: {  	v8 =	vadd.f32 v8, v11;
	v4 =	vld [tilespmem:s0+$0x14980];
	v0 =	vadd.f32 v10, v0  }
0x162: {  	v6 =	vadd.f32 v6, v12;
	v5 =	vadd.f32 v14, v5;
	v11 =	vld [tilespmem:s0+$0x14990]  }
0x163: {  	v8 =	vadd.f32 v19, v8;
	v12 =	vld [tilespmem:s0+$0x149A0];
	v0 =	vadd.f32 v13, v0  }
0x164: {  	v15 =	vadd.f32 v2, v6;
	v18 =	vadd.f32 v3, v5;
	v13 =	vld [tilespmem:s0+$0x149B0]  }
0x165: {  	v16 =	vadd.f32 v16, v8;
	v2 =	vld [tilespmem:s0+$0x149C0];
	v17 =	vadd.f32 v17, v0  }
0x166: {  	v3 =	vld [tilespmem:s0+$0x149D0]  }
0x167: {  	v21 =	vld [tilespmem:s0+$0x14900]  }
0x168: {  	v24 =	vld [tilespmem:s0+$0x14910]  }
0x169: {  	v5 =	vld [tilespmem:s0+$0x14920]  }
0x16a: {  	v22 =	vld [tilespmem:s0+$0x14930]  }
0x16b: {  	v6 =	vld [tilespmem:s0+$0x14940]  }
0x16c: {  	v14 =	vld [tilespmem:s0+$0x14950]  }
0x16d: {  	v0 =	vld [tilespmem:s0+$0x14880]  }
0x16e: {  	v8 =	vld [tilespmem:s0+$0x14890]  }
0x16f: {  	v10 =	vld [tilespmem:s0+$0x14800]  }
0x170: {  	v19 =	vld [tilespmem:s0+$0x14810]  }
0x171: {  	v23 =	vld [tilespmem:s0+$0x14820]  }
0x172: {  	v27 =	vld [tilespmem:s0+$0x14830]  }
0x173: {  	v32 =	vld [tilespmem:s0+$0x148A0]  }
0x174: {  	v33 =	vld [tilespmem:s0+$0x148B0]  }
.Ltmp4:
0x175: {  	v25 =	vld [tilespmem:s0+$0x148C0];
	(pc) =	sbr.rel @p0 .LBB2_11-.Ltmp4, $4  }
0x176: {  	v1 =	vadd.f32 v10, v1;
	v7 =	vadd.f32 v19, v7;
	v26 =	vld [tilespmem:s0+$0x148D0]  }
0x177: {  	v10 =	vadd.f32 v23, v20;
	v9 =	vadd.f32 v27, v9;
	v27 =	vld [tilespmem:s0+$0x14840]  }
0x178: {  	v30 =	vadd.f32 v0, v1;
	v31 =	vadd.f32 v8, v7;
	v28 =	vld [tilespmem:s0+$0x14850]  }
0x179: {  	s1 =	sadd.s32 $0x800, s1;
	v32 =	vadd.f32 v32, v10;
	v29 =	vld [tilespmem:s0+$0x14860];
	v33 =	vadd.f32 v33, v9  }
0x17a: {  	v34 =	vld [tilespmem:s0+$0x14870]  }
0x17b: {  	v35 =	vld [tilespmem:s0+$0x148E0]  }
0x17c: {  	v36 =	vld [tilespmem:s0+$0x148F0]  }
0x17d: {  	v37 =	vld [tilespmem:s0+$0x14960]  }
0x17e: {  	v38 =	vld [tilespmem:s0+$0x14970]  }
0x17f: {  	v39 =	vld [tilespmem:s0+$0x149E0]  }
0x180: {  	v40 =	vld [tilespmem:s0+$0x149F0];
	_ =	swait.ge [sflag:s25], $0x2400  }
0x181: {  	[sflag:s25] =	ssyncset.done $0x0  }
0x182: {  	s0 =	simm.s32 $0x0;
	[sflag:s25] =	ssyncadd.s32 $0xFFFFDC00  }
0x183: {  	v7 =	vld [tilespmem:s0+$0x18980]  }
0x184: {  	v10 =	vld [tilespmem:s0+$0x18990]  }
0x185: {  	v9 =	vld [tilespmem:s0+$0x189A0]  }
0x186: {  	v8 =	vld [tilespmem:s0+$0x189B0]  }
0x187: {  	v0 =	vld [tilespmem:s0+$0x189C0]  }
0x188: {  	v1 =	vld [tilespmem:s0+$0x189D0]  }
0x189: {  	v20 =	vld [tilespmem:s0+$0x18900]  }
0x18a: {  	v23 =	vld [tilespmem:s0+$0x18910]  }
0x18b: {  	v19 =	vld [tilespmem:s0+$0x18920]  }
0x18c: {  	v30 =	vadd.f32 v21, v30;
	v24 =	vadd.f32 v24, v31;
	v21 =	vld [tilespmem:s0+$0x18930]  }
0x18d: {  	v62 =	vadd.f32 v5, v32;
	v22 =	vadd.f32 v22, v33;
	v5 =	vld [tilespmem:s0+$0x18940]  }
0x18e: {  	v30 =	vadd.f32 v4, v30;
	v24 =	vadd.f32 v11, v24;
	v4 =	vld [tilespmem:s0+$0x18950]  }
0x18f: {  	v11 =	vadd.f32 v27, v15;
	v31 =	vadd.f32 v12, v62;
	v63 =	vld [tilespmem:s0+$0x18880]  }
0x190: {  	v22 =	vadd.f32 v13, v22;
	v12 =	vadd.f32 v28, v18;
	v15 =	vld [tilespmem:s0+$0x18890]  }
0x191: {  	v18 =	vld [tilespmem:s0+$0x18810];
	v13 =	vadd.f32 v29, v16;
	v11 =	vadd.f32 v25, v11  }
0x192: {  	v25 =	vld [tilespmem:s0+$0x18820];
	v16 =	vadd.f32 v34, v17;
	v12 =	vadd.f32 v26, v12  }
0x193: {  	v17 =	vld [tilespmem:s0+$0x18800];
	v13 =	vadd.f32 v35, v13;
	v6 =	vadd.f32 v6, v11  }
0x194: {  	v16 =	vadd.f32 v36, v16;
	v12 =	vadd.f32 v14, v12;
	v14 =	vld [tilespmem:s0+$0x18830]  }
0x195: {  	v27 =	vld [tilespmem:s0+$0x188B0];
	v13 =	vadd.f32 v37, v13;
	v11 =	vadd.f32 v2, v6  }
0x196: {  	v26 =	vld [tilespmem:s0+$0x188A0];
	v18 =	vadd.f32 v18, v24;
	v16 =	vadd.f32 v38, v16  }
0x197: {  	v6 =	vadd.f32 v3, v12;
	v12 =	vld [tilespmem:s0+$0x188C0];
	v24 =	vadd.f32 v25, v31  }
0x198: {  	v3 =	vadd.f32 v39, v13;
	v17 =	vadd.f32 v17, v30;
	v13 =	vld [tilespmem:s0+$0x188D0]  }
0x199: {  	v18 =	vadd.f32 v15, v18;
	v15 =	vld [tilespmem:s0+$0x18860];
	v25 =	vadd.f32 v14, v22  }
0x19a: {  	v2 =	vadd.f32 v40, v16;
	v16 =	vld [tilespmem:s0+$0x18840];
	v17 =	vadd.f32 v63, v17  }
0x19b: {  	s1 =	simm.s32 $0x800;
	v14 =	vld [tilespmem:s0+$0x18850];
	v22 =	vadd.f32 v26, v24;
	v24 =	vadd.f32 v27, v25  }
.LBB2_13:
0x19c: {  	p0 =	sne.s32 s1, $0x8800;
	v25 =	vld [tilespmem:s0+$0x18870];
	v17 =	vadd.f32 v20, v17;
	v18 =	vadd.f32 v23, v18  }
0x19d: {  	v20 =	vld [tilespmem:s0+$0x188E0];
	v19 =	vadd.f32 v19, v22;
	v21 =	vadd.f32 v21, v24  }
0x19e: {  	v22 =	vld [tilespmem:s0+$0x188F0];
	v17 =	vadd.f32 v7, v17;
	v18 =	vadd.f32 v10, v18  }
0x19f: {  	v23 =	vld [tilespmem:s0+$0x18960];
	v24 =	vadd.f32 v9, v19;
	v26 =	vadd.f32 v8, v21  }
0x1a0: {  	v7 =	vadd.f32 v16, v11;
	v6 =	vadd.f32 v14, v6;
	v8 =	vld [tilespmem:s0+$0x18970]  }
0x1a1: {  	v3 =	vadd.f32 v15, v3;
	v2 =	vadd.f32 v25, v2;
	v14 =	vld [tilespmem:s0+$0x189E0]  }
0x1a2: {  	v9 =	vadd.f32 v12, v7;
	v6 =	vadd.f32 v13, v6;
	v12 =	vld [tilespmem:s0+$0x189F0];
	s0 =	sshra.s32 s1, $0x2  }
0x1a3: {  	v3 =	vadd.f32 v20, v3;
	v7 =	vld [tilespmem:s0+$0x18980];
	v2 =	vadd.f32 v22, v2  }
0x1a4: {  	v5 =	vadd.f32 v5, v9;
	v4 =	vadd.f32 v4, v6;
	v10 =	vld [tilespmem:s0+$0x18990]  }
0x1a5: {  	v3 =	vadd.f32 v23, v3;
	v9 =	vld [tilespmem:s0+$0x189A0];
	v2 =	vadd.f32 v8, v2  }
0x1a6: {  	v11 =	vadd.f32 v0, v5;
	v6 =	vadd.f32 v1, v4;
	v8 =	vld [tilespmem:s0+$0x189B0]  }
0x1a7: {  	v3 =	vadd.f32 v14, v3;
	v0 =	vld [tilespmem:s0+$0x189C0];
	v2 =	vadd.f32 v12, v2  }
0x1a8: {  	v1 =	vld [tilespmem:s0+$0x189D0]  }
0x1a9: {  	v20 =	vld [tilespmem:s0+$0x18900]  }
0x1aa: {  	v23 =	vld [tilespmem:s0+$0x18910]  }
0x1ab: {  	v19 =	vld [tilespmem:s0+$0x18920]  }
0x1ac: {  	v21 =	vld [tilespmem:s0+$0x18930]  }
0x1ad: {  	v5 =	vld [tilespmem:s0+$0x18940]  }
0x1ae: {  	v4 =	vld [tilespmem:s0+$0x18950]  }
0x1af: {  	v15 =	vld [tilespmem:s0+$0x18880]  }
0x1b0: {  	v22 =	vld [tilespmem:s0+$0x18890]  }
0x1b1: {  	v13 =	vld [tilespmem:s0+$0x18800]  }
0x1b2: {  	v14 =	vld [tilespmem:s0+$0x18810]  }
0x1b3: {  	v16 =	vld [tilespmem:s0+$0x18820]  }
0x1b4: {  	v25 =	vld [tilespmem:s0+$0x18830]  }
0x1b5: {  	v27 =	vld [tilespmem:s0+$0x188A0]  }
0x1b6: {  	v28 =	vld [tilespmem:s0+$0x188B0]  }
.Ltmp5:
0x1b7: {  	v12 =	vld [tilespmem:s0+$0x188C0];
	(pc) =	sbr.rel @p0 .LBB2_13-.Ltmp5, $4  }
0x1b8: {  	v17 =	vadd.f32 v13, v17;
	v18 =	vadd.f32 v14, v18;
	v13 =	vld [tilespmem:s0+$0x188D0]  }
0x1b9: {  	v24 =	vadd.f32 v16, v24;
	v25 =	vadd.f32 v25, v26;
	v16 =	vld [tilespmem:s0+$0x18840]  }
0x1ba: {  	v17 =	vadd.f32 v15, v17;
	v18 =	vadd.f32 v22, v18;
	v14 =	vld [tilespmem:s0+$0x18850]  }
0x1bb: {  	s1 =	sadd.s32 $0x800, s1;
	v22 =	vadd.f32 v27, v24;
	v15 =	vld [tilespmem:s0+$0x18860];
	v24 =	vadd.f32 v28, v25  }
0x1bc: {  	v25 =	vld [tilespmem:s0+$0x18870]  }
0x1bd: {  	v17 =	vadd.f32 v20, v17;
	v18 =	vadd.f32 v23, v18;
	v53 =	vld [tilespmem:s0+$0x188E0]  }
0x1be: {  	v54 =	vld [tilespmem:s0+$0x188F0];
	p0 =	seq.s32 s29, $0x29;
	v19 =	vadd.f32 v19, v22;
	v21 =	vadd.f32 v21, v24  }
0x1bf: {  	v55 =	vld [tilespmem:s0+$0x18960];
	s1 =	sadd.s32 @!p0 $0x5, s31;
	v7 =	vadd.f32 v7, v17;
	v10 =	vadd.f32 v10, v18  }
0x1c0: {  	v56 =	vld [tilespmem:s0+$0x18970];
	v11 =	vadd.f32 v16, v11;
	s11 =	sshll.u32 @!p0 s1, $0x8;
	s1 =	sshll.u32 @!p0 s1, $0x7;
	v9 =	vadd.f32 v9, v19  }
0x1c1: {  	v57 =	vld [tilespmem:s0+$0x189E0];
	v8 =	vadd.f32 v8, v21;
	v6 =	vadd.f32 v14, v6;
	s11 =	sand.u32 @!p0 $0x1F800, s11;
	s1 =	sand.u32 @!p0 $0x380, s1  }
0x1c2: {  	v58 =	vld [tilespmem:s0+$0x189F0];
	v3 =	vadd.f32 v15, v3;
	v11 =	vadd.f32 v12, v11;
	s0 =	sor.u32 @!p0 s1, s11;
	s1 =	simm.s32 @!p0 $0x80;
	s11 =	simm.s32 @!p0 $0x14800  }
0x1c3: {  	v2 =	vadd.f32 v25, v2;
	v6 =	vadd.f32 v13, v6;
	[tilespmem:s11], [sflag:$0x5] =	stream.indirect.gather @!p0 [hbm4b:s2+s1], $0x80, s0, s1, $0xb8;
	[tilespmem:$0x1EC00] =	vst v63  }
0x1c4: {  	v7 =	vmul.f32 $4.999999890e-03, v7;
	s0 =	sor.u32 @!p0 $0x400, s0;
	s1 =	simm.s32 @!p0 $0x48;
	s11 =	simm.s32 @!p0 $0x18800;
	v3 =	vadd.f32 v53, v3;
	v5 =	vadd.f32 v5, v11  }
0x1c5: {  	v59 =	vmul.f32 $4.999999890e-03, v10;
	v2 =	vadd.f32 v54, v2;
	v4 =	vadd.f32 v4, v6;
	[tilespmem:s11], [sflag:$0x6] =	stream.indirect.gather @!p0 [hbm4b:s2+s1], $0x80, s0, s1, $0xb8;
	[tilespmem:$0x1EC00] =	vst v63  }
0x1c6: {  	v60 =	vmul.f32 $4.999999890e-03, v9;
	v3 =	vadd.f32 v55, v3;
	v0 =	vadd.f32 v0, v5;
	[tilespmem:s30+$0x1AD00] =	vst v7  }
0x1c7: {  	s29 =	sadd.s32 $0x1, s29;
	v61 =	vmul.f32 $4.999999890e-03, v8;
	[tilespmem:s30+$0x1AD10] =	vst v59;
	v2 =	vadd.f32 v56, v2;
	v1 =	vadd.f32 v1, v4  }
0x1c8: {  	p0 =	sne.s32 s29, $0x2A;
	[tilespmem:s30+$0x1AD20] =	vst v60;
	v3 =	vadd.f32 v57, v3;
	v0 =	vmul.f32 $4.999999890e-03, v0  }
.Ltmp6:
0x1c9: {  	[tilespmem:s30+$0x1AD30] =	vst v61;
	v2 =	vadd.f32 v58, v2;
	v1 =	vmul.f32 $4.999999890e-03, v1;
	(pc) =	sbr.rel @p0 .LBB2_2-.Ltmp6, $4  }
0x1ca: {  	[tilespmem:s30+$0x1AD40] =	vst v0;
	v62 =	vmul.f32 $4.999999890e-03, v3  }
0x1cb: {  	[tilespmem:s30+$0x1AD50] =	vst v1;
	v63 =	vmul.f32 $4.999999890e-03, v2  }
0x1cc: {  	[tilespmem:s30+$0x1AD60] =	vst v62  }
0x1cd: {  	[tilespmem:s30+$0x1AD70] =	vst v63  }
0x1ce: {  	_ =	swait.ge [sflag:s20], $0x4000  }
0x1cf: {  	[sflag:s20] =	ssyncset.done $0x0  }
0x1d0: {  	s0 =	simm.s32 $0x0;
	[sflag:s20] =	ssyncadd.s32 $0xFFFFC000  }
0x1d1: {  	v5 =	vld [tilespmem:s0+$0x8180]  }
0x1d2: {  	v7 =	vld [tilespmem:s0+$0x8190]  }
0x1d3: {  	v8 =	vld [tilespmem:s0+$0x81A0]  }
0x1d4: {  	v13 =	vld [tilespmem:s0+$0x81B0]  }
0x1d5: {  	v0 =	vld [tilespmem:s0+$0x81C0]  }
0x1d6: {  	v3 =	vld [tilespmem:s0+$0x81D0]  }
0x1d7: {  	v20 =	vld [tilespmem:s0+$0x8100]  }
0x1d8: {  	v23 =	vld [tilespmem:s0+$0x8110]  }
0x1d9: {  	v11 =	vld [tilespmem:s0+$0x8120]  }
0x1da: {  	v21 =	vld [tilespmem:s0+$0x8130]  }
0x1db: {  	v4 =	vld [tilespmem:s0+$0x8140]  }
0x1dc: {  	v1 =	vld [tilespmem:s0+$0x8080]  }
0x1dd: {  	v2 =	vld [tilespmem:s0+$0x8090]  }
0x1de: {  	v6 =	vld [tilespmem:s0+$0x8000]  }
0x1df: {  	v9 =	vld [tilespmem:s0+$0x8010]  }
0x1e0: {  	v10 =	vld [tilespmem:s0+$0x8020]  }
0x1e1: {  	v12 =	vld [tilespmem:s0+$0x8030]  }
0x1e2: {  	v16 =	vld [tilespmem:s0+$0x80A0]  }
0x1e3: {  	v17 =	vld [tilespmem:s0+$0x80B0]  }
0x1e4: {  	v15 =	vimm.f32 $0.0e+00;
	v14 =	vld [tilespmem:s0+$0x8150]  }
0x1e5: {  	v25 =	vld [tilespmem:s0+$0x80C0];
	v6 =	vadd.f32 v6, v15  }
0x1e6: {  	v26 =	vld [tilespmem:s0+$0x80D0];
	v9 =	vadd.f32 v9, v15;
	v10 =	vadd.f32 v10, v15  }
0x1e7: {  	v27 =	vld [tilespmem:s0+$0x8040];
	v12 =	vadd.f32 v12, v15;
	v30 =	vadd.f32 v1, v6  }
0x1e8: {  	v18 =	vimm.f32 $0.0e+00;
	v28 =	vld [tilespmem:s0+$0x8050];
	v31 =	vadd.f32 v2, v9;
	v32 =	vadd.f32 v16, v10  }
0x1e9: {  	s1 =	simm.s32 $0x800;
	v29 =	vld [tilespmem:s0+$0x8060];
	v33 =	vadd.f32 v17, v12;
	v16 =	vimm.f32 $0.0e+00;
	v17 =	vimm.f32 $0.0e+00  }
.LBB2_16:
0x1ea: {  	p0 =	sne.s32 s1, $0xF800;
	v1 =	vld [tilespmem:s0+$0x8070];
	v2 =	vadd.f32 v20, v30;
	v6 =	vadd.f32 v23, v31  }
0x1eb: {  	v9 =	vld [tilespmem:s0+$0x80E0];
	v10 =	vadd.f32 v11, v32;
	v11 =	vadd.f32 v21, v33  }
0x1ec: {  	v12 =	vld [tilespmem:s0+$0x80F0];
	v2 =	vadd.f32 v5, v2;
	v6 =	vadd.f32 v7, v6  }
0x1ed: {  	v19 =	vld [tilespmem:s0+$0x8160];
	v10 =	vadd.f32 v8, v10;
	v22 =	vadd.f32 v13, v11  }
0x1ee: {  	v5 =	vadd.f32 v27, v15;
	v7 =	vadd.f32 v28, v18;
	v11 =	vld [tilespmem:s0+$0x8170]  }
0x1ef: {  	v8 =	vadd.f32 v29, v16;
	v1 =	vadd.f32 v1, v17;
	v16 =	vld [tilespmem:s0+$0x81E0]  }
0x1f0: {  	v13 =	vadd.f32 v25, v5;
	v15 =	vadd.f32 v26, v7;
	v17 =	vld [tilespmem:s0+$0x81F0];
	s0 =	sshra.s32 s1, $0x2  }
0x1f1: {  	v9 =	vadd.f32 v9, v8;
	v5 =	vld [tilespmem:s0+$0x8180];
	v1 =	vadd.f32 v12, v1  }
0x1f2: {  	v4 =	vadd.f32 v4, v13;
	v12 =	vadd.f32 v14, v15;
	v7 =	vld [tilespmem:s0+$0x8190]  }
0x1f3: {  	v9 =	vadd.f32 v19, v9;
	v8 =	vld [tilespmem:s0+$0x81A0];
	v1 =	vadd.f32 v11, v1  }
0x1f4: {  	v15 =	vadd.f32 v0, v4;
	v18 =	vadd.f32 v3, v12;
	v13 =	vld [tilespmem:s0+$0x81B0]  }
0x1f5: {  	v16 =	vadd.f32 v16, v9;
	v0 =	vld [tilespmem:s0+$0x81C0];
	v17 =	vadd.f32 v17, v1  }
0x1f6: {  	v3 =	vld [tilespmem:s0+$0x81D0]  }
0x1f7: {  	v20 =	vld [tilespmem:s0+$0x8100]  }
0x1f8: {  	v23 =	vld [tilespmem:s0+$0x8110]  }
0x1f9: {  	v11 =	vld [tilespmem:s0+$0x8120]  }
0x1fa: {  	v21 =	vld [tilespmem:s0+$0x8130]  }
0x1fb: {  	v4 =	vld [tilespmem:s0+$0x8140]  }
0x1fc: {  	v14 =	vld [tilespmem:s0+$0x8150]  }
0x1fd: {  	v1 =	vld [tilespmem:s0+$0x8080]  }
0x1fe: {  	v9 =	vld [tilespmem:s0+$0x8090]  }
0x1ff: {  	v12 =	vld [tilespmem:s0+$0x8000]  }
0x200: {  	v19 =	vld [tilespmem:s0+$0x8010]  }
0x201: {  	v24 =	vld [tilespmem:s0+$0x8020]  }
0x202: {  	v27 =	vld [tilespmem:s0+$0x8030]  }
0x203: {  	v32 =	vld [tilespmem:s0+$0x80A0]  }
0x204: {  	v33 =	vld [tilespmem:s0+$0x80B0]  }
.Ltmp7:
0x205: {  	v25 =	vld [tilespmem:s0+$0x80C0];
	(pc) =	sbr.rel @p0 .LBB2_16-.Ltmp7, $4  }
0x206: {  	v2 =	vadd.f32 v12, v2;
	v6 =	vadd.f32 v19, v6;
	v26 =	vld [tilespmem:s0+$0x80D0]  }
0x207: {  	v10 =	vadd.f32 v24, v10;
	v12 =	vadd.f32 v27, v22;
	v27 =	vld [tilespmem:s0+$0x8040]  }
0x208: {  	v30 =	vadd.f32 v1, v2;
	v31 =	vadd.f32 v9, v6;
	v28 =	vld [tilespmem:s0+$0x8050]  }
0x209: {  	s1 =	sadd.s32 $0x800, s1;
	v32 =	vadd.f32 v32, v10;
	v29 =	vld [tilespmem:s0+$0x8060];
	v33 =	vadd.f32 v33, v12  }
0x20a: {  	v34 =	vld [tilespmem:s0+$0x8070]  }
0x20b: {  	v35 =	vld [tilespmem:s0+$0x80E0]  }
0x20c: {  	v36 =	vld [tilespmem:s0+$0x80F0]  }
0x20d: {  	v37 =	vld [tilespmem:s0+$0x8160]  }
0x20e: {  	v38 =	vld [tilespmem:s0+$0x8170]  }
0x20f: {  	v39 =	vld [tilespmem:s0+$0x81E0]  }
0x210: {  	v40 =	vld [tilespmem:s0+$0x81F0];
	_ =	swait.ge [sflag:s21], $0x2400  }
0x211: {  	[sflag:s21] =	ssyncset.done $0x0  }
0x212: {  	s0 =	simm.s32 $0x0;
	[sflag:s21] =	ssyncadd.s32 $0xFFFFDC00  }
0x213: {  	v6 =	vld [tilespmem:s0+$0xC180]  }
0x214: {  	v9 =	vld [tilespmem:s0+$0xC190]  }
0x215: {  	v10 =	vld [tilespmem:s0+$0xC1A0]  }
0x216: {  	v12 =	vld [tilespmem:s0+$0xC1B0]  }
0x217: {  	v1 =	vld [tilespmem:s0+$0xC1C0]  }
0x218: {  	v2 =	vld [tilespmem:s0+$0xC1D0]  }
0x219: {  	v22 =	vld [tilespmem:s0+$0xC100]  }
0x21a: {  	v24 =	vld [tilespmem:s0+$0xC110]  }
0x21b: {  	v19 =	vld [tilespmem:s0+$0xC120]  }
0x21c: {  	v30 =	vadd.f32 v20, v30;
	v23 =	vadd.f32 v23, v31;
	v20 =	vld [tilespmem:s0+$0xC130]  }
0x21d: {  	v61 =	vadd.f32 v11, v32;
	v21 =	vadd.f32 v21, v33;
	v11 =	vld [tilespmem:s0+$0xC140]  }
0x21e: {  	v30 =	vadd.f32 v5, v30;
	v23 =	vadd.f32 v7, v23;
	v5 =	vld [tilespmem:s0+$0xC150]  }
0x21f: {  	v7 =	vadd.f32 v27, v15;
	v31 =	vadd.f32 v8, v61;
	v62 =	vld [tilespmem:s0+$0xC080]  }
0x220: {  	v21 =	vadd.f32 v13, v21;
	v8 =	vadd.f32 v28, v18;
	v18 =	vld [tilespmem:s0+$0xC090]  }
0x221: {  	v13 =	vadd.f32 v29, v16;
	v16 =	vld [tilespmem:s0+$0xC000];
	v7 =	vadd.f32 v25, v7  }
0x222: {  	v25 =	vld [tilespmem:s0+$0xC020];
	v15 =	vadd.f32 v34, v17;
	v8 =	vadd.f32 v26, v8  }
0x223: {  	v17 =	vld [tilespmem:s0+$0xC010];
	v13 =	vadd.f32 v35, v13;
	v4 =	vadd.f32 v4, v7  }
0x224: {  	v15 =	vadd.f32 v36, v15;
	v8 =	vadd.f32 v14, v8;
	v14 =	vld [tilespmem:s0+$0xC030]  }
0x225: {  	v27 =	vld [tilespmem:s0+$0xC0B0];
	v13 =	vadd.f32 v37, v13;
	v7 =	vadd.f32 v0, v4  }
0x226: {  	v26 =	vld [tilespmem:s0+$0xC0A0];
	v15 =	vadd.f32 v38, v15;
	v3 =	vadd.f32 v3, v8  }
0x227: {  	v8 =	vld [tilespmem:s0+$0xC0C0];
	v16 =	vadd.f32 v16, v30;
	v25 =	vadd.f32 v25, v31  }
0x228: {  	v4 =	vadd.f32 v39, v13;
	v23 =	vadd.f32 v17, v23;
	v13 =	vld [tilespmem:s0+$0xC0D0]  }
0x229: {  	v0 =	vadd.f32 v40, v15;
	v15 =	vld [tilespmem:s0+$0xC040];
	v63 =	vadd.f32 v14, v21  }
0x22a: {  	v17 =	vadd.f32 v62, v16;
	v16 =	vld [tilespmem:s0+$0xC060];
	v18 =	vadd.f32 v18, v23  }
0x22b: {  	s1 =	simm.s32 $0x800;
	v14 =	vld [tilespmem:s0+$0xC050];
	v21 =	vadd.f32 v26, v25;
	v23 =	vadd.f32 v27, v63  }
.LBB2_18:
0x22c: {  	p0 =	sne.s32 s1, $0x8800;
	v25 =	vld [tilespmem:s0+$0xC070];
	v17 =	vadd.f32 v22, v17;
	v18 =	vadd.f32 v24, v18  }
0x22d: {  	v22 =	vld [tilespmem:s0+$0xC0E0];
	v19 =	vadd.f32 v19, v21;
	v20 =	vadd.f32 v20, v23  }
0x22e: {  	v21 =	vld [tilespmem:s0+$0xC0F0];
	v17 =	vadd.f32 v6, v17;
	v18 =	vadd.f32 v9, v18  }
0x22f: {  	v23 =	vld [tilespmem:s0+$0xC160];
	v26 =	vadd.f32 v10, v19;
	v27 =	vadd.f32 v12, v20  }
0x230: {  	v6 =	vadd.f32 v15, v7;
	v3 =	vadd.f32 v14, v3;
	v7 =	vld [tilespmem:s0+$0xC170]  }
0x231: {  	v4 =	vadd.f32 v16, v4;
	v0 =	vadd.f32 v25, v0;
	v14 =	vld [tilespmem:s0+$0xC1E0]  }
0x232: {  	v8 =	vadd.f32 v8, v6;
	v3 =	vadd.f32 v13, v3;
	v13 =	vld [tilespmem:s0+$0xC1F0];
	s0 =	sshra.s32 s1, $0x2  }
0x233: {  	v4 =	vadd.f32 v22, v4;
	v6 =	vld [tilespmem:s0+$0xC180];
	v0 =	vadd.f32 v21, v0  }
0x234: {  	v8 =	vadd.f32 v11, v8;
	v3 =	vadd.f32 v5, v3;
	v9 =	vld [tilespmem:s0+$0xC190]  }
0x235: {  	v4 =	vadd.f32 v23, v4;
	v10 =	vld [tilespmem:s0+$0xC1A0];
	v0 =	vadd.f32 v7, v0  }
0x236: {  	v7 =	vadd.f32 v1, v8;
	v3 =	vadd.f32 v2, v3;
	v12 =	vld [tilespmem:s0+$0xC1B0]  }
0x237: {  	v4 =	vadd.f32 v14, v4;
	v1 =	vld [tilespmem:s0+$0xC1C0];
	v0 =	vadd.f32 v13, v0  }
0x238: {  	v2 =	vld [tilespmem:s0+$0xC1D0]  }
0x239: {  	v22 =	vld [tilespmem:s0+$0xC100]  }
0x23a: {  	v24 =	vld [tilespmem:s0+$0xC110]  }
0x23b: {  	v19 =	vld [tilespmem:s0+$0xC120]  }
0x23c: {  	v20 =	vld [tilespmem:s0+$0xC130]  }
0x23d: {  	v11 =	vld [tilespmem:s0+$0xC140]  }
0x23e: {  	v5 =	vld [tilespmem:s0+$0xC150]  }
0x23f: {  	v16 =	vld [tilespmem:s0+$0xC080]  }
0x240: {  	v21 =	vld [tilespmem:s0+$0xC090]  }
0x241: {  	v13 =	vld [tilespmem:s0+$0xC000]  }
0x242: {  	v14 =	vld [tilespmem:s0+$0xC010]  }
0x243: {  	v15 =	vld [tilespmem:s0+$0xC020]  }
0x244: {  	v23 =	vld [tilespmem:s0+$0xC030]  }
0x245: {  	v25 =	vld [tilespmem:s0+$0xC0A0]  }
0x246: {  	v28 =	vld [tilespmem:s0+$0xC0B0]  }
.Ltmp8:
0x247: {  	v8 =	vld [tilespmem:s0+$0xC0C0];
	(pc) =	sbr.rel @p0 .LBB2_18-.Ltmp8, $4  }
0x248: {  	v17 =	vadd.f32 v13, v17;
	v18 =	vadd.f32 v14, v18;
	v13 =	vld [tilespmem:s0+$0xC0D0]  }
0x249: {  	v26 =	vadd.f32 v15, v26;
	v23 =	vadd.f32 v23, v27;
	v15 =	vld [tilespmem:s0+$0xC040]  }
0x24a: {  	v17 =	vadd.f32 v16, v17;
	v18 =	vadd.f32 v21, v18;
	v14 =	vld [tilespmem:s0+$0xC050]  }
0x24b: {  	s1 =	sadd.s32 $0x800, s1;
	v21 =	vadd.f32 v25, v26;
	v16 =	vld [tilespmem:s0+$0xC060];
	v23 =	vadd.f32 v28, v23  }
0x24c: {  	v17 =	vadd.f32 v22, v17;
	v18 =	vadd.f32 v24, v18  }
0x24d: {  	v22 =	vld [tilespmem:s0+$0xC070];
	v19 =	vadd.f32 v19, v21;
	v20 =	vadd.f32 v20, v23  }
0x24e: {  	v21 =	vld [tilespmem:s0+$0xC0E0];
	v6 =	vadd.f32 v6, v17;
	v9 =	vadd.f32 v9, v18  }
0x24f: {  	v17 =	vld [tilespmem:s0+$0xC0F0];
	v7 =	vadd.f32 v15, v7;
	v10 =	vadd.f32 v10, v19  }
0x250: {  	v15 =	vld [tilespmem:s0+$0xC160];
	v12 =	vadd.f32 v12, v20;
	v3 =	vadd.f32 v14, v3  }
0x251: {  	v14 =	vld [tilespmem:s0+$0xC170];
	v4 =	vadd.f32 v16, v4;
	v7 =	vadd.f32 v8, v7  }
0x252: {  	v8 =	vld [tilespmem:s0+$0xC1E0];
	v6 =	vmul.f32 $4.999999890e-03, v6;
	v0 =	vadd.f32 v22, v0;
	v3 =	vadd.f32 v13, v3  }
0x253: {  	v13 =	vld [tilespmem:s0+$0xC1F0];
	v4 =	vadd.f32 v21, v4;
	v7 =	vadd.f32 v11, v7  }
0x254: {  	[tilespmem:$0x1EB00] =	vst v6;
	v6 =	vmul.f32 $4.999999890e-03, v10;
	v0 =	vadd.f32 v17, v0;
	v3 =	vadd.f32 v5, v3  }
0x255: {  	v5 =	vmul.f32 $4.999999890e-03, v9;
	v4 =	vadd.f32 v15, v4;
	v1 =	vadd.f32 v1, v7  }
0x256: {  	[tilespmem:$0x1EB20] =	vst v6;
	v0 =	vadd.f32 v14, v0;
	v2 =	vadd.f32 v2, v3;
	v3 =	vmul.f32 $4.999999890e-03, v12  }
0x257: {  	[tilespmem:$0x1EB10] =	vst v5;
	v4 =	vadd.f32 v8, v4;
	v1 =	vmul.f32 $4.999999890e-03, v1  }
0x258: {  	v0 =	vadd.f32 v13, v0;
	[tilespmem:$0x1EB30] =	vst v3;
	v2 =	vmul.f32 $4.999999890e-03, v2  }
0x259: {  	[tilespmem:$0x1EB40] =	vst v1;
	v1 =	vmul.f32 $4.999999890e-03, v4  }
0x25a: {  	[tilespmem:$0x1EB50] =	vst v2;
	v0 =	vmul.f32 $4.999999890e-03, v0  }
0x25b: {  	[tilespmem:$0x1EB60] =	vst v1  }
0x25c: {  	[tilespmem:$0x1EB70] =	vst v0  }
0x25d: {  	_ =	swait.ge [sflag:s22], $0x4000  }
0x25e: {  	[sflag:s22] =	ssyncset.done $0x0  }
0x25f: {  	s0 =	simm.s32 $0x0;
	[sflag:s22] =	ssyncadd.s32 $0xFFFFC000  }
0x260: {  	v5 =	vld [tilespmem:s0+$0xE580]  }
0x261: {  	v7 =	vld [tilespmem:s0+$0xE590]  }
0x262: {  	v8 =	vld [tilespmem:s0+$0xE5A0]  }
0x263: {  	v13 =	vld [tilespmem:s0+$0xE5B0]  }
0x264: {  	v0 =	vld [tilespmem:s0+$0xE5C0]  }
0x265: {  	v3 =	vld [tilespmem:s0+$0xE5D0]  }
0x266: {  	v20 =	vld [tilespmem:s0+$0xE500]  }
0x267: {  	v23 =	vld [tilespmem:s0+$0xE510]  }
0x268: {  	v11 =	vld [tilespmem:s0+$0xE520]  }
0x269: {  	v21 =	vld [tilespmem:s0+$0xE530]  }
0x26a: {  	v4 =	vld [tilespmem:s0+$0xE540]  }
0x26b: {  	v1 =	vld [tilespmem:s0+$0xE480]  }
0x26c: {  	v2 =	vld [tilespmem:s0+$0xE490]  }
0x26d: {  	v6 =	vld [tilespmem:s0+$0xE400]  }
0x26e: {  	v9 =	vld [tilespmem:s0+$0xE410]  }
0x26f: {  	v10 =	vld [tilespmem:s0+$0xE420]  }
0x270: {  	v12 =	vld [tilespmem:s0+$0xE430]  }
0x271: {  	v16 =	vld [tilespmem:s0+$0xE4A0]  }
0x272: {  	v17 =	vld [tilespmem:s0+$0xE4B0]  }
0x273: {  	v15 =	vimm.f32 $0.0e+00;
	v14 =	vld [tilespmem:s0+$0xE550]  }
0x274: {  	v25 =	vld [tilespmem:s0+$0xE4C0];
	v6 =	vadd.f32 v6, v15  }
0x275: {  	v26 =	vld [tilespmem:s0+$0xE4D0];
	v9 =	vadd.f32 v9, v15;
	v10 =	vadd.f32 v10, v15  }
0x276: {  	v27 =	vld [tilespmem:s0+$0xE440];
	v12 =	vadd.f32 v12, v15;
	v30 =	vadd.f32 v1, v6  }
0x277: {  	v18 =	vimm.f32 $0.0e+00;
	v28 =	vld [tilespmem:s0+$0xE450];
	v31 =	vadd.f32 v2, v9;
	v32 =	vadd.f32 v16, v10  }
0x278: {  	s1 =	simm.s32 $0x800;
	v29 =	vld [tilespmem:s0+$0xE460];
	v33 =	vadd.f32 v17, v12;
	v16 =	vimm.f32 $0.0e+00;
	v17 =	vimm.f32 $0.0e+00  }
.LBB2_20:
0x279: {  	p0 =	sne.s32 s1, $0xF800;
	v1 =	vld [tilespmem:s0+$0xE470];
	v2 =	vadd.f32 v20, v30;
	v6 =	vadd.f32 v23, v31  }
0x27a: {  	v9 =	vld [tilespmem:s0+$0xE4E0];
	v10 =	vadd.f32 v11, v32;
	v11 =	vadd.f32 v21, v33  }
0x27b: {  	v12 =	vld [tilespmem:s0+$0xE4F0];
	v2 =	vadd.f32 v5, v2;
	v6 =	vadd.f32 v7, v6  }
0x27c: {  	v19 =	vld [tilespmem:s0+$0xE560];
	v10 =	vadd.f32 v8, v10;
	v22 =	vadd.f32 v13, v11  }
0x27d: {  	v5 =	vadd.f32 v27, v15;
	v7 =	vadd.f32 v28, v18;
	v11 =	vld [tilespmem:s0+$0xE570]  }
0x27e: {  	v8 =	vadd.f32 v29, v16;
	v1 =	vadd.f32 v1, v17;
	v16 =	vld [tilespmem:s0+$0xE5E0]  }
0x27f: {  	v13 =	vadd.f32 v25, v5;
	v15 =	vadd.f32 v26, v7;
	v17 =	vld [tilespmem:s0+$0xE5F0];
	s0 =	sshra.s32 s1, $0x2  }
0x280: {  	v9 =	vadd.f32 v9, v8;
	v5 =	vld [tilespmem:s0+$0xE580];
	v1 =	vadd.f32 v12, v1  }
0x281: {  	v4 =	vadd.f32 v4, v13;
	v12 =	vadd.f32 v14, v15;
	v7 =	vld [tilespmem:s0+$0xE590]  }
0x282: {  	v9 =	vadd.f32 v19, v9;
	v8 =	vld [tilespmem:s0+$0xE5A0];
	v1 =	vadd.f32 v11, v1  }
0x283: {  	v15 =	vadd.f32 v0, v4;
	v18 =	vadd.f32 v3, v12;
	v13 =	vld [tilespmem:s0+$0xE5B0]  }
0x284: {  	v16 =	vadd.f32 v16, v9;
	v0 =	vld [tilespmem:s0+$0xE5C0];
	v17 =	vadd.f32 v17, v1  }
0x285: {  	v3 =	vld [tilespmem:s0+$0xE5D0]  }
0x286: {  	v20 =	vld [tilespmem:s0+$0xE500]  }
0x287: {  	v23 =	vld [tilespmem:s0+$0xE510]  }
0x288: {  	v11 =	vld [tilespmem:s0+$0xE520]  }
0x289: {  	v21 =	vld [tilespmem:s0+$0xE530]  }
0x28a: {  	v4 =	vld [tilespmem:s0+$0xE540]  }
0x28b: {  	v14 =	vld [tilespmem:s0+$0xE550]  }
0x28c: {  	v1 =	vld [tilespmem:s0+$0xE480]  }
0x28d: {  	v9 =	vld [tilespmem:s0+$0xE490]  }
0x28e: {  	v12 =	vld [tilespmem:s0+$0xE400]  }
0x28f: {  	v19 =	vld [tilespmem:s0+$0xE410]  }
0x290: {  	v24 =	vld [tilespmem:s0+$0xE420]  }
0x291: {  	v27 =	vld [tilespmem:s0+$0xE430]  }
0x292: {  	v32 =	vld [tilespmem:s0+$0xE4A0]  }
0x293: {  	v33 =	vld [tilespmem:s0+$0xE4B0]  }
.Ltmp9:
0x294: {  	v25 =	vld [tilespmem:s0+$0xE4C0];
	(pc) =	sbr.rel @p0 .LBB2_20-.Ltmp9, $4  }
0x295: {  	v2 =	vadd.f32 v12, v2;
	v6 =	vadd.f32 v19, v6;
	v26 =	vld [tilespmem:s0+$0xE4D0]  }
0x296: {  	v10 =	vadd.f32 v24, v10;
	v12 =	vadd.f32 v27, v22;
	v27 =	vld [tilespmem:s0+$0xE440]  }
0x297: {  	v30 =	vadd.f32 v1, v2;
	v31 =	vadd.f32 v9, v6;
	v28 =	vld [tilespmem:s0+$0xE450]  }
0x298: {  	s1 =	sadd.s32 $0x800, s1;
	v32 =	vadd.f32 v32, v10;
	v29 =	vld [tilespmem:s0+$0xE460];
	v33 =	vadd.f32 v33, v12  }
0x299: {  	v34 =	vld [tilespmem:s0+$0xE470]  }
0x29a: {  	v35 =	vld [tilespmem:s0+$0xE4E0]  }
0x29b: {  	v36 =	vld [tilespmem:s0+$0xE4F0]  }
0x29c: {  	v37 =	vld [tilespmem:s0+$0xE560]  }
0x29d: {  	v38 =	vld [tilespmem:s0+$0xE570]  }
0x29e: {  	v39 =	vld [tilespmem:s0+$0xE5E0]  }
0x29f: {  	v40 =	vld [tilespmem:s0+$0xE5F0];
	_ =	swait.ge [sflag:s23], $0x2400  }
0x2a0: {  	[sflag:s23] =	ssyncset.done $0x0  }
0x2a1: {  	s0 =	simm.s32 $0x0;
	[sflag:s23] =	ssyncadd.s32 $0xFFFFDC00  }
0x2a2: {  	v6 =	vld [tilespmem:s0+$0x12580]  }
0x2a3: {  	v9 =	vld [tilespmem:s0+$0x12590]  }
0x2a4: {  	v10 =	vld [tilespmem:s0+$0x125A0]  }
0x2a5: {  	v12 =	vld [tilespmem:s0+$0x125B0]  }
0x2a6: {  	v1 =	vld [tilespmem:s0+$0x125C0]  }
0x2a7: {  	v2 =	vld [tilespmem:s0+$0x125D0]  }
0x2a8: {  	v22 =	vld [tilespmem:s0+$0x12500]  }
0x2a9: {  	v24 =	vld [tilespmem:s0+$0x12510]  }
0x2aa: {  	v19 =	vld [tilespmem:s0+$0x12520]  }
0x2ab: {  	v30 =	vadd.f32 v20, v30;
	v23 =	vadd.f32 v23, v31;
	v20 =	vld [tilespmem:s0+$0x12530]  }
0x2ac: {  	v61 =	vadd.f32 v11, v32;
	v21 =	vadd.f32 v21, v33;
	v11 =	vld [tilespmem:s0+$0x12540]  }
0x2ad: {  	v30 =	vadd.f32 v5, v30;
	v23 =	vadd.f32 v7, v23;
	v5 =	vld [tilespmem:s0+$0x12550]  }
0x2ae: {  	v7 =	vadd.f32 v27, v15;
	v31 =	vadd.f32 v8, v61;
	v62 =	vld [tilespmem:s0+$0x12480]  }
0x2af: {  	v21 =	vadd.f32 v13, v21;
	v8 =	vadd.f32 v28, v18;
	v18 =	vld [tilespmem:s0+$0x12490]  }
0x2b0: {  	v13 =	vadd.f32 v29, v16;
	v16 =	vld [tilespmem:s0+$0x12400];
	v7 =	vadd.f32 v25, v7  }
0x2b1: {  	v25 =	vld [tilespmem:s0+$0x12420];
	v15 =	vadd.f32 v34, v17;
	v8 =	vadd.f32 v26, v8  }
0x2b2: {  	v17 =	vld [tilespmem:s0+$0x12410];
	v13 =	vadd.f32 v35, v13;
	v4 =	vadd.f32 v4, v7  }
0x2b3: {  	v15 =	vadd.f32 v36, v15;
	v8 =	vadd.f32 v14, v8;
	v14 =	vld [tilespmem:s0+$0x12430]  }
0x2b4: {  	v27 =	vld [tilespmem:s0+$0x124B0];
	v13 =	vadd.f32 v37, v13;
	v7 =	vadd.f32 v0, v4  }
0x2b5: {  	v26 =	vld [tilespmem:s0+$0x124A0];
	v15 =	vadd.f32 v38, v15;
	v3 =	vadd.f32 v3, v8  }
0x2b6: {  	v8 =	vld [tilespmem:s0+$0x124C0];
	v16 =	vadd.f32 v16, v30;
	v25 =	vadd.f32 v25, v31  }
0x2b7: {  	v4 =	vadd.f32 v39, v13;
	v23 =	vadd.f32 v17, v23;
	v13 =	vld [tilespmem:s0+$0x124D0]  }
0x2b8: {  	v0 =	vadd.f32 v40, v15;
	v15 =	vld [tilespmem:s0+$0x12440];
	v63 =	vadd.f32 v14, v21  }
0x2b9: {  	v17 =	vadd.f32 v62, v16;
	v16 =	vld [tilespmem:s0+$0x12460];
	v18 =	vadd.f32 v18, v23  }
0x2ba: {  	s1 =	simm.s32 $0x800;
	v14 =	vld [tilespmem:s0+$0x12450];
	v21 =	vadd.f32 v26, v25;
	v23 =	vadd.f32 v27, v63  }
.LBB2_22:
0x2bb: {  	p0 =	sne.s32 s1, $0x8800;
	v25 =	vld [tilespmem:s0+$0x12470];
	v17 =	vadd.f32 v22, v17;
	v18 =	vadd.f32 v24, v18  }
0x2bc: {  	v22 =	vld [tilespmem:s0+$0x124E0];
	v19 =	vadd.f32 v19, v21;
	v20 =	vadd.f32 v20, v23  }
0x2bd: {  	v21 =	vld [tilespmem:s0+$0x124F0];
	v17 =	vadd.f32 v6, v17;
	v18 =	vadd.f32 v9, v18  }
0x2be: {  	v23 =	vld [tilespmem:s0+$0x12560];
	v26 =	vadd.f32 v10, v19;
	v27 =	vadd.f32 v12, v20  }
0x2bf: {  	v6 =	vadd.f32 v15, v7;
	v3 =	vadd.f32 v14, v3;
	v7 =	vld [tilespmem:s0+$0x12570]  }
0x2c0: {  	v4 =	vadd.f32 v16, v4;
	v0 =	vadd.f32 v25, v0;
	v14 =	vld [tilespmem:s0+$0x125E0]  }
0x2c1: {  	v8 =	vadd.f32 v8, v6;
	v3 =	vadd.f32 v13, v3;
	v13 =	vld [tilespmem:s0+$0x125F0];
	s0 =	sshra.s32 s1, $0x2  }
0x2c2: {  	v4 =	vadd.f32 v22, v4;
	v6 =	vld [tilespmem:s0+$0x12580];
	v0 =	vadd.f32 v21, v0  }
0x2c3: {  	v8 =	vadd.f32 v11, v8;
	v3 =	vadd.f32 v5, v3;
	v9 =	vld [tilespmem:s0+$0x12590]  }
0x2c4: {  	v4 =	vadd.f32 v23, v4;
	v10 =	vld [tilespmem:s0+$0x125A0];
	v0 =	vadd.f32 v7, v0  }
0x2c5: {  	v7 =	vadd.f32 v1, v8;
	v3 =	vadd.f32 v2, v3;
	v12 =	vld [tilespmem:s0+$0x125B0]  }
0x2c6: {  	v4 =	vadd.f32 v14, v4;
	v1 =	vld [tilespmem:s0+$0x125C0];
	v0 =	vadd.f32 v13, v0  }
0x2c7: {  	v2 =	vld [tilespmem:s0+$0x125D0]  }
0x2c8: {  	v22 =	vld [tilespmem:s0+$0x12500]  }
0x2c9: {  	v24 =	vld [tilespmem:s0+$0x12510]  }
0x2ca: {  	v19 =	vld [tilespmem:s0+$0x12520]  }
0x2cb: {  	v20 =	vld [tilespmem:s0+$0x12530]  }
0x2cc: {  	v11 =	vld [tilespmem:s0+$0x12540]  }
0x2cd: {  	v5 =	vld [tilespmem:s0+$0x12550]  }
0x2ce: {  	v16 =	vld [tilespmem:s0+$0x12480]  }
0x2cf: {  	v21 =	vld [tilespmem:s0+$0x12490]  }
0x2d0: {  	v13 =	vld [tilespmem:s0+$0x12400]  }
0x2d1: {  	v14 =	vld [tilespmem:s0+$0x12410]  }
0x2d2: {  	v15 =	vld [tilespmem:s0+$0x12420]  }
0x2d3: {  	v23 =	vld [tilespmem:s0+$0x12430]  }
0x2d4: {  	v25 =	vld [tilespmem:s0+$0x124A0]  }
0x2d5: {  	v28 =	vld [tilespmem:s0+$0x124B0]  }
.Ltmp10:
0x2d6: {  	v8 =	vld [tilespmem:s0+$0x124C0];
	(pc) =	sbr.rel @p0 .LBB2_22-.Ltmp10, $4  }
0x2d7: {  	v17 =	vadd.f32 v13, v17;
	v18 =	vadd.f32 v14, v18;
	v13 =	vld [tilespmem:s0+$0x124D0]  }
0x2d8: {  	v26 =	vadd.f32 v15, v26;
	v23 =	vadd.f32 v23, v27;
	v15 =	vld [tilespmem:s0+$0x12440]  }
0x2d9: {  	v17 =	vadd.f32 v16, v17;
	v18 =	vadd.f32 v21, v18;
	v14 =	vld [tilespmem:s0+$0x12450]  }
0x2da: {  	s1 =	sadd.s32 $0x800, s1;
	v21 =	vadd.f32 v25, v26;
	v16 =	vld [tilespmem:s0+$0x12460];
	v23 =	vadd.f32 v28, v23  }
0x2db: {  	v17 =	vadd.f32 v22, v17;
	v18 =	vadd.f32 v24, v18  }
0x2dc: {  	v53 =	vld [tilespmem:s0+$0x12470];
	v19 =	vadd.f32 v19, v21;
	v20 =	vadd.f32 v20, v23  }
0x2dd: {  	v54 =	vld [tilespmem:s0+$0x124E0];
	v6 =	vadd.f32 v6, v17;
	v9 =	vadd.f32 v9, v18  }
0x2de: {  	v55 =	vld [tilespmem:s0+$0x124F0];
	v7 =	vadd.f32 v15, v7;
	v10 =	vadd.f32 v10, v19  }
0x2df: {  	v56 =	vld [tilespmem:s0+$0x12560];
	v12 =	vadd.f32 v12, v20;
	v3 =	vadd.f32 v14, v3  }
0x2e0: {  	v57 =	vld [tilespmem:s0+$0x12570];
	v4 =	vadd.f32 v16, v4;
	v7 =	vadd.f32 v8, v7  }
0x2e1: {  	v58 =	vld [tilespmem:s0+$0x125E0];
	v0 =	vadd.f32 v53, v0;
	v3 =	vadd.f32 v13, v3  }
0x2e2: {  	v59 =	vld [tilespmem:s0+$0x125F0];
	v6 =	vmul.f32 $4.999999890e-03, v6;
	v4 =	vadd.f32 v54, v4;
	v7 =	vadd.f32 v11, v7  }
0x2e3: {  	v60 =	vmul.f32 $4.999999890e-03, v9;
	v0 =	vadd.f32 v55, v0;
	v3 =	vadd.f32 v5, v3  }
0x2e4: {  	v61 =	vmul.f32 $4.999999890e-03, v10;
	[tilespmem:$0x1EB80] =	vst v6;
	v4 =	vadd.f32 v56, v4;
	v1 =	vadd.f32 v1, v7  }
0x2e5: {  	v62 =	vmul.f32 $4.999999890e-03, v12;
	[tilespmem:$0x1EB90] =	vst v60;
	v0 =	vadd.f32 v57, v0;
	v2 =	vadd.f32 v2, v3  }
0x2e6: {  	[tilespmem:$0x1EBA0] =	vst v61;
	v4 =	vadd.f32 v58, v4;
	v1 =	vmul.f32 $4.999999890e-03, v1  }
0x2e7: {  	[tilespmem:$0x1EBB0] =	vst v62;
	v0 =	vadd.f32 v59, v0;
	v2 =	vmul.f32 $4.999999890e-03, v2  }
0x2e8: {  	[tilespmem:$0x1EBC0] =	vst v1;
	v63 =	vmul.f32 $4.999999890e-03, v4  }
0x2e9: {  	s28 =	sadd.s32 $0x1, s28;
	[tilespmem:$0x1EBD0] =	vst v2;
	v0 =	vmul.f32 $4.999999890e-03, v0  }
0x2ea: {  	p0 =	sne.s32 s28, s6;
	[tilespmem:$0x1EBE0] =	vst v63  }
.Ltmp11:
0x2eb: {  	[tilespmem:$0x1EBF0] =	vst v0;
	(pc) =	sbr.rel @p0 .LBB2_1-.Ltmp11, $4  }
0x2ec: {  	[hbm4b:s5+s3] =	stream.linear.scatter [tilespmem:s26], [sflag:$0x7], $0x4000, $0x38;
	[tilespmem:$0x1EC00] =	vst v63  }
0x2ed: {  	_ =	swait.ge [sflag:s7], $0x4000  }
0x2ee: {  	[sflag:s7] =	ssyncset.done $0x0  }
0x2ef: {  	[sflag:s7] =	ssyncadd.s32 $0xFFFFC000  }
0x2f0: {  	_ =	sfence.sel $0x180000  }
0x2f1: {  	[bflag:$0x0] =	sbarrier.arrive $0xFFFF  }
0x2f2: {  	_ =	strace $0x90000047  }
0x2f3: {  	s0 =	stileid.u32;
	[bflag:$0x2] =	sbarrier.arrive $0xFFFF  }
0x2f4: {  	p0 =	sne.s32 s0, $0x0;
	s0 =	rddreg [dreg:$0x3]  }
0x2f5: {  	s0 =	sadd.s32 @!p0 $0x100000, s0  }
0x2f6: {  	[sflag:s0] =	ssyncadd.tile.s32 @!p0 $0x1;
	_ =	shalt  }
.Lfunc_end2:
_tile_overlayer_lowered:
.L_overlay_start_2:
0x2f7: {  	(tag) =	ssettag $0x2  }
0x2f8: {  	s0 =	rddreg [dreg:$0x0];
	s2 =	stileid.u32  }
0x2f9: {  	s1 =	rddreg [dreg:$0x1];
	p0 =	sne.s32 s2, $0x0  }
0x2fa: {  	s3 =	rddreg [dreg:$0x2];
	[bflag:$0x3] =	sbarrier.arrive $0xFFFF;
	s2 =	simm.s32 @!p0 $0x1C07  }
0x2fb: {  	[timem:s3], [sflag:s2] =	dma.local @!p0 [hbm:s0], s1  }
0x2fc: {  	s0 =	simm.s32 @!p0 $0x7  }
0x2fd: {  	_ =	swait.ge @!p0 [sflag:s0], s1  }
0x2fe: {  	s1 =	ssub.s32 @!p0 $0x0, s1;
	[sflag:s0] =	ssyncset.done @!p0 $0x0  }
0x2ff: {  	[sflag:s0] =	ssyncadd.s32 @!p0 s1  }
0x300: {  	[bflag:$0x3] =	sbarrier.arrive $0xFFFF  }
0x301: {  	_ =	shalt  }

</sc_bundles>
